<compile_context>
chip_gen: v7x
topology: tpu7x:2x2x1
jax: 0.10.2.dev20260603
libtpu: 0.0.44.dev20260713+nightly
codegen_flags: <defaults>
</compile_context>

<pallas_src>
import jax
import jax.numpy as jnp
from jax import lax
from jax.experimental import pallas as pl
from jax.experimental.pallas import tpu as pltpu
from jax.experimental.pallas import tpu_sc as plsc

E = 1000
EP = 1024
N = 10
NP = 16


def _dotd(a, b):
    return jnp.dot(a.astype(jnp.bfloat16), b.astype(jnp.bfloat16),
                   preferred_element_type=jnp.float32)


def _split3(x):
    hi = x.astype(jnp.bfloat16)
    r = x - hi.astype(jnp.float32)
    mid = r.astype(jnp.bfloat16)
    lo = (r - mid.astype(jnp.float32)).astype(jnp.bfloat16)
    return hi, mid, lo


def _onehot_sc_body(src_hbm, dst_hbm, pt_hbm, qt_hbm, src_v, dst_v, pbuf, qbuf):
    wid = lax.axis_index("s") * 2 + lax.axis_index("c")

    @pl.when(wid < 8)
    def _():
        base = wid * 128
        pltpu.sync_copy(src_hbm.at[pl.ds(base, 128)], src_v)
        pltpu.sync_copy(dst_hbm.at[pl.ds(base, 128)], dst_v)
        for b in range(8):
            sv = src_v[pl.ds(b * 16, 16)]
            dv = dst_v[pl.ds(b * 16, 16)]
            for m in range(NP):
                pbuf[m, pl.ds(b * 16, 16)] = jnp.where(sv == m, 1.0, 0.0)
                qbuf[m, pl.ds(b * 16, 16)] = jnp.where(dv == m, 1.0, 0.0)
        pltpu.sync_copy(pbuf, pt_hbm.at[:, pl.ds(base, 128)])
        pltpu.sync_copy(qbuf, qt_hbm.at[:, pl.ds(base, 128)])

def _onehot_sc(srcp, dstp):
    mesh = plsc.VectorSubcoreMesh(core_axis_name="c", subcore_axis_name="s")
    f = pl.kernel(
        _onehot_sc_body,
        mesh=mesh,
        out_type=(jax.ShapeDtypeStruct((NP, EP), jnp.float32),
                  jax.ShapeDtypeStruct((NP, EP), jnp.float32)),
        scratch_types=[pltpu.VMEM((128,), jnp.int32),
                       pltpu.VMEM((128,), jnp.int32),
                       pltpu.VMEM((NP, 128), jnp.float32),
                       pltpu.VMEM((NP, 128), jnp.float32)],
    )
    return f(srcp, dstp)


def _main_body(x_ref, p_ref, q_ref, ea_ref, *rest):
    layers = [tuple(rest[6 * i + j][...] for j in range(6)) for i in range(6)]
    node_W, edge_W, reg_W, cls_W, node_b, edge_b, reg_b, cls_b = (
        r[...] for r in rest[36:44])
    out_ref = rest[44]

    Pt = p_ref[...]
    Qt = q_ref[...]
    PM = Pt.T > 0.5
    QM = Qt.T > 0.5
    Qb = Qt.T.astype(jnp.bfloat16)

    h = x_ref[...]
    e = ea_ref[...]
    for k in range(6):
        W, W_e, att_src, att_dst, att_edge, b = layers[k]
        g = _dotd(h, W)
        e = _dotd(e, W_e)
        a_src = jnp.sum(g * att_src, axis=1).reshape(1, NP)
        a_dst = jnp.sum(g * att_dst, axis=1).reshape(1, NP)
        a_edge = jnp.sum(e * att_edge, axis=1, keepdims=True)
        t = (jnp.sum(jnp.where(PM, a_src, 0.0), axis=1, keepdims=True)
             + jnp.sum(jnp.where(QM, a_dst, 0.0), axis=1, keepdims=True)
             + a_edge)
        t = jnp.where(t >= 0.0, t, 0.2 * t)
        amax = jnp.max(jnp.where(QM, t, -jnp.inf), axis=0, keepdims=True)
        amax = jnp.where(jnp.isfinite(amax), amax, 0.0)
        ex = jnp.exp(t - jnp.sum(jnp.where(QM, amax, 0.0),
                                 axis=1, keepdims=True))
        exm = jnp.where(PM, ex, 0.0)
        hi, mid, lo = _split3(exm)
        S = (jnp.dot(Qb.T, hi, preferred_element_type=jnp.float32)
             + jnp.dot(Qb.T, mid, preferred_element_type=jnp.float32)
             + jnp.dot(Qb.T, lo, preferred_element_type=jnp.float32))
        denom = jnp.sum(jnp.where(QM, ex, 0.0), axis=0).reshape(NP, 1)
        A = S / (denom + 1e-16)
        h = b * jnp.ones((NP, 1), jnp.float32)
        for m in range(N):
            h = h + A[:, m:m + 1] * g[m:m + 1, :]

    xn = _dotd(node_W, h) + node_b
    en = _dotd(edge_W, e) + edge_b
    s = xn + en
    v = _dotd(jnp.tanh(s), reg_W.reshape(-1, 1)) + reg_b
    c = _dotd(jnp.maximum(s, 0.0), cls_W.reshape(-1, 1)) + cls_b
    c = 1.0 / (1.0 + jnp.exp(-c))
    out_ref[...] = jnp.concatenate([v, c], axis=1)


def kernel(x, edge_index, edge_attr, params):
    src = edge_index[0].astype(jnp.int32)
    dst = edge_index[1].astype(jnp.int32)
    pad = jnp.full((EP - E,), -1, jnp.int32)
    P, Q = _onehot_sc(jnp.concatenate([src, pad]), jnp.concatenate([dst, pad]))

    xp = jnp.zeros((NP, x.shape[1]), jnp.float32).at[:N].set(x)
    eap = jnp.zeros((EP, edge_attr.shape[1]), jnp.float32).at[:E].set(edge_attr)

    pvals = []
    for n in ('c1', 'c2', 'c3', 'c4', 'c5', 'c6'):
        p = params[n]
        pvals += [p['W'], p['W_e'], p['att_src'][None, :],
                  p['att_dst'][None, :], p['att_edge'][None, :], p['b'][None, :]]
    node_W = jnp.zeros((1, NP), jnp.float32).at[0, :N].set(params['node_W'][:, 0])
    edge_W = jnp.zeros((1, EP), jnp.float32).at[0, :E].set(params['edge_W'][:, 0])
    pvals += [node_W, edge_W, params['reg_W'].T, params['cls_W'].T,
              params['node_b'][None, :], params['edge_b'][None, :],
              params['reg_b'][None, :], params['cls_b'][None, :]]

    out = pl.pallas_call(
        _main_body,
        out_shape=jax.ShapeDtypeStruct((1, 2), jnp.float32),
    )(xp, P, Q, eap, *pvals)
    return (out[0, 0].reshape(1), out[0, 1].reshape(1))

# --- scband reference (transcript-rebuilt; emitter-appended) ---
"""Pipeline reference for scband-surrogate-model-13864154431565 (READ-ONLY COPY).

The authoritative reference and input builder live on the scoring server;
editing this copy changes nothing except your own understanding.
"""

import jax, jax.numpy as jnp
import numpy as np


def gat_conv(x, edge_index, edge_attr, p):
    # Faithful GATConv (heads=1, concat=False, add_self_loops=False, edge_dim) that
    # also returns the linearly-transformed edge features (MyGATConv behavior).
    src, dst = edge_index[0], edge_index[1]
    N = x.shape[0]
    h = x @ p['W']                      # [N, C]
    e = edge_attr @ p['W_e']            # [E, C] -> new edge_attr
    a_src = (h * p['att_src']).sum(-1)  # [N]
    a_dst = (h * p['att_dst']).sum(-1)  # [N]
    a_edge = (e * p['att_edge']).sum(-1)  # [E]
    alpha = jax.nn.leaky_relu(a_src[src] + a_dst[dst] + a_edge, negative_slope=0.2)
    amax = jax.ops.segment_max(alpha, dst, num_segments=N)
    amax = jnp.where(jnp.isfinite(amax), amax, 0.0)
    ex = jnp.exp(alpha - amax[dst])
    denom = jax.ops.segment_sum(ex, dst, num_segments=N)
    w = ex / (denom[dst] + 1e-16)
    out = jax.ops.segment_sum(w[:, None] * h[src], dst, num_segments=N)
    out = out + p['b']
    return out, e


def setup_inputs(seed: int = 0) -> dict:
    key = jax.random.key(seed)
    ks = jax.random.split(key, 16)
    N, E, IN, H = 10, 1000, 128, 512
    x = jax.random.normal(ks[0], (N, IN), dtype=jnp.float32)
    edge_index = jax.random.randint(ks[1], (2, E), 0, N, dtype=jnp.int64) if jax.config.jax_enable_x64 else jax.random.randint(ks[1], (2, E), 0, N).astype(jnp.int32)
    edge_attr = jax.random.normal(ks[2], (E, 91), dtype=jnp.float32)

    def conv_p(k, ci, co, ce):
        k1, k2, k3, k4, k5 = jax.random.split(k, 5)
        s = 0.05
        return {'W': jax.random.normal(k1, (ci, co)) * s,
                'W_e': jax.random.normal(k2, (ce, co)) * s,
                'att_src': jax.random.normal(k3, (co,)) * s,
                'att_dst': jax.random.normal(k4, (co,)) * s,
                'att_edge': jax.random.normal(k5, (co,)) * s,
                'b': jnp.zeros((co,), jnp.float32)}

    params = {
        'c1': conv_p(ks[3], IN, H, 91),
        'c2': conv_p(ks[4], H, H, H),
        'c3': conv_p(ks[5], H, 2 * H, H),
        'c4': conv_p(ks[6], 2 * H, 2 * H, 2 * H),
        'c5': conv_p(ks[7], 2 * H, H, 2 * H),
        'c6': conv_p(ks[8], H, H, H),
        'node_W': jax.random.normal(ks[9], (N, 1)) * 0.05, 'node_b': jnp.zeros((1,)),
        'edge_W': jax.random.normal(ks[10], (E, 1)) * 0.05, 'edge_b': jnp.zeros((1,)),
        'reg_W': jax.random.normal(ks[11], (H, 1)) * 0.05, 'reg_b': jnp.zeros((1,)),
        'cls_W': jax.random.normal(ks[12], (H, 1)) * 0.05, 'cls_b': jnp.zeros((1,)),
    }
    return {'x': x, 'edge_index': edge_index, 'edge_attr': edge_attr, 'params': params}


def reference(x, edge_index, edge_attr, params):
    # gcb1
    h, e = gat_conv(x, edge_index, edge_attr, params['c1'])
    h, e = gat_conv(h, edge_index, e, params['c2'])
    # gcb2
    h, e = gat_conv(h, edge_index, e, params['c3'])
    h, e = gat_conv(h, edge_index, e, params['c4'])
    # gcb3
    h, e = gat_conv(h, edge_index, e, params['c5'])
    h, e = gat_conv(h, edge_index, e, params['c6'])
    # node_linear over transposed node features: [H,10] @ [10,1] -> [H]
    xn = (h.T @ params['node_W'] + params['node_b']).squeeze(-1)
    # edge_linear over transposed edge features: [H,1000] @ [1000,1] -> [H]
    en = (e.T @ params['edge_W'] + params['edge_b']).squeeze(-1)
    s = xn + en
    v = jnp.tanh(s) @ params['reg_W'] + params['reg_b']
    c = jax.nn.sigmoid(jnp.maximum(s, 0.0) @ params['cls_W'] + params['cls_b'])
    return (v.reshape(-1), c.reshape(-1))

if __name__ == "__main__":
    import jax
    _d = setup_inputs()
    print(jax.jit(kernel)(*tuple(_d.values())))

</pallas_src>

<mosaic_0001>
#map = affine_map<(d0, d1) -> (0)>
#map1 = affine_map<(d0, d1) -> (0, 0)>
module attributes {stable_mosaic.version = 14 : i64} {
  func.func @_onehot_sc_body(%arg0: i32, %arg1: i32, %arg2: memref<1024xi32, #tpu.memory_space<hbm>>, %arg3: memref<1024xi32, #tpu.memory_space<hbm>>, %arg4: memref<16x1024xf32, #tpu.memory_space<hbm>>, %arg5: memref<16x1024xf32, #tpu.memory_space<hbm>>, %arg6: memref<128xi32, #tpu.memory_space<vmem>>, %arg7: memref<128xi32, #tpu.memory_space<vmem>>, %arg8: memref<16x128xf32, #tpu.memory_space<vmem>>, %arg9: memref<16x128xf32, #tpu.memory_space<vmem>>) attributes {dimension_semantics = [#tpu.dimension_semantics<core_parallel>, #tpu.dimension_semantics<subcore_parallel>], iteration_bounds = array<i64: 2, 16>, scalar_prefetch = 0 : i64, scratch_operands = 4 : i64, tpu.core_type = #tpu.core_type<sc_vector_subcore>, window_params = [{transform_indices = #map}, {transform_indices = #map}, {transform_indices = #map1}, {transform_indices = #map1}]} {
    %mul3A = arith.constant 2 : i32
    %mul3A_0 = arith.muli %arg1, %mul3A : i32
    %add3A = arith.addi %mul3A_0, %arg0 : i32
    %lt3A = arith.constant 8 : i32
    %lt3A_1 = arith.cmpi slt, %add3A, %lt3A : i32
    %convert_element_type3A = arith.extui %lt3A_1 : i1 to i32
    %cond3A = arith.constant 0 : i32
    %cond3A_2 = arith.cmpi ne, %convert_element_type3A, %cond3A : i32
    scf.if %cond3A_2 {
      %mul3A_3 = arith.constant 128 : i32
      %mul3A_4 = arith.muli %add3A, %mul3A_3 : i32
      "tpu.region"() ({
        %run_scoped3A = tpu.sem_alloc : memref<!tpu.dma_semaphore, #tpu.memory_space<semaphore_mem>>
        %dma_start3A = tpu.memref_slice %arg2[%mul3A_4] : memref<1024xi32, #tpu.memory_space<hbm>> -> memref<128xi32, #tpu.memory_space<hbm>>
        %dma_start3A_3631 = tpu.memref_slice %arg2[%mul3A_4] : memref<1024xi32, #tpu.memory_space<hbm>> -> memref<128xi32, #tpu.memory_space<hbm>>
        tpu.enqueue_dma source(%dma_start3A_3631 : memref<128xi32, #tpu.memory_space<hbm>>) target(%arg6 : memref<128xi32, #tpu.memory_space<vmem>>) target_semaphore(%run_scoped3A : memref<!tpu.dma_semaphore, #tpu.memory_space<semaphore_mem>>)
        %dma_wait3A = tpu.memref_slice %arg2[%mul3A_4] : memref<1024xi32, #tpu.memory_space<hbm>> -> memref<128xi32, #tpu.memory_space<hbm>>
        %dma_wait3A_3632 = tpu.memref_slice %arg2[%mul3A_4] : memref<1024xi32, #tpu.memory_space<hbm>> -> memref<128xi32, #tpu.memory_space<hbm>>
        tpu.wait_dma2 semaphore(%run_scoped3A : memref<!tpu.dma_semaphore, #tpu.memory_space<semaphore_mem>>) src(%dma_wait3A_3632 : memref<128xi32, #tpu.memory_space<hbm>>) dst(%arg6 : memref<128xi32, #tpu.memory_space<vmem>>)
        tpu.yield
      }) : () -> ()
      "tpu.region"() ({
        %run_scoped3A = tpu.sem_alloc : memref<!tpu.dma_semaphore, #tpu.memory_space<semaphore_mem>>
        %dma_start3A = tpu.memref_slice %arg3[%mul3A_4] : memref<1024xi32, #tpu.memory_space<hbm>> -> memref<128xi32, #tpu.memory_space<hbm>>
        %dma_start3A_3631 = tpu.memref_slice %arg3[%mul3A_4] : memref<1024xi32, #tpu.memory_space<hbm>> -> memref<128xi32, #tpu.memory_space<hbm>>
        tpu.enqueue_dma source(%dma_start3A_3631 : memref<128xi32, #tpu.memory_space<hbm>>) target(%arg7 : memref<128xi32, #tpu.memory_space<vmem>>) target_semaphore(%run_scoped3A : memref<!tpu.dma_semaphore, #tpu.memory_space<semaphore_mem>>)
        %dma_wait3A = tpu.memref_slice %arg3[%mul3A_4] : memref<1024xi32, #tpu.memory_space<hbm>> -> memref<128xi32, #tpu.memory_space<hbm>>
        %dma_wait3A_3632 = tpu.memref_slice %arg3[%mul3A_4] : memref<1024xi32, #tpu.memory_space<hbm>> -> memref<128xi32, #tpu.memory_space<hbm>>
        tpu.wait_dma2 semaphore(%run_scoped3A : memref<!tpu.dma_semaphore, #tpu.memory_space<semaphore_mem>>) src(%dma_wait3A_3632 : memref<128xi32, #tpu.memory_space<hbm>>) dst(%arg7 : memref<128xi32, #tpu.memory_space<vmem>>)
        tpu.yield
      }) : () -> ()
      %get3A = arith.constant 0 : index
      %get3A_5 = tpu.vector_load %arg6[%get3A] {strides = array<i32>} : memref<128xi32, #tpu.memory_space<vmem>>, vector<16xi32>,
      %get3A_6 = vector.shape_cast %get3A_5 : vector<16xi32> to vector<16xi32>
      %get3A_7 = arith.constant 0 : index
      %get3A_8 = tpu.vector_load %arg7[%get3A_7] {strides = array<i32>} : memref<128xi32, #tpu.memory_space<vmem>>, vector<16xi32>,
      %get3A_9 = vector.shape_cast %get3A_8 : vector<16xi32> to vector<16xi32>
      %eq3A = arith.constant 0 : i32
      %eq3A_10 = vector.broadcast %eq3A : i32 to vector<16xi32>
      %eq3A_11 = arith.cmpi eq, %get3A_6, %eq3A_10 : vector<16xi32>
      %jit3A = arith.constant 1.000000e+00 : f32
      %jit3A_12 = arith.constant 0.000000e+00 : f32
      %broadcast_in_dim3A = vector.broadcast %jit3A : f32 to vector<16xf32>
      %broadcast_in_dim3A_13 = vector.broadcast %jit3A_12 : f32 to vector<16xf32>
      %select_n3A = arith.select %eq3A_11, %broadcast_in_dim3A, %broadcast_in_dim3A_13 : vector<16xi1>, vector<16xf32>
      %swap3A = arith.constant 0 : i32
      %swap3A_14 = arith.index_cast %swap3A : i32 to index
      %swap3A_15 = arith.constant 0 : index
      %swap3A_16 = tpu.vector_load %arg8[%swap3A_14, %swap3A_15] {strides = array<i32>} : memref<16x128xf32, #tpu.memory_space<vmem>>, vector<1x16xf32>,
      %swap3A_17 = vector.shape_cast %swap3A_16 : vector<1x16xf32> to vector<16xf32>
      %swap3A_18 = vector.shape_cast %select_n3A : vector<16xf32> to vector<1x16xf32>
      tpu.vector_store %arg8[%swap3A_14, %swap3A_15], %swap3A_18 {strides = array<i32>} : memref<16x128xf32, #tpu.memory_space<vmem>>, vector<1x16xf32>,
      %eq3A_19 = arith.constant 0 : i32
      %eq3A_20 = vector.broadcast %eq3A_19 : i32 to vector<16xi32>
      %eq3A_21 = arith.cmpi eq, %get3A_9, %eq3A_20 : vector<16xi32>
      %jit3A_22 = arith.constant 1.000000e+00 : f32
      %jit3A_23 = arith.constant 0.000000e+00 : f32
      %broadcast_in_dim3A_24 = vector.broadcast %jit3A_22 : f32 to vector<16xf32>
      %broadcast_in_dim3A_25 = vector.broadcast %jit3A_23 : f32 to vector<16xf32>
      %select_n3A_26 = arith.select %eq3A_21, %broadcast_in_dim3A_24, %broadcast_in_dim3A_25 : vector<16xi1>, vector<16xf32>
      %swap3A_27 = arith.constant 0 : i32
      %swap3A_28 = arith.index_cast %swap3A_27 : i32 to index
      %swap3A_29 = arith.constant 0 : index
      %swap3A_30 = tpu.vector_load %arg9[%swap3A_28, %swap3A_29] {strides = array<i32>} : memref<16x128xf32, #tpu.memory_space<vmem>>, vector<1x16xf32>,
      %swap3A_31 = vector.shape_cast %swap3A_30 : vector<1x16xf32> to vector<16xf32>
      %swap3A_32 = vector.shape_cast %select_n3A_26 : vector<16xf32> to vector<1x16xf32>
      tpu.vector_store %arg9[%swap3A_28, %swap3A_29], %swap3A_32 {strides = array<i32>} : memref<16x128xf32, #tpu.memory_space<vmem>>, vector<1x16xf32>,
      %eq3A_33 = arith.constant 1 : i32
      %eq3A_34 = vector.broadcast %eq3A_33 : i32 to vector<16xi32>
      %eq3A_35 = arith.cmpi eq, %get3A_6, %eq3A_34 : vector<16xi32>
      %jit3A_36 = arith.constant 1.000000e+00 : f32
      %jit3A_37 = arith.constant 0.000000e+00 : f32
      %broadcast_in_dim3A_38 = vector.broadcast %jit3A_36 : f32 to vector<16xf32>
      %broadcast_in_dim3A_39 = vector.broadcast %jit3A_37 : f32 to vector<16xf32>
      %select_n3A_40 = arith.select %eq3A_35, %broadcast_in_dim3A_38, %broadcast_in_dim3A_39 : vector<16xi1>, vector<16xf32>
      %swap3A_41 = arith.constant 1 : i32
      %swap3A_42 = arith.index_cast %swap3A_41 : i32 to index
      %swap3A_43 = arith.constant 0 : index
      %swap3A_44 = tpu.vector_load %arg8[%swap3A_42, %swap3A_43] {strides = array<i32>} : memref<16x128xf32, #tpu.memory_space<vmem>>, vector<1x16xf32>,
      %swap3A_45 = vector.shape_cast %swap3A_44 : vector<1x16xf32> to vector<16xf32>
      %swap3A_46 = vector.shape_cast %select_n3A_40 : vector<16xf32> to vector<1x16xf32>
      tpu.vector_store %arg8[%swap3A_42, %swap3A_43], %swap3A_46 {strides = array<i32>} : memref<16x128xf32, #tpu.memory_space<vmem>>, vector<1x16xf32>,
      %eq3A_47 = arith.constant 1 : i32
      %eq3A_48 = vector.broadcast %eq3A_47 : i32 to vector<16xi32>
      %eq3A_49 = arith.cmpi eq, %get3A_9, %eq3A_48 : vector<16xi32>
      %jit3A_50 = arith.constant 1.000000e+00 : f32
      %jit3A_51 = arith.constant 0.000000e+00 : f32
      %broadcast_in_dim3A_52 = vector.broadcast %jit3A_50 : f32 to vector<16xf32>
      %broadcast_in_dim3A_53 = vector.broadcast %jit3A_51 : f32 to vector<16xf32>
      %select_n3A_54 = arith.select %eq3A_49, %broadcast_in_dim3A_52, %broadcast_in_dim3A_53 : vector<16xi1>, vector<16xf32>
      %swap3A_55 = arith.constant 1 : i32
      %swap3A_56 = arith.index_cast %swap3A_55 : i32 to index
      %swap3A_57 = arith.constant 0 : index
      %swap3A_58 = tpu.vector_load %arg9[%swap3A_56, %swap3A_57] {strides = array<i32>} : memref<16x128xf32, #tpu.memory_space<vmem>>, vector<1x16xf32>,
      %swap3A_59 = vector.shape_cast %swap3A_58 : vector<1x16xf32> to vector<16xf32>
      %swap3A_60 = vector.shape_cast %select_n3A_54 : vector<16xf32> to vector<1x16xf32>
      tpu.vector_store %arg9[%swap3A_56, %swap3A_57], %swap3A_60 {strides = array<i32>} : memref<16x128xf32, #tpu.memory_space<vmem>>, vector<1x16xf32>,
      %eq3A_61 = arith.constant 2 : i32
      %eq3A_62 = vector.broadcast %eq3A_61 : i32 to vector<16xi32>
      %eq3A_63 = arith.cmpi eq, %get3A_6, %eq3A_62 : vector<16xi32>
      %jit3A_64 = arith.constant 1.000000e+00 : f32
      %jit3A_65 = arith.constant 0.000000e+00 : f32
      %broadcast_in_dim3A_66 = vector.broadcast %jit3A_64 : f32 to vector<16xf32>
      %broadcast_in_dim3A_67 = vector.broadcast %jit3A_65 : f32 to vector<16xf32>
      %select_n3A_68 = arith.select %eq3A_63, %broadcast_in_dim3A_66, %broadcast_in_dim3A_67 : vector<16xi1>, vector<16xf32>
      %swap3A_69 = arith.constant 2 : i32
      %swap3A_70 = arith.index_cast %swap3A_69 : i32 to index
      %swap3A_71 = arith.constant 0 : index
      %swap3A_72 = tpu.vector_load %arg8[%swap3A_70, %swap3A_71] {strides = array<i32>} : memref<16x128xf32, #tpu.memory_space<vmem>>, vector<1x16xf32>,
      %swap3A_73 = vector.shape_cast %swap3A_72 : vector<1x16xf32> to vector<16xf32>
      %swap3A_74 = vector.shape_cast %select_n3A_68 : vector<16xf32> to vector<1x16xf32>
      tpu.vector_store %arg8[%swap3A_70, %swap3A_71], %swap3A_74 {strides = array<i32>} : memref<16x128xf32, #tpu.memory_space<vmem>>, vector<1x16xf32>,
      %eq3A_75 = arith.constant 2 : i32
      %eq3A_76 = vector.broadcast %eq3A_75 : i32 to vector<16xi32>
      %eq3A_77 = arith.cmpi eq, %get3A_9, %eq3A_76 : vector<16xi32>
      %jit3A_78 = arith.constant 1.000000e+00 : f32
      %jit3A_79 = arith.constant 0.000000e+00 : f32
      %broadcast_in_dim3A_80 = vector.broadcast %jit3A_78 : f32 to vector<16xf32>
      %broadcast_in_dim3A_81 = vector.broadcast %jit3A_79 : f32 to vector<16xf32>
      %select_n3A_82 = arith.select %eq3A_77, %broadcast_in_dim3A_80, %broadcast_in_dim3A_81 : vector<16xi1>, vector<16xf32>
      %swap3A_83 = arith.constant 2 : i32
      %swap3A_84 = arith.index_cast %swap3A_83 : i32 to index
      %swap3A_85 = arith.constant 0 : index
      %swap3A_86 = tpu.vector_load %arg9[%swap3A_84, %swap3A_85] {strides = array<i32>} : memref<16x128xf32, #tpu.memory_space<vmem>>, vector<1x16xf32>,
      %swap3A_87 = vector.shape_cast %swap3A_86 : vector<1x16xf32> to vector<16xf32>
      %swap3A_88 = vector.shape_cast %select_n3A_82 : vector<16xf32> to vector<1x16xf32>
      tpu.vector_store %arg9[%swap3A_84, %swap3A_85], %swap3A_88 {strides = array<i32>} : memref<16x128xf32, #tpu.memory_space<vmem>>, vector<1x16xf32>,
      %eq3A_89 = arith.constant 3 : i32
      %eq3A_90 = vector.broadcast %eq3A_89 : i32 to vector<16xi32>
      %eq3A_91 = arith.cmpi eq, %get3A_6, %eq3A_90 : vector<16xi32>
      %jit3A_92 = arith.constant 1.000000e+00 : f32
      %jit3A_93 = arith.constant 0.000000e+00 : f32
      %broadcast_in_dim3A_94 = vector.broadcast %jit3A_92 : f32 to vector<16xf32>
      %broadcast_in_dim3A_95 = vector.broadcast %jit3A_93 : f32 to vector<16xf32>
      %select_n3A_96 = arith.select %eq3A_91, %broadcast_in_dim3A_94, %broadcast_in_dim3A_95 : vector<16xi1>, vector<16xf32>
      %swap3A_97 = arith.constant 3 : i32
      %swap3A_98 = arith.index_cast %swap3A_97 : i32 to index
      %swap3A_99 = arith.constant 0 : index
      %swap3A_100 = tpu.vector_load %arg8[%swap3A_98, %swap3A_99] {strides = array<i32>} : memref<16x128xf32, #tpu.memory_space<vmem>>, vector<1x16xf32>,
      %swap3A_101 = vector.shape_cast %swap3A_100 : vector<1x16xf32> to vector<16xf32>
      %swap3A_102 = vector.shape_cast %select_n3A_96 : vector<16xf32> to vector<1x16xf32>
      tpu.vector_store %arg8[%swap3A_98, %swap3A_99], %swap3A_102 {strides = array<i32>} : memref<16x128xf32, #tpu.memory_space<vmem>>, vector<1x16xf32>,
      %eq3A_103 = arith.constant 3 : i32
      %eq3A_104 = vector.broadcast %eq3A_103 : i32 to vector<16xi32>
      %eq3A_105 = arith.cmpi eq, %get3A_9, %eq3A_104 : vector<16xi32>
      %jit3A_106 = arith.constant 1.000000e+00 : f32
      %jit3A_107 = arith.constant 0.000000e+00 : f32
      %broadcast_in_dim3A_108 = vector.broadcast %jit3A_106 : f32 to vector<16xf32>
      %broadcast_in_dim3A_109 = vector.broadcast %jit3A_107 : f32 to vector<16xf32>
      %select_n3A_110 = arith.select %eq3A_105, %broadcast_in_dim3A_108, %broadcast_in_dim3A_109 : vector<16xi1>, vector<16xf32>
      %swap3A_111 = arith.constant 3 : i32
      %swap3A_112 = arith.index_cast %swap3A_111 : i32 to index
      %swap3A_113 = arith.constant 0 : index
      %swap3A_114 = tpu.vector_load %arg9[%swap3A_112, %swap3A_113] {strides = array<i32>} : memref<16x128xf32, #tpu.memory_space<vmem>>, vector<1x16xf32>,
      %swap3A_115 = vector.shape_cast %swap3A_114 : vector<1x16xf32> to vector<16xf32>
      %swap3A_116 = vector.shape_cast %select_n3A_110 : vector<16xf32> to vector<1x16xf32>
      tpu.vector_store %arg9[%swap3A_112, %swap3A_113], %swap3A_116 {strides = array<i32>} : memref<16x128xf32, #tpu.memory_space<vmem>>, vector<1x16xf32>,
      %eq3A_117 = arith.constant 4 : i32
      %eq3A_118 = vector.broadcast %eq3A_117 : i32 to vector<16xi32>
      %eq3A_119 = arith.cmpi eq, %get3A_6, %eq3A_118 : vector<16xi32>
      %jit3A_120 = arith.constant 1.000000e+00 : f32
      %jit3A_121 = arith.constant 0.000000e+00 : f32
      %broadcast_in_dim3A_122 = vector.broadcast %jit3A_120 : f32 to vector<16xf32>
      %broadcast_in_dim3A_123 = vector.broadcast %jit3A_121 : f32 to vector<16xf32>
      %select_n3A_124 = arith.select %eq3A_119, %broadcast_in_dim3A_122, %broadcast_in_dim3A_123 : vector<16xi1>, vector<16xf32>
      %swap3A_125 = arith.constant 4 : i32
      %swap3A_126 = arith.index_cast %swap3A_125 : i32 to index
      %swap3A_127 = arith.constant 0 : index
      %swap3A_128 = tpu.vector_load %arg8[%swap3A_126, %swap3A_127] {strides = array<i32>} : memref<16x128xf32, #tpu.memory_space<vmem>>, vector<1x16xf32>,
      %swap3A_129 = vector.shape_cast %swap3A_128 : vector<1x16xf32> to vector<16xf32>
      %swap3A_130 = vector.shape_cast %select_n3A_124 : vector<16xf32> to vector<1x16xf32>
      tpu.vector_store %arg8[%swap3A_126, %swap3A_127], %swap3A_130 {strides = array<i32>} : memref<16x128xf32, #tpu.memory_space<vmem>>, vector<1x16xf32>,
      %eq3A_131 = arith.constant 4 : i32
      %eq3A_132 = vector.broadcast %eq3A_131 : i32 to vector<16xi32>
      %eq3A_133 = arith.cmpi eq, %get3A_9, %eq3A_132 : vector<16xi32>
      %jit3A_134 = arith.constant 1.000000e+00 : f32
      %jit3A_135 = arith.constant 0.000000e+00 : f32
      %broadcast_in_dim3A_136 = vector.broadcast %jit3A_134 : f32 to vector<16xf32>
      %broadcast_in_dim3A_137 = vector.broadcast %jit3A_135 : f32 to vector<16xf32>
      %select_n3A_138 = arith.select %eq3A_133, %broadcast_in_dim3A_136, %broadcast_in_dim3A_137 : vector<16xi1>, vector<16xf32>
      %swap3A_139 = arith.constant 4 : i32
      %swap3A_140 = arith.index_cast %swap3A_139 : i32 to index
      %swap3A_141 = arith.constant 0 : index
      %swap3A_142 = tpu.vector_load %arg9[%swap3A_140, %swap3A_141] {strides = array<i32>} : memref<16x128xf32, #tpu.memory_space<vmem>>, vector<1x16xf32>,
      %swap3A_143 = vector.shape_cast %swap3A_142 : vector<1x16xf32> to vector<16xf32>
      %swap3A_144 = vector.shape_cast %select_n3A_138 : vector<16xf32> to vector<1x16xf32>
      tpu.vector_store %arg9[%swap3A_140, %swap3A_141], %swap3A_144 {strides = array<i32>} : memref<16x128xf32, #tpu.memory_space<vmem>>, vector<1x16xf32>,
      %eq3A_145 = arith.constant 5 : i32
      %eq3A_146 = vector.broadcast %eq3A_145 : i32 to vector<16xi32>
      %eq3A_147 = arith.cmpi eq, %get3A_6, %eq3A_146 : vector<16xi32>
      %jit3A_148 = arith.constant 1.000000e+00 : f32
      %jit3A_149 = arith.constant 0.000000e+00 : f32
      %broadcast_in_dim3A_150 = vector.broadcast %jit3A_148 : f32 to vector<16xf32>
      %broadcast_in_dim3A_151 = vector.broadcast %jit3A_149 : f32 to vector<16xf32>
      %select_n3A_152 = arith.select %eq3A_147, %broadcast_in_dim3A_150, %broadcast_in_dim3A_151 : vector<16xi1>, vector<16xf32>
      %swap3A_153 = arith.constant 5 : i32
      %swap3A_154 = arith.index_cast %swap3A_153 : i32 to index
      %swap3A_155 = arith.constant 0 : index
      %swap3A_156 = tpu.vector_load %arg8[%swap3A_154, %swap3A_155] {strides = array<i32>} : memref<16x128xf32, #tpu.memory_space<vmem>>, vector<1x16xf32>,
      %swap3A_157 = vector.shape_cast %swap3A_156 : vector<1x16xf32> to vector<16xf32>
      %swap3A_158 = vector.shape_cast %select_n3A_152 : vector<16xf32> to vector<1x16xf32>
      tpu.vector_store %arg8[%swap3A_154, %swap3A_155], %swap3A_158 {strides = array<i32>} : memref<16x128xf32, #tpu.memory_space<vmem>>, vector<1x16xf32>,
      %eq3A_159 = arith.constant 5 : i32
      %eq3A_160 = vector.broadcast %eq3A_159 : i32 to vector<16xi32>
      %eq3A_161 = arith.cmpi eq, %get3A_9, %eq3A_160 : vector<16xi32>
      %jit3A_162 = arith.constant 1.000000e+00 : f32
      %jit3A_163 = arith.constant 0.000000e+00 : f32
      %broadcast_in_dim3A_164 = vector.broadcast %jit3A_162 : f32 to vector<16xf32>
      %broadcast_in_dim3A_165 = vector.broadcast %jit3A_163 : f32 to vector<16xf32>
      %select_n3A_166 = arith.select %eq3A_161, %broadcast_in_dim3A_164, %broadcast_in_dim3A_165 : vector<16xi1>, vector<16xf32>
      %swap3A_167 = arith.constant 5 : i32
      %swap3A_168 = arith.index_cast %swap3A_167 : i32 to index
      %swap3A_169 = arith.constant 0 : index
      %swap3A_170 = tpu.vector_load %arg9[%swap3A_168, %swap3A_169] {strides = array<i32>} : memref<16x128xf32, #tpu.memory_space<vmem>>, vector<1x16xf32>,
      %swap3A_171 = vector.shape_cast %swap3A_170 : vector<1x16xf32> to vector<16xf32>
      %swap3A_172 = vector.shape_cast %select_n3A_166 : vector<16xf32> to vector<1x16xf32>
      tpu.vector_store %arg9[%swap3A_168, %swap3A_169], %swap3A_172 {strides = array<i32>} : memref<16x128xf32, #tpu.memory_space<vmem>>, vector<1x16xf32>,
      %eq3A_173 = arith.constant 6 : i32
      %eq3A_174 = vector.broadcast %eq3A_173 : i32 to vector<16xi32>
      %eq3A_175 = arith.cmpi eq, %get3A_6, %eq3A_174 : vector<16xi32>
      %jit3A_176 = arith.constant 1.000000e+00 : f32
      %jit3A_177 = arith.constant 0.000000e+00 : f32
      %broadcast_in_dim3A_178 = vector.broadcast %jit3A_176 : f32 to vector<16xf32>
      %broadcast_in_dim3A_179 = vector.broadcast %jit3A_177 : f32 to vector<16xf32>
      %select_n3A_180 = arith.select %eq3A_175, %broadcast_in_dim3A_178, %broadcast_in_dim3A_179 : vector<16xi1>, vector<16xf32>
      %swap3A_181 = arith.constant 6 : i32
      %swap3A_182 = arith.index_cast %swap3A_181 : i32 to index
      %swap3A_183 = arith.constant 0 : index
      %swap3A_184 = tpu.vector_load %arg8[%swap3A_182, %swap3A_183] {strides = array<i32>} : memref<16x128xf32, #tpu.memory_space<vmem>>, vector<1x16xf32>,
      %swap3A_185 = vector.shape_cast %swap3A_184 : vector<1x16xf32> to vector<16xf32>
      %swap3A_186 = vector.shape_cast %select_n3A_180 : vector<16xf32> to vector<1x16xf32>
      tpu.vector_store %arg8[%swap3A_182, %swap3A_183], %swap3A_186 {strides = array<i32>} : memref<16x128xf32, #tpu.memory_space<vmem>>, vector<1x16xf32>,
      %eq3A_187 = arith.constant 6 : i32
      %eq3A_188 = vector.broadcast %eq3A_187 : i32 to vector<16xi32>
      %eq3A_189 = arith.cmpi eq, %get3A_9, %eq3A_188 : vector<16xi32>
      %jit3A_190 = arith.constant 1.000000e+00 : f32
      %jit3A_191 = arith.constant 0.000000e+00 : f32
      %broadcast_in_dim3A_192 = vector.broadcast %jit3A_190 : f32 to vector<16xf32>
      %broadcast_in_dim3A_193 = vector.broadcast %jit3A_191 : f32 to vector<16xf32>
      %select_n3A_194 = arith.select %eq3A_189, %broadcast_in_dim3A_192, %broadcast_in_dim3A_193 : vector<16xi1>, vector<16xf32>
      %swap3A_195 = arith.constant 6 : i32
      %swap3A_196 = arith.index_cast %swap3A_195 : i32 to index
      %swap3A_197 = arith.constant 0 : index
      %swap3A_198 = tpu.vector_load %arg9[%swap3A_196, %swap3A_197] {strides = array<i32>} : memref<16x128xf32, #tpu.memory_space<vmem>>, vector<1x16xf32>,
      %swap3A_199 = vector.shape_cast %swap3A_198 : vector<1x16xf32> to vector<16xf32>
      %swap3A_200 = vector.shape_cast %select_n3A_194 : vector<16xf32> to vector<1x16xf32>
      tpu.vector_store %arg9[%swap3A_196, %swap3A_197], %swap3A_200 {strides = array<i32>} : memref<16x128xf32, #tpu.memory_space<vmem>>, vector<1x16xf32>,
      %eq3A_201 = arith.constant 7 : i32
      %eq3A_202 = vector.broadcast %eq3A_201 : i32 to vector<16xi32>
      %eq3A_203 = arith.cmpi eq, %get3A_6, %eq3A_202 : vector<16xi32>
      %jit3A_204 = arith.constant 1.000000e+00 : f32
      %jit3A_205 = arith.constant 0.000000e+00 : f32
      %broadcast_in_dim3A_206 = vector.broadcast %jit3A_204 : f32 to vector<16xf32>
      %broadcast_in_dim3A_207 = vector.broadcast %jit3A_205 : f32 to vector<16xf32>
      %select_n3A_208 = arith.select %eq3A_203, %broadcast_in_dim3A_206, %broadcast_in_dim3A_207 : vector<16xi1>, vector<16xf32>
      %swap3A_209 = arith.constant 7 : i32
      %swap3A_210 = arith.index_cast %swap3A_209 : i32 to index
      %swap3A_211 = arith.constant 0 : index
      %swap3A_212 = tpu.vector_load %arg8[%swap3A_210, %swap3A_211] {strides = array<i32>} : memref<16x128xf32, #tpu.memory_space<vmem>>, vector<1x16xf32>,
      %swap3A_213 = vector.shape_cast %swap3A_212 : vector<1x16xf32> to vector<16xf32>
      %swap3A_214 = vector.shape_cast %select_n3A_208 : vector<16xf32> to vector<1x16xf32>
      tpu.vector_store %arg8[%swap3A_210, %swap3A_211], %swap3A_214 {strides = array<i32>} : memref<16x128xf32, #tpu.memory_space<vmem>>, vector<1x16xf32>,
      %eq3A_215 = arith.constant 7 : i32
      %eq3A_216 = vector.broadcast %eq3A_215 : i32 to vector<16xi32>
      %eq3A_217 = arith.cmpi eq, %get3A_9, %eq3A_216 : vector<16xi32>
      %jit3A_218 = arith.constant 1.000000e+00 : f32
      %jit3A_219 = arith.constant 0.000000e+00 : f32
      %broadcast_in_dim3A_220 = vector.broadcast %jit3A_218 : f32 to vector<16xf32>
      %broadcast_in_dim3A_221 = vector.broadcast %jit3A_219 : f32 to vector<16xf32>
      %select_n3A_222 = arith.select %eq3A_217, %broadcast_in_dim3A_220, %broadcast_in_dim3A_221 : vector<16xi1>, vector<16xf32>
      %swap3A_223 = arith.constant 7 : i32
      %swap3A_224 = arith.index_cast %swap3A_223 : i32 to index
      %swap3A_225 = arith.constant 0 : index
      %swap3A_226 = tpu.vector_load %arg9[%swap3A_224, %swap3A_225] {strides = array<i32>} : memref<16x128xf32, #tpu.memory_space<vmem>>, vector<1x16xf32>,
      %swap3A_227 = vector.shape_cast %swap3A_226 : vector<1x16xf32> to vector<16xf32>
      %swap3A_228 = vector.shape_cast %select_n3A_222 : vector<16xf32> to vector<1x16xf32>
      tpu.vector_store %arg9[%swap3A_224, %swap3A_225], %swap3A_228 {strides = array<i32>} : memref<16x128xf32, #tpu.memory_space<vmem>>, vector<1x16xf32>,
      %eq3A_229 = arith.constant 8 : i32
      %eq3A_230 = vector.broadcast %eq3A_229 : i32 to vector<16xi32>
      %eq3A_231 = arith.cmpi eq, %get3A_6, %eq3A_230 : vector<16xi32>
      %jit3A_232 = arith.constant 1.000000e+00 : f32
      %jit3A_233 = arith.constant 0.000000e+00 : f32
      %broadcast_in_dim3A_234 = vector.broadcast %jit3A_232 : f32 to vector<16xf32>
      %broadcast_in_dim3A_235 = vector.broadcast %jit3A_233 : f32 to vector<16xf32>
      %select_n3A_236 = arith.select %eq3A_231, %broadcast_in_dim3A_234, %broadcast_in_dim3A_235 : vector<16xi1>, vector<16xf32>
      %swap3A_237 = arith.constant 8 : i32
      %swap3A_238 = arith.index_cast %swap3A_237 : i32 to index
      %swap3A_239 = arith.constant 0 : index
      %swap3A_240 = tpu.vector_load %arg8[%swap3A_238, %swap3A_239] {strides = array<i32>} : memref<16x128xf32, #tpu.memory_space<vmem>>, vector<1x16xf32>,
      %swap3A_241 = vector.shape_cast %swap3A_240 : vector<1x16xf32> to vector<16xf32>
      %swap3A_242 = vector.shape_cast %select_n3A_236 : vector<16xf32> to vector<1x16xf32>
      tpu.vector_store %arg8[%swap3A_238, %swap3A_239], %swap3A_242 {strides = array<i32>} : memref<16x128xf32, #tpu.memory_space<vmem>>, vector<1x16xf32>,
      %eq3A_243 = arith.constant 8 : i32
      %eq3A_244 = vector.broadcast %eq3A_243 : i32 to vector<16xi32>
      %eq3A_245 = arith.cmpi eq, %get3A_9, %eq3A_244 : vector<16xi32>
      %jit3A_246 = arith.constant 1.000000e+00 : f32
      %jit3A_247 = arith.constant 0.000000e+00 : f32
      %broadcast_in_dim3A_248 = vector.broadcast %jit3A_246 : f32 to vector<16xf32>
      %broadcast_in_dim3A_249 = vector.broadcast %jit3A_247 : f32 to vector<16xf32>
      %select_n3A_250 = arith.select %eq3A_245, %broadcast_in_dim3A_248, %broadcast_in_dim3A_249 : vector<16xi1>, vector<16xf32>
      %swap3A_251 = arith.constant 8 : i32
      %swap3A_252 = arith.index_cast %swap3A_251 : i32 to index
      %swap3A_253 = arith.constant 0 : index
      %swap3A_254 = tpu.vector_load %arg9[%swap3A_252, %swap3A_253] {strides = array<i32>} : memref<16x128xf32, #tpu.memory_space<vmem>>, vector<1x16xf32>,
      %swap3A_255 = vector.shape_cast %swap3A_254 : vector<1x16xf32> to vector<16xf32>
      %swap3A_256 = vector.shape_cast %select_n3A_250 : vector<16xf32> to vector<1x16xf32>
      tpu.vector_store %arg9[%swap3A_252, %swap3A_253], %swap3A_256 {strides = array<i32>} : memref<16x128xf32, #tpu.memory_space<vmem>>, vector<1x16xf32>,
      %eq3A_257 = arith.constant 9 : i32
      %eq3A_258 = vector.broadcast %eq3A_257 : i32 to vector<16xi32>
      %eq3A_259 = arith.cmpi eq, %get3A_6, %eq3A_258 : vector<16xi32>
      %jit3A_260 = arith.constant 1.000000e+00 : f32
      %jit3A_261 = arith.constant 0.000000e+00 : f32
      %broadcast_in_dim3A_262 = vector.broadcast %jit3A_260 : f32 to vector<16xf32>
      %broadcast_in_dim3A_263 = vector.broadcast %jit3A_261 : f32 to vector<16xf32>
      %select_n3A_264 = arith.select %eq3A_259, %broadcast_in_dim3A_262, %broadcast_in_dim3A_263 : vector<16xi1>, vector<16xf32>
      %swap3A_265 = arith.constant 9 : i32
      %swap3A_266 = arith.index_cast %swap3A_265 : i32 to index
      %swap3A_267 = arith.constant 0 : index
      %swap3A_268 = tpu.vector_load %arg8[%swap3A_266, %swap3A_267] {strides = array<i32>} : memref<16x128xf32, #tpu.memory_space<vmem>>, vector<1x16xf32>,
      %swap3A_269 = vector.shape_cast %swap3A_268 : vector<1x16xf32> to vector<16xf32>
      %swap3A_270 = vector.shape_cast %select_n3A_264 : vector<16xf32> to vector<1x16xf32>
      tpu.vector_store %arg8[%swap3A_266, %swap3A_267], %swap3A_270 {strides = array<i32>} : memref<16x128xf32, #tpu.memory_space<vmem>>, vector<1x16xf32>,
      %eq3A_271 = arith.constant 9 : i32
      %eq3A_272 = vector.broadcast %eq3A_271 : i32 to vector<16xi32>
      %eq3A_273 = arith.cmpi eq, %get3A_9, %eq3A_272 : vector<16xi32>
      %jit3A_274 = arith.constant 1.000000e+00 : f32
      %jit3A_275 = arith.constant 0.000000e+00 : f32
      %broadcast_in_dim3A_276 = vector.broadcast %jit3A_274 : f32 to vector<16xf32>
      %broadcast_in_dim3A_277 = vector.broadcast %jit3A_275 : f32 to vector<16xf32>
      %select_n3A_278 = arith.select %eq3A_273, %broadcast_in_dim3A_276, %broadcast_in_dim3A_277 : vector<16xi1>, vector<16xf32>
      %swap3A_279 = arith.constant 9 : i32
      %swap3A_280 = arith.index_cast %swap3A_279 : i32 to index
      %swap3A_281 = arith.constant 0 : index
      %swap3A_282 = tpu.vector_load %arg9[%swap3A_280, %swap3A_281] {strides = array<i32>} : memref<16x128xf32, #tpu.memory_space<vmem>>, vector<1x16xf32>,
      %swap3A_283 = vector.shape_cast %swap3A_282 : vector<1x16xf32> to vector<16xf32>
      %swap3A_284 = vector.shape_cast %select_n3A_278 : vector<16xf32> to vector<1x16xf32>
      tpu.vector_store %arg9[%swap3A_280, %swap3A_281], %swap3A_284 {strides = array<i32>} : memref<16x128xf32, #tpu.memory_space<vmem>>, vector<1x16xf32>,
      %eq3A_285 = arith.constant 10 : i32
      %eq3A_286 = vector.broadcast %eq3A_285 : i32 to vector<16xi32>
      %eq3A_287 = arith.cmpi eq, %get3A_6, %eq3A_286 : vector<16xi32>
      %jit3A_288 = arith.constant 1.000000e+00 : f32
      %jit3A_289 = arith.constant 0.000000e+00 : f32
      %broadcast_in_dim3A_290 = vector.broadcast %jit3A_288 : f32 to vector<16xf32>
      %broadcast_in_dim3A_291 = vector.broadcast %jit3A_289 : f32 to vector<16xf32>
      %select_n3A_292 = arith.select %eq3A_287, %broadcast_in_dim3A_290, %broadcast_in_dim3A_291 : vector<16xi1>, vector<16xf32>
      %swap3A_293 = arith.constant 10 : i32
      %swap3A_294 = arith.index_cast %swap3A_293 : i32 to index
      %swap3A_295 = arith.constant 0 : index
      %swap3A_296 = tpu.vector_load %arg8[%swap3A_294, %swap3A_295] {strides = array<i32>} : memref<16x128xf32, #tpu.memory_space<vmem>>, vector<1x16xf32>,
      %swap3A_297 = vector.shape_cast %swap3A_296 : vector<1x16xf32> to vector<16xf32>
      %swap3A_298 = vector.shape_cast %select_n3A_292 : vector<16xf32> to vector<1x16xf32>
      tpu.vector_store %arg8[%swap3A_294, %swap3A_295], %swap3A_298 {strides = array<i32>} : memref<16x128xf32, #tpu.memory_space<vmem>>, vector<1x16xf32>,
      %eq3A_299 = arith.constant 10 : i32
      %eq3A_300 = vector.broadcast %eq3A_299 : i32 to vector<16xi32>
      %eq3A_301 = arith.cmpi eq, %get3A_9, %eq3A_300 : vector<16xi32>
      %jit3A_302 = arith.constant 1.000000e+00 : f32
      %jit3A_303 = arith.constant 0.000000e+00 : f32
      %broadcast_in_dim3A_304 = vector.broadcast %jit3A_302 : f32 to vector<16xf32>
      %broadcast_in_dim3A_305 = vector.broadcast %jit3A_303 : f32 to vector<16xf32>
      %select_n3A_306 = arith.select %eq3A_301, %broadcast_in_dim3A_304, %broadcast_in_dim3A_305 : vector<16xi1>, vector<16xf32>
      %swap3A_307 = arith.constant 10 : i32
      %swap3A_308 = arith.index_cast %swap3A_307 : i32 to index
      %swap3A_309 = arith.constant 0 : index
      %swap3A_310 = tpu.vector_load %arg9[%swap3A_308, %swap3A_309] {strides = array<i32>} : memref<16x128xf32, #tpu.memory_space<vmem>>, vector<1x16xf32>,
      %swap3A_311 = vector.shape_cast %swap3A_310 : vector<1x16xf32> to vector<16xf32>
      %swap3A_312 = vector.shape_cast %select_n3A_306 : vector<16xf32> to vector<1x16xf32>
      tpu.vector_store %arg9[%swap3A_308, %swap3A_309], %swap3A_312 {strides = array<i32>} : memref<16x128xf32, #tpu.memory_space<vmem>>, vector<1x16xf32>,
      %eq3A_313 = arith.constant 11 : i32
      %eq3A_314 = vector.broadcast %eq3A_313 : i32 to vector<16xi32>
      %eq3A_315 = arith.cmpi eq, %get3A_6, %eq3A_314 : vector<16xi32>
      %jit3A_316 = arith.constant 1.000000e+00 : f32
      %jit3A_317 = arith.constant 0.000000e+00 : f32
      %broadcast_in_dim3A_318 = vector.broadcast %jit3A_316 : f32 to vector<16xf32>
      %broadcast_in_dim3A_319 = vector.broadcast %jit3A_317 : f32 to vector<16xf32>
      %select_n3A_320 = arith.select %eq3A_315, %broadcast_in_dim3A_318, %broadcast_in_dim3A_319 : vector<16xi1>, vector<16xf32>
      %swap3A_321 = arith.constant 11 : i32
      %swap3A_322 = arith.index_cast %swap3A_321 : i32 to index
      %swap3A_323 = arith.constant 0 : index
      %swap3A_324 = tpu.vector_load %arg8[%swap3A_322, %swap3A_323] {strides = array<i32>} : memref<16x128xf32, #tpu.memory_space<vmem>>, vector<1x16xf32>,
      %swap3A_325 = vector.shape_cast %swap3A_324 : vector<1x16xf32> to vector<16xf32>
      %swap3A_326 = vector.shape_cast %select_n3A_320 : vector<16xf32> to vector<1x16xf32>
      tpu.vector_store %arg8[%swap3A_322, %swap3A_323], %swap3A_326 {strides = array<i32>} : memref<16x128xf32, #tpu.memory_space<vmem>>, vector<1x16xf32>,
      %eq3A_327 = arith.constant 11 : i32
      %eq3A_328 = vector.broadcast %eq3A_327 : i32 to vector<16xi32>
      %eq3A_329 = arith.cmpi eq, %get3A_9, %eq3A_328 : vector<16xi32>
      %jit3A_330 = arith.constant 1.000000e+00 : f32
      %jit3A_331 = arith.constant 0.000000e+00 : f32
      %broadcast_in_dim3A_332 = vector.broadcast %jit3A_330 : f32 to vector<16xf32>
      %broadcast_in_dim3A_333 = vector.broadcast %jit3A_331 : f32 to vector<16xf32>
      %select_n3A_334 = arith.select %eq3A_329, %broadcast_in_dim3A_332, %broadcast_in_dim3A_333 : vector<16xi1>, vector<16xf32>
      %swap3A_335 = arith.constant 11 : i32
      %swap3A_336 = arith.index_cast %swap3A_335 : i32 to index
      %swap3A_337 = arith.constant 0 : index
      %swap3A_338 = tpu.vector_load %arg9[%swap3A_336, %swap3A_337] {strides = array<i32>} : memref<16x128xf32, #tpu.memory_space<vmem>>, vector<1x16xf32>,
      %swap3A_339 = vector.shape_cast %swap3A_338 : vector<1x16xf32> to vector<16xf32>
      %swap3A_340 = vector.shape_cast %select_n3A_334 : vector<16xf32> to vector<1x16xf32>
      tpu.vector_store %arg9[%swap3A_336, %swap3A_337], %swap3A_340 {strides = array<i32>} : memref<16x128xf32, #tpu.memory_space<vmem>>, vector<1x16xf32>,
      %eq3A_341 = arith.constant 12 : i32
      %eq3A_342 = vector.broadcast %eq3A_341 : i32 to vector<16xi32>
      %eq3A_343 = arith.cmpi eq, %get3A_6, %eq3A_342 : vector<16xi32>
      %jit3A_344 = arith.constant 1.000000e+00 : f32
      %jit3A_345 = arith.constant 0.000000e+00 : f32
      %broadcast_in_dim3A_346 = vector.broadcast %jit3A_344 : f32 to vector<16xf32>
      %broadcast_in_dim3A_347 = vector.broadcast %jit3A_345 : f32 to vector<16xf32>
      %select_n3A_348 = arith.select %eq3A_343, %broadcast_in_dim3A_346, %broadcast_in_dim3A_347 : vector<16xi1>, vector<16xf32>
      %swap3A_349 = arith.constant 12 : i32
      %swap3A_350 = arith.index_cast %swap3A_349 : i32 to index
      %swap3A_351 = arith.constant 0 : index
      %swap3A_352 = tpu.vector_load %arg8[%swap3A_350, %swap3A_351] {strides = array<i32>} : memref<16x128xf32, #tpu.memory_space<vmem>>, vector<1x16xf32>,
      %swap3A_353 = vector.shape_cast %swap3A_352 : vector<1x16xf32> to vector<16xf32>
      %swap3A_354 = vector.shape_cast %select_n3A_348 : vector<16xf32> to vector<1x16xf32>
      tpu.vector_store %arg8[%swap3A_350, %swap3A_351], %swap3A_354 {strides = array<i32>} : memref<16x128xf32, #tpu.memory_space<vmem>>, vector<1x16xf32>,
      %eq3A_355 = arith.constant 12 : i32
      %eq3A_356 = vector.broadcast %eq3A_355 : i32 to vector<16xi32>
      %eq3A_357 = arith.cmpi eq, %get3A_9, %eq3A_356 : vector<16xi32>
      %jit3A_358 = arith.constant 1.000000e+00 : f32
      %jit3A_359 = arith.constant 0.000000e+00 : f32
      %broadcast_in_dim3A_360 = vector.broadcast %jit3A_358 : f32 to vector<16xf32>
      %broadcast_in_dim3A_361 = vector.broadcast %jit3A_359 : f32 to vector<16xf32>
      %select_n3A_362 = arith.select %eq3A_357, %broadcast_in_dim3A_360, %broadcast_in_dim3A_361 : vector<16xi1>, vector<16xf32>
      %swap3A_363 = arith.constant 12 : i32
      %swap3A_364 = arith.index_cast %swap3A_363 : i32 to index
      %swap3A_365 = arith.constant 0 : index
      %swap3A_366 = tpu.vector_load %arg9[%swap3A_364, %swap3A_365] {strides = array<i32>} : memref<16x128xf32, #tpu.memory_space<vmem>>, vector<1x16xf32>,
      %swap3A_367 = vector.shape_cast %swap3A_366 : vector<1x16xf32> to vector<16xf32>
      %swap3A_368 = vector.shape_cast %select_n3A_362 : vector<16xf32> to vector<1x16xf32>
      tpu.vector_store %arg9[%swap3A_364, %swap3A_365], %swap3A_368 {strides = array<i32>} : memref<16x128xf32, #tpu.memory_space<vmem>>, vector<1x16xf32>,
      %eq3A_369 = arith.constant 13 : i32
      %eq3A_370 = vector.broadcast %eq3A_369 : i32 to vector<16xi32>
      %eq3A_371 = arith.cmpi eq, %get3A_6, %eq3A_370 : vector<16xi32>
      %jit3A_372 = arith.constant 1.000000e+00 : f32
      %jit3A_373 = arith.constant 0.000000e+00 : f32
      %broadcast_in_dim3A_374 = vector.broadcast %jit3A_372 : f32 to vector<16xf32>
      %broadcast_in_dim3A_375 = vector.broadcast %jit3A_373 : f32 to vector<16xf32>
      %select_n3A_376 = arith.select %eq3A_371, %broadcast_in_dim3A_374, %broadcast_in_dim3A_375 : vector<16xi1>, vector<16xf32>
      %swap3A_377 = arith.constant 13 : i32
      %swap3A_378 = arith.index_cast %swap3A_377 : i32 to index
      %swap3A_379 = arith.constant 0 : index
      %swap3A_380 = tpu.vector_load %arg8[%swap3A_378, %swap3A_379] {strides = array<i32>} : memref<16x128xf32, #tpu.memory_space<vmem>>, vector<1x16xf32>,
      %swap3A_381 = vector.shape_cast %swap3A_380 : vector<1x16xf32> to vector<16xf32>
      %swap3A_382 = vector.shape_cast %select_n3A_376 : vector<16xf32> to vector<1x16xf32>
      tpu.vector_store %arg8[%swap3A_378, %swap3A_379], %swap3A_382 {strides = array<i32>} : memref<16x128xf32, #tpu.memory_space<vmem>>, vector<1x16xf32>,
      %eq3A_383 = arith.constant 13 : i32
      %eq3A_384 = vector.broadcast %eq3A_383 : i32 to vector<16xi32>
      %eq3A_385 = arith.cmpi eq, %get3A_9, %eq3A_384 : vector<16xi32>
      %jit3A_386 = arith.constant 1.000000e+00 : f32
      %jit3A_387 = arith.constant 0.000000e+00 : f32
      %broadcast_in_dim3A_388 = vector.broadcast %jit3A_386 : f32 to vector<16xf32>
      %broadcast_in_dim3A_389 = vector.broadcast %jit3A_387 : f32 to vector<16xf32>
      %select_n3A_390 = arith.select %eq3A_385, %broadcast_in_dim3A_388, %broadcast_in_dim3A_389 : vector<16xi1>, vector<16xf32>
      %swap3A_391 = arith.constant 13 : i32
      %swap3A_392 = arith.index_cast %swap3A_391 : i32 to index
      %swap3A_393 = arith.constant 0 : index
      %swap3A_394 = tpu.vector_load %arg9[%swap3A_392, %swap3A_393] {strides = array<i32>} : memref<16x128xf32, #tpu.memory_space<vmem>>, vector<1x16xf32>,
      %swap3A_395 = vector.shape_cast %swap3A_394 : vector<1x16xf32> to vector<16xf32>
      %swap3A_396 = vector.shape_cast %select_n3A_390 : vector<16xf32> to vector<1x16xf32>
      tpu.vector_store %arg9[%swap3A_392, %swap3A_393], %swap3A_396 {strides = array<i32>} : memref<16x128xf32, #tpu.memory_space<vmem>>, vector<1x16xf32>,
      %eq3A_397 = arith.constant 14 : i32
      %eq3A_398 = vector.broadcast %eq3A_397 : i32 to vector<16xi32>
      %eq3A_399 = arith.cmpi eq, %get3A_6, %eq3A_398 : vector<16xi32>
      %jit3A_400 = arith.constant 1.000000e+00 : f32
      %jit3A_401 = arith.constant 0.000000e+00 : f32
      %broadcast_in_dim3A_402 = vector.broadcast %jit3A_400 : f32 to vector<16xf32>
      %broadcast_in_dim3A_403 = vector.broadcast %jit3A_401 : f32 to vector<16xf32>
      %select_n3A_404 = arith.select %eq3A_399, %broadcast_in_dim3A_402, %broadcast_in_dim3A_403 : vector<16xi1>, vector<16xf32>
      %swap3A_405 = arith.constant 14 : i32
      %swap3A_406 = arith.index_cast %swap3A_405 : i32 to index
      %swap3A_407 = arith.constant 0 : index
      %swap3A_408 = tpu.vector_load %arg8[%swap3A_406, %swap3A_407] {strides = array<i32>} : memref<16x128xf32, #tpu.memory_space<vmem>>, vector<1x16xf32>,
      %swap3A_409 = vector.shape_cast %swap3A_408 : vector<1x16xf32> to vector<16xf32>
      %swap3A_410 = vector.shape_cast %select_n3A_404 : vector<16xf32> to vector<1x16xf32>
      tpu.vector_store %arg8[%swap3A_406, %swap3A_407], %swap3A_410 {strides = array<i32>} : memref<16x128xf32, #tpu.memory_space<vmem>>, vector<1x16xf32>,
      %eq3A_411 = arith.constant 14 : i32
      %eq3A_412 = vector.broadcast %eq3A_411 : i32 to vector<16xi32>
      %eq3A_413 = arith.cmpi eq, %get3A_9, %eq3A_412 : vector<16xi32>
      %jit3A_414 = arith.constant 1.000000e+00 : f32
      %jit3A_415 = arith.constant 0.000000e+00 : f32
      %broadcast_in_dim3A_416 = vector.broadcast %jit3A_414 : f32 to vector<16xf32>
      %broadcast_in_dim3A_417 = vector.broadcast %jit3A_415 : f32 to vector<16xf32>
      %select_n3A_418 = arith.select %eq3A_413, %broadcast_in_dim3A_416, %broadcast_in_dim3A_417 : vector<16xi1>, vector<16xf32>
      %swap3A_419 = arith.constant 14 : i32
      %swap3A_420 = arith.index_cast %swap3A_419 : i32 to index
      %swap3A_421 = arith.constant 0 : index
      %swap3A_422 = tpu.vector_load %arg9[%swap3A_420, %swap3A_421] {strides = array<i32>} : memref<16x128xf32, #tpu.memory_space<vmem>>, vector<1x16xf32>,
      %swap3A_423 = vector.shape_cast %swap3A_422 : vector<1x16xf32> to vector<16xf32>
      %swap3A_424 = vector.shape_cast %select_n3A_418 : vector<16xf32> to vector<1x16xf32>
      tpu.vector_store %arg9[%swap3A_420, %swap3A_421], %swap3A_424 {strides = array<i32>} : memref<16x128xf32, #tpu.memory_space<vmem>>, vector<1x16xf32>,
      %eq3A_425 = arith.constant 15 : i32
      %eq3A_426 = vector.broadcast %eq3A_425 : i32 to vector<16xi32>
      %eq3A_427 = arith.cmpi eq, %get3A_6, %eq3A_426 : vector<16xi32>
      %jit3A_428 = arith.constant 1.000000e+00 : f32
      %jit3A_429 = arith.constant 0.000000e+00 : f32
      %broadcast_in_dim3A_430 = vector.broadcast %jit3A_428 : f32 to vector<16xf32>
      %broadcast_in_dim3A_431 = vector.broadcast %jit3A_429 : f32 to vector<16xf32>
      %select_n3A_432 = arith.select %eq3A_427, %broadcast_in_dim3A_430, %broadcast_in_dim3A_431 : vector<16xi1>, vector<16xf32>
      %swap3A_433 = arith.constant 15 : i32
      %swap3A_434 = arith.index_cast %swap3A_433 : i32 to index
      %swap3A_435 = arith.constant 0 : index
      %swap3A_436 = tpu.vector_load %arg8[%swap3A_434, %swap3A_435] {strides = array<i32>} : memref<16x128xf32, #tpu.memory_space<vmem>>, vector<1x16xf32>,
      %swap3A_437 = vector.shape_cast %swap3A_436 : vector<1x16xf32> to vector<16xf32>
      %swap3A_438 = vector.shape_cast %select_n3A_432 : vector<16xf32> to vector<1x16xf32>
      tpu.vector_store %arg8[%swap3A_434, %swap3A_435], %swap3A_438 {strides = array<i32>} : memref<16x128xf32, #tpu.memory_space<vmem>>, vector<1x16xf32>,
      %eq3A_439 = arith.constant 15 : i32
      %eq3A_440 = vector.broadcast %eq3A_439 : i32 to vector<16xi32>
      %eq3A_441 = arith.cmpi eq, %get3A_9, %eq3A_440 : vector<16xi32>
      %jit3A_442 = arith.constant 1.000000e+00 : f32
      %jit3A_443 = arith.constant 0.000000e+00 : f32
      %broadcast_in_dim3A_444 = vector.broadcast %jit3A_442 : f32 to vector<16xf32>
      %broadcast_in_dim3A_445 = vector.broadcast %jit3A_443 : f32 to vector<16xf32>
      %select_n3A_446 = arith.select %eq3A_441, %broadcast_in_dim3A_444, %broadcast_in_dim3A_445 : vector<16xi1>, vector<16xf32>
      %swap3A_447 = arith.constant 15 : i32
      %swap3A_448 = arith.index_cast %swap3A_447 : i32 to index
      %swap3A_449 = arith.constant 0 : index
      %swap3A_450 = tpu.vector_load %arg9[%swap3A_448, %swap3A_449] {strides = array<i32>} : memref<16x128xf32, #tpu.memory_space<vmem>>, vector<1x16xf32>,
      %swap3A_451 = vector.shape_cast %swap3A_450 : vector<1x16xf32> to vector<16xf32>
      %swap3A_452 = vector.shape_cast %select_n3A_446 : vector<16xf32> to vector<1x16xf32>
      tpu.vector_store %arg9[%swap3A_448, %swap3A_449], %swap3A_452 {strides = array<i32>} : memref<16x128xf32, #tpu.memory_space<vmem>>, vector<1x16xf32>,
      %get3A_453 = arith.constant 16 : index
      %get3A_454 = tpu.vector_load %arg6[%get3A_453] {strides = array<i32>} : memref<128xi32, #tpu.memory_space<vmem>>, vector<16xi32>,
      %get3A_455 = vector.shape_cast %get3A_454 : vector<16xi32> to vector<16xi32>
      %get3A_456 = arith.constant 16 : index
      %get3A_457 = tpu.vector_load %arg7[%get3A_456] {strides = array<i32>} : memref<128xi32, #tpu.memory_space<vmem>>, vector<16xi32>,
      %get3A_458 = vector.shape_cast %get3A_457 : vector<16xi32> to vector<16xi32>
      %eq3A_459 = arith.constant 0 : i32
      %eq3A_460 = vector.broadcast %eq3A_459 : i32 to vector<16xi32>
      %eq3A_461 = arith.cmpi eq, %get3A_455, %eq3A_460 : vector<16xi32>
      %jit3A_462 = arith.constant 1.000000e+00 : f32
      %jit3A_463 = arith.constant 0.000000e+00 : f32
      %broadcast_in_dim3A_464 = vector.broadcast %jit3A_462 : f32 to vector<16xf32>
      %broadcast_in_dim3A_465 = vector.broadcast %jit3A_463 : f32 to vector<16xf32>
      %select_n3A_466 = arith.select %eq3A_461, %broadcast_in_dim3A_464, %broadcast_in_dim3A_465 : vector<16xi1>, vector<16xf32>
      %swap3A_467 = arith.constant 0 : i32
      %swap3A_468 = arith.index_cast %swap3A_467 : i32 to index
      %swap3A_469 = arith.constant 16 : index
      %swap3A_470 = tpu.vector_load %arg8[%swap3A_468, %swap3A_469] {strides = array<i32>} : memref<16x128xf32, #tpu.memory_space<vmem>>, vector<1x16xf32>,
      %swap3A_471 = vector.shape_cast %swap3A_470 : vector<1x16xf32> to vector<16xf32>
      %swap3A_472 = vector.shape_cast %select_n3A_466 : vector<16xf32> to vector<1x16xf32>
      tpu.vector_store %arg8[%swap3A_468, %swap3A_469], %swap3A_472 {strides = array<i32>} : memref<16x128xf32, #tpu.memory_space<vmem>>, vector<1x16xf32>,
      %eq3A_473 = arith.constant 0 : i32
      %eq3A_474 = vector.broadcast %eq3A_473 : i32 to vector<16xi32>
      %eq3A_475 = arith.cmpi eq, %get3A_458, %eq3A_474 : vector<16xi32>
      %jit3A_476 = arith.constant 1.000000e+00 : f32
      %jit3A_477 = arith.constant 0.000000e+00 : f32
      %broadcast_in_dim3A_478 = vector.broadcast %jit3A_476 : f32 to vector<16xf32>
      %broadcast_in_dim3A_479 = vector.broadcast %jit3A_477 : f32 to vector<16xf32>
      %select_n3A_480 = arith.select %eq3A_475, %broadcast_in_dim3A_478, %broadcast_in_dim3A_479 : vector<16xi1>, vector<16xf32>
      %swap3A_481 = arith.constant 0 : i32
      %swap3A_482 = arith.index_cast %swap3A_481 : i32 to index
      %swap3A_483 = arith.constant 16 : index
      %swap3A_484 = tpu.vector_load %arg9[%swap3A_482, %swap3A_483] {strides = array<i32>} : memref<16x128xf32, #tpu.memory_space<vmem>>, vector<1x16xf32>,
      %swap3A_485 = vector.shape_cast %swap3A_484 : vector<1x16xf32> to vector<16xf32>
      %swap3A_486 = vector.shape_cast %select_n3A_480 : vector<16xf32> to vector<1x16xf32>
      tpu.vector_store %arg9[%swap3A_482, %swap3A_483], %swap3A_486 {strides = array<i32>} : memref<16x128xf32, #tpu.memory_space<vmem>>, vector<1x16xf32>,
      %eq3A_487 = arith.constant 1 : i32
      %eq3A_488 = vector.broadcast %eq3A_487 : i32 to vector<16xi32>
      %eq3A_489 = arith.cmpi eq, %get3A_455, %eq3A_488 : vector<16xi32>
      %jit3A_490 = arith.constant 1.000000e+00 : f32
      %jit3A_491 = arith.constant 0.000000e+00 : f32
      %broadcast_in_dim3A_492 = vector.broadcast %jit3A_490 : f32 to vector<16xf32>
      %broadcast_in_dim3A_493 = vector.broadcast %jit3A_491 : f32 to vector<16xf32>
      %select_n3A_494 = arith.select %eq3A_489, %broadcast_in_dim3A_492, %broadcast_in_dim3A_493 : vector<16xi1>, vector<16xf32>
      %swap3A_495 = arith.constant 1 : i32
      %swap3A_496 = arith.index_cast %swap3A_495 : i32 to index
      %swap3A_497 = arith.constant 16 : index
      %swap3A_498 = tpu.vector_load %arg8[%swap3A_496, %swap3A_497] {strides = array<i32>} : memref<16x128xf32, #tpu.memory_space<vmem>>, vector<1x16xf32>,
      %swap3A_499 = vector.shape_cast %swap3A_498 : vector<1x16xf32> to vector<16xf32>
      %swap3A_500 = vector.shape_cast %select_n3A_494 : vector<16xf32> to vector<1x16xf32>
      tpu.vector_store %arg8[%swap3A_496, %swap3A_497], %swap3A_500 {strides = array<i32>} : memref<16x128xf32, #tpu.memory_space<vmem>>, vector<1x16xf32>,
      %eq3A_501 = arith.constant 1 : i32
      %eq3A_502 = vector.broadcast %eq3A_501 : i32 to vector<16xi32>
      %eq3A_503 = arith.cmpi eq, %get3A_458, %eq3A_502 : vector<16xi32>
      %jit3A_504 = arith.constant 1.000000e+00 : f32
      %jit3A_505 = arith.constant 0.000000e+00 : f32
      %broadcast_in_dim3A_506 = vector.broadcast %jit3A_504 : f32 to vector<16xf32>
      %broadcast_in_dim3A_507 = vector.broadcast %jit3A_505 : f32 to vector<16xf32>
      %select_n3A_508 = arith.select %eq3A_503, %broadcast_in_dim3A_506, %broadcast_in_dim3A_507 : vector<16xi1>, vector<16xf32>
      %swap3A_509 = arith.constant 1 : i32
      %swap3A_510 = arith.index_cast %swap3A_509 : i32 to index
      %swap3A_511 = arith.constant 16 : index
      %swap3A_512 = tpu.vector_load %arg9[%swap3A_510, %swap3A_511] {strides = array<i32>} : memref<16x128xf32, #tpu.memory_space<vmem>>, vector<1x16xf32>,
      %swap3A_513 = vector.shape_cast %swap3A_512 : vector<1x16xf32> to vector<16xf32>
      %swap3A_514 = vector.shape_cast %select_n3A_508 : vector<16xf32> to vector<1x16xf32>
      tpu.vector_store %arg9[%swap3A_510, %swap3A_511], %swap3A_514 {strides = array<i32>} : memref<16x128xf32, #tpu.memory_space<vmem>>, vector<1x16xf32>,
      %eq3A_515 = arith.constant 2 : i32
      %eq3A_516 = vector.broadcast %eq3A_515 : i32 to vector<16xi32>
      %eq3A_517 = arith.cmpi eq, %get3A_455, %eq3A_516 : vector<16xi32>
      %jit3A_518 = arith.constant 1.000000e+00 : f32
      %jit3A_519 = arith.constant 0.000000e+00 : f32
      %broadcast_in_dim3A_520 = vector.broadcast %jit3A_518 : f32 to vector<16xf32>
      %broadcast_in_dim3A_521 = vector.broadcast %jit3A_519 : f32 to vector<16xf32>
      %select_n3A_522 = arith.select %eq3A_517, %broadcast_in_dim3A_520, %broadcast_in_dim3A_521 : vector<16xi1>, vector<16xf32>
      %swap3A_523 = arith.constant 2 : i32
      %swap3A_524 = arith.index_cast %swap3A_523 : i32 to index
      %swap3A_525 = arith.constant 16 : index
      %swap3A_526 = tpu.vector_load %arg8[%swap3A_524, %swap3A_525] {strides = array<i32>} : memref<16x128xf32, #tpu.memory_space<vmem>>, vector<1x16xf32>,
      %swap3A_527 = vector.shape_cast %swap3A_526 : vector<1x16xf32> to vector<16xf32>
      %swap3A_528 = vector.shape_cast %select_n3A_522 : vector<16xf32> to vector<1x16xf32>
      tpu.vector_store %arg8[%swap3A_524, %swap3A_525], %swap3A_528 {strides = array<i32>} : memref<16x128xf32, #tpu.memory_space<vmem>>, vector<1x16xf32>,
      %eq3A_529 = arith.constant 2 : i32
      %eq3A_530 = vector.broadcast %eq3A_529 : i32 to vector<16xi32>
      %eq3A_531 = arith.cmpi eq, %get3A_458, %eq3A_530 : vector<16xi32>
      %jit3A_532 = arith.constant 1.000000e+00 : f32
      %jit3A_533 = arith.constant 0.000000e+00 : f32
      %broadcast_in_dim3A_534 = vector.broadcast %jit3A_532 : f32 to vector<16xf32>
      %broadcast_in_dim3A_535 = vector.broadcast %jit3A_533 : f32 to vector<16xf32>
      %select_n3A_536 = arith.select %eq3A_531, %broadcast_in_dim3A_534, %broadcast_in_dim3A_535 : vector<16xi1>, vector<16xf32>
      %swap3A_537 = arith.constant 2 : i32
      %swap3A_538 = arith.index_cast %swap3A_537 : i32 to index
      %swap3A_539 = arith.constant 16 : index
      %swap3A_540 = tpu.vector_load %arg9[%swap3A_538, %swap3A_539] {strides = array<i32>} : memref<16x128xf32, #tpu.memory_space<vmem>>, vector<1x16xf32>,
      %swap3A_541 = vector.shape_cast %swap3A_540 : vector<1x16xf32> to vector<16xf32>
      %swap3A_542 = vector.shape_cast %select_n3A_536 : vector<16xf32> to vector<1x16xf32>
      tpu.vector_store %arg9[%swap3A_538, %swap3A_539], %swap3A_542 {strides = array<i32>} : memref<16x128xf32, #tpu.memory_space<vmem>>, vector<1x16xf32>,
      %eq3A_543 = arith.constant 3 : i32
      %eq3A_544 = vector.broadcast %eq3A_543 : i32 to vector<16xi32>
      %eq3A_545 = arith.cmpi eq, %get3A_455, %eq3A_544 : vector<16xi32>
      %jit3A_546 = arith.constant 1.000000e+00 : f32
      %jit3A_547 = arith.constant 0.000000e+00 : f32
      %broadcast_in_dim3A_548 = vector.broadcast %jit3A_546 : f32 to vector<16xf32>
      %broadcast_in_dim3A_549 = vector.broadcast %jit3A_547 : f32 to vector<16xf32>
      %select_n3A_550 = arith.select %eq3A_545, %broadcast_in_dim3A_548, %broadcast_in_dim3A_549 : vector<16xi1>, vector<16xf32>
      %swap3A_551 = arith.constant 3 : i32
      %swap3A_552 = arith.index_cast %swap3A_551 : i32 to index
      %swap3A_553 = arith.constant 16 : index
      %swap3A_554 = tpu.vector_load %arg8[%swap3A_552, %swap3A_553] {strides = array<i32>} : memref<16x128xf32, #tpu.memory_space<vmem>>, vector<1x16xf32>,
      %swap3A_555 = vector.shape_cast %swap3A_554 : vector<1x16xf32> to vector<16xf32>
      %swap3A_556 = vector.shape_cast %select_n3A_550 : vector<16xf32> to vector<1x16xf32>
      tpu.vector_store %arg8[%swap3A_552, %swap3A_553], %swap3A_556 {strides = array<i32>} : memref<16x128xf32, #tpu.memory_space<vmem>>, vector<1x16xf32>,
      %eq3A_557 = arith.constant 3 : i32
      %eq3A_558 = vector.broadcast %eq3A_557 : i32 to vector<16xi32>
      %eq3A_559 = arith.cmpi eq, %get3A_458, %eq3A_558 : vector<16xi32>
      %jit3A_560 = arith.constant 1.000000e+00 : f32
      %jit3A_561 = arith.constant 0.000000e+00 : f32
      %broadcast_in_dim3A_562 = vector.broadcast %jit3A_560 : f32 to vector<16xf32>
      %broadcast_in_dim3A_563 = vector.broadcast %jit3A_561 : f32 to vector<16xf32>
      %select_n3A_564 = arith.select %eq3A_559, %broadcast_in_dim3A_562, %broadcast_in_dim3A_563 : vector<16xi1>, vector<16xf32>
      %swap3A_565 = arith.constant 3 : i32
      %swap3A_566 = arith.index_cast %swap3A_565 : i32 to index
      %swap3A_567 = arith.constant 16 : index
      %swap3A_568 = tpu.vector_load %arg9[%swap3A_566, %swap3A_567] {strides = array<i32>} : memref<16x128xf32, #tpu.memory_space<vmem>>, vector<1x16xf32>,
      %swap3A_569 = vector.shape_cast %swap3A_568 : vector<1x16xf32> to vector<16xf32>
      %swap3A_570 = vector.shape_cast %select_n3A_564 : vector<16xf32> to vector<1x16xf32>
      tpu.vector_store %arg9[%swap3A_566, %swap3A_567], %swap3A_570 {strides = array<i32>} : memref<16x128xf32, #tpu.memory_space<vmem>>, vector<1x16xf32>,
      %eq3A_571 = arith.constant 4 : i32
      %eq3A_572 = vector.broadcast %eq3A_571 : i32 to vector<16xi32>
      %eq3A_573 = arith.cmpi eq, %get3A_455, %eq3A_572 : vector<16xi32>
      %jit3A_574 = arith.constant 1.000000e+00 : f32
      %jit3A_575 = arith.constant 0.000000e+00 : f32
      %broadcast_in_dim3A_576 = vector.broadcast %jit3A_574 : f32 to vector<16xf32>
      %broadcast_in_dim3A_577 = vector.broadcast %jit3A_575 : f32 to vector<16xf32>
      %select_n3A_578 = arith.select %eq3A_573, %broadcast_in_dim3A_576, %broadcast_in_dim3A_577 : vector<16xi1>, vector<16xf32>
      %swap3A_579 = arith.constant 4 : i32
      %swap3A_580 = arith.index_cast %swap3A_579 : i32 to index
      %swap3A_581 = arith.constant 16 : index
      %swap3A_582 = tpu.vector_load %arg8[%swap3A_580, %swap3A_581] {strides = array<i32>} : memref<16x128xf32, #tpu.memory_space<vmem>>, vector<1x16xf32>,
      %swap3A_583 = vector.shape_cast %swap3A_582 : vector<1x16xf32> to vector<16xf32>
      %swap3A_584 = vector.shape_cast %select_n3A_578 : vector<16xf32> to vector<1x16xf32>
      tpu.vector_store %arg8[%swap3A_580, %swap3A_581], %swap3A_584 {strides = array<i32>} : memref<16x128xf32, #tpu.memory_space<vmem>>, vector<1x16xf32>,
      %eq3A_585 = arith.constant 4 : i32
      %eq3A_586 = vector.broadcast %eq3A_585 : i32 to vector<16xi32>
      %eq3A_587 = arith.cmpi eq, %get3A_458, %eq3A_586 : vector<16xi32>
      %jit3A_588 = arith.constant 1.000000e+00 : f32
      %jit3A_589 = arith.constant 0.000000e+00 : f32
      %broadcast_in_dim3A_590 = vector.broadcast %jit3A_588 : f32 to vector<16xf32>
      %broadcast_in_dim3A_591 = vector.broadcast %jit3A_589 : f32 to vector<16xf32>
      %select_n3A_592 = arith.select %eq3A_587, %broadcast_in_dim3A_590, %broadcast_in_dim3A_591 : vector<16xi1>, vector<16xf32>
      %swap3A_593 = arith.constant 4 : i32
      %swap3A_594 = arith.index_cast %swap3A_593 : i32 to index
      %swap3A_595 = arith.constant 16 : index
      %swap3A_596 = tpu.vector_load %arg9[%swap3A_594, %swap3A_595] {strides = array<i32>} : memref<16x128xf32, #tpu.memory_space<vmem>>, vector<1x16xf32>,
      %swap3A_597 = vector.shape_cast %swap3A_596 : vector<1x16xf32> to vector<16xf32>
      %swap3A_598 = vector.shape_cast %select_n3A_592 : vector<16xf32> to vector<1x16xf32>
      tpu.vector_store %arg9[%swap3A_594, %swap3A_595], %swap3A_598 {strides = array<i32>} : memref<16x128xf32, #tpu.memory_space<vmem>>, vector<1x16xf32>,
      %eq3A_599 = arith.constant 5 : i32
      %eq3A_600 = vector.broadcast %eq3A_599 : i32 to vector<16xi32>
      %eq3A_601 = arith.cmpi eq, %get3A_455, %eq3A_600 : vector<16xi32>
      %jit3A_602 = arith.constant 1.000000e+00 : f32
      %jit3A_603 = arith.constant 0.000000e+00 : f32
      %broadcast_in_dim3A_604 = vector.broadcast %jit3A_602 : f32 to vector<16xf32>
      %broadcast_in_dim3A_605 = vector.broadcast %jit3A_603 : f32 to vector<16xf32>
      %select_n3A_606 = arith.select %eq3A_601, %broadcast_in_dim3A_604, %broadcast_in_dim3A_605 : vector<16xi1>, vector<16xf32>
      %swap3A_607 = arith.constant 5 : i32
      %swap3A_608 = arith.index_cast %swap3A_607 : i32 to index
      %swap3A_609 = arith.constant 16 : index
      %swap3A_610 = tpu.vector_load %arg8[%swap3A_608, %swap3A_609] {strides = array<i32>} : memref<16x128xf32, #tpu.memory_space<vmem>>, vector<1x16xf32>,
      %swap3A_611 = vector.shape_cast %swap3A_610 : vector<1x16xf32> to vector<16xf32>
      %swap3A_612 = vector.shape_cast %select_n3A_606 : vector<16xf32> to vector<1x16xf32>
      tpu.vector_store %arg8[%swap3A_608, %swap3A_609], %swap3A_612 {strides = array<i32>} : memref<16x128xf32, #tpu.memory_space<vmem>>, vector<1x16xf32>,
      %eq3A_613 = arith.constant 5 : i32
      %eq3A_614 = vector.broadcast %eq3A_613 : i32 to vector<16xi32>
      %eq3A_615 = arith.cmpi eq, %get3A_458, %eq3A_614 : vector<16xi32>
      %jit3A_616 = arith.constant 1.000000e+00 : f32
      %jit3A_617 = arith.constant 0.000000e+00 : f32
      %broadcast_in_dim3A_618 = vector.broadcast %jit3A_616 : f32 to vector<16xf32>
      %broadcast_in_dim3A_619 = vector.broadcast %jit3A_617 : f32 to vector<16xf32>
      %select_n3A_620 = arith.select %eq3A_615, %broadcast_in_dim3A_618, %broadcast_in_dim3A_619 : vector<16xi1>, vector<16xf32>
      %swap3A_621 = arith.constant 5 : i32
      %swap3A_622 = arith.index_cast %swap3A_621 : i32 to index
      %swap3A_623 = arith.constant 16 : index
      %swap3A_624 = tpu.vector_load %arg9[%swap3A_622, %swap3A_623] {strides = array<i32>} : memref<16x128xf32, #tpu.memory_space<vmem>>, vector<1x16xf32>,
      %swap3A_625 = vector.shape_cast %swap3A_624 : vector<1x16xf32> to vector<16xf32>
      %swap3A_626 = vector.shape_cast %select_n3A_620 : vector<16xf32> to vector<1x16xf32>
      tpu.vector_store %arg9[%swap3A_622, %swap3A_623], %swap3A_626 {strides = array<i32>} : memref<16x128xf32, #tpu.memory_space<vmem>>, vector<1x16xf32>,
      %eq3A_627 = arith.constant 6 : i32
      %eq3A_628 = vector.broadcast %eq3A_627 : i32 to vector<16xi32>
      %eq3A_629 = arith.cmpi eq, %get3A_455, %eq3A_628 : vector<16xi32>
      %jit3A_630 = arith.constant 1.000000e+00 : f32
      %jit3A_631 = arith.constant 0.000000e+00 : f32
      %broadcast_in_dim3A_632 = vector.broadcast %jit3A_630 : f32 to vector<16xf32>
      %broadcast_in_dim3A_633 = vector.broadcast %jit3A_631 : f32 to vector<16xf32>
      %select_n3A_634 = arith.select %eq3A_629, %broadcast_in_dim3A_632, %broadcast_in_dim3A_633 : vector<16xi1>, vector<16xf32>
      %swap3A_635 = arith.constant 6 : i32
      %swap3A_636 = arith.index_cast %swap3A_635 : i32 to index
      %swap3A_637 = arith.constant 16 : index
      %swap3A_638 = tpu.vector_load %arg8[%swap3A_636, %swap3A_637] {strides = array<i32>} : memref<16x128xf32, #tpu.memory_space<vmem>>, vector<1x16xf32>,
      %swap3A_639 = vector.shape_cast %swap3A_638 : vector<1x16xf32> to vector<16xf32>
      %swap3A_640 = vector.shape_cast %select_n3A_634 : vector<16xf32> to vector<1x16xf32>
      tpu.vector_store %arg8[%swap3A_636, %swap3A_637], %swap3A_640 {strides = array<i32>} : memref<16x128xf32, #tpu.memory_space<vmem>>, vector<1x16xf32>,
      %eq3A_641 = arith.constant 6 : i32
      %eq3A_642 = vector.broadcast %eq3A_641 : i32 to vector<16xi32>
      %eq3A_643 = arith.cmpi eq, %get3A_458, %eq3A_642 : vector<16xi32>
      %jit3A_644 = arith.constant 1.000000e+00 : f32
      %jit3A_645 = arith.constant 0.000000e+00 : f32
      %broadcast_in_dim3A_646 = vector.broadcast %jit3A_644 : f32 to vector<16xf32>
      %broadcast_in_dim3A_647 = vector.broadcast %jit3A_645 : f32 to vector<16xf32>
      %select_n3A_648 = arith.select %eq3A_643, %broadcast_in_dim3A_646, %broadcast_in_dim3A_647 : vector<16xi1>, vector<16xf32>
      %swap3A_649 = arith.constant 6 : i32
      %swap3A_650 = arith.index_cast %swap3A_649 : i32 to index
      %swap3A_651 = arith.constant 16 : index
      %swap3A_652 = tpu.vector_load %arg9[%swap3A_650, %swap3A_651] {strides = array<i32>} : memref<16x128xf32, #tpu.memory_space<vmem>>, vector<1x16xf32>,
      %swap3A_653 = vector.shape_cast %swap3A_652 : vector<1x16xf32> to vector<16xf32>
      %swap3A_654 = vector.shape_cast %select_n3A_648 : vector<16xf32> to vector<1x16xf32>
      tpu.vector_store %arg9[%swap3A_650, %swap3A_651], %swap3A_654 {strides = array<i32>} : memref<16x128xf32, #tpu.memory_space<vmem>>, vector<1x16xf32>,
      %eq3A_655 = arith.constant 7 : i32
      %eq3A_656 = vector.broadcast %eq3A_655 : i32 to vector<16xi32>
      %eq3A_657 = arith.cmpi eq, %get3A_455, %eq3A_656 : vector<16xi32>
      %jit3A_658 = arith.constant 1.000000e+00 : f32
      %jit3A_659 = arith.constant 0.000000e+00 : f32
      %broadcast_in_dim3A_660 = vector.broadcast %jit3A_658 : f32 to vector<16xf32>
      %broadcast_in_dim3A_661 = vector.broadcast %jit3A_659 : f32 to vector<16xf32>
      %select_n3A_662 = arith.select %eq3A_657, %broadcast_in_dim3A_660, %broadcast_in_dim3A_661 : vector<16xi1>, vector<16xf32>
      %swap3A_663 = arith.constant 7 : i32
      %swap3A_664 = arith.index_cast %swap3A_663 : i32 to index
      %swap3A_665 = arith.constant 16 : index
      %swap3A_666 = tpu.vector_load %arg8[%swap3A_664, %swap3A_665] {strides = array<i32>} : memref<16x128xf32, #tpu.memory_space<vmem>>, vector<1x16xf32>,
      %swap3A_667 = vector.shape_cast %swap3A_666 : vector<1x16xf32> to vector<16xf32>
      %swap3A_668 = vector.shape_cast %select_n3A_662 : vector<16xf32> to vector<1x16xf32>
      tpu.vector_store %arg8[%swap3A_664, %swap3A_665], %swap3A_668 {strides = array<i32>} : memref<16x128xf32, #tpu.memory_space<vmem>>, vector<1x16xf32>,
      %eq3A_669 = arith.constant 7 : i32
      %eq3A_670 = vector.broadcast %eq3A_669 : i32 to vector<16xi32>
      %eq3A_671 = arith.cmpi eq, %get3A_458, %eq3A_670 : vector<16xi32>
      %jit3A_672 = arith.constant 1.000000e+00 : f32
      %jit3A_673 = arith.constant 0.000000e+00 : f32
      %broadcast_in_dim3A_674 = vector.broadcast %jit3A_672 : f32 to vector<16xf32>
      %broadcast_in_dim3A_675 = vector.broadcast %jit3A_673 : f32 to vector<16xf32>
      %select_n3A_676 = arith.select %eq3A_671, %broadcast_in_dim3A_674, %broadcast_in_dim3A_675 : vector<16xi1>, vector<16xf32>
      %swap3A_677 = arith.constant 7 : i32
      %swap3A_678 = arith.index_cast %swap3A_677 : i32 to index
      %swap3A_679 = arith.constant 16 : index
      %swap3A_680 = tpu.vector_load %arg9[%swap3A_678, %swap3A_679] {strides = array<i32>} : memref<16x128xf32, #tpu.memory_space<vmem>>, vector<1x16xf32>,
      %swap3A_681 = vector.shape_cast %swap3A_680 : vector<1x16xf32> to vector<16xf32>
      %swap3A_682 = vector.shape_cast %select_n3A_676 : vector<16xf32> to vector<1x16xf32>
      tpu.vector_store %arg9[%swap3A_678, %swap3A_679], %swap3A_682 {strides = array<i32>} : memref<16x128xf32, #tpu.memory_space<vmem>>, vector<1x16xf32>,
      %eq3A_683 = arith.constant 8 : i32
      %eq3A_684 = vector.broadcast %eq3A_683 : i32 to vector<16xi32>
      %eq3A_685 = arith.cmpi eq, %get3A_455, %eq3A_684 : vector<16xi32>
      %jit3A_686 = arith.constant 1.000000e+00 : f32
      %jit3A_687 = arith.constant 0.000000e+00 : f32
      %broadcast_in_dim3A_688 = vector.broadcast %jit3A_686 : f32 to vector<16xf32>
      %broadcast_in_dim3A_689 = vector.broadcast %jit3A_687 : f32 to vector<16xf32>
      %select_n3A_690 = arith.select %eq3A_685, %broadcast_in_dim3A_688, %broadcast_in_dim3A_689 : vector<16xi1>, vector<16xf32>
      %swap3A_691 = arith.constant 8 : i32
      %swap3A_692 = arith.index_cast %swap3A_691 : i32 to index
      %swap3A_693 = arith.constant 16 : index
      %swap3A_694 = tpu.vector_load %arg8[%swap3A_692, %swap3A_693] {strides = array<i32>} : memref<16x128xf32, #tpu.memory_space<vmem>>, vector<1x16xf32>,
      %swap3A_695 = vector.shape_cast %swap3A_694 : vector<1x16xf32> to vector<16xf32>
      %swap3A_696 = vector.shape_cast %select_n3A_690 : vector<16xf32> to vector<1x16xf32>
      tpu.vector_store %arg8[%swap3A_692, %swap3A_693], %swap3A_696 {strides = array<i32>} : memref<16x128xf32, #tpu.memory_space<vmem>>, vector<1x16xf32>,
      %eq3A_697 = arith.constant 8 : i32
      %eq3A_698 = vector.broadcast %eq3A_697 : i32 to vector<16xi32>
      %eq3A_699 = arith.cmpi eq, %get3A_458, %eq3A_698 : vector<16xi32>
      %jit3A_700 = arith.constant 1.000000e+00 : f32
      %jit3A_701 = arith.constant 0.000000e+00 : f32
      %broadcast_in_dim3A_702 = vector.broadcast %jit3A_700 : f32 to vector<16xf32>
      %broadcast_in_dim3A_703 = vector.broadcast %jit3A_701 : f32 to vector<16xf32>
      %select_n3A_704 = arith.select %eq3A_699, %broadcast_in_dim3A_702, %broadcast_in_dim3A_703 : vector<16xi1>, vector<16xf32>
      %swap3A_705 = arith.constant 8 : i32
      %swap3A_706 = arith.index_cast %swap3A_705 : i32 to index
      %swap3A_707 = arith.constant 16 : index
      %swap3A_708 = tpu.vector_load %arg9[%swap3A_706, %swap3A_707] {strides = array<i32>} : memref<16x128xf32, #tpu.memory_space<vmem>>, vector<1x16xf32>,
      %swap3A_709 = vector.shape_cast %swap3A_708 : vector<1x16xf32> to vector<16xf32>
      %swap3A_710 = vector.shape_cast %select_n3A_704 : vector<16xf32> to vector<1x16xf32>
      tpu.vector_store %arg9[%swap3A_706, %swap3A_707], %swap3A_710 {strides = array<i32>} : memref<16x128xf32, #tpu.memory_space<vmem>>, vector<1x16xf32>,
      %eq3A_711 = arith.constant 9 : i32
      %eq3A_712 = vector.broadcast %eq3A_711 : i32 to vector<16xi32>
      %eq3A_713 = arith.cmpi eq, %get3A_455, %eq3A_712 : vector<16xi32>
      %jit3A_714 = arith.constant 1.000000e+00 : f32
      %jit3A_715 = arith.constant 0.000000e+00 : f32
      %broadcast_in_dim3A_716 = vector.broadcast %jit3A_714 : f32 to vector<16xf32>
      %broadcast_in_dim3A_717 = vector.broadcast %jit3A_715 : f32 to vector<16xf32>
      %select_n3A_718 = arith.select %eq3A_713, %broadcast_in_dim3A_716, %broadcast_in_dim3A_717 : vector<16xi1>, vector<16xf32>
      %swap3A_719 = arith.constant 9 : i32
      %swap3A_720 = arith.index_cast %swap3A_719 : i32 to index
      %swap3A_721 = arith.constant 16 : index
      %swap3A_722 = tpu.vector_load %arg8[%swap3A_720, %swap3A_721] {strides = array<i32>} : memref<16x128xf32, #tpu.memory_space<vmem>>, vector<1x16xf32>,
      %swap3A_723 = vector.shape_cast %swap3A_722 : vector<1x16xf32> to vector<16xf32>
      %swap3A_724 = vector.shape_cast %select_n3A_718 : vector<16xf32> to vector<1x16xf32>
      tpu.vector_store %arg8[%swap3A_720, %swap3A_721], %swap3A_724 {strides = array<i32>} : memref<16x128xf32, #tpu.memory_space<vmem>>, vector<1x16xf32>,
      %eq3A_725 = arith.constant 9 : i32
      %eq3A_726 = vector.broadcast %eq3A_725 : i32 to vector<16xi32>
      %eq3A_727 = arith.cmpi eq, %get3A_458, %eq3A_726 : vector<16xi32>
      %jit3A_728 = arith.constant 1.000000e+00 : f32
      %jit3A_729 = arith.constant 0.000000e+00 : f32
      %broadcast_in_dim3A_730 = vector.broadcast %jit3A_728 : f32 to vector<16xf32>
      %broadcast_in_dim3A_731 = vector.broadcast %jit3A_729 : f32 to vector<16xf32>
      %select_n3A_732 = arith.select %eq3A_727, %broadcast_in_dim3A_730, %broadcast_in_dim3A_731 : vector<16xi1>, vector<16xf32>
      %swap3A_733 = arith.constant 9 : i32
      %swap3A_734 = arith.index_cast %swap3A_733 : i32 to index
      %swap3A_735 = arith.constant 16 : index
      %swap3A_736 = tpu.vector_load %arg9[%swap3A_734, %swap3A_735] {strides = array<i32>} : memref<16x128xf32, #tpu.memory_space<vmem>>, vector<1x16xf32>,
      %swap3A_737 = vector.shape_cast %swap3A_736 : vector<1x16xf32> to vector<16xf32>
      %swap3A_738 = vector.shape_cast %select_n3A_732 : vector<16xf32> to vector<1x16xf32>
      tpu.vector_store %arg9[%swap3A_734, %swap3A_735], %swap3A_738 {strides = array<i32>} : memref<16x128xf32, #tpu.memory_space<vmem>>, vector<1x16xf32>,
      %eq3A_739 = arith.constant 10 : i32
      %eq3A_740 = vector.broadcast %eq3A_739 : i32 to vector<16xi32>
      %eq3A_741 = arith.cmpi eq, %get3A_455, %eq3A_740 : vector<16xi32>
      %jit3A_742 = arith.constant 1.000000e+00 : f32
      %jit3A_743 = arith.constant 0.000000e+00 : f32
      %broadcast_in_dim3A_744 = vector.broadcast %jit3A_742 : f32 to vector<16xf32>
      %broadcast_in_dim3A_745 = vector.broadcast %jit3A_743 : f32 to vector<16xf32>
      %select_n3A_746 = arith.select %eq3A_741, %broadcast_in_dim3A_744, %broadcast_in_dim3A_745 : vector<16xi1>, vector<16xf32>
      %swap3A_747 = arith.constant 10 : i32
      %swap3A_748 = arith.index_cast %swap3A_747 : i32 to index
      %swap3A_749 = arith.constant 16 : index
      %swap3A_750 = tpu.vector_load %arg8[%swap3A_748, %swap3A_749] {strides = array<i32>} : memref<16x128xf32, #tpu.memory_space<vmem>>, vector<1x16xf32>,
      %swap3A_751 = vector.shape_cast %swap3A_750 : vector<1x16xf32> to vector<16xf32>
      %swap3A_752 = vector.shape_cast %select_n3A_746 : vector<16xf32> to vector<1x16xf32>
      tpu.vector_store %arg8[%swap3A_748, %swap3A_749], %swap3A_752 {strides = array<i32>} : memref<16x128xf32, #tpu.memory_space<vmem>>, vector<1x16xf32>,
      %eq3A_753 = arith.constant 10 : i32
      %eq3A_754 = vector.broadcast %eq3A_753 : i32 to vector<16xi32>
      %eq3A_755 = arith.cmpi eq, %get3A_458, %eq3A_754 : vector<16xi32>
      %jit3A_756 = arith.constant 1.000000e+00 : f32
      %jit3A_757 = arith.constant 0.000000e+00 : f32
      %broadcast_in_dim3A_758 = vector.broadcast %jit3A_756 : f32 to vector<16xf32>
      %broadcast_in_dim3A_759 = vector.broadcast %jit3A_757 : f32 to vector<16xf32>
      %select_n3A_760 = arith.select %eq3A_755, %broadcast_in_dim3A_758, %broadcast_in_dim3A_759 : vector<16xi1>, vector<16xf32>
      %swap3A_761 = arith.constant 10 : i32
      %swap3A_762 = arith.index_cast %swap3A_761 : i32 to index
      %swap3A_763 = arith.constant 16 : index
      %swap3A_764 = tpu.vector_load %arg9[%swap3A_762, %swap3A_763] {strides = array<i32>} : memref<16x128xf32, #tpu.memory_space<vmem>>, vector<1x16xf32>,
      %swap3A_765 = vector.shape_cast %swap3A_764 : vector<1x16xf32> to vector<16xf32>
      %swap3A_766 = vector.shape_cast %select_n3A_760 : vector<16xf32> to vector<1x16xf32>
      tpu.vector_store %arg9[%swap3A_762, %swap3A_763], %swap3A_766 {strides = array<i32>} : memref<16x128xf32, #tpu.memory_space<vmem>>, vector<1x16xf32>,
      %eq3A_767 = arith.constant 11 : i32
      %eq3A_768 = vector.broadcast %eq3A_767 : i32 to vector<16xi32>
      %eq3A_769 = arith.cmpi eq, %get3A_455, %eq3A_768 : vector<16xi32>
      %jit3A_770 = arith.constant 1.000000e+00 : f32
      %jit3A_771 = arith.constant 0.000000e+00 : f32
      %broadcast_in_dim3A_772 = vector.broadcast %jit3A_770 : f32 to vector<16xf32>
      %broadcast_in_dim3A_773 = vector.broadcast %jit3A_771 : f32 to vector<16xf32>
      %select_n3A_774 = arith.select %eq3A_769, %broadcast_in_dim3A_772, %broadcast_in_dim3A_773 : vector<16xi1>, vector<16xf32>
      %swap3A_775 = arith.constant 11 : i32
      %swap3A_776 = arith.index_cast %swap3A_775 : i32 to index
      %swap3A_777 = arith.constant 16 : index
      %swap3A_778 = tpu.vector_load %arg8[%swap3A_776, %swap3A_777] {strides = array<i32>} : memref<16x128xf32, #tpu.memory_space<vmem>>, vector<1x16xf32>,
      %swap3A_779 = vector.shape_cast %swap3A_778 : vector<1x16xf32> to vector<16xf32>
      %swap3A_780 = vector.shape_cast %select_n3A_774 : vector<16xf32> to vector<1x16xf32>
      tpu.vector_store %arg8[%swap3A_776, %swap3A_777], %swap3A_780 {strides = array<i32>} : memref<16x128xf32, #tpu.memory_space<vmem>>, vector<1x16xf32>,
      %eq3A_781 = arith.constant 11 : i32
      %eq3A_782 = vector.broadcast %eq3A_781 : i32 to vector<16xi32>
      %eq3A_783 = arith.cmpi eq, %get3A_458, %eq3A_782 : vector<16xi32>
      %jit3A_784 = arith.constant 1.000000e+00 : f32
      %jit3A_785 = arith.constant 0.000000e+00 : f32
      %broadcast_in_dim3A_786 = vector.broadcast %jit3A_784 : f32 to vector<16xf32>
      %broadcast_in_dim3A_787 = vector.broadcast %jit3A_785 : f32 to vector<16xf32>
      %select_n3A_788 = arith.select %eq3A_783, %broadcast_in_dim3A_786, %broadcast_in_dim3A_787 : vector<16xi1>, vector<16xf32>
      %swap3A_789 = arith.constant 11 : i32
      %swap3A_790 = arith.index_cast %swap3A_789 : i32 to index
      %swap3A_791 = arith.constant 16 : index
      %swap3A_792 = tpu.vector_load %arg9[%swap3A_790, %swap3A_791] {strides = array<i32>} : memref<16x128xf32, #tpu.memory_space<vmem>>, vector<1x16xf32>,
      %swap3A_793 = vector.shape_cast %swap3A_792 : vector<1x16xf32> to vector<16xf32>
      %swap3A_794 = vector.shape_cast %select_n3A_788 : vector<16xf32> to vector<1x16xf32>
      tpu.vector_store %arg9[%swap3A_790, %swap3A_791], %swap3A_794 {strides = array<i32>} : memref<16x128xf32, #tpu.memory_space<vmem>>, vector<1x16xf32>,
      %eq3A_795 = arith.constant 12 : i32
      %eq3A_796 = vector.broadcast %eq3A_795 : i32 to vector<16xi32>
      %eq3A_797 = arith.cmpi eq, %get3A_455, %eq3A_796 : vector<16xi32>
      %jit3A_798 = arith.constant 1.000000e+00 : f32
      %jit3A_799 = arith.constant 0.000000e+00 : f32
      %broadcast_in_dim3A_800 = vector.broadcast %jit3A_798 : f32 to vector<16xf32>
      %broadcast_in_dim3A_801 = vector.broadcast %jit3A_799 : f32 to vector<16xf32>
      %select_n3A_802 = arith.select %eq3A_797, %broadcast_in_dim3A_800, %broadcast_in_dim3A_801 : vector<16xi1>, vector<16xf32>
      %swap3A_803 = arith.constant 12 : i32
      %swap3A_804 = arith.index_cast %swap3A_803 : i32 to index
      %swap3A_805 = arith.constant 16 : index
      %swap3A_806 = tpu.vector_load %arg8[%swap3A_804, %swap3A_805] {strides = array<i32>} : memref<16x128xf32, #tpu.memory_space<vmem>>, vector<1x16xf32>,
      %swap3A_807 = vector.shape_cast %swap3A_806 : vector<1x16xf32> to vector<16xf32>
      %swap3A_808 = vector.shape_cast %select_n3A_802 : vector<16xf32> to vector<1x16xf32>
      tpu.vector_store %arg8[%swap3A_804, %swap3A_805], %swap3A_808 {strides = array<i32>} : memref<16x128xf32, #tpu.memory_space<vmem>>, vector<1x16xf32>,
      %eq3A_809 = arith.constant 12 : i32
      %eq3A_810 = vector.broadcast %eq3A_809 : i32 to vector<16xi32>
      %eq3A_811 = arith.cmpi eq, %get3A_458, %eq3A_810 : vector<16xi32>
      %jit3A_812 = arith.constant 1.000000e+00 : f32
      %jit3A_813 = arith.constant 0.000000e+00 : f32
      %broadcast_in_dim3A_814 = vector.broadcast %jit3A_812 : f32 to vector<16xf32>
      %broadcast_in_dim3A_815 = vector.broadcast %jit3A_813 : f32 to vector<16xf32>
      %select_n3A_816 = arith.select %eq3A_811, %broadcast_in_dim3A_814, %broadcast_in_dim3A_815 : vector<16xi1>, vector<16xf32>
      %swap3A_817 = arith.constant 12 : i32
      %swap3A_818 = arith.index_cast %swap3A_817 : i32 to index
      %swap3A_819 = arith.constant 16 : index
      %swap3A_820 = tpu.vector_load %arg9[%swap3A_818, %swap3A_819] {strides = array<i32>} : memref<16x128xf32, #tpu.memory_space<vmem>>, vector<1x16xf32>,
      %swap3A_821 = vector.shape_cast %swap3A_820 : vector<1x16xf32> to vector<16xf32>
      %swap3A_822 = vector.shape_cast %select_n3A_816 : vector<16xf32> to vector<1x16xf32>
      tpu.vector_store %arg9[%swap3A_818, %swap3A_819], %swap3A_822 {strides = array<i32>} : memref<16x128xf32, #tpu.memory_space<vmem>>, vector<1x16xf32>,
      %eq3A_823 = arith.constant 13 : i32
      %eq3A_824 = vector.broadcast %eq3A_823 : i32 to vector<16xi32>
      %eq3A_825 = arith.cmpi eq, %get3A_455, %eq3A_824 : vector<16xi32>
      %jit3A_826 = arith.constant 1.000000e+00 : f32
      %jit3A_827 = arith.constant 0.000000e+00 : f32
      %broadcast_in_dim3A_828 = vector.broadcast %jit3A_826 : f32 to vector<16xf32>
      %broadcast_in_dim3A_829 = vector.broadcast %jit3A_827 : f32 to vector<16xf32>
      %select_n3A_830 = arith.select %eq3A_825, %broadcast_in_dim3A_828, %broadcast_in_dim3A_829 : vector<16xi1>, vector<16xf32>
      %swap3A_831 = arith.constant 13 : i32
      %swap3A_832 = arith.index_cast %swap3A_831 : i32 to index
      %swap3A_833 = arith.constant 16 : index
      %swap3A_834 = tpu.vector_load %arg8[%swap3A_832, %swap3A_833] {strides = array<i32>} : memref<16x128xf32, #tpu.memory_space<vmem>>, vector<1x16xf32>,
      %swap3A_835 = vector.shape_cast %swap3A_834 : vector<1x16xf32> to vector<16xf32>
      %swap3A_836 = vector.shape_cast %select_n3A_830 : vector<16xf32> to vector<1x16xf32>
      tpu.vector_store %arg8[%swap3A_832, %swap3A_833], %swap3A_836 {strides = array<i32>} : memref<16x128xf32, #tpu.memory_space<vmem>>, vector<1x16xf32>,
      %eq3A_837 = arith.constant 13 : i32
      %eq3A_838 = vector.broadcast %eq3A_837 : i32 to vector<16xi32>
      %eq3A_839 = arith.cmpi eq, %get3A_458, %eq3A_838 : vector<16xi32>
      %jit3A_840 = arith.constant 1.000000e+00 : f32
      %jit3A_841 = arith.constant 0.000000e+00 : f32
      %broadcast_in_dim3A_842 = vector.broadcast %jit3A_840 : f32 to vector<16xf32>
      %broadcast_in_dim3A_843 = vector.broadcast %jit3A_841 : f32 to vector<16xf32>
      %select_n3A_844 = arith.select %eq3A_839, %broadcast_in_dim3A_842, %broadcast_in_dim3A_843 : vector<16xi1>, vector<16xf32>
      %swap3A_845 = arith.constant 13 : i32
      %swap3A_846 = arith.index_cast %swap3A_845 : i32 to index
      %swap3A_847 = arith.constant 16 : index
      %swap3A_848 = tpu.vector_load %arg9[%swap3A_846, %swap3A_847] {strides = array<i32>} : memref<16x128xf32, #tpu.memory_space<vmem>>, vector<1x16xf32>,
      %swap3A_849 = vector.shape_cast %swap3A_848 : vector<1x16xf32> to vector<16xf32>
      %swap3A_850 = vector.shape_cast %select_n3A_844 : vector<16xf32> to vector<1x16xf32>
      tpu.vector_store %arg9[%swap3A_846, %swap3A_847], %swap3A_850 {strides = array<i32>} : memref<16x128xf32, #tpu.memory_space<vmem>>, vector<1x16xf32>,
      %eq3A_851 = arith.constant 14 : i32
      %eq3A_852 = vector.broadcast %eq3A_851 : i32 to vector<16xi32>
      %eq3A_853 = arith.cmpi eq, %get3A_455, %eq3A_852 : vector<16xi32>
      %jit3A_854 = arith.constant 1.000000e+00 : f32
      %jit3A_855 = arith.constant 0.000000e+00 : f32
      %broadcast_in_dim3A_856 = vector.broadcast %jit3A_854 : f32 to vector<16xf32>
      %broadcast_in_dim3A_857 = vector.broadcast %jit3A_855 : f32 to vector<16xf32>
      %select_n3A_858 = arith.select %eq3A_853, %broadcast_in_dim3A_856, %broadcast_in_dim3A_857 : vector<16xi1>, vector<16xf32>
      %swap3A_859 = arith.constant 14 : i32
      %swap3A_860 = arith.index_cast %swap3A_859 : i32 to index
      %swap3A_861 = arith.constant 16 : index
      %swap3A_862 = tpu.vector_load %arg8[%swap3A_860, %swap3A_861] {strides = array<i32>} : memref<16x128xf32, #tpu.memory_space<vmem>>, vector<1x16xf32>,
      %swap3A_863 = vector.shape_cast %swap3A_862 : vector<1x16xf32> to vector<16xf32>
      %swap3A_864 = vector.shape_cast %select_n3A_858 : vector<16xf32> to vector<1x16xf32>
      tpu.vector_store %arg8[%swap3A_860, %swap3A_861], %swap3A_864 {strides = array<i32>} : memref<16x128xf32, #tpu.memory_space<vmem>>, vector<1x16xf32>,
      %eq3A_865 = arith.constant 14 : i32
      %eq3A_866 = vector.broadcast %eq3A_865 : i32 to vector<16xi32>
      %eq3A_867 = arith.cmpi eq, %get3A_458, %eq3A_866 : vector<16xi32>
      %jit3A_868 = arith.constant 1.000000e+00 : f32
      %jit3A_869 = arith.constant 0.000000e+00 : f32
      %broadcast_in_dim3A_870 = vector.broadcast %jit3A_868 : f32 to vector<16xf32>
      %broadcast_in_dim3A_871 = vector.broadcast %jit3A_869 : f32 to vector<16xf32>
      %select_n3A_872 = arith.select %eq3A_867, %broadcast_in_dim3A_870, %broadcast_in_dim3A_871 : vector<16xi1>, vector<16xf32>
      %swap3A_873 = arith.constant 14 : i32
      %swap3A_874 = arith.index_cast %swap3A_873 : i32 to index
      %swap3A_875 = arith.constant 16 : index
      %swap3A_876 = tpu.vector_load %arg9[%swap3A_874, %swap3A_875] {strides = array<i32>} : memref<16x128xf32, #tpu.memory_space<vmem>>, vector<1x16xf32>,
      %swap3A_877 = vector.shape_cast %swap3A_876 : vector<1x16xf32> to vector<16xf32>
      %swap3A_878 = vector.shape_cast %select_n3A_872 : vector<16xf32> to vector<1x16xf32>
      tpu.vector_store %arg9[%swap3A_874, %swap3A_875], %swap3A_878 {strides = array<i32>} : memref<16x128xf32, #tpu.memory_space<vmem>>, vector<1x16xf32>,
      %eq3A_879 = arith.constant 15 : i32
      %eq3A_880 = vector.broadcast %eq3A_879 : i32 to vector<16xi32>
      %eq3A_881 = arith.cmpi eq, %get3A_455, %eq3A_880 : vector<16xi32>
      %jit3A_882 = arith.constant 1.000000e+00 : f32
      %jit3A_883 = arith.constant 0.000000e+00 : f32
      %broadcast_in_dim3A_884 = vector.broadcast %jit3A_882 : f32 to vector<16xf32>
      %broadcast_in_dim3A_885 = vector.broadcast %jit3A_883 : f32 to vector<16xf32>
      %select_n3A_886 = arith.select %eq3A_881, %broadcast_in_dim3A_884, %broadcast_in_dim3A_885 : vector<16xi1>, vector<16xf32>
      %swap3A_887 = arith.constant 15 : i32
      %swap3A_888 = arith.index_cast %swap3A_887 : i32 to index
      %swap3A_889 = arith.constant 16 : index
      %swap3A_890 = tpu.vector_load %arg8[%swap3A_888, %swap3A_889] {strides = array<i32>} : memref<16x128xf32, #tpu.memory_space<vmem>>, vector<1x16xf32>,
      %swap3A_891 = vector.shape_cast %swap3A_890 : vector<1x16xf32> to vector<16xf32>
      %swap3A_892 = vector.shape_cast %select_n3A_886 : vector<16xf32> to vector<1x16xf32>
      tpu.vector_store %arg8[%swap3A_888, %swap3A_889], %swap3A_892 {strides = array<i32>} : memref<16x128xf32, #tpu.memory_space<vmem>>, vector<1x16xf32>,
      %eq3A_893 = arith.constant 15 : i32
      %eq3A_894 = vector.broadcast %eq3A_893 : i32 to vector<16xi32>
      %eq3A_895 = arith.cmpi eq, %get3A_458, %eq3A_894 : vector<16xi32>
      %jit3A_896 = arith.constant 1.000000e+00 : f32
      %jit3A_897 = arith.constant 0.000000e+00 : f32
      %broadcast_in_dim3A_898 = vector.broadcast %jit3A_896 : f32 to vector<16xf32>
      %broadcast_in_dim3A_899 = vector.broadcast %jit3A_897 : f32 to vector<16xf32>
      %select_n3A_900 = arith.select %eq3A_895, %broadcast_in_dim3A_898, %broadcast_in_dim3A_899 : vector<16xi1>, vector<16xf32>
      %swap3A_901 = arith.constant 15 : i32
      %swap3A_902 = arith.index_cast %swap3A_901 : i32 to index
      %swap3A_903 = arith.constant 16 : index
      %swap3A_904 = tpu.vector_load %arg9[%swap3A_902, %swap3A_903] {strides = array<i32>} : memref<16x128xf32, #tpu.memory_space<vmem>>, vector<1x16xf32>,
      %swap3A_905 = vector.shape_cast %swap3A_904 : vector<1x16xf32> to vector<16xf32>
      %swap3A_906 = vector.shape_cast %select_n3A_900 : vector<16xf32> to vector<1x16xf32>
      tpu.vector_store %arg9[%swap3A_902, %swap3A_903], %swap3A_906 {strides = array<i32>} : memref<16x128xf32, #tpu.memory_space<vmem>>, vector<1x16xf32>,
      %get3A_907 = arith.constant 32 : index
      %get3A_908 = tpu.vector_load %arg6[%get3A_907] {strides = array<i32>} : memref<128xi32, #tpu.memory_space<vmem>>, vector<16xi32>,
      %get3A_909 = vector.shape_cast %get3A_908 : vector<16xi32> to vector<16xi32>
      %get3A_910 = arith.constant 32 : index
      %get3A_911 = tpu.vector_load %arg7[%get3A_910] {strides = array<i32>} : memref<128xi32, #tpu.memory_space<vmem>>, vector<16xi32>,
      %get3A_912 = vector.shape_cast %get3A_911 : vector<16xi32> to vector<16xi32>
      %eq3A_913 = arith.constant 0 : i32
      %eq3A_914 = vector.broadcast %eq3A_913 : i32 to vector<16xi32>
      %eq3A_915 = arith.cmpi eq, %get3A_909, %eq3A_914 : vector<16xi32>
      %jit3A_916 = arith.constant 1.000000e+00 : f32
      %jit3A_917 = arith.constant 0.000000e+00 : f32
      %broadcast_in_dim3A_918 = vector.broadcast %jit3A_916 : f32 to vector<16xf32>
      %broadcast_in_dim3A_919 = vector.broadcast %jit3A_917 : f32 to vector<16xf32>
      %select_n3A_920 = arith.select %eq3A_915, %broadcast_in_dim3A_918, %broadcast_in_dim3A_919 : vector<16xi1>, vector<16xf32>
      %swap3A_921 = arith.constant 0 : i32
      %swap3A_922 = arith.index_cast %swap3A_921 : i32 to index
      %swap3A_923 = arith.constant 32 : index
      %swap3A_924 = tpu.vector_load %arg8[%swap3A_922, %swap3A_923] {strides = array<i32>} : memref<16x128xf32, #tpu.memory_space<vmem>>, vector<1x16xf32>,
      %swap3A_925 = vector.shape_cast %swap3A_924 : vector<1x16xf32> to vector<16xf32>
      %swap3A_926 = vector.shape_cast %select_n3A_920 : vector<16xf32> to vector<1x16xf32>
      tpu.vector_store %arg8[%swap3A_922, %swap3A_923], %swap3A_926 {strides = array<i32>} : memref<16x128xf32, #tpu.memory_space<vmem>>, vector<1x16xf32>,
      %eq3A_927 = arith.constant 0 : i32
      %eq3A_928 = vector.broadcast %eq3A_927 : i32 to vector<16xi32>
      %eq3A_929 = arith.cmpi eq, %get3A_912, %eq3A_928 : vector<16xi32>
      %jit3A_930 = arith.constant 1.000000e+00 : f32
      %jit3A_931 = arith.constant 0.000000e+00 : f32
      %broadcast_in_dim3A_932 = vector.broadcast %jit3A_930 : f32 to vector<16xf32>
      %broadcast_in_dim3A_933 = vector.broadcast %jit3A_931 : f32 to vector<16xf32>
      %select_n3A_934 = arith.select %eq3A_929, %broadcast_in_dim3A_932, %broadcast_in_dim3A_933 : vector<16xi1>, vector<16xf32>
      %swap3A_935 = arith.constant 0 : i32
      %swap3A_936 = arith.index_cast %swap3A_935 : i32 to index
      %swap3A_937 = arith.constant 32 : index
      %swap3A_938 = tpu.vector_load %arg9[%swap3A_936, %swap3A_937] {strides = array<i32>} : memref<16x128xf32, #tpu.memory_space<vmem>>, vector<1x16xf32>,
      %swap3A_939 = vector.shape_cast %swap3A_938 : vector<1x16xf32> to vector<16xf32>
      %swap3A_940 = vector.shape_cast %select_n3A_934 : vector<16xf32> to vector<1x16xf32>
      tpu.vector_store %arg9[%swap3A_936, %swap3A_937], %swap3A_940 {strides = array<i32>} : memref<16x128xf32, #tpu.memory_space<vmem>>, vector<1x16xf32>,
      %eq3A_941 = arith.constant 1 : i32
      %eq3A_942 = vector.broadcast %eq3A_941 : i32 to vector<16xi32>
      %eq3A_943 = arith.cmpi eq, %get3A_909, %eq3A_942 : vector<16xi32>
      %jit3A_944 = arith.constant 1.000000e+00 : f32
      %jit3A_945 = arith.constant 0.000000e+00 : f32
      %broadcast_in_dim3A_946 = vector.broadcast %jit3A_944 : f32 to vector<16xf32>
      %broadcast_in_dim3A_947 = vector.broadcast %jit3A_945 : f32 to vector<16xf32>
      %select_n3A_948 = arith.select %eq3A_943, %broadcast_in_dim3A_946, %broadcast_in_dim3A_947 : vector<16xi1>, vector<16xf32>
      %swap3A_949 = arith.constant 1 : i32
      %swap3A_950 = arith.index_cast %swap3A_949 : i32 to index
      %swap3A_951 = arith.constant 32 : index
      %swap3A_952 = tpu.vector_load %arg8[%swap3A_950, %swap3A_951] {strides = array<i32>} : memref<16x128xf32, #tpu.memory_space<vmem>>, vector<1x16xf32>,
      %swap3A_953 = vector.shape_cast %swap3A_952 : vector<1x16xf32> to vector<16xf32>
      %swap3A_954 = vector.shape_cast %select_n3A_948 : vector<16xf32> to vector<1x16xf32>
      tpu.vector_store %arg8[%swap3A_950, %swap3A_951], %swap3A_954 {strides = array<i32>} : memref<16x128xf32, #tpu.memory_space<vmem>>, vector<1x16xf32>,
      %eq3A_955 = arith.constant 1 : i32
      %eq3A_956 = vector.broadcast %eq3A_955 : i32 to vector<16xi32>
      %eq3A_957 = arith.cmpi eq, %get3A_912, %eq3A_956 : vector<16xi32>
      %jit3A_958 = arith.constant 1.000000e+00 : f32
      %jit3A_959 = arith.constant 0.000000e+00 : f32
      %broadcast_in_dim3A_960 = vector.broadcast %jit3A_958 : f32 to vector<16xf32>
      %broadcast_in_dim3A_961 = vector.broadcast %jit3A_959 : f32 to vector<16xf32>
      %select_n3A_962 = arith.select %eq3A_957, %broadcast_in_dim3A_960, %broadcast_in_dim3A_961 : vector<16xi1>, vector<16xf32>
      %swap3A_963 = arith.constant 1 : i32
      %swap3A_964 = arith.index_cast %swap3A_963 : i32 to index
      %swap3A_965 = arith.constant 32 : index
      %swap3A_966 = tpu.vector_load %arg9[%swap3A_964, %swap3A_965] {strides = array<i32>} : memref<16x128xf32, #tpu.memory_space<vmem>>, vector<1x16xf32>,
      %swap3A_967 = vector.shape_cast %swap3A_966 : vector<1x16xf32> to vector<16xf32>
      %swap3A_968 = vector.shape_cast %select_n3A_962 : vector<16xf32> to vector<1x16xf32>
      tpu.vector_store %arg9[%swap3A_964, %swap3A_965], %swap3A_968 {strides = array<i32>} : memref<16x128xf32, #tpu.memory_space<vmem>>, vector<1x16xf32>,
      %eq3A_969 = arith.constant 2 : i32
      %eq3A_970 = vector.broadcast %eq3A_969 : i32 to vector<16xi32>
      %eq3A_971 = arith.cmpi eq, %get3A_909, %eq3A_970 : vector<16xi32>
      %jit3A_972 = arith.constant 1.000000e+00 : f32
      %jit3A_973 = arith.constant 0.000000e+00 : f32
      %broadcast_in_dim3A_974 = vector.broadcast %jit3A_972 : f32 to vector<16xf32>
      %broadcast_in_dim3A_975 = vector.broadcast %jit3A_973 : f32 to vector<16xf32>
      %select_n3A_976 = arith.select %eq3A_971, %broadcast_in_dim3A_974, %broadcast_in_dim3A_975 : vector<16xi1>, vector<16xf32>
      %swap3A_977 = arith.constant 2 : i32
      %swap3A_978 = arith.index_cast %swap3A_977 : i32 to index
      %swap3A_979 = arith.constant 32 : index
      %swap3A_980 = tpu.vector_load %arg8[%swap3A_978, %swap3A_979] {strides = array<i32>} : memref<16x128xf32, #tpu.memory_space<vmem>>, vector<1x16xf32>,
      %swap3A_981 = vector.shape_cast %swap3A_980 : vector<1x16xf32> to vector<16xf32>
      %swap3A_982 = vector.shape_cast %select_n3A_976 : vector<16xf32> to vector<1x16xf32>
      tpu.vector_store %arg8[%swap3A_978, %swap3A_979], %swap3A_982 {strides = array<i32>} : memref<16x128xf32, #tpu.memory_space<vmem>>, vector<1x16xf32>,
      %eq3A_983 = arith.constant 2 : i32
      %eq3A_984 = vector.broadcast %eq3A_983 : i32 to vector<16xi32>
      %eq3A_985 = arith.cmpi eq, %get3A_912, %eq3A_984 : vector<16xi32>
      %jit3A_986 = arith.constant 1.000000e+00 : f32
      %jit3A_987 = arith.constant 0.000000e+00 : f32
      %broadcast_in_dim3A_988 = vector.broadcast %jit3A_986 : f32 to vector<16xf32>
      %broadcast_in_dim3A_989 = vector.broadcast %jit3A_987 : f32 to vector<16xf32>
      %select_n3A_990 = arith.select %eq3A_985, %broadcast_in_dim3A_988, %broadcast_in_dim3A_989 : vector<16xi1>, vector<16xf32>
      %swap3A_991 = arith.constant 2 : i32
      %swap3A_992 = arith.index_cast %swap3A_991 : i32 to index
      %swap3A_993 = arith.constant 32 : index
      %swap3A_994 = tpu.vector_load %arg9[%swap3A_992, %swap3A_993] {strides = array<i32>} : memref<16x128xf32, #tpu.memory_space<vmem>>, vector<1x16xf32>,
      %swap3A_995 = vector.shape_cast %swap3A_994 : vector<1x16xf32> to vector<16xf32>
      %swap3A_996 = vector.shape_cast %select_n3A_990 : vector<16xf32> to vector<1x16xf32>
      tpu.vector_store %arg9[%swap3A_992, %swap3A_993], %swap3A_996 {strides = array<i32>} : memref<16x128xf32, #tpu.memory_space<vmem>>, vector<1x16xf32>,
      %eq3A_997 = arith.constant 3 : i32
      %eq3A_998 = vector.broadcast %eq3A_997 : i32 to vector<16xi32>
      %eq3A_999 = arith.cmpi eq, %get3A_909, %eq3A_998 : vector<16xi32>
      %jit3A_1000 = arith.constant 1.000000e+00 : f32
      %jit3A_1001 = arith.constant 0.000000e+00 : f32
      %broadcast_in_dim3A_1002 = vector.broadcast %jit3A_1000 : f32 to vector<16xf32>
      %broadcast_in_dim3A_1003 = vector.broadcast %jit3A_1001 : f32 to vector<16xf32>
      %select_n3A_1004 = arith.select %eq3A_999, %broadcast_in_dim3A_1002, %broadcast_in_dim3A_1003 : vector<16xi1>, vector<16xf32>
      %swap3A_1005 = arith.constant 3 : i32
      %swap3A_1006 = arith.index_cast %swap3A_1005 : i32 to index
      %swap3A_1007 = arith.constant 32 : index
      %swap3A_1008 = tpu.vector_load %arg8[%swap3A_1006, %swap3A_1007] {strides = array<i32>} : memref<16x128xf32, #tpu.memory_space<vmem>>, vector<1x16xf32>,
      %swap3A_1009 = vector.shape_cast %swap3A_1008 : vector<1x16xf32> to vector<16xf32>
      %swap3A_1010 = vector.shape_cast %select_n3A_1004 : vector<16xf32> to vector<1x16xf32>
      tpu.vector_store %arg8[%swap3A_1006, %swap3A_1007], %swap3A_1010 {strides = array<i32>} : memref<16x128xf32, #tpu.memory_space<vmem>>, vector<1x16xf32>,
      %eq3A_1011 = arith.constant 3 : i32
      %eq3A_1012 = vector.broadcast %eq3A_1011 : i32 to vector<16xi32>
      %eq3A_1013 = arith.cmpi eq, %get3A_912, %eq3A_1012 : vector<16xi32>
      %jit3A_1014 = arith.constant 1.000000e+00 : f32
      %jit3A_1015 = arith.constant 0.000000e+00 : f32
      %broadcast_in_dim3A_1016 = vector.broadcast %jit3A_1014 : f32 to vector<16xf32>
      %broadcast_in_dim3A_1017 = vector.broadcast %jit3A_1015 : f32 to vector<16xf32>
      %select_n3A_1018 = arith.select %eq3A_1013, %broadcast_in_dim3A_1016, %broadcast_in_dim3A_1017 : vector<16xi1>, vector<16xf32>
      %swap3A_1019 = arith.constant 3 : i32
      %swap3A_1020 = arith.index_cast %swap3A_1019 : i32 to index
      %swap3A_1021 = arith.constant 32 : index
      %swap3A_1022 = tpu.vector_load %arg9[%swap3A_1020, %swap3A_1021] {strides = array<i32>} : memref<16x128xf32, #tpu.memory_space<vmem>>, vector<1x16xf32>,
      %swap3A_1023 = vector.shape_cast %swap3A_1022 : vector<1x16xf32> to vector<16xf32>
      %swap3A_1024 = vector.shape_cast %select_n3A_1018 : vector<16xf32> to vector<1x16xf32>
      tpu.vector_store %arg9[%swap3A_1020, %swap3A_1021], %swap3A_1024 {strides = array<i32>} : memref<16x128xf32, #tpu.memory_space<vmem>>, vector<1x16xf32>,
      %eq3A_1025 = arith.constant 4 : i32
      %eq3A_1026 = vector.broadcast %eq3A_1025 : i32 to vector<16xi32>
      %eq3A_1027 = arith.cmpi eq, %get3A_909, %eq3A_1026 : vector<16xi32>
      %jit3A_1028 = arith.constant 1.000000e+00 : f32
      %jit3A_1029 = arith.constant 0.000000e+00 : f32
      %broadcast_in_dim3A_1030 = vector.broadcast %jit3A_1028 : f32 to vector<16xf32>
      %broadcast_in_dim3A_1031 = vector.broadcast %jit3A_1029 : f32 to vector<16xf32>
      %select_n3A_1032 = arith.select %eq3A_1027, %broadcast_in_dim3A_1030, %broadcast_in_dim3A_1031 : vector<16xi1>, vector<16xf32>
      %swap3A_1033 = arith.constant 4 : i32
      %swap3A_1034 = arith.index_cast %swap3A_1033 : i32 to index
      %swap3A_1035 = arith.constant 32 : index
      %swap3A_1036 = tpu.vector_load %arg8[%swap3A_1034, %swap3A_1035] {strides = array<i32>} : memref<16x128xf32, #tpu.memory_space<vmem>>, vector<1x16xf32>,
      %swap3A_1037 = vector.shape_cast %swap3A_1036 : vector<1x16xf32> to vector<16xf32>
      %swap3A_1038 = vector.shape_cast %select_n3A_1032 : vector<16xf32> to vector<1x16xf32>
      tpu.vector_store %arg8[%swap3A_1034, %swap3A_1035], %swap3A_1038 {strides = array<i32>} : memref<16x128xf32, #tpu.memory_space<vmem>>, vector<1x16xf32>,
      %eq3A_1039 = arith.constant 4 : i32
      %eq3A_1040 = vector.broadcast %eq3A_1039 : i32 to vector<16xi32>
      %eq3A_1041 = arith.cmpi eq, %get3A_912, %eq3A_1040 : vector<16xi32>
      %jit3A_1042 = arith.constant 1.000000e+00 : f32
      %jit3A_1043 = arith.constant 0.000000e+00 : f32
      %broadcast_in_dim3A_1044 = vector.broadcast %jit3A_1042 : f32 to vector<16xf32>
      %broadcast_in_dim3A_1045 = vector.broadcast %jit3A_1043 : f32 to vector<16xf32>
      %select_n3A_1046 = arith.select %eq3A_1041, %broadcast_in_dim3A_1044, %broadcast_in_dim3A_1045 : vector<16xi1>, vector<16xf32>
      %swap3A_1047 = arith.constant 4 : i32
      %swap3A_1048 = arith.index_cast %swap3A_1047 : i32 to index
      %swap3A_1049 = arith.constant 32 : index
      %swap3A_1050 = tpu.vector_load %arg9[%swap3A_1048, %swap3A_1049] {strides = array<i32>} : memref<16x128xf32, #tpu.memory_space<vmem>>, vector<1x16xf32>,
      %swap3A_1051 = vector.shape_cast %swap3A_1050 : vector<1x16xf32> to vector<16xf32>
      %swap3A_1052 = vector.shape_cast %select_n3A_1046 : vector<16xf32> to vector<1x16xf32>
      tpu.vector_store %arg9[%swap3A_1048, %swap3A_1049], %swap3A_1052 {strides = array<i32>} : memref<16x128xf32, #tpu.memory_space<vmem>>, vector<1x16xf32>,
      %eq3A_1053 = arith.constant 5 : i32
      %eq3A_1054 = vector.broadcast %eq3A_1053 : i32 to vector<16xi32>
      %eq3A_1055 = arith.cmpi eq, %get3A_909, %eq3A_1054 : vector<16xi32>
      %jit3A_1056 = arith.constant 1.000000e+00 : f32
      %jit3A_1057 = arith.constant 0.000000e+00 : f32
      %broadcast_in_dim3A_1058 = vector.broadcast %jit3A_1056 : f32 to vector<16xf32>
      %broadcast_in_dim3A_1059 = vector.broadcast %jit3A_1057 : f32 to vector<16xf32>
      %select_n3A_1060 = arith.select %eq3A_1055, %broadcast_in_dim3A_1058, %broadcast_in_dim3A_1059 : vector<16xi1>, vector<16xf32>
      %swap3A_1061 = arith.constant 5 : i32
      %swap3A_1062 = arith.index_cast %swap3A_1061 : i32 to index
      %swap3A_1063 = arith.constant 32 : index
      %swap3A_1064 = tpu.vector_load %arg8[%swap3A_1062, %swap3A_1063] {strides = array<i32>} : memref<16x128xf32, #tpu.memory_space<vmem>>, vector<1x16xf32>,
      %swap3A_1065 = vector.shape_cast %swap3A_1064 : vector<1x16xf32> to vector<16xf32>
      %swap3A_1066 = vector.shape_cast %select_n3A_1060 : vector<16xf32> to vector<1x16xf32>
      tpu.vector_store %arg8[%swap3A_1062, %swap3A_1063], %swap3A_1066 {strides = array<i32>} : memref<16x128xf32, #tpu.memory_space<vmem>>, vector<1x16xf32>,
      %eq3A_1067 = arith.constant 5 : i32
      %eq3A_1068 = vector.broadcast %eq3A_1067 : i32 to vector<16xi32>
      %eq3A_1069 = arith.cmpi eq, %get3A_912, %eq3A_1068 : vector<16xi32>
      %jit3A_1070 = arith.constant 1.000000e+00 : f32
      %jit3A_1071 = arith.constant 0.000000e+00 : f32
      %broadcast_in_dim3A_1072 = vector.broadcast %jit3A_1070 : f32 to vector<16xf32>
      %broadcast_in_dim3A_1073 = vector.broadcast %jit3A_1071 : f32 to vector<16xf32>
      %select_n3A_1074 = arith.select %eq3A_1069, %broadcast_in_dim3A_1072, %broadcast_in_dim3A_1073 : vector<16xi1>, vector<16xf32>
      %swap3A_1075 = arith.constant 5 : i32
      %swap3A_1076 = arith.index_cast %swap3A_1075 : i32 to index
      %swap3A_1077 = arith.constant 32 : index
      %swap3A_1078 = tpu.vector_load %arg9[%swap3A_1076, %swap3A_1077] {strides = array<i32>} : memref<16x128xf32, #tpu.memory_space<vmem>>, vector<1x16xf32>,
      %swap3A_1079 = vector.shape_cast %swap3A_1078 : vector<1x16xf32> to vector<16xf32>
      %swap3A_1080 = vector.shape_cast %select_n3A_1074 : vector<16xf32> to vector<1x16xf32>
      tpu.vector_store %arg9[%swap3A_1076, %swap3A_1077], %swap3A_1080 {strides = array<i32>} : memref<16x128xf32, #tpu.memory_space<vmem>>, vector<1x16xf32>,
      %eq3A_1081 = arith.constant 6 : i32
      %eq3A_1082 = vector.broadcast %eq3A_1081 : i32 to vector<16xi32>
      %eq3A_1083 = arith.cmpi eq, %get3A_909, %eq3A_1082 : vector<16xi32>
      %jit3A_1084 = arith.constant 1.000000e+00 : f32
      %jit3A_1085 = arith.constant 0.000000e+00 : f32
      %broadcast_in_dim3A_1086 = vector.broadcast %jit3A_1084 : f32 to vector<16xf32>
      %broadcast_in_dim3A_1087 = vector.broadcast %jit3A_1085 : f32 to vector<16xf32>
      %select_n3A_1088 = arith.select %eq3A_1083, %broadcast_in_dim3A_1086, %broadcast_in_dim3A_1087 : vector<16xi1>, vector<16xf32>
      %swap3A_1089 = arith.constant 6 : i32
      %swap3A_1090 = arith.index_cast %swap3A_1089 : i32 to index
      %swap3A_1091 = arith.constant 32 : index
      %swap3A_1092 = tpu.vector_load %arg8[%swap3A_1090, %swap3A_1091] {strides = array<i32>} : memref<16x128xf32, #tpu.memory_space<vmem>>, vector<1x16xf32>,
      %swap3A_1093 = vector.shape_cast %swap3A_1092 : vector<1x16xf32> to vector<16xf32>
      %swap3A_1094 = vector.shape_cast %select_n3A_1088 : vector<16xf32> to vector<1x16xf32>
      tpu.vector_store %arg8[%swap3A_1090, %swap3A_1091], %swap3A_1094 {strides = array<i32>} : memref<16x128xf32, #tpu.memory_space<vmem>>, vector<1x16xf32>,
      %eq3A_1095 = arith.constant 6 : i32
      %eq3A_1096 = vector.broadcast %eq3A_1095 : i32 to vector<16xi32>
      %eq3A_1097 = arith.cmpi eq, %get3A_912, %eq3A_1096 : vector<16xi32>
      %jit3A_1098 = arith.constant 1.000000e+00 : f32
      %jit3A_1099 = arith.constant 0.000000e+00 : f32
      %broadcast_in_dim3A_1100 = vector.broadcast %jit3A_1098 : f32 to vector<16xf32>
      %broadcast_in_dim3A_1101 = vector.broadcast %jit3A_1099 : f32 to vector<16xf32>
      %select_n3A_1102 = arith.select %eq3A_1097, %broadcast_in_dim3A_1100, %broadcast_in_dim3A_1101 : vector<16xi1>, vector<16xf32>
      %swap3A_1103 = arith.constant 6 : i32
      %swap3A_1104 = arith.index_cast %swap3A_1103 : i32 to index
      %swap3A_1105 = arith.constant 32 : index
      %swap3A_1106 = tpu.vector_load %arg9[%swap3A_1104, %swap3A_1105] {strides = array<i32>} : memref<16x128xf32, #tpu.memory_space<vmem>>, vector<1x16xf32>,
      %swap3A_1107 = vector.shape_cast %swap3A_1106 : vector<1x16xf32> to vector<16xf32>
      %swap3A_1108 = vector.shape_cast %select_n3A_1102 : vector<16xf32> to vector<1x16xf32>
      tpu.vector_store %arg9[%swap3A_1104, %swap3A_1105], %swap3A_1108 {strides = array<i32>} : memref<16x128xf32, #tpu.memory_space<vmem>>, vector<1x16xf32>,
      %eq3A_1109 = arith.constant 7 : i32
      %eq3A_1110 = vector.broadcast %eq3A_1109 : i32 to vector<16xi32>
      %eq3A_1111 = arith.cmpi eq, %get3A_909, %eq3A_1110 : vector<16xi32>
      %jit3A_1112 = arith.constant 1.000000e+00 : f32
      %jit3A_1113 = arith.constant 0.000000e+00 : f32
      %broadcast_in_dim3A_1114 = vector.broadcast %jit3A_1112 : f32 to vector<16xf32>
      %broadcast_in_dim3A_1115 = vector.broadcast %jit3A_1113 : f32 to vector<16xf32>
      %select_n3A_1116 = arith.select %eq3A_1111, %broadcast_in_dim3A_1114, %broadcast_in_dim3A_1115 : vector<16xi1>, vector<16xf32>
      %swap3A_1117 = arith.constant 7 : i32
      %swap3A_1118 = arith.index_cast %swap3A_1117 : i32 to index
      %swap3A_1119 = arith.constant 32 : index
      %swap3A_1120 = tpu.vector_load %arg8[%swap3A_1118, %swap3A_1119] {strides = array<i32>} : memref<16x128xf32, #tpu.memory_space<vmem>>, vector<1x16xf32>,
      %swap3A_1121 = vector.shape_cast %swap3A_1120 : vector<1x16xf32> to vector<16xf32>
      %swap3A_1122 = vector.shape_cast %select_n3A_1116 : vector<16xf32> to vector<1x16xf32>
      tpu.vector_store %arg8[%swap3A_1118, %swap3A_1119], %swap3A_1122 {strides = array<i32>} : memref<16x128xf32, #tpu.memory_space<vmem>>, vector<1x16xf32>,
      %eq3A_1123 = arith.constant 7 : i32
      %eq3A_1124 = vector.broadcast %eq3A_1123 : i32 to vector<16xi32>
      %eq3A_1125 = arith.cmpi eq, %get3A_912, %eq3A_1124 : vector<16xi32>
      %jit3A_1126 = arith.constant 1.000000e+00 : f32
      %jit3A_1127 = arith.constant 0.000000e+00 : f32
      %broadcast_in_dim3A_1128 = vector.broadcast %jit3A_1126 : f32 to vector<16xf32>
      %broadcast_in_dim3A_1129 = vector.broadcast %jit3A_1127 : f32 to vector<16xf32>
      %select_n3A_1130 = arith.select %eq3A_1125, %broadcast_in_dim3A_1128, %broadcast_in_dim3A_1129 : vector<16xi1>, vector<16xf32>
      %swap3A_1131 = arith.constant 7 : i32
      %swap3A_1132 = arith.index_cast %swap3A_1131 : i32 to index
      %swap3A_1133 = arith.constant 32 : index
      %swap3A_1134 = tpu.vector_load %arg9[%swap3A_1132, %swap3A_1133] {strides = array<i32>} : memref<16x128xf32, #tpu.memory_space<vmem>>, vector<1x16xf32>,
      %swap3A_1135 = vector.shape_cast %swap3A_1134 : vector<1x16xf32> to vector<16xf32>
      %swap3A_1136 = vector.shape_cast %select_n3A_1130 : vector<16xf32> to vector<1x16xf32>
      tpu.vector_store %arg9[%swap3A_1132, %swap3A_1133], %swap3A_1136 {strides = array<i32>} : memref<16x128xf32, #tpu.memory_space<vmem>>, vector<1x16xf32>,
      %eq3A_1137 = arith.constant 8 : i32
      %eq3A_1138 = vector.broadcast %eq3A_1137 : i32 to vector<16xi32>
      %eq3A_1139 = arith.cmpi eq, %get3A_909, %eq3A_1138 : vector<16xi32>
      %jit3A_1140 = arith.constant 1.000000e+00 : f32
      %jit3A_1141 = arith.constant 0.000000e+00 : f32
      %broadcast_in_dim3A_1142 = vector.broadcast %jit3A_1140 : f32 to vector<16xf32>
      %broadcast_in_dim3A_1143 = vector.broadcast %jit3A_1141 : f32 to vector<16xf32>
      %select_n3A_1144 = arith.select %eq3A_1139, %broadcast_in_dim3A_1142, %broadcast_in_dim3A_1143 : vector<16xi1>, vector<16xf32>
      %swap3A_1145 = arith.constant 8 : i32
      %swap3A_1146 = arith.index_cast %swap3A_1145 : i32 to index
      %swap3A_1147 = arith.constant 32 : index
      %swap3A_1148 = tpu.vector_load %arg8[%swap3A_1146, %swap3A_1147] {strides = array<i32>} : memref<16x128xf32, #tpu.memory_space<vmem>>, vector<1x16xf32>,
      %swap3A_1149 = vector.shape_cast %swap3A_1148 : vector<1x16xf32> to vector<16xf32>
      %swap3A_1150 = vector.shape_cast %select_n3A_1144 : vector<16xf32> to vector<1x16xf32>
      tpu.vector_store %arg8[%swap3A_1146, %swap3A_1147], %swap3A_1150 {strides = array<i32>} : memref<16x128xf32, #tpu.memory_space<vmem>>, vector<1x16xf32>,
      %eq3A_1151 = arith.constant 8 : i32
      %eq3A_1152 = vector.broadcast %eq3A_1151 : i32 to vector<16xi32>
      %eq3A_1153 = arith.cmpi eq, %get3A_912, %eq3A_1152 : vector<16xi32>
      %jit3A_1154 = arith.constant 1.000000e+00 : f32
      %jit3A_1155 = arith.constant 0.000000e+00 : f32
      %broadcast_in_dim3A_1156 = vector.broadcast %jit3A_1154 : f32 to vector<16xf32>
      %broadcast_in_dim3A_1157 = vector.broadcast %jit3A_1155 : f32 to vector<16xf32>
      %select_n3A_1158 = arith.select %eq3A_1153, %broadcast_in_dim3A_1156, %broadcast_in_dim3A_1157 : vector<16xi1>, vector<16xf32>
      %swap3A_1159 = arith.constant 8 : i32
      %swap3A_1160 = arith.index_cast %swap3A_1159 : i32 to index
      %swap3A_1161 = arith.constant 32 : index
      %swap3A_1162 = tpu.vector_load %arg9[%swap3A_1160, %swap3A_1161] {strides = array<i32>} : memref<16x128xf32, #tpu.memory_space<vmem>>, vector<1x16xf32>,
      %swap3A_1163 = vector.shape_cast %swap3A_1162 : vector<1x16xf32> to vector<16xf32>
      %swap3A_1164 = vector.shape_cast %select_n3A_1158 : vector<16xf32> to vector<1x16xf32>
      tpu.vector_store %arg9[%swap3A_1160, %swap3A_1161], %swap3A_1164 {strides = array<i32>} : memref<16x128xf32, #tpu.memory_space<vmem>>, vector<1x16xf32>,
      %eq3A_1165 = arith.constant 9 : i32
      %eq3A_1166 = vector.broadcast %eq3A_1165 : i32 to vector<16xi32>
      %eq3A_1167 = arith.cmpi eq, %get3A_909, %eq3A_1166 : vector<16xi32>
      %jit3A_1168 = arith.constant 1.000000e+00 : f32
      %jit3A_1169 = arith.constant 0.000000e+00 : f32
      %broadcast_in_dim3A_1170 = vector.broadcast %jit3A_1168 : f32 to vector<16xf32>
      %broadcast_in_dim3A_1171 = vector.broadcast %jit3A_1169 : f32 to vector<16xf32>
      %select_n3A_1172 = arith.select %eq3A_1167, %broadcast_in_dim3A_1170, %broadcast_in_dim3A_1171 : vector<16xi1>, vector<16xf32>
      %swap3A_1173 = arith.constant 9 : i32
      %swap3A_1174 = arith.index_cast %swap3A_1173 : i32 to index
      %swap3A_1175 = arith.constant 32 : index
      %swap3A_1176 = tpu.vector_load %arg8[%swap3A_1174, %swap3A_1175] {strides = array<i32>} : memref<16x128xf32, #tpu.memory_space<vmem>>, vector<1x16xf32>,
      %swap3A_1177 = vector.shape_cast %swap3A_1176 : vector<1x16xf32> to vector<16xf32>
      %swap3A_1178 = vector.shape_cast %select_n3A_1172 : vector<16xf32> to vector<1x16xf32>
      tpu.vector_store %arg8[%swap3A_1174, %swap3A_1175], %swap3A_1178 {strides = array<i32>} : memref<16x128xf32, #tpu.memory_space<vmem>>, vector<1x16xf32>,
      %eq3A_1179 = arith.constant 9 : i32
      %eq3A_1180 = vector.broadcast %eq3A_1179 : i32 to vector<16xi32>
      %eq3A_1181 = arith.cmpi eq, %get3A_912, %eq3A_1180 : vector<16xi32>
      %jit3A_1182 = arith.constant 1.000000e+00 : f32
      %jit3A_1183 = arith.constant 0.000000e+00 : f32
      %broadcast_in_dim3A_1184 = vector.broadcast %jit3A_1182 : f32 to vector<16xf32>
      %broadcast_in_dim3A_1185 = vector.broadcast %jit3A_1183 : f32 to vector<16xf32>
      %select_n3A_1186 = arith.select %eq3A_1181, %broadcast_in_dim3A_1184, %broadcast_in_dim3A_1185 : vector<16xi1>, vector<16xf32>
      %swap3A_1187 = arith.constant 9 : i32
      %swap3A_1188 = arith.index_cast %swap3A_1187 : i32 to index
      %swap3A_1189 = arith.constant 32 : index
      %swap3A_1190 = tpu.vector_load %arg9[%swap3A_1188, %swap3A_1189] {strides = array<i32>} : memref<16x128xf32, #tpu.memory_space<vmem>>, vector<1x16xf32>,
      %swap3A_1191 = vector.shape_cast %swap3A_1190 : vector<1x16xf32> to vector<16xf32>
      %swap3A_1192 = vector.shape_cast %select_n3A_1186 : vector<16xf32> to vector<1x16xf32>
      tpu.vector_store %arg9[%swap3A_1188, %swap3A_1189], %swap3A_1192 {strides = array<i32>} : memref<16x128xf32, #tpu.memory_space<vmem>>, vector<1x16xf32>,
      %eq3A_1193 = arith.constant 10 : i32
      %eq3A_1194 = vector.broadcast %eq3A_1193 : i32 to vector<16xi32>
      %eq3A_1195 = arith.cmpi eq, %get3A_909, %eq3A_1194 : vector<16xi32>
      %jit3A_1196 = arith.constant 1.000000e+00 : f32
      %jit3A_1197 = arith.constant 0.000000e+00 : f32
      %broadcast_in_dim3A_1198 = vector.broadcast %jit3A_1196 : f32 to vector<16xf32>
      %broadcast_in_dim3A_1199 = vector.broadcast %jit3A_1197 : f32 to vector<16xf32>
      %select_n3A_1200 = arith.select %eq3A_1195, %broadcast_in_dim3A_1198, %broadcast_in_dim3A_1199 : vector<16xi1>, vector<16xf32>
      %swap3A_1201 = arith.constant 10 : i32
      %swap3A_1202 = arith.index_cast %swap3A_1201 : i32 to index
      %swap3A_1203 = arith.constant 32 : index
      %swap3A_1204 = tpu.vector_load %arg8[%swap3A_1202, %swap3A_1203] {strides = array<i32>} : memref<16x128xf32, #tpu.memory_space<vmem>>, vector<1x16xf32>,
      %swap3A_1205 = vector.shape_cast %swap3A_1204 : vector<1x16xf32> to vector<16xf32>
      %swap3A_1206 = vector.shape_cast %select_n3A_1200 : vector<16xf32> to vector<1x16xf32>
      tpu.vector_store %arg8[%swap3A_1202, %swap3A_1203], %swap3A_1206 {strides = array<i32>} : memref<16x128xf32, #tpu.memory_space<vmem>>, vector<1x16xf32>,
      %eq3A_1207 = arith.constant 10 : i32
      %eq3A_1208 = vector.broadcast %eq3A_1207 : i32 to vector<16xi32>
      %eq3A_1209 = arith.cmpi eq, %get3A_912, %eq3A_1208 : vector<16xi32>
      %jit3A_1210 = arith.constant 1.000000e+00 : f32
      %jit3A_1211 = arith.constant 0.000000e+00 : f32
      %broadcast_in_dim3A_1212 = vector.broadcast %jit3A_1210 : f32 to vector<16xf32>
      %broadcast_in_dim3A_1213 = vector.broadcast %jit3A_1211 : f32 to vector<16xf32>
      %select_n3A_1214 = arith.select %eq3A_1209, %broadcast_in_dim3A_1212, %broadcast_in_dim3A_1213 : vector<16xi1>, vector<16xf32>
      %swap3A_1215 = arith.constant 10 : i32
      %swap3A_1216 = arith.index_cast %swap3A_1215 : i32 to index
      %swap3A_1217 = arith.constant 32 : index
      %swap3A_1218 = tpu.vector_load %arg9[%swap3A_1216, %swap3A_1217] {strides = array<i32>} : memref<16x128xf32, #tpu.memory_space<vmem>>, vector<1x16xf32>,
      %swap3A_1219 = vector.shape_cast %swap3A_1218 : vector<1x16xf32> to vector<16xf32>
      %swap3A_1220 = vector.shape_cast %select_n3A_1214 : vector<16xf32> to vector<1x16xf32>
      tpu.vector_store %arg9[%swap3A_1216, %swap3A_1217], %swap3A_1220 {strides = array<i32>} : memref<16x128xf32, #tpu.memory_space<vmem>>, vector<1x16xf32>,
      %eq3A_1221 = arith.constant 11 : i32
      %eq3A_1222 = vector.broadcast %eq3A_1221 : i32 to vector<16xi32>
      %eq3A_1223 = arith.cmpi eq, %get3A_909, %eq3A_1222 : vector<16xi32>
      %jit3A_1224 = arith.constant 1.000000e+00 : f32
      %jit3A_1225 = arith.constant 0.000000e+00 : f32
      %broadcast_in_dim3A_1226 = vector.broadcast %jit3A_1224 : f32 to vector<16xf32>
      %broadcast_in_dim3A_1227 = vector.broadcast %jit3A_1225 : f32 to vector<16xf32>
      %select_n3A_1228 = arith.select %eq3A_1223, %broadcast_in_dim3A_1226, %broadcast_in_dim3A_1227 : vector<16xi1>, vector<16xf32>
      %swap3A_1229 = arith.constant 11 : i32
      %swap3A_1230 = arith.index_cast %swap3A_1229 : i32 to index
      %swap3A_1231 = arith.constant 32 : index
      %swap3A_1232 = tpu.vector_load %arg8[%swap3A_1230, %swap3A_1231] {strides = array<i32>} : memref<16x128xf32, #tpu.memory_space<vmem>>, vector<1x16xf32>,
      %swap3A_1233 = vector.shape_cast %swap3A_1232 : vector<1x16xf32> to vector<16xf32>
      %swap3A_1234 = vector.shape_cast %select_n3A_1228 : vector<16xf32> to vector<1x16xf32>
      tpu.vector_store %arg8[%swap3A_1230, %swap3A_1231], %swap3A_1234 {strides = array<i32>} : memref<16x128xf32, #tpu.memory_space<vmem>>, vector<1x16xf32>,
      %eq3A_1235 = arith.constant 11 : i32
      %eq3A_1236 = vector.broadcast %eq3A_1235 : i32 to vector<16xi32>
      %eq3A_1237 = arith.cmpi eq, %get3A_912, %eq3A_1236 : vector<16xi32>
      %jit3A_1238 = arith.constant 1.000000e+00 : f32
      %jit3A_1239 = arith.constant 0.000000e+00 : f32
      %broadcast_in_dim3A_1240 = vector.broadcast %jit3A_1238 : f32 to vector<16xf32>
      %broadcast_in_dim3A_1241 = vector.broadcast %jit3A_1239 : f32 to vector<16xf32>
      %select_n3A_1242 = arith.select %eq3A_1237, %broadcast_in_dim3A_1240, %broadcast_in_dim3A_1241 : vector<16xi1>, vector<16xf32>
      %swap3A_1243 = arith.constant 11 : i32
      %swap3A_1244 = arith.index_cast %swap3A_1243 : i32 to index
      %swap3A_1245 = arith.constant 32 : index
      %swap3A_1246 = tpu.vector_load %arg9[%swap3A_1244, %swap3A_1245] {strides = array<i32>} : memref<16x128xf32, #tpu.memory_space<vmem>>, vector<1x16xf32>,
      %swap3A_1247 = vector.shape_cast %swap3A_1246 : vector<1x16xf32> to vector<16xf32>
      %swap3A_1248 = vector.shape_cast %select_n3A_1242 : vector<16xf32> to vector<1x16xf32>
      tpu.vector_store %arg9[%swap3A_1244, %swap3A_1245], %swap3A_1248 {strides = array<i32>} : memref<16x128xf32, #tpu.memory_space<vmem>>, vector<1x16xf32>,
      %eq3A_1249 = arith.constant 12 : i32
      %eq3A_1250 = vector.broadcast %eq3A_1249 : i32 to vector<16xi32>
      %eq3A_1251 = arith.cmpi eq, %get3A_909, %eq3A_1250 : vector<16xi32>
      %jit3A_1252 = arith.constant 1.000000e+00 : f32
      %jit3A_1253 = arith.constant 0.000000e+00 : f32
      %broadcast_in_dim3A_1254 = vector.broadcast %jit3A_1252 : f32 to vector<16xf32>
      %broadcast_in_dim3A_1255 = vector.broadcast %jit3A_1253 : f32 to vector<16xf32>
      %select_n3A_1256 = arith.select %eq3A_1251, %broadcast_in_dim3A_1254, %broadcast_in_dim3A_1255 : vector<16xi1>, vector<16xf32>
      %swap3A_1257 = arith.constant 12 : i32
      %swap3A_1258 = arith.index_cast %swap3A_1257 : i32 to index
      %swap3A_1259 = arith.constant 32 : index
      %swap3A_1260 = tpu.vector_load %arg8[%swap3A_1258, %swap3A_1259] {strides = array<i32>} : memref<16x128xf32, #tpu.memory_space<vmem>>, vector<1x16xf32>,
      %swap3A_1261 = vector.shape_cast %swap3A_1260 : vector<1x16xf32> to vector<16xf32>
      %swap3A_1262 = vector.shape_cast %select_n3A_1256 : vector<16xf32> to vector<1x16xf32>
      tpu.vector_store %arg8[%swap3A_1258, %swap3A_1259], %swap3A_1262 {strides = array<i32>} : memref<16x128xf32, #tpu.memory_space<vmem>>, vector<1x16xf32>,
      %eq3A_1263 = arith.constant 12 : i32
      %eq3A_1264 = vector.broadcast %eq3A_1263 : i32 to vector<16xi32>
      %eq3A_1265 = arith.cmpi eq, %get3A_912, %eq3A_1264 : vector<16xi32>
      %jit3A_1266 = arith.constant 1.000000e+00 : f32
      %jit3A_1267 = arith.constant 0.000000e+00 : f32
      %broadcast_in_dim3A_1268 = vector.broadcast %jit3A_1266 : f32 to vector<16xf32>
      %broadcast_in_dim3A_1269 = vector.broadcast %jit3A_1267 : f32 to vector<16xf32>
      %select_n3A_1270 = arith.select %eq3A_1265, %broadcast_in_dim3A_1268, %broadcast_in_dim3A_1269 : vector<16xi1>, vector<16xf32>
      %swap3A_1271 = arith.constant 12 : i32
      %swap3A_1272 = arith.index_cast %swap3A_1271 : i32 to index
      %swap3A_1273 = arith.constant 32 : index
      %swap3A_1274 = tpu.vector_load %arg9[%swap3A_1272, %swap3A_1273] {strides = array<i32>} : memref<16x128xf32, #tpu.memory_space<vmem>>, vector<1x16xf32>,
      %swap3A_1275 = vector.shape_cast %swap3A_1274 : vector<1x16xf32> to vector<16xf32>
      %swap3A_1276 = vector.shape_cast %select_n3A_1270 : vector<16xf32> to vector<1x16xf32>
      tpu.vector_store %arg9[%swap3A_1272, %swap3A_1273], %swap3A_1276 {strides = array<i32>} : memref<16x128xf32, #tpu.memory_space<vmem>>, vector<1x16xf32>,
      %eq3A_1277 = arith.constant 13 : i32
      %eq3A_1278 = vector.broadcast %eq3A_1277 : i32 to vector<16xi32>
      %eq3A_1279 = arith.cmpi eq, %get3A_909, %eq3A_1278 : vector<16xi32>
      %jit3A_1280 = arith.constant 1.000000e+00 : f32
      %jit3A_1281 = arith.constant 0.000000e+00 : f32
      %broadcast_in_dim3A_1282 = vector.broadcast %jit3A_1280 : f32 to vector<16xf32>
      %broadcast_in_dim3A_1283 = vector.broadcast %jit3A_1281 : f32 to vector<16xf32>
      %select_n3A_1284 = arith.select %eq3A_1279, %broadcast_in_dim3A_1282, %broadcast_in_dim3A_1283 : vector<16xi1>, vector<16xf32>
      %swap3A_1285 = arith.constant 13 : i32
      %swap3A_1286 = arith.index_cast %swap3A_1285 : i32 to index
      %swap3A_1287 = arith.constant 32 : index
      %swap3A_1288 = tpu.vector_load %arg8[%swap3A_1286, %swap3A_1287] {strides = array<i32>} : memref<16x128xf32, #tpu.memory_space<vmem>>, vector<1x16xf32>,
      %swap3A_1289 = vector.shape_cast %swap3A_1288 : vector<1x16xf32> to vector<16xf32>
      %swap3A_1290 = vector.shape_cast %select_n3A_1284 : vector<16xf32> to vector<1x16xf32>
      tpu.vector_store %arg8[%swap3A_1286, %swap3A_1287], %swap3A_1290 {strides = array<i32>} : memref<16x128xf32, #tpu.memory_space<vmem>>, vector<1x16xf32>,
      %eq3A_1291 = arith.constant 13 : i32
      %eq3A_1292 = vector.broadcast %eq3A_1291 : i32 to vector<16xi32>
      %eq3A_1293 = arith.cmpi eq, %get3A_912, %eq3A_1292 : vector<16xi32>
      %jit3A_1294 = arith.constant 1.000000e+00 : f32
      %jit3A_1295 = arith.constant 0.000000e+00 : f32
      %broadcast_in_dim3A_1296 = vector.broadcast %jit3A_1294 : f32 to vector<16xf32>
      %broadcast_in_dim3A_1297 = vector.broadcast %jit3A_1295 : f32 to vector<16xf32>
      %select_n3A_1298 = arith.select %eq3A_1293, %broadcast_in_dim3A_1296, %broadcast_in_dim3A_1297 : vector<16xi1>, vector<16xf32>
      %swap3A_1299 = arith.constant 13 : i32
      %swap3A_1300 = arith.index_cast %swap3A_1299 : i32 to index
      %swap3A_1301 = arith.constant 32 : index
      %swap3A_1302 = tpu.vector_load %arg9[%swap3A_1300, %swap3A_1301] {strides = array<i32>} : memref<16x128xf32, #tpu.memory_space<vmem>>, vector<1x16xf32>,
      %swap3A_1303 = vector.shape_cast %swap3A_1302 : vector<1x16xf32> to vector<16xf32>
      %swap3A_1304 = vector.shape_cast %select_n3A_1298 : vector<16xf32> to vector<1x16xf32>
      tpu.vector_store %arg9[%swap3A_1300, %swap3A_1301], %swap3A_1304 {strides = array<i32>} : memref<16x128xf32, #tpu.memory_space<vmem>>, vector<1x16xf32>,
      %eq3A_1305 = arith.constant 14 : i32
      %eq3A_1306 = vector.broadcast %eq3A_1305 : i32 to vector<16xi32>
      %eq3A_1307 = arith.cmpi eq, %get3A_909, %eq3A_1306 : vector<16xi32>
      %jit3A_1308 = arith.constant 1.000000e+00 : f32
      %jit3A_1309 = arith.constant 0.000000e+00 : f32
      %broadcast_in_dim3A_1310 = vector.broadcast %jit3A_1308 : f32 to vector<16xf32>
      %broadcast_in_dim3A_1311 = vector.broadcast %jit3A_1309 : f32 to vector<16xf32>
      %select_n3A_1312 = arith.select %eq3A_1307, %broadcast_in_dim3A_1310, %broadcast_in_dim3A_1311 : vector<16xi1>, vector<16xf32>
      %swap3A_1313 = arith.constant 14 : i32
      %swap3A_1314 = arith.index_cast %swap3A_1313 : i32 to index
      %swap3A_1315 = arith.constant 32 : index
      %swap3A_1316 = tpu.vector_load %arg8[%swap3A_1314, %swap3A_1315] {strides = array<i32>} : memref<16x128xf32, #tpu.memory_space<vmem>>, vector<1x16xf32>,
      %swap3A_1317 = vector.shape_cast %swap3A_1316 : vector<1x16xf32> to vector<16xf32>
      %swap3A_1318 = vector.shape_cast %select_n3A_1312 : vector<16xf32> to vector<1x16xf32>
      tpu.vector_store %arg8[%swap3A_1314, %swap3A_1315], %swap3A_1318 {strides = array<i32>} : memref<16x128xf32, #tpu.memory_space<vmem>>, vector<1x16xf32>,
      %eq3A_1319 = arith.constant 14 : i32
      %eq3A_1320 = vector.broadcast %eq3A_1319 : i32 to vector<16xi32>
      %eq3A_1321 = arith.cmpi eq, %get3A_912, %eq3A_1320 : vector<16xi32>
      %jit3A_1322 = arith.constant 1.000000e+00 : f32
      %jit3A_1323 = arith.constant 0.000000e+00 : f32
      %broadcast_in_dim3A_1324 = vector.broadcast %jit3A_1322 : f32 to vector<16xf32>
      %broadcast_in_dim3A_1325 = vector.broadcast %jit3A_1323 : f32 to vector<16xf32>
      %select_n3A_1326 = arith.select %eq3A_1321, %broadcast_in_dim3A_1324, %broadcast_in_dim3A_1325 : vector<16xi1>, vector<16xf32>
      %swap3A_1327 = arith.constant 14 : i32
      %swap3A_1328 = arith.index_cast %swap3A_1327 : i32 to index
      %swap3A_1329 = arith.constant 32 : index
      %swap3A_1330 = tpu.vector_load %arg9[%swap3A_1328, %swap3A_1329] {strides = array<i32>} : memref<16x128xf32, #tpu.memory_space<vmem>>, vector<1x16xf32>,
      %swap3A_1331 = vector.shape_cast %swap3A_1330 : vector<1x16xf32> to vector<16xf32>
      %swap3A_1332 = vector.shape_cast %select_n3A_1326 : vector<16xf32> to vector<1x16xf32>
      tpu.vector_store %arg9[%swap3A_1328, %swap3A_1329], %swap3A_1332 {strides = array<i32>} : memref<16x128xf32, #tpu.memory_space<vmem>>, vector<1x16xf32>,
      %eq3A_1333 = arith.constant 15 : i32
      %eq3A_1334 = vector.broadcast %eq3A_1333 : i32 to vector<16xi32>
      %eq3A_1335 = arith.cmpi eq, %get3A_909, %eq3A_1334 : vector<16xi32>
      %jit3A_1336 = arith.constant 1.000000e+00 : f32
      %jit3A_1337 = arith.constant 0.000000e+00 : f32
      %broadcast_in_dim3A_1338 = vector.broadcast %jit3A_1336 : f32 to vector<16xf32>
      %broadcast_in_dim3A_1339 = vector.broadcast %jit3A_1337 : f32 to vector<16xf32>
      %select_n3A_1340 = arith.select %eq3A_1335, %broadcast_in_dim3A_1338, %broadcast_in_dim3A_1339 : vector<16xi1>, vector<16xf32>
      %swap3A_1341 = arith.constant 15 : i32
      %swap3A_1342 = arith.index_cast %swap3A_1341 : i32 to index
      %swap3A_1343 = arith.constant 32 : index
      %swap3A_1344 = tpu.vector_load %arg8[%swap3A_1342, %swap3A_1343] {strides = array<i32>} : memref<16x128xf32, #tpu.memory_space<vmem>>, vector<1x16xf32>,
      %swap3A_1345 = vector.shape_cast %swap3A_1344 : vector<1x16xf32> to vector<16xf32>
      %swap3A_1346 = vector.shape_cast %select_n3A_1340 : vector<16xf32> to vector<1x16xf32>
      tpu.vector_store %arg8[%swap3A_1342, %swap3A_1343], %swap3A_1346 {strides = array<i32>} : memref<16x128xf32, #tpu.memory_space<vmem>>, vector<1x16xf32>,
      %eq3A_1347 = arith.constant 15 : i32
      %eq3A_1348 = vector.broadcast %eq3A_1347 : i32 to vector<16xi32>
      %eq3A_1349 = arith.cmpi eq, %get3A_912, %eq3A_1348 : vector<16xi32>
      %jit3A_1350 = arith.constant 1.000000e+00 : f32
      %jit3A_1351 = arith.constant 0.000000e+00 : f32
      %broadcast_in_dim3A_1352 = vector.broadcast %jit3A_1350 : f32 to vector<16xf32>
      %broadcast_in_dim3A_1353 = vector.broadcast %jit3A_1351 : f32 to vector<16xf32>
      %select_n3A_1354 = arith.select %eq3A_1349, %broadcast_in_dim3A_1352, %broadcast_in_dim3A_1353 : vector<16xi1>, vector<16xf32>
      %swap3A_1355 = arith.constant 15 : i32
      %swap3A_1356 = arith.index_cast %swap3A_1355 : i32 to index
      %swap3A_1357 = arith.constant 32 : index
      %swap3A_1358 = tpu.vector_load %arg9[%swap3A_1356, %swap3A_1357] {strides = array<i32>} : memref<16x128xf32, #tpu.memory_space<vmem>>, vector<1x16xf32>,
      %swap3A_1359 = vector.shape_cast %swap3A_1358 : vector<1x16xf32> to vector<16xf32>
      %swap3A_1360 = vector.shape_cast %select_n3A_1354 : vector<16xf32> to vector<1x16xf32>
      tpu.vector_store %arg9[%swap3A_1356, %swap3A_1357], %swap3A_1360 {strides = array<i32>} : memref<16x128xf32, #tpu.memory_space<vmem>>, vector<1x16xf32>,
      %get3A_1361 = arith.constant 48 : index
      %get3A_1362 = tpu.vector_load %arg6[%get3A_1361] {strides = array<i32>} : memref<128xi32, #tpu.memory_space<vmem>>, vector<16xi32>,
      %get3A_1363 = vector.shape_cast %get3A_1362 : vector<16xi32> to vector<16xi32>
      %get3A_1364 = arith.constant 48 : index
      %get3A_1365 = tpu.vector_load %arg7[%get3A_1364] {strides = array<i32>} : memref<128xi32, #tpu.memory_space<vmem>>, vector<16xi32>,
      %get3A_1366 = vector.shape_cast %get3A_1365 : vector<16xi32> to vector<16xi32>
      %eq3A_1367 = arith.constant 0 : i32
      %eq3A_1368 = vector.broadcast %eq3A_1367 : i32 to vector<16xi32>
      %eq3A_1369 = arith.cmpi eq, %get3A_1363, %eq3A_1368 : vector<16xi32>
      %jit3A_1370 = arith.constant 1.000000e+00 : f32
      %jit3A_1371 = arith.constant 0.000000e+00 : f32
      %broadcast_in_dim3A_1372 = vector.broadcast %jit3A_1370 : f32 to vector<16xf32>
      %broadcast_in_dim3A_1373 = vector.broadcast %jit3A_1371 : f32 to vector<16xf32>
      %select_n3A_1374 = arith.select %eq3A_1369, %broadcast_in_dim3A_1372, %broadcast_in_dim3A_1373 : vector<16xi1>, vector<16xf32>
      %swap3A_1375 = arith.constant 0 : i32
      %swap3A_1376 = arith.index_cast %swap3A_1375 : i32 to index
      %swap3A_1377 = arith.constant 48 : index
      %swap3A_1378 = tpu.vector_load %arg8[%swap3A_1376, %swap3A_1377] {strides = array<i32>} : memref<16x128xf32, #tpu.memory_space<vmem>>, vector<1x16xf32>,
      %swap3A_1379 = vector.shape_cast %swap3A_1378 : vector<1x16xf32> to vector<16xf32>
      %swap3A_1380 = vector.shape_cast %select_n3A_1374 : vector<16xf32> to vector<1x16xf32>
      tpu.vector_store %arg8[%swap3A_1376, %swap3A_1377], %swap3A_1380 {strides = array<i32>} : memref<16x128xf32, #tpu.memory_space<vmem>>, vector<1x16xf32>,
      %eq3A_1381 = arith.constant 0 : i32
      %eq3A_1382 = vector.broadcast %eq3A_1381 : i32 to vector<16xi32>
      %eq3A_1383 = arith.cmpi eq, %get3A_1366, %eq3A_1382 : vector<16xi32>
      %jit3A_1384 = arith.constant 1.000000e+00 : f32
      %jit3A_1385 = arith.constant 0.000000e+00 : f32
      %broadcast_in_dim3A_1386 = vector.broadcast %jit3A_1384 : f32 to vector<16xf32>
      %broadcast_in_dim3A_1387 = vector.broadcast %jit3A_1385 : f32 to vector<16xf32>
      %select_n3A_1388 = arith.select %eq3A_1383, %broadcast_in_dim3A_1386, %broadcast_in_dim3A_1387 : vector<16xi1>, vector<16xf32>
      %swap3A_1389 = arith.constant 0 : i32
      %swap3A_1390 = arith.index_cast %swap3A_1389 : i32 to index
      %swap3A_1391 = arith.constant 48 : index
      %swap3A_1392 = tpu.vector_load %arg9[%swap3A_1390, %swap3A_1391] {strides = array<i32>} : memref<16x128xf32, #tpu.memory_space<vmem>>, vector<1x16xf32>,
      %swap3A_1393 = vector.shape_cast %swap3A_1392 : vector<1x16xf32> to vector<16xf32>
      %swap3A_1394 = vector.shape_cast %select_n3A_1388 : vector<16xf32> to vector<1x16xf32>
      tpu.vector_store %arg9[%swap3A_1390, %swap3A_1391], %swap3A_1394 {strides = array<i32>} : memref<16x128xf32, #tpu.memory_space<vmem>>, vector<1x16xf32>,
      %eq3A_1395 = arith.constant 1 : i32
      %eq3A_1396 = vector.broadcast %eq3A_1395 : i32 to vector<16xi32>
      %eq3A_1397 = arith.cmpi eq, %get3A_1363, %eq3A_1396 : vector<16xi32>
      %jit3A_1398 = arith.constant 1.000000e+00 : f32
      %jit3A_1399 = arith.constant 0.000000e+00 : f32
      %broadcast_in_dim3A_1400 = vector.broadcast %jit3A_1398 : f32 to vector<16xf32>
      %broadcast_in_dim3A_1401 = vector.broadcast %jit3A_1399 : f32 to vector<16xf32>
      %select_n3A_1402 = arith.select %eq3A_1397, %broadcast_in_dim3A_1400, %broadcast_in_dim3A_1401 : vector<16xi1>, vector<16xf32>
      %swap3A_1403 = arith.constant 1 : i32
      %swap3A_1404 = arith.index_cast %swap3A_1403 : i32 to index
      %swap3A_1405 = arith.constant 48 : index
      %swap3A_1406 = tpu.vector_load %arg8[%swap3A_1404, %swap3A_1405] {strides = array<i32>} : memref<16x128xf32, #tpu.memory_space<vmem>>, vector<1x16xf32>,
      %swap3A_1407 = vector.shape_cast %swap3A_1406 : vector<1x16xf32> to vector<16xf32>
      %swap3A_1408 = vector.shape_cast %select_n3A_1402 : vector<16xf32> to vector<1x16xf32>
      tpu.vector_store %arg8[%swap3A_1404, %swap3A_1405], %swap3A_1408 {strides = array<i32>} : memref<16x128xf32, #tpu.memory_space<vmem>>, vector<1x16xf32>,
      %eq3A_1409 = arith.constant 1 : i32
      %eq3A_1410 = vector.broadcast %eq3A_1409 : i32 to vector<16xi32>
      %eq3A_1411 = arith.cmpi eq, %get3A_1366, %eq3A_1410 : vector<16xi32>
      %jit3A_1412 = arith.constant 1.000000e+00 : f32
      %jit3A_1413 = arith.constant 0.000000e+00 : f32
      %broadcast_in_dim3A_1414 = vector.broadcast %jit3A_1412 : f32 to vector<16xf32>
      %broadcast_in_dim3A_1415 = vector.broadcast %jit3A_1413 : f32 to vector<16xf32>
      %select_n3A_1416 = arith.select %eq3A_1411, %broadcast_in_dim3A_1414, %broadcast_in_dim3A_1415 : vector<16xi1>, vector<16xf32>
      %swap3A_1417 = arith.constant 1 : i32
      %swap3A_1418 = arith.index_cast %swap3A_1417 : i32 to index
      %swap3A_1419 = arith.constant 48 : index
      %swap3A_1420 = tpu.vector_load %arg9[%swap3A_1418, %swap3A_1419] {strides = array<i32>} : memref<16x128xf32, #tpu.memory_space<vmem>>, vector<1x16xf32>,
      %swap3A_1421 = vector.shape_cast %swap3A_1420 : vector<1x16xf32> to vector<16xf32>
      %swap3A_1422 = vector.shape_cast %select_n3A_1416 : vector<16xf32> to vector<1x16xf32>
      tpu.vector_store %arg9[%swap3A_1418, %swap3A_1419], %swap3A_1422 {strides = array<i32>} : memref<16x128xf32, #tpu.memory_space<vmem>>, vector<1x16xf32>,
      %eq3A_1423 = arith.constant 2 : i32
      %eq3A_1424 = vector.broadcast %eq3A_1423 : i32 to vector<16xi32>
      %eq3A_1425 = arith.cmpi eq, %get3A_1363, %eq3A_1424 : vector<16xi32>
      %jit3A_1426 = arith.constant 1.000000e+00 : f32
      %jit3A_1427 = arith.constant 0.000000e+00 : f32
      %broadcast_in_dim3A_1428 = vector.broadcast %jit3A_1426 : f32 to vector<16xf32>
      %broadcast_in_dim3A_1429 = vector.broadcast %jit3A_1427 : f32 to vector<16xf32>
      %select_n3A_1430 = arith.select %eq3A_1425, %broadcast_in_dim3A_1428, %broadcast_in_dim3A_1429 : vector<16xi1>, vector<16xf32>
      %swap3A_1431 = arith.constant 2 : i32
      %swap3A_1432 = arith.index_cast %swap3A_1431 : i32 to index
      %swap3A_1433 = arith.constant 48 : index
      %swap3A_1434 = tpu.vector_load %arg8[%swap3A_1432, %swap3A_1433] {strides = array<i32>} : memref<16x128xf32, #tpu.memory_space<vmem>>, vector<1x16xf32>,
      %swap3A_1435 = vector.shape_cast %swap3A_1434 : vector<1x16xf32> to vector<16xf32>
      %swap3A_1436 = vector.shape_cast %select_n3A_1430 : vector<16xf32> to vector<1x16xf32>
      tpu.vector_store %arg8[%swap3A_1432, %swap3A_1433], %swap3A_1436 {strides = array<i32>} : memref<16x128xf32, #tpu.memory_space<vmem>>, vector<1x16xf32>,
      %eq3A_1437 = arith.constant 2 : i32
      %eq3A_1438 = vector.broadcast %eq3A_1437 : i32 to vector<16xi32>
      %eq3A_1439 = arith.cmpi eq, %get3A_1366, %eq3A_1438 : vector<16xi32>
      %jit3A_1440 = arith.constant 1.000000e+00 : f32
      %jit3A_1441 = arith.constant 0.000000e+00 : f32
      %broadcast_in_dim3A_1442 = vector.broadcast %jit3A_1440 : f32 to vector<16xf32>
      %broadcast_in_dim3A_1443 = vector.broadcast %jit3A_1441 : f32 to vector<16xf32>
      %select_n3A_1444 = arith.select %eq3A_1439, %broadcast_in_dim3A_1442, %broadcast_in_dim3A_1443 : vector<16xi1>, vector<16xf32>
      %swap3A_1445 = arith.constant 2 : i32
      %swap3A_1446 = arith.index_cast %swap3A_1445 : i32 to index
      %swap3A_1447 = arith.constant 48 : index
      %swap3A_1448 = tpu.vector_load %arg9[%swap3A_1446, %swap3A_1447] {strides = array<i32>} : memref<16x128xf32, #tpu.memory_space<vmem>>, vector<1x16xf32>,
      %swap3A_1449 = vector.shape_cast %swap3A_1448 : vector<1x16xf32> to vector<16xf32>
      %swap3A_1450 = vector.shape_cast %select_n3A_1444 : vector<16xf32> to vector<1x16xf32>
      tpu.vector_store %arg9[%swap3A_1446, %swap3A_1447], %swap3A_1450 {strides = array<i32>} : memref<16x128xf32, #tpu.memory_space<vmem>>, vector<1x16xf32>,
      %eq3A_1451 = arith.constant 3 : i32
      %eq3A_1452 = vector.broadcast %eq3A_1451 : i32 to vector<16xi32>
      %eq3A_1453 = arith.cmpi eq, %get3A_1363, %eq3A_1452 : vector<16xi32>
      %jit3A_1454 = arith.constant 1.000000e+00 : f32
      %jit3A_1455 = arith.constant 0.000000e+00 : f32
      %broadcast_in_dim3A_1456 = vector.broadcast %jit3A_1454 : f32 to vector<16xf32>
      %broadcast_in_dim3A_1457 = vector.broadcast %jit3A_1455 : f32 to vector<16xf32>
      %select_n3A_1458 = arith.select %eq3A_1453, %broadcast_in_dim3A_1456, %broadcast_in_dim3A_1457 : vector<16xi1>, vector<16xf32>
      %swap3A_1459 = arith.constant 3 : i32
      %swap3A_1460 = arith.index_cast %swap3A_1459 : i32 to index
      %swap3A_1461 = arith.constant 48 : index
      %swap3A_1462 = tpu.vector_load %arg8[%swap3A_1460, %swap3A_1461] {strides = array<i32>} : memref<16x128xf32, #tpu.memory_space<vmem>>, vector<1x16xf32>,
      %swap3A_1463 = vector.shape_cast %swap3A_1462 : vector<1x16xf32> to vector<16xf32>
      %swap3A_1464 = vector.shape_cast %select_n3A_1458 : vector<16xf32> to vector<1x16xf32>
      tpu.vector_store %arg8[%swap3A_1460, %swap3A_1461], %swap3A_1464 {strides = array<i32>} : memref<16x128xf32, #tpu.memory_space<vmem>>, vector<1x16xf32>,
      %eq3A_1465 = arith.constant 3 : i32
      %eq3A_1466 = vector.broadcast %eq3A_1465 : i32 to vector<16xi32>
      %eq3A_1467 = arith.cmpi eq, %get3A_1366, %eq3A_1466 : vector<16xi32>
      %jit3A_1468 = arith.constant 1.000000e+00 : f32
      %jit3A_1469 = arith.constant 0.000000e+00 : f32
      %broadcast_in_dim3A_1470 = vector.broadcast %jit3A_1468 : f32 to vector<16xf32>
      %broadcast_in_dim3A_1471 = vector.broadcast %jit3A_1469 : f32 to vector<16xf32>
      %select_n3A_1472 = arith.select %eq3A_1467, %broadcast_in_dim3A_1470, %broadcast_in_dim3A_1471 : vector<16xi1>, vector<16xf32>
      %swap3A_1473 = arith.constant 3 : i32
      %swap3A_1474 = arith.index_cast %swap3A_1473 : i32 to index
      %swap3A_1475 = arith.constant 48 : index
      %swap3A_1476 = tpu.vector_load %arg9[%swap3A_1474, %swap3A_1475] {strides = array<i32>} : memref<16x128xf32, #tpu.memory_space<vmem>>, vector<1x16xf32>,
      %swap3A_1477 = vector.shape_cast %swap3A_1476 : vector<1x16xf32> to vector<16xf32>
      %swap3A_1478 = vector.shape_cast %select_n3A_1472 : vector<16xf32> to vector<1x16xf32>
      tpu.vector_store %arg9[%swap3A_1474, %swap3A_1475], %swap3A_1478 {strides = array<i32>} : memref<16x128xf32, #tpu.memory_space<vmem>>, vector<1x16xf32>,
      %eq3A_1479 = arith.constant 4 : i32
      %eq3A_1480 = vector.broadcast %eq3A_1479 : i32 to vector<16xi32>
      %eq3A_1481 = arith.cmpi eq, %get3A_1363, %eq3A_1480 : vector<16xi32>
      %jit3A_1482 = arith.constant 1.000000e+00 : f32
      %jit3A_1483 = arith.constant 0.000000e+00 : f32
      %broadcast_in_dim3A_1484 = vector.broadcast %jit3A_1482 : f32 to vector<16xf32>
      %broadcast_in_dim3A_1485 = vector.broadcast %jit3A_1483 : f32 to vector<16xf32>
      %select_n3A_1486 = arith.select %eq3A_1481, %broadcast_in_dim3A_1484, %broadcast_in_dim3A_1485 : vector<16xi1>, vector<16xf32>
      %swap3A_1487 = arith.constant 4 : i32
      %swap3A_1488 = arith.index_cast %swap3A_1487 : i32 to index
      %swap3A_1489 = arith.constant 48 : index
      %swap3A_1490 = tpu.vector_load %arg8[%swap3A_1488, %swap3A_1489] {strides = array<i32>} : memref<16x128xf32, #tpu.memory_space<vmem>>, vector<1x16xf32>,
      %swap3A_1491 = vector.shape_cast %swap3A_1490 : vector<1x16xf32> to vector<16xf32>
      %swap3A_1492 = vector.shape_cast %select_n3A_1486 : vector<16xf32> to vector<1x16xf32>
      tpu.vector_store %arg8[%swap3A_1488, %swap3A_1489], %swap3A_1492 {strides = array<i32>} : memref<16x128xf32, #tpu.memory_space<vmem>>, vector<1x16xf32>,
      %eq3A_1493 = arith.constant 4 : i32
      %eq3A_1494 = vector.broadcast %eq3A_1493 : i32 to vector<16xi32>
      %eq3A_1495 = arith.cmpi eq, %get3A_1366, %eq3A_1494 : vector<16xi32>
      %jit3A_1496 = arith.constant 1.000000e+00 : f32
      %jit3A_1497 = arith.constant 0.000000e+00 : f32
      %broadcast_in_dim3A_1498 = vector.broadcast %jit3A_1496 : f32 to vector<16xf32>
      %broadcast_in_dim3A_1499 = vector.broadcast %jit3A_1497 : f32 to vector<16xf32>
      %select_n3A_1500 = arith.select %eq3A_1495, %broadcast_in_dim3A_1498, %broadcast_in_dim3A_1499 : vector<16xi1>, vector<16xf32>
      %swap3A_1501 = arith.constant 4 : i32
      %swap3A_1502 = arith.index_cast %swap3A_1501 : i32 to index
      %swap3A_1503 = arith.constant 48 : index
      %swap3A_1504 = tpu.vector_load %arg9[%swap3A_1502, %swap3A_1503] {strides = array<i32>} : memref<16x128xf32, #tpu.memory_space<vmem>>, vector<1x16xf32>,
      %swap3A_1505 = vector.shape_cast %swap3A_1504 : vector<1x16xf32> to vector<16xf32>
      %swap3A_1506 = vector.shape_cast %select_n3A_1500 : vector<16xf32> to vector<1x16xf32>
      tpu.vector_store %arg9[%swap3A_1502, %swap3A_1503], %swap3A_1506 {strides = array<i32>} : memref<16x128xf32, #tpu.memory_space<vmem>>, vector<1x16xf32>,
      %eq3A_1507 = arith.constant 5 : i32
      %eq3A_1508 = vector.broadcast %eq3A_1507 : i32 to vector<16xi32>
      %eq3A_1509 = arith.cmpi eq, %get3A_1363, %eq3A_1508 : vector<16xi32>
      %jit3A_1510 = arith.constant 1.000000e+00 : f32
      %jit3A_1511 = arith.constant 0.000000e+00 : f32
      %broadcast_in_dim3A_1512 = vector.broadcast %jit3A_1510 : f32 to vector<16xf32>
      %broadcast_in_dim3A_1513 = vector.broadcast %jit3A_1511 : f32 to vector<16xf32>
      %select_n3A_1514 = arith.select %eq3A_1509, %broadcast_in_dim3A_1512, %broadcast_in_dim3A_1513 : vector<16xi1>, vector<16xf32>
      %swap3A_1515 = arith.constant 5 : i32
      %swap3A_1516 = arith.index_cast %swap3A_1515 : i32 to index
      %swap3A_1517 = arith.constant 48 : index
      %swap3A_1518 = tpu.vector_load %arg8[%swap3A_1516, %swap3A_1517] {strides = array<i32>} : memref<16x128xf32, #tpu.memory_space<vmem>>, vector<1x16xf32>,
      %swap3A_1519 = vector.shape_cast %swap3A_1518 : vector<1x16xf32> to vector<16xf32>
      %swap3A_1520 = vector.shape_cast %select_n3A_1514 : vector<16xf32> to vector<1x16xf32>
      tpu.vector_store %arg8[%swap3A_1516, %swap3A_1517], %swap3A_1520 {strides = array<i32>} : memref<16x128xf32, #tpu.memory_space<vmem>>, vector<1x16xf32>,
      %eq3A_1521 = arith.constant 5 : i32
      %eq3A_1522 = vector.broadcast %eq3A_1521 : i32 to vector<16xi32>
      %eq3A_1523 = arith.cmpi eq, %get3A_1366, %eq3A_1522 : vector<16xi32>
      %jit3A_1524 = arith.constant 1.000000e+00 : f32
      %jit3A_1525 = arith.constant 0.000000e+00 : f32
      %broadcast_in_dim3A_1526 = vector.broadcast %jit3A_1524 : f32 to vector<16xf32>
      %broadcast_in_dim3A_1527 = vector.broadcast %jit3A_1525 : f32 to vector<16xf32>
      %select_n3A_1528 = arith.select %eq3A_1523, %broadcast_in_dim3A_1526, %broadcast_in_dim3A_1527 : vector<16xi1>, vector<16xf32>
      %swap3A_1529 = arith.constant 5 : i32
      %swap3A_1530 = arith.index_cast %swap3A_1529 : i32 to index
      %swap3A_1531 = arith.constant 48 : index
      %swap3A_1532 = tpu.vector_load %arg9[%swap3A_1530, %swap3A_1531] {strides = array<i32>} : memref<16x128xf32, #tpu.memory_space<vmem>>, vector<1x16xf32>,
      %swap3A_1533 = vector.shape_cast %swap3A_1532 : vector<1x16xf32> to vector<16xf32>
      %swap3A_1534 = vector.shape_cast %select_n3A_1528 : vector<16xf32> to vector<1x16xf32>
      tpu.vector_store %arg9[%swap3A_1530, %swap3A_1531], %swap3A_1534 {strides = array<i32>} : memref<16x128xf32, #tpu.memory_space<vmem>>, vector<1x16xf32>,
      %eq3A_1535 = arith.constant 6 : i32
      %eq3A_1536 = vector.broadcast %eq3A_1535 : i32 to vector<16xi32>
      %eq3A_1537 = arith.cmpi eq, %get3A_1363, %eq3A_1536 : vector<16xi32>
      %jit3A_1538 = arith.constant 1.000000e+00 : f32
      %jit3A_1539 = arith.constant 0.000000e+00 : f32
      %broadcast_in_dim3A_1540 = vector.broadcast %jit3A_1538 : f32 to vector<16xf32>
      %broadcast_in_dim3A_1541 = vector.broadcast %jit3A_1539 : f32 to vector<16xf32>
      %select_n3A_1542 = arith.select %eq3A_1537, %broadcast_in_dim3A_1540, %broadcast_in_dim3A_1541 : vector<16xi1>, vector<16xf32>
      %swap3A_1543 = arith.constant 6 : i32
      %swap3A_1544 = arith.index_cast %swap3A_1543 : i32 to index
      %swap3A_1545 = arith.constant 48 : index
      %swap3A_1546 = tpu.vector_load %arg8[%swap3A_1544, %swap3A_1545] {strides = array<i32>} : memref<16x128xf32, #tpu.memory_space<vmem>>, vector<1x16xf32>,
      %swap3A_1547 = vector.shape_cast %swap3A_1546 : vector<1x16xf32> to vector<16xf32>
      %swap3A_1548 = vector.shape_cast %select_n3A_1542 : vector<16xf32> to vector<1x16xf32>
      tpu.vector_store %arg8[%swap3A_1544, %swap3A_1545], %swap3A_1548 {strides = array<i32>} : memref<16x128xf32, #tpu.memory_space<vmem>>, vector<1x16xf32>,
      %eq3A_1549 = arith.constant 6 : i32
      %eq3A_1550 = vector.broadcast %eq3A_1549 : i32 to vector<16xi32>
      %eq3A_1551 = arith.cmpi eq, %get3A_1366, %eq3A_1550 : vector<16xi32>
      %jit3A_1552 = arith.constant 1.000000e+00 : f32
      %jit3A_1553 = arith.constant 0.000000e+00 : f32
      %broadcast_in_dim3A_1554 = vector.broadcast %jit3A_1552 : f32 to vector<16xf32>
      %broadcast_in_dim3A_1555 = vector.broadcast %jit3A_1553 : f32 to vector<16xf32>
      %select_n3A_1556 = arith.select %eq3A_1551, %broadcast_in_dim3A_1554, %broadcast_in_dim3A_1555 : vector<16xi1>, vector<16xf32>
      %swap3A_1557 = arith.constant 6 : i32
      %swap3A_1558 = arith.index_cast %swap3A_1557 : i32 to index
      %swap3A_1559 = arith.constant 48 : index
      %swap3A_1560 = tpu.vector_load %arg9[%swap3A_1558, %swap3A_1559] {strides = array<i32>} : memref<16x128xf32, #tpu.memory_space<vmem>>, vector<1x16xf32>,
      %swap3A_1561 = vector.shape_cast %swap3A_1560 : vector<1x16xf32> to vector<16xf32>
      %swap3A_1562 = vector.shape_cast %select_n3A_1556 : vector<16xf32> to vector<1x16xf32>
      tpu.vector_store %arg9[%swap3A_1558, %swap3A_1559], %swap3A_1562 {strides = array<i32>} : memref<16x128xf32, #tpu.memory_space<vmem>>, vector<1x16xf32>,
      %eq3A_1563 = arith.constant 7 : i32
      %eq3A_1564 = vector.broadcast %eq3A_1563 : i32 to vector<16xi32>
      %eq3A_1565 = arith.cmpi eq, %get3A_1363, %eq3A_1564 : vector<16xi32>
      %jit3A_1566 = arith.constant 1.000000e+00 : f32
      %jit3A_1567 = arith.constant 0.000000e+00 : f32
      %broadcast_in_dim3A_1568 = vector.broadcast %jit3A_1566 : f32 to vector<16xf32>
      %broadcast_in_dim3A_1569 = vector.broadcast %jit3A_1567 : f32 to vector<16xf32>
      %select_n3A_1570 = arith.select %eq3A_1565, %broadcast_in_dim3A_1568, %broadcast_in_dim3A_1569 : vector<16xi1>, vector<16xf32>
      %swap3A_1571 = arith.constant 7 : i32
      %swap3A_1572 = arith.index_cast %swap3A_1571 : i32 to index
      %swap3A_1573 = arith.constant 48 : index
      %swap3A_1574 = tpu.vector_load %arg8[%swap3A_1572, %swap3A_1573] {strides = array<i32>} : memref<16x128xf32, #tpu.memory_space<vmem>>, vector<1x16xf32>,
      %swap3A_1575 = vector.shape_cast %swap3A_1574 : vector<1x16xf32> to vector<16xf32>
      %swap3A_1576 = vector.shape_cast %select_n3A_1570 : vector<16xf32> to vector<1x16xf32>
      tpu.vector_store %arg8[%swap3A_1572, %swap3A_1573], %swap3A_1576 {strides = array<i32>} : memref<16x128xf32, #tpu.memory_space<vmem>>, vector<1x16xf32>,
      %eq3A_1577 = arith.constant 7 : i32
      %eq3A_1578 = vector.broadcast %eq3A_1577 : i32 to vector<16xi32>
      %eq3A_1579 = arith.cmpi eq, %get3A_1366, %eq3A_1578 : vector<16xi32>
      %jit3A_1580 = arith.constant 1.000000e+00 : f32
      %jit3A_1581 = arith.constant 0.000000e+00 : f32
      %broadcast_in_dim3A_1582 = vector.broadcast %jit3A_1580 : f32 to vector<16xf32>
      %broadcast_in_dim3A_1583 = vector.broadcast %jit3A_1581 : f32 to vector<16xf32>
      %select_n3A_1584 = arith.select %eq3A_1579, %broadcast_in_dim3A_1582, %broadcast_in_dim3A_1583 : vector<16xi1>, vector<16xf32>
      %swap3A_1585 = arith.constant 7 : i32
      %swap3A_1586 = arith.index_cast %swap3A_1585 : i32 to index
      %swap3A_1587 = arith.constant 48 : index
      %swap3A_1588 = tpu.vector_load %arg9[%swap3A_1586, %swap3A_1587] {strides = array<i32>} : memref<16x128xf32, #tpu.memory_space<vmem>>, vector<1x16xf32>,
      %swap3A_1589 = vector.shape_cast %swap3A_1588 : vector<1x16xf32> to vector<16xf32>
      %swap3A_1590 = vector.shape_cast %select_n3A_1584 : vector<16xf32> to vector<1x16xf32>
      tpu.vector_store %arg9[%swap3A_1586, %swap3A_1587], %swap3A_1590 {strides = array<i32>} : memref<16x128xf32, #tpu.memory_space<vmem>>, vector<1x16xf32>,
      %eq3A_1591 = arith.constant 8 : i32
      %eq3A_1592 = vector.broadcast %eq3A_1591 : i32 to vector<16xi32>
      %eq3A_1593 = arith.cmpi eq, %get3A_1363, %eq3A_1592 : vector<16xi32>
      %jit3A_1594 = arith.constant 1.000000e+00 : f32
      %jit3A_1595 = arith.constant 0.000000e+00 : f32
      %broadcast_in_dim3A_1596 = vector.broadcast %jit3A_1594 : f32 to vector<16xf32>
      %broadcast_in_dim3A_1597 = vector.broadcast %jit3A_1595 : f32 to vector<16xf32>
      %select_n3A_1598 = arith.select %eq3A_1593, %broadcast_in_dim3A_1596, %broadcast_in_dim3A_1597 : vector<16xi1>, vector<16xf32>
      %swap3A_1599 = arith.constant 8 : i32
      %swap3A_1600 = arith.index_cast %swap3A_1599 : i32 to index
      %swap3A_1601 = arith.constant 48 : index
      %swap3A_1602 = tpu.vector_load %arg8[%swap3A_1600, %swap3A_1601] {strides = array<i32>} : memref<16x128xf32, #tpu.memory_space<vmem>>, vector<1x16xf32>,
      %swap3A_1603 = vector.shape_cast %swap3A_1602 : vector<1x16xf32> to vector<16xf32>
      %swap3A_1604 = vector.shape_cast %select_n3A_1598 : vector<16xf32> to vector<1x16xf32>
      tpu.vector_store %arg8[%swap3A_1600, %swap3A_1601], %swap3A_1604 {strides = array<i32>} : memref<16x128xf32, #tpu.memory_space<vmem>>, vector<1x16xf32>,
      %eq3A_1605 = arith.constant 8 : i32
      %eq3A_1606 = vector.broadcast %eq3A_1605 : i32 to vector<16xi32>
      %eq3A_1607 = arith.cmpi eq, %get3A_1366, %eq3A_1606 : vector<16xi32>
      %jit3A_1608 = arith.constant 1.000000e+00 : f32
      %jit3A_1609 = arith.constant 0.000000e+00 : f32
      %broadcast_in_dim3A_1610 = vector.broadcast %jit3A_1608 : f32 to vector<16xf32>
      %broadcast_in_dim3A_1611 = vector.broadcast %jit3A_1609 : f32 to vector<16xf32>
      %select_n3A_1612 = arith.select %eq3A_1607, %broadcast_in_dim3A_1610, %broadcast_in_dim3A_1611 : vector<16xi1>, vector<16xf32>
      %swap3A_1613 = arith.constant 8 : i32
      %swap3A_1614 = arith.index_cast %swap3A_1613 : i32 to index
      %swap3A_1615 = arith.constant 48 : index
      %swap3A_1616 = tpu.vector_load %arg9[%swap3A_1614, %swap3A_1615] {strides = array<i32>} : memref<16x128xf32, #tpu.memory_space<vmem>>, vector<1x16xf32>,
      %swap3A_1617 = vector.shape_cast %swap3A_1616 : vector<1x16xf32> to vector<16xf32>
      %swap3A_1618 = vector.shape_cast %select_n3A_1612 : vector<16xf32> to vector<1x16xf32>
      tpu.vector_store %arg9[%swap3A_1614, %swap3A_1615], %swap3A_1618 {strides = array<i32>} : memref<16x128xf32, #tpu.memory_space<vmem>>, vector<1x16xf32>,
      %eq3A_1619 = arith.constant 9 : i32
      %eq3A_1620 = vector.broadcast %eq3A_1619 : i32 to vector<16xi32>
      %eq3A_1621 = arith.cmpi eq, %get3A_1363, %eq3A_1620 : vector<16xi32>
      %jit3A_1622 = arith.constant 1.000000e+00 : f32
      %jit3A_1623 = arith.constant 0.000000e+00 : f32
      %broadcast_in_dim3A_1624 = vector.broadcast %jit3A_1622 : f32 to vector<16xf32>
      %broadcast_in_dim3A_1625 = vector.broadcast %jit3A_1623 : f32 to vector<16xf32>
      %select_n3A_1626 = arith.select %eq3A_1621, %broadcast_in_dim3A_1624, %broadcast_in_dim3A_1625 : vector<16xi1>, vector<16xf32>
      %swap3A_1627 = arith.constant 9 : i32
      %swap3A_1628 = arith.index_cast %swap3A_1627 : i32 to index
      %swap3A_1629 = arith.constant 48 : index
      %swap3A_1630 = tpu.vector_load %arg8[%swap3A_1628, %swap3A_1629] {strides = array<i32>} : memref<16x128xf32, #tpu.memory_space<vmem>>, vector<1x16xf32>,
      %swap3A_1631 = vector.shape_cast %swap3A_1630 : vector<1x16xf32> to vector<16xf32>
      %swap3A_1632 = vector.shape_cast %select_n3A_1626 : vector<16xf32> to vector<1x16xf32>
      tpu.vector_store %arg8[%swap3A_1628, %swap3A_1629], %swap3A_1632 {strides = array<i32>} : memref<16x128xf32, #tpu.memory_space<vmem>>, vector<1x16xf32>,
      %eq3A_1633 = arith.constant 9 : i32
      %eq3A_1634 = vector.broadcast %eq3A_1633 : i32 to vector<16xi32>
      %eq3A_1635 = arith.cmpi eq, %get3A_1366, %eq3A_1634 : vector<16xi32>
      %jit3A_1636 = arith.constant 1.000000e+00 : f32
      %jit3A_1637 = arith.constant 0.000000e+00 : f32
      %broadcast_in_dim3A_1638 = vector.broadcast %jit3A_1636 : f32 to vector<16xf32>
      %broadcast_in_dim3A_1639 = vector.broadcast %jit3A_1637 : f32 to vector<16xf32>
      %select_n3A_1640 = arith.select %eq3A_1635, %broadcast_in_dim3A_1638, %broadcast_in_dim3A_1639 : vector<16xi1>, vector<16xf32>
      %swap3A_1641 = arith.constant 9 : i32
      %swap3A_1642 = arith.index_cast %swap3A_1641 : i32 to index
      %swap3A_1643 = arith.constant 48 : index
      %swap3A_1644 = tpu.vector_load %arg9[%swap3A_1642, %swap3A_1643] {strides = array<i32>} : memref<16x128xf32, #tpu.memory_space<vmem>>, vector<1x16xf32>,
      %swap3A_1645 = vector.shape_cast %swap3A_1644 : vector<1x16xf32> to vector<16xf32>
      %swap3A_1646 = vector.shape_cast %select_n3A_1640 : vector<16xf32> to vector<1x16xf32>
      tpu.vector_store %arg9[%swap3A_1642, %swap3A_1643], %swap3A_1646 {strides = array<i32>} : memref<16x128xf32, #tpu.memory_space<vmem>>, vector<1x16xf32>,
      %eq3A_1647 = arith.constant 10 : i32
      %eq3A_1648 = vector.broadcast %eq3A_1647 : i32 to vector<16xi32>
      %eq3A_1649 = arith.cmpi eq, %get3A_1363, %eq3A_1648 : vector<16xi32>
      %jit3A_1650 = arith.constant 1.000000e+00 : f32
      %jit3A_1651 = arith.constant 0.000000e+00 : f32
      %broadcast_in_dim3A_1652 = vector.broadcast %jit3A_1650 : f32 to vector<16xf32>
      %broadcast_in_dim3A_1653 = vector.broadcast %jit3A_1651 : f32 to vector<16xf32>
      %select_n3A_1654 = arith.select %eq3A_1649, %broadcast_in_dim3A_1652, %broadcast_in_dim3A_1653 : vector<16xi1>, vector<16xf32>
      %swap3A_1655 = arith.constant 10 : i32
      %swap3A_1656 = arith.index_cast %swap3A_1655 : i32 to index
      %swap3A_1657 = arith.constant 48 : index
      %swap3A_1658 = tpu.vector_load %arg8[%swap3A_1656, %swap3A_1657] {strides = array<i32>} : memref<16x128xf32, #tpu.memory_space<vmem>>, vector<1x16xf32>,
      %swap3A_1659 = vector.shape_cast %swap3A_1658 : vector<1x16xf32> to vector<16xf32>
      %swap3A_1660 = vector.shape_cast %select_n3A_1654 : vector<16xf32> to vector<1x16xf32>
      tpu.vector_store %arg8[%swap3A_1656, %swap3A_1657], %swap3A_1660 {strides = array<i32>} : memref<16x128xf32, #tpu.memory_space<vmem>>, vector<1x16xf32>,
      %eq3A_1661 = arith.constant 10 : i32
      %eq3A_1662 = vector.broadcast %eq3A_1661 : i32 to vector<16xi32>
      %eq3A_1663 = arith.cmpi eq, %get3A_1366, %eq3A_1662 : vector<16xi32>
      %jit3A_1664 = arith.constant 1.000000e+00 : f32
      %jit3A_1665 = arith.constant 0.000000e+00 : f32
      %broadcast_in_dim3A_1666 = vector.broadcast %jit3A_1664 : f32 to vector<16xf32>
      %broadcast_in_dim3A_1667 = vector.broadcast %jit3A_1665 : f32 to vector<16xf32>
      %select_n3A_1668 = arith.select %eq3A_1663, %broadcast_in_dim3A_1666, %broadcast_in_dim3A_1667 : vector<16xi1>, vector<16xf32>
      %swap3A_1669 = arith.constant 10 : i32
      %swap3A_1670 = arith.index_cast %swap3A_1669 : i32 to index
      %swap3A_1671 = arith.constant 48 : index
      %swap3A_1672 = tpu.vector_load %arg9[%swap3A_1670, %swap3A_1671] {strides = array<i32>} : memref<16x128xf32, #tpu.memory_space<vmem>>, vector<1x16xf32>,
      %swap3A_1673 = vector.shape_cast %swap3A_1672 : vector<1x16xf32> to vector<16xf32>
      %swap3A_1674 = vector.shape_cast %select_n3A_1668 : vector<16xf32> to vector<1x16xf32>
      tpu.vector_store %arg9[%swap3A_1670, %swap3A_1671], %swap3A_1674 {strides = array<i32>} : memref<16x128xf32, #tpu.memory_space<vmem>>, vector<1x16xf32>,
      %eq3A_1675 = arith.constant 11 : i32
      %eq3A_1676 = vector.broadcast %eq3A_1675 : i32 to vector<16xi32>
      %eq3A_1677 = arith.cmpi eq, %get3A_1363, %eq3A_1676 : vector<16xi32>
      %jit3A_1678 = arith.constant 1.000000e+00 : f32
      %jit3A_1679 = arith.constant 0.000000e+00 : f32
      %broadcast_in_dim3A_1680 = vector.broadcast %jit3A_1678 : f32 to vector<16xf32>
      %broadcast_in_dim3A_1681 = vector.broadcast %jit3A_1679 : f32 to vector<16xf32>
      %select_n3A_1682 = arith.select %eq3A_1677, %broadcast_in_dim3A_1680, %broadcast_in_dim3A_1681 : vector<16xi1>, vector<16xf32>
      %swap3A_1683 = arith.constant 11 : i32
      %swap3A_1684 = arith.index_cast %swap3A_1683 : i32 to index
      %swap3A_1685 = arith.constant 48 : index
      %swap3A_1686 = tpu.vector_load %arg8[%swap3A_1684, %swap3A_1685] {strides = array<i32>} : memref<16x128xf32, #tpu.memory_space<vmem>>, vector<1x16xf32>,
      %swap3A_1687 = vector.shape_cast %swap3A_1686 : vector<1x16xf32> to vector<16xf32>
      %swap3A_1688 = vector.shape_cast %select_n3A_1682 : vector<16xf32> to vector<1x16xf32>
      tpu.vector_store %arg8[%swap3A_1684, %swap3A_1685], %swap3A_1688 {strides = array<i32>} : memref<16x128xf32, #tpu.memory_space<vmem>>, vector<1x16xf32>,
      %eq3A_1689 = arith.constant 11 : i32
      %eq3A_1690 = vector.broadcast %eq3A_1689 : i32 to vector<16xi32>
      %eq3A_1691 = arith.cmpi eq, %get3A_1366, %eq3A_1690 : vector<16xi32>
      %jit3A_1692 = arith.constant 1.000000e+00 : f32
      %jit3A_1693 = arith.constant 0.000000e+00 : f32
      %broadcast_in_dim3A_1694 = vector.broadcast %jit3A_1692 : f32 to vector<16xf32>
      %broadcast_in_dim3A_1695 = vector.broadcast %jit3A_1693 : f32 to vector<16xf32>
      %select_n3A_1696 = arith.select %eq3A_1691, %broadcast_in_dim3A_1694, %broadcast_in_dim3A_1695 : vector<16xi1>, vector<16xf32>
      %swap3A_1697 = arith.constant 11 : i32
      %swap3A_1698 = arith.index_cast %swap3A_1697 : i32 to index
      %swap3A_1699 = arith.constant 48 : index
      %swap3A_1700 = tpu.vector_load %arg9[%swap3A_1698, %swap3A_1699] {strides = array<i32>} : memref<16x128xf32, #tpu.memory_space<vmem>>, vector<1x16xf32>,
      %swap3A_1701 = vector.shape_cast %swap3A_1700 : vector<1x16xf32> to vector<16xf32>
      %swap3A_1702 = vector.shape_cast %select_n3A_1696 : vector<16xf32> to vector<1x16xf32>
      tpu.vector_store %arg9[%swap3A_1698, %swap3A_1699], %swap3A_1702 {strides = array<i32>} : memref<16x128xf32, #tpu.memory_space<vmem>>, vector<1x16xf32>,
      %eq3A_1703 = arith.constant 12 : i32
      %eq3A_1704 = vector.broadcast %eq3A_1703 : i32 to vector<16xi32>
      %eq3A_1705 = arith.cmpi eq, %get3A_1363, %eq3A_1704 : vector<16xi32>
      %jit3A_1706 = arith.constant 1.000000e+00 : f32
      %jit3A_1707 = arith.constant 0.000000e+00 : f32
      %broadcast_in_dim3A_1708 = vector.broadcast %jit3A_1706 : f32 to vector<16xf32>
      %broadcast_in_dim3A_1709 = vector.broadcast %jit3A_1707 : f32 to vector<16xf32>
      %select_n3A_1710 = arith.select %eq3A_1705, %broadcast_in_dim3A_1708, %broadcast_in_dim3A_1709 : vector<16xi1>, vector<16xf32>
      %swap3A_1711 = arith.constant 12 : i32
      %swap3A_1712 = arith.index_cast %swap3A_1711 : i32 to index
      %swap3A_1713 = arith.constant 48 : index
      %swap3A_1714 = tpu.vector_load %arg8[%swap3A_1712, %swap3A_1713] {strides = array<i32>} : memref<16x128xf32, #tpu.memory_space<vmem>>, vector<1x16xf32>,
      %swap3A_1715 = vector.shape_cast %swap3A_1714 : vector<1x16xf32> to vector<16xf32>
      %swap3A_1716 = vector.shape_cast %select_n3A_1710 : vector<16xf32> to vector<1x16xf32>
      tpu.vector_store %arg8[%swap3A_1712, %swap3A_1713], %swap3A_1716 {strides = array<i32>} : memref<16x128xf32, #tpu.memory_space<vmem>>, vector<1x16xf32>,
      %eq3A_1717 = arith.constant 12 : i32
      %eq3A_1718 = vector.broadcast %eq3A_1717 : i32 to vector<16xi32>
      %eq3A_1719 = arith.cmpi eq, %get3A_1366, %eq3A_1718 : vector<16xi32>
      %jit3A_1720 = arith.constant 1.000000e+00 : f32
      %jit3A_1721 = arith.constant 0.000000e+00 : f32
      %broadcast_in_dim3A_1722 = vector.broadcast %jit3A_1720 : f32 to vector<16xf32>
      %broadcast_in_dim3A_1723 = vector.broadcast %jit3A_1721 : f32 to vector<16xf32>
      %select_n3A_1724 = arith.select %eq3A_1719, %broadcast_in_dim3A_1722, %broadcast_in_dim3A_1723 : vector<16xi1>, vector<16xf32>
      %swap3A_1725 = arith.constant 12 : i32
      %swap3A_1726 = arith.index_cast %swap3A_1725 : i32 to index
      %swap3A_1727 = arith.constant 48 : index
      %swap3A_1728 = tpu.vector_load %arg9[%swap3A_1726, %swap3A_1727] {strides = array<i32>} : memref<16x128xf32, #tpu.memory_space<vmem>>, vector<1x16xf32>,
      %swap3A_1729 = vector.shape_cast %swap3A_1728 : vector<1x16xf32> to vector<16xf32>
      %swap3A_1730 = vector.shape_cast %select_n3A_1724 : vector<16xf32> to vector<1x16xf32>
      tpu.vector_store %arg9[%swap3A_1726, %swap3A_1727], %swap3A_1730 {strides = array<i32>} : memref<16x128xf32, #tpu.memory_space<vmem>>, vector<1x16xf32>,
      %eq3A_1731 = arith.constant 13 : i32
      %eq3A_1732 = vector.broadcast %eq3A_1731 : i32 to vector<16xi32>
      %eq3A_1733 = arith.cmpi eq, %get3A_1363, %eq3A_1732 : vector<16xi32>
      %jit3A_1734 = arith.constant 1.000000e+00 : f32
      %jit3A_1735 = arith.constant 0.000000e+00 : f32
      %broadcast_in_dim3A_1736 = vector.broadcast %jit3A_1734 : f32 to vector<16xf32>
      %broadcast_in_dim3A_1737 = vector.broadcast %jit3A_1735 : f32 to vector<16xf32>
      %select_n3A_1738 = arith.select %eq3A_1733, %broadcast_in_dim3A_1736, %broadcast_in_dim3A_1737 : vector<16xi1>, vector<16xf32>
      %swap3A_1739 = arith.constant 13 : i32
      %swap3A_1740 = arith.index_cast %swap3A_1739 : i32 to index
      %swap3A_1741 = arith.constant 48 : index
      %swap3A_1742 = tpu.vector_load %arg8[%swap3A_1740, %swap3A_1741] {strides = array<i32>} : memref<16x128xf32, #tpu.memory_space<vmem>>, vector<1x16xf32>,
      %swap3A_1743 = vector.shape_cast %swap3A_1742 : vector<1x16xf32> to vector<16xf32>
      %swap3A_1744 = vector.shape_cast %select_n3A_1738 : vector<16xf32> to vector<1x16xf32>
      tpu.vector_store %arg8[%swap3A_1740, %swap3A_1741], %swap3A_1744 {strides = array<i32>} : memref<16x128xf32, #tpu.memory_space<vmem>>, vector<1x16xf32>,
      %eq3A_1745 = arith.constant 13 : i32
      %eq3A_1746 = vector.broadcast %eq3A_1745 : i32 to vector<16xi32>
      %eq3A_1747 = arith.cmpi eq, %get3A_1366, %eq3A_1746 : vector<16xi32>
      %jit3A_1748 = arith.constant 1.000000e+00 : f32
      %jit3A_1749 = arith.constant 0.000000e+00 : f32
      %broadcast_in_dim3A_1750 = vector.broadcast %jit3A_1748 : f32 to vector<16xf32>
      %broadcast_in_dim3A_1751 = vector.broadcast %jit3A_1749 : f32 to vector<16xf32>
      %select_n3A_1752 = arith.select %eq3A_1747, %broadcast_in_dim3A_1750, %broadcast_in_dim3A_1751 : vector<16xi1>, vector<16xf32>
      %swap3A_1753 = arith.constant 13 : i32
      %swap3A_1754 = arith.index_cast %swap3A_1753 : i32 to index
      %swap3A_1755 = arith.constant 48 : index
      %swap3A_1756 = tpu.vector_load %arg9[%swap3A_1754, %swap3A_1755] {strides = array<i32>} : memref<16x128xf32, #tpu.memory_space<vmem>>, vector<1x16xf32>,
      %swap3A_1757 = vector.shape_cast %swap3A_1756 : vector<1x16xf32> to vector<16xf32>
      %swap3A_1758 = vector.shape_cast %select_n3A_1752 : vector<16xf32> to vector<1x16xf32>
      tpu.vector_store %arg9[%swap3A_1754, %swap3A_1755], %swap3A_1758 {strides = array<i32>} : memref<16x128xf32, #tpu.memory_space<vmem>>, vector<1x16xf32>,
      %eq3A_1759 = arith.constant 14 : i32
      %eq3A_1760 = vector.broadcast %eq3A_1759 : i32 to vector<16xi32>
      %eq3A_1761 = arith.cmpi eq, %get3A_1363, %eq3A_1760 : vector<16xi32>
      %jit3A_1762 = arith.constant 1.000000e+00 : f32
      %jit3A_1763 = arith.constant 0.000000e+00 : f32
      %broadcast_in_dim3A_1764 = vector.broadcast %jit3A_1762 : f32 to vector<16xf32>
      %broadcast_in_dim3A_1765 = vector.broadcast %jit3A_1763 : f32 to vector<16xf32>
      %select_n3A_1766 = arith.select %eq3A_1761, %broadcast_in_dim3A_1764, %broadcast_in_dim3A_1765 : vector<16xi1>, vector<16xf32>
      %swap3A_1767 = arith.constant 14 : i32
      %swap3A_1768 = arith.index_cast %swap3A_1767 : i32 to index
      %swap3A_1769 = arith.constant 48 : index
      %swap3A_1770 = tpu.vector_load %arg8[%swap3A_1768, %swap3A_1769] {strides = array<i32>} : memref<16x128xf32, #tpu.memory_space<vmem>>, vector<1x16xf32>,
      %swap3A_1771 = vector.shape_cast %swap3A_1770 : vector<1x16xf32> to vector<16xf32>
      %swap3A_1772 = vector.shape_cast %select_n3A_1766 : vector<16xf32> to vector<1x16xf32>
      tpu.vector_store %arg8[%swap3A_1768, %swap3A_1769], %swap3A_1772 {strides = array<i32>} : memref<16x128xf32, #tpu.memory_space<vmem>>, vector<1x16xf32>,
      %eq3A_1773 = arith.constant 14 : i32
      %eq3A_1774 = vector.broadcast %eq3A_1773 : i32 to vector<16xi32>
      %eq3A_1775 = arith.cmpi eq, %get3A_1366, %eq3A_1774 : vector<16xi32>
      %jit3A_1776 = arith.constant 1.000000e+00 : f32
      %jit3A_1777 = arith.constant 0.000000e+00 : f32
      %broadcast_in_dim3A_1778 = vector.broadcast %jit3A_1776 : f32 to vector<16xf32>
      %broadcast_in_dim3A_1779 = vector.broadcast %jit3A_1777 : f32 to vector<16xf32>
      %select_n3A_1780 = arith.select %eq3A_1775, %broadcast_in_dim3A_1778, %broadcast_in_dim3A_1779 : vector<16xi1>, vector<16xf32>
      %swap3A_1781 = arith.constant 14 : i32
      %swap3A_1782 = arith.index_cast %swap3A_1781 : i32 to index
      %swap3A_1783 = arith.constant 48 : index
      %swap3A_1784 = tpu.vector_load %arg9[%swap3A_1782, %swap3A_1783] {strides = array<i32>} : memref<16x128xf32, #tpu.memory_space<vmem>>, vector<1x16xf32>,
      %swap3A_1785 = vector.shape_cast %swap3A_1784 : vector<1x16xf32> to vector<16xf32>
      %swap3A_1786 = vector.shape_cast %select_n3A_1780 : vector<16xf32> to vector<1x16xf32>
      tpu.vector_store %arg9[%swap3A_1782, %swap3A_1783], %swap3A_1786 {strides = array<i32>} : memref<16x128xf32, #tpu.memory_space<vmem>>, vector<1x16xf32>,
      %eq3A_1787 = arith.constant 15 : i32
      %eq3A_1788 = vector.broadcast %eq3A_1787 : i32 to vector<16xi32>
      %eq3A_1789 = arith.cmpi eq, %get3A_1363, %eq3A_1788 : vector<16xi32>
      %jit3A_1790 = arith.constant 1.000000e+00 : f32
      %jit3A_1791 = arith.constant 0.000000e+00 : f32
      %broadcast_in_dim3A_1792 = vector.broadcast %jit3A_1790 : f32 to vector<16xf32>
      %broadcast_in_dim3A_1793 = vector.broadcast %jit3A_1791 : f32 to vector<16xf32>
      %select_n3A_1794 = arith.select %eq3A_1789, %broadcast_in_dim3A_1792, %broadcast_in_dim3A_1793 : vector<16xi1>, vector<16xf32>
      %swap3A_1795 = arith.constant 15 : i32
      %swap3A_1796 = arith.index_cast %swap3A_1795 : i32 to index
      %swap3A_1797 = arith.constant 48 : index
      %swap3A_1798 = tpu.vector_load %arg8[%swap3A_1796, %swap3A_1797] {strides = array<i32>} : memref<16x128xf32, #tpu.memory_space<vmem>>, vector<1x16xf32>,
      %swap3A_1799 = vector.shape_cast %swap3A_1798 : vector<1x16xf32> to vector<16xf32>
      %swap3A_1800 = vector.shape_cast %select_n3A_1794 : vector<16xf32> to vector<1x16xf32>
      tpu.vector_store %arg8[%swap3A_1796, %swap3A_1797], %swap3A_1800 {strides = array<i32>} : memref<16x128xf32, #tpu.memory_space<vmem>>, vector<1x16xf32>,
      %eq3A_1801 = arith.constant 15 : i32
      %eq3A_1802 = vector.broadcast %eq3A_1801 : i32 to vector<16xi32>
      %eq3A_1803 = arith.cmpi eq, %get3A_1366, %eq3A_1802 : vector<16xi32>
      %jit3A_1804 = arith.constant 1.000000e+00 : f32
      %jit3A_1805 = arith.constant 0.000000e+00 : f32
      %broadcast_in_dim3A_1806 = vector.broadcast %jit3A_1804 : f32 to vector<16xf32>
      %broadcast_in_dim3A_1807 = vector.broadcast %jit3A_1805 : f32 to vector<16xf32>
      %select_n3A_1808 = arith.select %eq3A_1803, %broadcast_in_dim3A_1806, %broadcast_in_dim3A_1807 : vector<16xi1>, vector<16xf32>
      %swap3A_1809 = arith.constant 15 : i32
      %swap3A_1810 = arith.index_cast %swap3A_1809 : i32 to index
      %swap3A_1811 = arith.constant 48 : index
      %swap3A_1812 = tpu.vector_load %arg9[%swap3A_1810, %swap3A_1811] {strides = array<i32>} : memref<16x128xf32, #tpu.memory_space<vmem>>, vector<1x16xf32>,
      %swap3A_1813 = vector.shape_cast %swap3A_1812 : vector<1x16xf32> to vector<16xf32>
      %swap3A_1814 = vector.shape_cast %select_n3A_1808 : vector<16xf32> to vector<1x16xf32>
      tpu.vector_store %arg9[%swap3A_1810, %swap3A_1811], %swap3A_1814 {strides = array<i32>} : memref<16x128xf32, #tpu.memory_space<vmem>>, vector<1x16xf32>,
      %get3A_1815 = arith.constant 64 : index
      %get3A_1816 = tpu.vector_load %arg6[%get3A_1815] {strides = array<i32>} : memref<128xi32, #tpu.memory_space<vmem>>, vector<16xi32>,
      %get3A_1817 = vector.shape_cast %get3A_1816 : vector<16xi32> to vector<16xi32>
      %get3A_1818 = arith.constant 64 : index
      %get3A_1819 = tpu.vector_load %arg7[%get3A_1818] {strides = array<i32>} : memref<128xi32, #tpu.memory_space<vmem>>, vector<16xi32>,
      %get3A_1820 = vector.shape_cast %get3A_1819 : vector<16xi32> to vector<16xi32>
      %eq3A_1821 = arith.constant 0 : i32
      %eq3A_1822 = vector.broadcast %eq3A_1821 : i32 to vector<16xi32>
      %eq3A_1823 = arith.cmpi eq, %get3A_1817, %eq3A_1822 : vector<16xi32>
      %jit3A_1824 = arith.constant 1.000000e+00 : f32
      %jit3A_1825 = arith.constant 0.000000e+00 : f32
      %broadcast_in_dim3A_1826 = vector.broadcast %jit3A_1824 : f32 to vector<16xf32>
      %broadcast_in_dim3A_1827 = vector.broadcast %jit3A_1825 : f32 to vector<16xf32>
      %select_n3A_1828 = arith.select %eq3A_1823, %broadcast_in_dim3A_1826, %broadcast_in_dim3A_1827 : vector<16xi1>, vector<16xf32>
      %swap3A_1829 = arith.constant 0 : i32
      %swap3A_1830 = arith.index_cast %swap3A_1829 : i32 to index
      %swap3A_1831 = arith.constant 64 : index
      %swap3A_1832 = tpu.vector_load %arg8[%swap3A_1830, %swap3A_1831] {strides = array<i32>} : memref<16x128xf32, #tpu.memory_space<vmem>>, vector<1x16xf32>,
      %swap3A_1833 = vector.shape_cast %swap3A_1832 : vector<1x16xf32> to vector<16xf32>
      %swap3A_1834 = vector.shape_cast %select_n3A_1828 : vector<16xf32> to vector<1x16xf32>
      tpu.vector_store %arg8[%swap3A_1830, %swap3A_1831], %swap3A_1834 {strides = array<i32>} : memref<16x128xf32, #tpu.memory_space<vmem>>, vector<1x16xf32>,
      %eq3A_1835 = arith.constant 0 : i32
      %eq3A_1836 = vector.broadcast %eq3A_1835 : i32 to vector<16xi32>
      %eq3A_1837 = arith.cmpi eq, %get3A_1820, %eq3A_1836 : vector<16xi32>
      %jit3A_1838 = arith.constant 1.000000e+00 : f32
      %jit3A_1839 = arith.constant 0.000000e+00 : f32
      %broadcast_in_dim3A_1840 = vector.broadcast %jit3A_1838 : f32 to vector<16xf32>
      %broadcast_in_dim3A_1841 = vector.broadcast %jit3A_1839 : f32 to vector<16xf32>
      %select_n3A_1842 = arith.select %eq3A_1837, %broadcast_in_dim3A_1840, %broadcast_in_dim3A_1841 : vector<16xi1>, vector<16xf32>
      %swap3A_1843 = arith.constant 0 : i32
      %swap3A_1844 = arith.index_cast %swap3A_1843 : i32 to index
      %swap3A_1845 = arith.constant 64 : index
      %swap3A_1846 = tpu.vector_load %arg9[%swap3A_1844, %swap3A_1845] {strides = array<i32>} : memref<16x128xf32, #tpu.memory_space<vmem>>, vector<1x16xf32>,
      %swap3A_1847 = vector.shape_cast %swap3A_1846 : vector<1x16xf32> to vector<16xf32>
      %swap3A_1848 = vector.shape_cast %select_n3A_1842 : vector<16xf32> to vector<1x16xf32>
      tpu.vector_store %arg9[%swap3A_1844, %swap3A_1845], %swap3A_1848 {strides = array<i32>} : memref<16x128xf32, #tpu.memory_space<vmem>>, vector<1x16xf32>,
      %eq3A_1849 = arith.constant 1 : i32
      %eq3A_1850 = vector.broadcast %eq3A_1849 : i32 to vector<16xi32>
      %eq3A_1851 = arith.cmpi eq, %get3A_1817, %eq3A_1850 : vector<16xi32>
      %jit3A_1852 = arith.constant 1.000000e+00 : f32
      %jit3A_1853 = arith.constant 0.000000e+00 : f32
      %broadcast_in_dim3A_1854 = vector.broadcast %jit3A_1852 : f32 to vector<16xf32>
      %broadcast_in_dim3A_1855 = vector.broadcast %jit3A_1853 : f32 to vector<16xf32>
      %select_n3A_1856 = arith.select %eq3A_1851, %broadcast_in_dim3A_1854, %broadcast_in_dim3A_1855 : vector<16xi1>, vector<16xf32>
      %swap3A_1857 = arith.constant 1 : i32
      %swap3A_1858 = arith.index_cast %swap3A_1857 : i32 to index
      %swap3A_1859 = arith.constant 64 : index
      %swap3A_1860 = tpu.vector_load %arg8[%swap3A_1858, %swap3A_1859] {strides = array<i32>} : memref<16x128xf32, #tpu.memory_space<vmem>>, vector<1x16xf32>,
      %swap3A_1861 = vector.shape_cast %swap3A_1860 : vector<1x16xf32> to vector<16xf32>
      %swap3A_1862 = vector.shape_cast %select_n3A_1856 : vector<16xf32> to vector<1x16xf32>
      tpu.vector_store %arg8[%swap3A_1858, %swap3A_1859], %swap3A_1862 {strides = array<i32>} : memref<16x128xf32, #tpu.memory_space<vmem>>, vector<1x16xf32>,
      %eq3A_1863 = arith.constant 1 : i32
      %eq3A_1864 = vector.broadcast %eq3A_1863 : i32 to vector<16xi32>
      %eq3A_1865 = arith.cmpi eq, %get3A_1820, %eq3A_1864 : vector<16xi32>
      %jit3A_1866 = arith.constant 1.000000e+00 : f32
      %jit3A_1867 = arith.constant 0.000000e+00 : f32
      %broadcast_in_dim3A_1868 = vector.broadcast %jit3A_1866 : f32 to vector<16xf32>
      %broadcast_in_dim3A_1869 = vector.broadcast %jit3A_1867 : f32 to vector<16xf32>
      %select_n3A_1870 = arith.select %eq3A_1865, %broadcast_in_dim3A_1868, %broadcast_in_dim3A_1869 : vector<16xi1>, vector<16xf32>
      %swap3A_1871 = arith.constant 1 : i32
      %swap3A_1872 = arith.index_cast %swap3A_1871 : i32 to index
      %swap3A_1873 = arith.constant 64 : index
      %swap3A_1874 = tpu.vector_load %arg9[%swap3A_1872, %swap3A_1873] {strides = array<i32>} : memref<16x128xf32, #tpu.memory_space<vmem>>, vector<1x16xf32>,
      %swap3A_1875 = vector.shape_cast %swap3A_1874 : vector<1x16xf32> to vector<16xf32>
      %swap3A_1876 = vector.shape_cast %select_n3A_1870 : vector<16xf32> to vector<1x16xf32>
      tpu.vector_store %arg9[%swap3A_1872, %swap3A_1873], %swap3A_1876 {strides = array<i32>} : memref<16x128xf32, #tpu.memory_space<vmem>>, vector<1x16xf32>,
      %eq3A_1877 = arith.constant 2 : i32
      %eq3A_1878 = vector.broadcast %eq3A_1877 : i32 to vector<16xi32>
      %eq3A_1879 = arith.cmpi eq, %get3A_1817, %eq3A_1878 : vector<16xi32>
      %jit3A_1880 = arith.constant 1.000000e+00 : f32
      %jit3A_1881 = arith.constant 0.000000e+00 : f32
      %broadcast_in_dim3A_1882 = vector.broadcast %jit3A_1880 : f32 to vector<16xf32>
      %broadcast_in_dim3A_1883 = vector.broadcast %jit3A_1881 : f32 to vector<16xf32>
      %select_n3A_1884 = arith.select %eq3A_1879, %broadcast_in_dim3A_1882, %broadcast_in_dim3A_1883 : vector<16xi1>, vector<16xf32>
      %swap3A_1885 = arith.constant 2 : i32
      %swap3A_1886 = arith.index_cast %swap3A_1885 : i32 to index
      %swap3A_1887 = arith.constant 64 : index
      %swap3A_1888 = tpu.vector_load %arg8[%swap3A_1886, %swap3A_1887] {strides = array<i32>} : memref<16x128xf32, #tpu.memory_space<vmem>>, vector<1x16xf32>,
      %swap3A_1889 = vector.shape_cast %swap3A_1888 : vector<1x16xf32> to vector<16xf32>
      %swap3A_1890 = vector.shape_cast %select_n3A_1884 : vector<16xf32> to vector<1x16xf32>
      tpu.vector_store %arg8[%swap3A_1886, %swap3A_1887], %swap3A_1890 {strides = array<i32>} : memref<16x128xf32, #tpu.memory_space<vmem>>, vector<1x16xf32>,
      %eq3A_1891 = arith.constant 2 : i32
      %eq3A_1892 = vector.broadcast %eq3A_1891 : i32 to vector<16xi32>
      %eq3A_1893 = arith.cmpi eq, %get3A_1820, %eq3A_1892 : vector<16xi32>
      %jit3A_1894 = arith.constant 1.000000e+00 : f32
      %jit3A_1895 = arith.constant 0.000000e+00 : f32
      %broadcast_in_dim3A_1896 = vector.broadcast %jit3A_1894 : f32 to vector<16xf32>
      %broadcast_in_dim3A_1897 = vector.broadcast %jit3A_1895 : f32 to vector<16xf32>
      %select_n3A_1898 = arith.select %eq3A_1893, %broadcast_in_dim3A_1896, %broadcast_in_dim3A_1897 : vector<16xi1>, vector<16xf32>
      %swap3A_1899 = arith.constant 2 : i32
      %swap3A_1900 = arith.index_cast %swap3A_1899 : i32 to index
      %swap3A_1901 = arith.constant 64 : index
      %swap3A_1902 = tpu.vector_load %arg9[%swap3A_1900, %swap3A_1901] {strides = array<i32>} : memref<16x128xf32, #tpu.memory_space<vmem>>, vector<1x16xf32>,
      %swap3A_1903 = vector.shape_cast %swap3A_1902 : vector<1x16xf32> to vector<16xf32>
      %swap3A_1904 = vector.shape_cast %select_n3A_1898 : vector<16xf32> to vector<1x16xf32>
      tpu.vector_store %arg9[%swap3A_1900, %swap3A_1901], %swap3A_1904 {strides = array<i32>} : memref<16x128xf32, #tpu.memory_space<vmem>>, vector<1x16xf32>,
      %eq3A_1905 = arith.constant 3 : i32
      %eq3A_1906 = vector.broadcast %eq3A_1905 : i32 to vector<16xi32>
      %eq3A_1907 = arith.cmpi eq, %get3A_1817, %eq3A_1906 : vector<16xi32>
      %jit3A_1908 = arith.constant 1.000000e+00 : f32
      %jit3A_1909 = arith.constant 0.000000e+00 : f32
      %broadcast_in_dim3A_1910 = vector.broadcast %jit3A_1908 : f32 to vector<16xf32>
      %broadcast_in_dim3A_1911 = vector.broadcast %jit3A_1909 : f32 to vector<16xf32>
      %select_n3A_1912 = arith.select %eq3A_1907, %broadcast_in_dim3A_1910, %broadcast_in_dim3A_1911 : vector<16xi1>, vector<16xf32>
      %swap3A_1913 = arith.constant 3 : i32
      %swap3A_1914 = arith.index_cast %swap3A_1913 : i32 to index
      %swap3A_1915 = arith.constant 64 : index
      %swap3A_1916 = tpu.vector_load %arg8[%swap3A_1914, %swap3A_1915] {strides = array<i32>} : memref<16x128xf32, #tpu.memory_space<vmem>>, vector<1x16xf32>,
      %swap3A_1917 = vector.shape_cast %swap3A_1916 : vector<1x16xf32> to vector<16xf32>
      %swap3A_1918 = vector.shape_cast %select_n3A_1912 : vector<16xf32> to vector<1x16xf32>
      tpu.vector_store %arg8[%swap3A_1914, %swap3A_1915], %swap3A_1918 {strides = array<i32>} : memref<16x128xf32, #tpu.memory_space<vmem>>, vector<1x16xf32>,
      %eq3A_1919 = arith.constant 3 : i32
      %eq3A_1920 = vector.broadcast %eq3A_1919 : i32 to vector<16xi32>
      %eq3A_1921 = arith.cmpi eq, %get3A_1820, %eq3A_1920 : vector<16xi32>
      %jit3A_1922 = arith.constant 1.000000e+00 : f32
      %jit3A_1923 = arith.constant 0.000000e+00 : f32
      %broadcast_in_dim3A_1924 = vector.broadcast %jit3A_1922 : f32 to vector<16xf32>
      %broadcast_in_dim3A_1925 = vector.broadcast %jit3A_1923 : f32 to vector<16xf32>
      %select_n3A_1926 = arith.select %eq3A_1921, %broadcast_in_dim3A_1924, %broadcast_in_dim3A_1925 : vector<16xi1>, vector<16xf32>
      %swap3A_1927 = arith.constant 3 : i32
      %swap3A_1928 = arith.index_cast %swap3A_1927 : i32 to index
      %swap3A_1929 = arith.constant 64 : index
      %swap3A_1930 = tpu.vector_load %arg9[%swap3A_1928, %swap3A_1929] {strides = array<i32>} : memref<16x128xf32, #tpu.memory_space<vmem>>, vector<1x16xf32>,
      %swap3A_1931 = vector.shape_cast %swap3A_1930 : vector<1x16xf32> to vector<16xf32>
      %swap3A_1932 = vector.shape_cast %select_n3A_1926 : vector<16xf32> to vector<1x16xf32>
      tpu.vector_store %arg9[%swap3A_1928, %swap3A_1929], %swap3A_1932 {strides = array<i32>} : memref<16x128xf32, #tpu.memory_space<vmem>>, vector<1x16xf32>,
      %eq3A_1933 = arith.constant 4 : i32
      %eq3A_1934 = vector.broadcast %eq3A_1933 : i32 to vector<16xi32>
      %eq3A_1935 = arith.cmpi eq, %get3A_1817, %eq3A_1934 : vector<16xi32>
      %jit3A_1936 = arith.constant 1.000000e+00 : f32
      %jit3A_1937 = arith.constant 0.000000e+00 : f32
      %broadcast_in_dim3A_1938 = vector.broadcast %jit3A_1936 : f32 to vector<16xf32>
      %broadcast_in_dim3A_1939 = vector.broadcast %jit3A_1937 : f32 to vector<16xf32>
      %select_n3A_1940 = arith.select %eq3A_1935, %broadcast_in_dim3A_1938, %broadcast_in_dim3A_1939 : vector<16xi1>, vector<16xf32>
      %swap3A_1941 = arith.constant 4 : i32
      %swap3A_1942 = arith.index_cast %swap3A_1941 : i32 to index
      %swap3A_1943 = arith.constant 64 : index
      %swap3A_1944 = tpu.vector_load %arg8[%swap3A_1942, %swap3A_1943] {strides = array<i32>} : memref<16x128xf32, #tpu.memory_space<vmem>>, vector<1x16xf32>,
      %swap3A_1945 = vector.shape_cast %swap3A_1944 : vector<1x16xf32> to vector<16xf32>
      %swap3A_1946 = vector.shape_cast %select_n3A_1940 : vector<16xf32> to vector<1x16xf32>
      tpu.vector_store %arg8[%swap3A_1942, %swap3A_1943], %swap3A_1946 {strides = array<i32>} : memref<16x128xf32, #tpu.memory_space<vmem>>, vector<1x16xf32>,
      %eq3A_1947 = arith.constant 4 : i32
      %eq3A_1948 = vector.broadcast %eq3A_1947 : i32 to vector<16xi32>
      %eq3A_1949 = arith.cmpi eq, %get3A_1820, %eq3A_1948 : vector<16xi32>
      %jit3A_1950 = arith.constant 1.000000e+00 : f32
      %jit3A_1951 = arith.constant 0.000000e+00 : f32
      %broadcast_in_dim3A_1952 = vector.broadcast %jit3A_1950 : f32 to vector<16xf32>
      %broadcast_in_dim3A_1953 = vector.broadcast %jit3A_1951 : f32 to vector<16xf32>
      %select_n3A_1954 = arith.select %eq3A_1949, %broadcast_in_dim3A_1952, %broadcast_in_dim3A_1953 : vector<16xi1>, vector<16xf32>
      %swap3A_1955 = arith.constant 4 : i32
      %swap3A_1956 = arith.index_cast %swap3A_1955 : i32 to index
      %swap3A_1957 = arith.constant 64 : index
      %swap3A_1958 = tpu.vector_load %arg9[%swap3A_1956, %swap3A_1957] {strides = array<i32>} : memref<16x128xf32, #tpu.memory_space<vmem>>, vector<1x16xf32>,
      %swap3A_1959 = vector.shape_cast %swap3A_1958 : vector<1x16xf32> to vector<16xf32>
      %swap3A_1960 = vector.shape_cast %select_n3A_1954 : vector<16xf32> to vector<1x16xf32>
      tpu.vector_store %arg9[%swap3A_1956, %swap3A_1957], %swap3A_1960 {strides = array<i32>} : memref<16x128xf32, #tpu.memory_space<vmem>>, vector<1x16xf32>,
      %eq3A_1961 = arith.constant 5 : i32
      %eq3A_1962 = vector.broadcast %eq3A_1961 : i32 to vector<16xi32>
      %eq3A_1963 = arith.cmpi eq, %get3A_1817, %eq3A_1962 : vector<16xi32>
      %jit3A_1964 = arith.constant 1.000000e+00 : f32
      %jit3A_1965 = arith.constant 0.000000e+00 : f32
      %broadcast_in_dim3A_1966 = vector.broadcast %jit3A_1964 : f32 to vector<16xf32>
      %broadcast_in_dim3A_1967 = vector.broadcast %jit3A_1965 : f32 to vector<16xf32>
      %select_n3A_1968 = arith.select %eq3A_1963, %broadcast_in_dim3A_1966, %broadcast_in_dim3A_1967 : vector<16xi1>, vector<16xf32>
      %swap3A_1969 = arith.constant 5 : i32
      %swap3A_1970 = arith.index_cast %swap3A_1969 : i32 to index
      %swap3A_1971 = arith.constant 64 : index
      %swap3A_1972 = tpu.vector_load %arg8[%swap3A_1970, %swap3A_1971] {strides = array<i32>} : memref<16x128xf32, #tpu.memory_space<vmem>>, vector<1x16xf32>,
      %swap3A_1973 = vector.shape_cast %swap3A_1972 : vector<1x16xf32> to vector<16xf32>
      %swap3A_1974 = vector.shape_cast %select_n3A_1968 : vector<16xf32> to vector<1x16xf32>
      tpu.vector_store %arg8[%swap3A_1970, %swap3A_1971], %swap3A_1974 {strides = array<i32>} : memref<16x128xf32, #tpu.memory_space<vmem>>, vector<1x16xf32>,
      %eq3A_1975 = arith.constant 5 : i32
      %eq3A_1976 = vector.broadcast %eq3A_1975 : i32 to vector<16xi32>
      %eq3A_1977 = arith.cmpi eq, %get3A_1820, %eq3A_1976 : vector<16xi32>
      %jit3A_1978 = arith.constant 1.000000e+00 : f32
      %jit3A_1979 = arith.constant 0.000000e+00 : f32
      %broadcast_in_dim3A_1980 = vector.broadcast %jit3A_1978 : f32 to vector<16xf32>
      %broadcast_in_dim3A_1981 = vector.broadcast %jit3A_1979 : f32 to vector<16xf32>
      %select_n3A_1982 = arith.select %eq3A_1977, %broadcast_in_dim3A_1980, %broadcast_in_dim3A_1981 : vector<16xi1>, vector<16xf32>
      %swap3A_1983 = arith.constant 5 : i32
      %swap3A_1984 = arith.index_cast %swap3A_1983 : i32 to index
      %swap3A_1985 = arith.constant 64 : index
      %swap3A_1986 = tpu.vector_load %arg9[%swap3A_1984, %swap3A_1985] {strides = array<i32>} : memref<16x128xf32, #tpu.memory_space<vmem>>, vector<1x16xf32>,
      %swap3A_1987 = vector.shape_cast %swap3A_1986 : vector<1x16xf32> to vector<16xf32>
      %swap3A_1988 = vector.shape_cast %select_n3A_1982 : vector<16xf32> to vector<1x16xf32>
      tpu.vector_store %arg9[%swap3A_1984, %swap3A_1985], %swap3A_1988 {strides = array<i32>} : memref<16x128xf32, #tpu.memory_space<vmem>>, vector<1x16xf32>,
      %eq3A_1989 = arith.constant 6 : i32
      %eq3A_1990 = vector.broadcast %eq3A_1989 : i32 to vector<16xi32>
      %eq3A_1991 = arith.cmpi eq, %get3A_1817, %eq3A_1990 : vector<16xi32>
      %jit3A_1992 = arith.constant 1.000000e+00 : f32
      %jit3A_1993 = arith.constant 0.000000e+00 : f32
      %broadcast_in_dim3A_1994 = vector.broadcast %jit3A_1992 : f32 to vector<16xf32>
      %broadcast_in_dim3A_1995 = vector.broadcast %jit3A_1993 : f32 to vector<16xf32>
      %select_n3A_1996 = arith.select %eq3A_1991, %broadcast_in_dim3A_1994, %broadcast_in_dim3A_1995 : vector<16xi1>, vector<16xf32>
      %swap3A_1997 = arith.constant 6 : i32
      %swap3A_1998 = arith.index_cast %swap3A_1997 : i32 to index
      %swap3A_1999 = arith.constant 64 : index
      %swap3A_2000 = tpu.vector_load %arg8[%swap3A_1998, %swap3A_1999] {strides = array<i32>} : memref<16x128xf32, #tpu.memory_space<vmem>>, vector<1x16xf32>,
      %swap3A_2001 = vector.shape_cast %swap3A_2000 : vector<1x16xf32> to vector<16xf32>
      %swap3A_2002 = vector.shape_cast %select_n3A_1996 : vector<16xf32> to vector<1x16xf32>
      tpu.vector_store %arg8[%swap3A_1998, %swap3A_1999], %swap3A_2002 {strides = array<i32>} : memref<16x128xf32, #tpu.memory_space<vmem>>, vector<1x16xf32>,
      %eq3A_2003 = arith.constant 6 : i32
      %eq3A_2004 = vector.broadcast %eq3A_2003 : i32 to vector<16xi32>
      %eq3A_2005 = arith.cmpi eq, %get3A_1820, %eq3A_2004 : vector<16xi32>
      %jit3A_2006 = arith.constant 1.000000e+00 : f32
      %jit3A_2007 = arith.constant 0.000000e+00 : f32
      %broadcast_in_dim3A_2008 = vector.broadcast %jit3A_2006 : f32 to vector<16xf32>
      %broadcast_in_dim3A_2009 = vector.broadcast %jit3A_2007 : f32 to vector<16xf32>
      %select_n3A_2010 = arith.select %eq3A_2005, %broadcast_in_dim3A_2008, %broadcast_in_dim3A_2009 : vector<16xi1>, vector<16xf32>
      %swap3A_2011 = arith.constant 6 : i32
      %swap3A_2012 = arith.index_cast %swap3A_2011 : i32 to index
      %swap3A_2013 = arith.constant 64 : index
      %swap3A_2014 = tpu.vector_load %arg9[%swap3A_2012, %swap3A_2013] {strides = array<i32>} : memref<16x128xf32, #tpu.memory_space<vmem>>, vector<1x16xf32>,
      %swap3A_2015 = vector.shape_cast %swap3A_2014 : vector<1x16xf32> to vector<16xf32>
      %swap3A_2016 = vector.shape_cast %select_n3A_2010 : vector<16xf32> to vector<1x16xf32>
      tpu.vector_store %arg9[%swap3A_2012, %swap3A_2013], %swap3A_2016 {strides = array<i32>} : memref<16x128xf32, #tpu.memory_space<vmem>>, vector<1x16xf32>,
      %eq3A_2017 = arith.constant 7 : i32
      %eq3A_2018 = vector.broadcast %eq3A_2017 : i32 to vector<16xi32>
      %eq3A_2019 = arith.cmpi eq, %get3A_1817, %eq3A_2018 : vector<16xi32>
      %jit3A_2020 = arith.constant 1.000000e+00 : f32
      %jit3A_2021 = arith.constant 0.000000e+00 : f32
      %broadcast_in_dim3A_2022 = vector.broadcast %jit3A_2020 : f32 to vector<16xf32>
      %broadcast_in_dim3A_2023 = vector.broadcast %jit3A_2021 : f32 to vector<16xf32>
      %select_n3A_2024 = arith.select %eq3A_2019, %broadcast_in_dim3A_2022, %broadcast_in_dim3A_2023 : vector<16xi1>, vector<16xf32>
      %swap3A_2025 = arith.constant 7 : i32
      %swap3A_2026 = arith.index_cast %swap3A_2025 : i32 to index
      %swap3A_2027 = arith.constant 64 : index
      %swap3A_2028 = tpu.vector_load %arg8[%swap3A_2026, %swap3A_2027] {strides = array<i32>} : memref<16x128xf32, #tpu.memory_space<vmem>>, vector<1x16xf32>,
      %swap3A_2029 = vector.shape_cast %swap3A_2028 : vector<1x16xf32> to vector<16xf32>
      %swap3A_2030 = vector.shape_cast %select_n3A_2024 : vector<16xf32> to vector<1x16xf32>
      tpu.vector_store %arg8[%swap3A_2026, %swap3A_2027], %swap3A_2030 {strides = array<i32>} : memref<16x128xf32, #tpu.memory_space<vmem>>, vector<1x16xf32>,
      %eq3A_2031 = arith.constant 7 : i32
      %eq3A_2032 = vector.broadcast %eq3A_2031 : i32 to vector<16xi32>
      %eq3A_2033 = arith.cmpi eq, %get3A_1820, %eq3A_2032 : vector<16xi32>
      %jit3A_2034 = arith.constant 1.000000e+00 : f32
      %jit3A_2035 = arith.constant 0.000000e+00 : f32
      %broadcast_in_dim3A_2036 = vector.broadcast %jit3A_2034 : f32 to vector<16xf32>
      %broadcast_in_dim3A_2037 = vector.broadcast %jit3A_2035 : f32 to vector<16xf32>
      %select_n3A_2038 = arith.select %eq3A_2033, %broadcast_in_dim3A_2036, %broadcast_in_dim3A_2037 : vector<16xi1>, vector<16xf32>
      %swap3A_2039 = arith.constant 7 : i32
      %swap3A_2040 = arith.index_cast %swap3A_2039 : i32 to index
      %swap3A_2041 = arith.constant 64 : index
      %swap3A_2042 = tpu.vector_load %arg9[%swap3A_2040, %swap3A_2041] {strides = array<i32>} : memref<16x128xf32, #tpu.memory_space<vmem>>, vector<1x16xf32>,
      %swap3A_2043 = vector.shape_cast %swap3A_2042 : vector<1x16xf32> to vector<16xf32>
      %swap3A_2044 = vector.shape_cast %select_n3A_2038 : vector<16xf32> to vector<1x16xf32>
      tpu.vector_store %arg9[%swap3A_2040, %swap3A_2041], %swap3A_2044 {strides = array<i32>} : memref<16x128xf32, #tpu.memory_space<vmem>>, vector<1x16xf32>,
      %eq3A_2045 = arith.constant 8 : i32
      %eq3A_2046 = vector.broadcast %eq3A_2045 : i32 to vector<16xi32>
      %eq3A_2047 = arith.cmpi eq, %get3A_1817, %eq3A_2046 : vector<16xi32>
      %jit3A_2048 = arith.constant 1.000000e+00 : f32
      %jit3A_2049 = arith.constant 0.000000e+00 : f32
      %broadcast_in_dim3A_2050 = vector.broadcast %jit3A_2048 : f32 to vector<16xf32>
      %broadcast_in_dim3A_2051 = vector.broadcast %jit3A_2049 : f32 to vector<16xf32>
      %select_n3A_2052 = arith.select %eq3A_2047, %broadcast_in_dim3A_2050, %broadcast_in_dim3A_2051 : vector<16xi1>, vector<16xf32>
      %swap3A_2053 = arith.constant 8 : i32
      %swap3A_2054 = arith.index_cast %swap3A_2053 : i32 to index
      %swap3A_2055 = arith.constant 64 : index
      %swap3A_2056 = tpu.vector_load %arg8[%swap3A_2054, %swap3A_2055] {strides = array<i32>} : memref<16x128xf32, #tpu.memory_space<vmem>>, vector<1x16xf32>,
      %swap3A_2057 = vector.shape_cast %swap3A_2056 : vector<1x16xf32> to vector<16xf32>
      %swap3A_2058 = vector.shape_cast %select_n3A_2052 : vector<16xf32> to vector<1x16xf32>
      tpu.vector_store %arg8[%swap3A_2054, %swap3A_2055], %swap3A_2058 {strides = array<i32>} : memref<16x128xf32, #tpu.memory_space<vmem>>, vector<1x16xf32>,
      %eq3A_2059 = arith.constant 8 : i32
      %eq3A_2060 = vector.broadcast %eq3A_2059 : i32 to vector<16xi32>
      %eq3A_2061 = arith.cmpi eq, %get3A_1820, %eq3A_2060 : vector<16xi32>
      %jit3A_2062 = arith.constant 1.000000e+00 : f32
      %jit3A_2063 = arith.constant 0.000000e+00 : f32
      %broadcast_in_dim3A_2064 = vector.broadcast %jit3A_2062 : f32 to vector<16xf32>
      %broadcast_in_dim3A_2065 = vector.broadcast %jit3A_2063 : f32 to vector<16xf32>
      %select_n3A_2066 = arith.select %eq3A_2061, %broadcast_in_dim3A_2064, %broadcast_in_dim3A_2065 : vector<16xi1>, vector<16xf32>
      %swap3A_2067 = arith.constant 8 : i32
      %swap3A_2068 = arith.index_cast %swap3A_2067 : i32 to index
      %swap3A_2069 = arith.constant 64 : index
      %swap3A_2070 = tpu.vector_load %arg9[%swap3A_2068, %swap3A_2069] {strides = array<i32>} : memref<16x128xf32, #tpu.memory_space<vmem>>, vector<1x16xf32>,
      %swap3A_2071 = vector.shape_cast %swap3A_2070 : vector<1x16xf32> to vector<16xf32>
      %swap3A_2072 = vector.shape_cast %select_n3A_2066 : vector<16xf32> to vector<1x16xf32>
      tpu.vector_store %arg9[%swap3A_2068, %swap3A_2069], %swap3A_2072 {strides = array<i32>} : memref<16x128xf32, #tpu.memory_space<vmem>>, vector<1x16xf32>,
      %eq3A_2073 = arith.constant 9 : i32
      %eq3A_2074 = vector.broadcast %eq3A_2073 : i32 to vector<16xi32>
      %eq3A_2075 = arith.cmpi eq, %get3A_1817, %eq3A_2074 : vector<16xi32>
      %jit3A_2076 = arith.constant 1.000000e+00 : f32
      %jit3A_2077 = arith.constant 0.000000e+00 : f32
      %broadcast_in_dim3A_2078 = vector.broadcast %jit3A_2076 : f32 to vector<16xf32>
      %broadcast_in_dim3A_2079 = vector.broadcast %jit3A_2077 : f32 to vector<16xf32>
      %select_n3A_2080 = arith.select %eq3A_2075, %broadcast_in_dim3A_2078, %broadcast_in_dim3A_2079 : vector<16xi1>, vector<16xf32>
      %swap3A_2081 = arith.constant 9 : i32
      %swap3A_2082 = arith.index_cast %swap3A_2081 : i32 to index
      %swap3A_2083 = arith.constant 64 : index
      %swap3A_2084 = tpu.vector_load %arg8[%swap3A_2082, %swap3A_2083] {strides = array<i32>} : memref<16x128xf32, #tpu.memory_space<vmem>>, vector<1x16xf32>,
      %swap3A_2085 = vector.shape_cast %swap3A_2084 : vector<1x16xf32> to vector<16xf32>
      %swap3A_2086 = vector.shape_cast %select_n3A_2080 : vector<16xf32> to vector<1x16xf32>
      tpu.vector_store %arg8[%swap3A_2082, %swap3A_2083], %swap3A_2086 {strides = array<i32>} : memref<16x128xf32, #tpu.memory_space<vmem>>, vector<1x16xf32>,
      %eq3A_2087 = arith.constant 9 : i32
      %eq3A_2088 = vector.broadcast %eq3A_2087 : i32 to vector<16xi32>
      %eq3A_2089 = arith.cmpi eq, %get3A_1820, %eq3A_2088 : vector<16xi32>
      %jit3A_2090 = arith.constant 1.000000e+00 : f32
      %jit3A_2091 = arith.constant 0.000000e+00 : f32
      %broadcast_in_dim3A_2092 = vector.broadcast %jit3A_2090 : f32 to vector<16xf32>
      %broadcast_in_dim3A_2093 = vector.broadcast %jit3A_2091 : f32 to vector<16xf32>
      %select_n3A_2094 = arith.select %eq3A_2089, %broadcast_in_dim3A_2092, %broadcast_in_dim3A_2093 : vector<16xi1>, vector<16xf32>
      %swap3A_2095 = arith.constant 9 : i32
      %swap3A_2096 = arith.index_cast %swap3A_2095 : i32 to index
      %swap3A_2097 = arith.constant 64 : index
      %swap3A_2098 = tpu.vector_load %arg9[%swap3A_2096, %swap3A_2097] {strides = array<i32>} : memref<16x128xf32, #tpu.memory_space<vmem>>, vector<1x16xf32>,
      %swap3A_2099 = vector.shape_cast %swap3A_2098 : vector<1x16xf32> to vector<16xf32>
      %swap3A_2100 = vector.shape_cast %select_n3A_2094 : vector<16xf32> to vector<1x16xf32>
      tpu.vector_store %arg9[%swap3A_2096, %swap3A_2097], %swap3A_2100 {strides = array<i32>} : memref<16x128xf32, #tpu.memory_space<vmem>>, vector<1x16xf32>,
      %eq3A_2101 = arith.constant 10 : i32
      %eq3A_2102 = vector.broadcast %eq3A_2101 : i32 to vector<16xi32>
      %eq3A_2103 = arith.cmpi eq, %get3A_1817, %eq3A_2102 : vector<16xi32>
      %jit3A_2104 = arith.constant 1.000000e+00 : f32
      %jit3A_2105 = arith.constant 0.000000e+00 : f32
      %broadcast_in_dim3A_2106 = vector.broadcast %jit3A_2104 : f32 to vector<16xf32>
      %broadcast_in_dim3A_2107 = vector.broadcast %jit3A_2105 : f32 to vector<16xf32>
      %select_n3A_2108 = arith.select %eq3A_2103, %broadcast_in_dim3A_2106, %broadcast_in_dim3A_2107 : vector<16xi1>, vector<16xf32>
      %swap3A_2109 = arith.constant 10 : i32
      %swap3A_2110 = arith.index_cast %swap3A_2109 : i32 to index
      %swap3A_2111 = arith.constant 64 : index
      %swap3A_2112 = tpu.vector_load %arg8[%swap3A_2110, %swap3A_2111] {strides = array<i32>} : memref<16x128xf32, #tpu.memory_space<vmem>>, vector<1x16xf32>,
      %swap3A_2113 = vector.shape_cast %swap3A_2112 : vector<1x16xf32> to vector<16xf32>
      %swap3A_2114 = vector.shape_cast %select_n3A_2108 : vector<16xf32> to vector<1x16xf32>
      tpu.vector_store %arg8[%swap3A_2110, %swap3A_2111], %swap3A_2114 {strides = array<i32>} : memref<16x128xf32, #tpu.memory_space<vmem>>, vector<1x16xf32>,
      %eq3A_2115 = arith.constant 10 : i32
      %eq3A_2116 = vector.broadcast %eq3A_2115 : i32 to vector<16xi32>
      %eq3A_2117 = arith.cmpi eq, %get3A_1820, %eq3A_2116 : vector<16xi32>
      %jit3A_2118 = arith.constant 1.000000e+00 : f32
      %jit3A_2119 = arith.constant 0.000000e+00 : f32
      %broadcast_in_dim3A_2120 = vector.broadcast %jit3A_2118 : f32 to vector<16xf32>
      %broadcast_in_dim3A_2121 = vector.broadcast %jit3A_2119 : f32 to vector<16xf32>
      %select_n3A_2122 = arith.select %eq3A_2117, %broadcast_in_dim3A_2120, %broadcast_in_dim3A_2121 : vector<16xi1>, vector<16xf32>
      %swap3A_2123 = arith.constant 10 : i32
      %swap3A_2124 = arith.index_cast %swap3A_2123 : i32 to index
      %swap3A_2125 = arith.constant 64 : index
      %swap3A_2126 = tpu.vector_load %arg9[%swap3A_2124, %swap3A_2125] {strides = array<i32>} : memref<16x128xf32, #tpu.memory_space<vmem>>, vector<1x16xf32>,
      %swap3A_2127 = vector.shape_cast %swap3A_2126 : vector<1x16xf32> to vector<16xf32>
      %swap3A_2128 = vector.shape_cast %select_n3A_2122 : vector<16xf32> to vector<1x16xf32>
      tpu.vector_store %arg9[%swap3A_2124, %swap3A_2125], %swap3A_2128 {strides = array<i32>} : memref<16x128xf32, #tpu.memory_space<vmem>>, vector<1x16xf32>,
      %eq3A_2129 = arith.constant 11 : i32
      %eq3A_2130 = vector.broadcast %eq3A_2129 : i32 to vector<16xi32>
      %eq3A_2131 = arith.cmpi eq, %get3A_1817, %eq3A_2130 : vector<16xi32>
      %jit3A_2132 = arith.constant 1.000000e+00 : f32
      %jit3A_2133 = arith.constant 0.000000e+00 : f32
      %broadcast_in_dim3A_2134 = vector.broadcast %jit3A_2132 : f32 to vector<16xf32>
      %broadcast_in_dim3A_2135 = vector.broadcast %jit3A_2133 : f32 to vector<16xf32>
      %select_n3A_2136 = arith.select %eq3A_2131, %broadcast_in_dim3A_2134, %broadcast_in_dim3A_2135 : vector<16xi1>, vector<16xf32>
      %swap3A_2137 = arith.constant 11 : i32
      %swap3A_2138 = arith.index_cast %swap3A_2137 : i32 to index
      %swap3A_2139 = arith.constant 64 : index
      %swap3A_2140 = tpu.vector_load %arg8[%swap3A_2138, %swap3A_2139] {strides = array<i32>} : memref<16x128xf32, #tpu.memory_space<vmem>>, vector<1x16xf32>,
      %swap3A_2141 = vector.shape_cast %swap3A_2140 : vector<1x16xf32> to vector<16xf32>
      %swap3A_2142 = vector.shape_cast %select_n3A_2136 : vector<16xf32> to vector<1x16xf32>
      tpu.vector_store %arg8[%swap3A_2138, %swap3A_2139], %swap3A_2142 {strides = array<i32>} : memref<16x128xf32, #tpu.memory_space<vmem>>, vector<1x16xf32>,
      %eq3A_2143 = arith.constant 11 : i32
      %eq3A_2144 = vector.broadcast %eq3A_2143 : i32 to vector<16xi32>
      %eq3A_2145 = arith.cmpi eq, %get3A_1820, %eq3A_2144 : vector<16xi32>
      %jit3A_2146 = arith.constant 1.000000e+00 : f32
      %jit3A_2147 = arith.constant 0.000000e+00 : f32
      %broadcast_in_dim3A_2148 = vector.broadcast %jit3A_2146 : f32 to vector<16xf32>
      %broadcast_in_dim3A_2149 = vector.broadcast %jit3A_2147 : f32 to vector<16xf32>
      %select_n3A_2150 = arith.select %eq3A_2145, %broadcast_in_dim3A_2148, %broadcast_in_dim3A_2149 : vector<16xi1>, vector<16xf32>
      %swap3A_2151 = arith.constant 11 : i32
      %swap3A_2152 = arith.index_cast %swap3A_2151 : i32 to index
      %swap3A_2153 = arith.constant 64 : index
      %swap3A_2154 = tpu.vector_load %arg9[%swap3A_2152, %swap3A_2153] {strides = array<i32>} : memref<16x128xf32, #tpu.memory_space<vmem>>, vector<1x16xf32>,
      %swap3A_2155 = vector.shape_cast %swap3A_2154 : vector<1x16xf32> to vector<16xf32>
      %swap3A_2156 = vector.shape_cast %select_n3A_2150 : vector<16xf32> to vector<1x16xf32>
      tpu.vector_store %arg9[%swap3A_2152, %swap3A_2153], %swap3A_2156 {strides = array<i32>} : memref<16x128xf32, #tpu.memory_space<vmem>>, vector<1x16xf32>,
      %eq3A_2157 = arith.constant 12 : i32
      %eq3A_2158 = vector.broadcast %eq3A_2157 : i32 to vector<16xi32>
      %eq3A_2159 = arith.cmpi eq, %get3A_1817, %eq3A_2158 : vector<16xi32>
      %jit3A_2160 = arith.constant 1.000000e+00 : f32
      %jit3A_2161 = arith.constant 0.000000e+00 : f32
      %broadcast_in_dim3A_2162 = vector.broadcast %jit3A_2160 : f32 to vector<16xf32>
      %broadcast_in_dim3A_2163 = vector.broadcast %jit3A_2161 : f32 to vector<16xf32>
      %select_n3A_2164 = arith.select %eq3A_2159, %broadcast_in_dim3A_2162, %broadcast_in_dim3A_2163 : vector<16xi1>, vector<16xf32>
      %swap3A_2165 = arith.constant 12 : i32
      %swap3A_2166 = arith.index_cast %swap3A_2165 : i32 to index
      %swap3A_2167 = arith.constant 64 : index
      %swap3A_2168 = tpu.vector_load %arg8[%swap3A_2166, %swap3A_2167] {strides = array<i32>} : memref<16x128xf32, #tpu.memory_space<vmem>>, vector<1x16xf32>,
      %swap3A_2169 = vector.shape_cast %swap3A_2168 : vector<1x16xf32> to vector<16xf32>
      %swap3A_2170 = vector.shape_cast %select_n3A_2164 : vector<16xf32> to vector<1x16xf32>
      tpu.vector_store %arg8[%swap3A_2166, %swap3A_2167], %swap3A_2170 {strides = array<i32>} : memref<16x128xf32, #tpu.memory_space<vmem>>, vector<1x16xf32>,
      %eq3A_2171 = arith.constant 12 : i32
      %eq3A_2172 = vector.broadcast %eq3A_2171 : i32 to vector<16xi32>
      %eq3A_2173 = arith.cmpi eq, %get3A_1820, %eq3A_2172 : vector<16xi32>
      %jit3A_2174 = arith.constant 1.000000e+00 : f32
      %jit3A_2175 = arith.constant 0.000000e+00 : f32
      %broadcast_in_dim3A_2176 = vector.broadcast %jit3A_2174 : f32 to vector<16xf32>
      %broadcast_in_dim3A_2177 = vector.broadcast %jit3A_2175 : f32 to vector<16xf32>
      %select_n3A_2178 = arith.select %eq3A_2173, %broadcast_in_dim3A_2176, %broadcast_in_dim3A_2177 : vector<16xi1>, vector<16xf32>
      %swap3A_2179 = arith.constant 12 : i32
      %swap3A_2180 = arith.index_cast %swap3A_2179 : i32 to index
      %swap3A_2181 = arith.constant 64 : index
      %swap3A_2182 = tpu.vector_load %arg9[%swap3A_2180, %swap3A_2181] {strides = array<i32>} : memref<16x128xf32, #tpu.memory_space<vmem>>, vector<1x16xf32>,
      %swap3A_2183 = vector.shape_cast %swap3A_2182 : vector<1x16xf32> to vector<16xf32>
      %swap3A_2184 = vector.shape_cast %select_n3A_2178 : vector<16xf32> to vector<1x16xf32>
      tpu.vector_store %arg9[%swap3A_2180, %swap3A_2181], %swap3A_2184 {strides = array<i32>} : memref<16x128xf32, #tpu.memory_space<vmem>>, vector<1x16xf32>,
      %eq3A_2185 = arith.constant 13 : i32
      %eq3A_2186 = vector.broadcast %eq3A_2185 : i32 to vector<16xi32>
      %eq3A_2187 = arith.cmpi eq, %get3A_1817, %eq3A_2186 : vector<16xi32>
      %jit3A_2188 = arith.constant 1.000000e+00 : f32
      %jit3A_2189 = arith.constant 0.000000e+00 : f32
      %broadcast_in_dim3A_2190 = vector.broadcast %jit3A_2188 : f32 to vector<16xf32>
      %broadcast_in_dim3A_2191 = vector.broadcast %jit3A_2189 : f32 to vector<16xf32>
      %select_n3A_2192 = arith.select %eq3A_2187, %broadcast_in_dim3A_2190, %broadcast_in_dim3A_2191 : vector<16xi1>, vector<16xf32>
      %swap3A_2193 = arith.constant 13 : i32
      %swap3A_2194 = arith.index_cast %swap3A_2193 : i32 to index
      %swap3A_2195 = arith.constant 64 : index
      %swap3A_2196 = tpu.vector_load %arg8[%swap3A_2194, %swap3A_2195] {strides = array<i32>} : memref<16x128xf32, #tpu.memory_space<vmem>>, vector<1x16xf32>,
      %swap3A_2197 = vector.shape_cast %swap3A_2196 : vector<1x16xf32> to vector<16xf32>
      %swap3A_2198 = vector.shape_cast %select_n3A_2192 : vector<16xf32> to vector<1x16xf32>
      tpu.vector_store %arg8[%swap3A_2194, %swap3A_2195], %swap3A_2198 {strides = array<i32>} : memref<16x128xf32, #tpu.memory_space<vmem>>, vector<1x16xf32>,
      %eq3A_2199 = arith.constant 13 : i32
      %eq3A_2200 = vector.broadcast %eq3A_2199 : i32 to vector<16xi32>
      %eq3A_2201 = arith.cmpi eq, %get3A_1820, %eq3A_2200 : vector<16xi32>
      %jit3A_2202 = arith.constant 1.000000e+00 : f32
      %jit3A_2203 = arith.constant 0.000000e+00 : f32
      %broadcast_in_dim3A_2204 = vector.broadcast %jit3A_2202 : f32 to vector<16xf32>
      %broadcast_in_dim3A_2205 = vector.broadcast %jit3A_2203 : f32 to vector<16xf32>
      %select_n3A_2206 = arith.select %eq3A_2201, %broadcast_in_dim3A_2204, %broadcast_in_dim3A_2205 : vector<16xi1>, vector<16xf32>
      %swap3A_2207 = arith.constant 13 : i32
      %swap3A_2208 = arith.index_cast %swap3A_2207 : i32 to index
      %swap3A_2209 = arith.constant 64 : index
      %swap3A_2210 = tpu.vector_load %arg9[%swap3A_2208, %swap3A_2209] {strides = array<i32>} : memref<16x128xf32, #tpu.memory_space<vmem>>, vector<1x16xf32>,
      %swap3A_2211 = vector.shape_cast %swap3A_2210 : vector<1x16xf32> to vector<16xf32>
      %swap3A_2212 = vector.shape_cast %select_n3A_2206 : vector<16xf32> to vector<1x16xf32>
      tpu.vector_store %arg9[%swap3A_2208, %swap3A_2209], %swap3A_2212 {strides = array<i32>} : memref<16x128xf32, #tpu.memory_space<vmem>>, vector<1x16xf32>,
      %eq3A_2213 = arith.constant 14 : i32
      %eq3A_2214 = vector.broadcast %eq3A_2213 : i32 to vector<16xi32>
      %eq3A_2215 = arith.cmpi eq, %get3A_1817, %eq3A_2214 : vector<16xi32>
      %jit3A_2216 = arith.constant 1.000000e+00 : f32
      %jit3A_2217 = arith.constant 0.000000e+00 : f32
      %broadcast_in_dim3A_2218 = vector.broadcast %jit3A_2216 : f32 to vector<16xf32>
      %broadcast_in_dim3A_2219 = vector.broadcast %jit3A_2217 : f32 to vector<16xf32>
      %select_n3A_2220 = arith.select %eq3A_2215, %broadcast_in_dim3A_2218, %broadcast_in_dim3A_2219 : vector<16xi1>, vector<16xf32>
      %swap3A_2221 = arith.constant 14 : i32
      %swap3A_2222 = arith.index_cast %swap3A_2221 : i32 to index
      %swap3A_2223 = arith.constant 64 : index
      %swap3A_2224 = tpu.vector_load %arg8[%swap3A_2222, %swap3A_2223] {strides = array<i32>} : memref<16x128xf32, #tpu.memory_space<vmem>>, vector<1x16xf32>,
      %swap3A_2225 = vector.shape_cast %swap3A_2224 : vector<1x16xf32> to vector<16xf32>
      %swap3A_2226 = vector.shape_cast %select_n3A_2220 : vector<16xf32> to vector<1x16xf32>
      tpu.vector_store %arg8[%swap3A_2222, %swap3A_2223], %swap3A_2226 {strides = array<i32>} : memref<16x128xf32, #tpu.memory_space<vmem>>, vector<1x16xf32>,
      %eq3A_2227 = arith.constant 14 : i32
      %eq3A_2228 = vector.broadcast %eq3A_2227 : i32 to vector<16xi32>
      %eq3A_2229 = arith.cmpi eq, %get3A_1820, %eq3A_2228 : vector<16xi32>
      %jit3A_2230 = arith.constant 1.000000e+00 : f32
      %jit3A_2231 = arith.constant 0.000000e+00 : f32
      %broadcast_in_dim3A_2232 = vector.broadcast %jit3A_2230 : f32 to vector<16xf32>
      %broadcast_in_dim3A_2233 = vector.broadcast %jit3A_2231 : f32 to vector<16xf32>
      %select_n3A_2234 = arith.select %eq3A_2229, %broadcast_in_dim3A_2232, %broadcast_in_dim3A_2233 : vector<16xi1>, vector<16xf32>
      %swap3A_2235 = arith.constant 14 : i32
      %swap3A_2236 = arith.index_cast %swap3A_2235 : i32 to index
      %swap3A_2237 = arith.constant 64 : index
      %swap3A_2238 = tpu.vector_load %arg9[%swap3A_2236, %swap3A_2237] {strides = array<i32>} : memref<16x128xf32, #tpu.memory_space<vmem>>, vector<1x16xf32>,
      %swap3A_2239 = vector.shape_cast %swap3A_2238 : vector<1x16xf32> to vector<16xf32>
      %swap3A_2240 = vector.shape_cast %select_n3A_2234 : vector<16xf32> to vector<1x16xf32>
      tpu.vector_store %arg9[%swap3A_2236, %swap3A_2237], %swap3A_2240 {strides = array<i32>} : memref<16x128xf32, #tpu.memory_space<vmem>>, vector<1x16xf32>,
      %eq3A_2241 = arith.constant 15 : i32
      %eq3A_2242 = vector.broadcast %eq3A_2241 : i32 to vector<16xi32>
      %eq3A_2243 = arith.cmpi eq, %get3A_1817, %eq3A_2242 : vector<16xi32>
      %jit3A_2244 = arith.constant 1.000000e+00 : f32
      %jit3A_2245 = arith.constant 0.000000e+00 : f32
      %broadcast_in_dim3A_2246 = vector.broadcast %jit3A_2244 : f32 to vector<16xf32>
      %broadcast_in_dim3A_2247 = vector.broadcast %jit3A_2245 : f32 to vector<16xf32>
      %select_n3A_2248 = arith.select %eq3A_2243, %broadcast_in_dim3A_2246, %broadcast_in_dim3A_2247 : vector<16xi1>, vector<16xf32>
      %swap3A_2249 = arith.constant 15 : i32
      %swap3A_2250 = arith.index_cast %swap3A_2249 : i32 to index
      %swap3A_2251 = arith.constant 64 : index
      %swap3A_2252 = tpu.vector_load %arg8[%swap3A_2250, %swap3A_2251] {strides = array<i32>} : memref<16x128xf32, #tpu.memory_space<vmem>>, vector<1x16xf32>,
      %swap3A_2253 = vector.shape_cast %swap3A_2252 : vector<1x16xf32> to vector<16xf32>
      %swap3A_2254 = vector.shape_cast %select_n3A_2248 : vector<16xf32> to vector<1x16xf32>
      tpu.vector_store %arg8[%swap3A_2250, %swap3A_2251], %swap3A_2254 {strides = array<i32>} : memref<16x128xf32, #tpu.memory_space<vmem>>, vector<1x16xf32>,
      %eq3A_2255 = arith.constant 15 : i32
      %eq3A_2256 = vector.broadcast %eq3A_2255 : i32 to vector<16xi32>
      %eq3A_2257 = arith.cmpi eq, %get3A_1820, %eq3A_2256 : vector<16xi32>
      %jit3A_2258 = arith.constant 1.000000e+00 : f32
      %jit3A_2259 = arith.constant 0.000000e+00 : f32
      %broadcast_in_dim3A_2260 = vector.broadcast %jit3A_2258 : f32 to vector<16xf32>
      %broadcast_in_dim3A_2261 = vector.broadcast %jit3A_2259 : f32 to vector<16xf32>
      %select_n3A_2262 = arith.select %eq3A_2257, %broadcast_in_dim3A_2260, %broadcast_in_dim3A_2261 : vector<16xi1>, vector<16xf32>
      %swap3A_2263 = arith.constant 15 : i32
      %swap3A_2264 = arith.index_cast %swap3A_2263 : i32 to index
      %swap3A_2265 = arith.constant 64 : index
      %swap3A_2266 = tpu.vector_load %arg9[%swap3A_2264, %swap3A_2265] {strides = array<i32>} : memref<16x128xf32, #tpu.memory_space<vmem>>, vector<1x16xf32>,
      %swap3A_2267 = vector.shape_cast %swap3A_2266 : vector<1x16xf32> to vector<16xf32>
      %swap3A_2268 = vector.shape_cast %select_n3A_2262 : vector<16xf32> to vector<1x16xf32>
      tpu.vector_store %arg9[%swap3A_2264, %swap3A_2265], %swap3A_2268 {strides = array<i32>} : memref<16x128xf32, #tpu.memory_space<vmem>>, vector<1x16xf32>,
      %get3A_2269 = arith.constant 80 : index
      %get3A_2270 = tpu.vector_load %arg6[%get3A_2269] {strides = array<i32>} : memref<128xi32, #tpu.memory_space<vmem>>, vector<16xi32>,
      %get3A_2271 = vector.shape_cast %get3A_2270 : vector<16xi32> to vector<16xi32>
      %get3A_2272 = arith.constant 80 : index
      %get3A_2273 = tpu.vector_load %arg7[%get3A_2272] {strides = array<i32>} : memref<128xi32, #tpu.memory_space<vmem>>, vector<16xi32>,
      %get3A_2274 = vector.shape_cast %get3A_2273 : vector<16xi32> to vector<16xi32>
      %eq3A_2275 = arith.constant 0 : i32
      %eq3A_2276 = vector.broadcast %eq3A_2275 : i32 to vector<16xi32>
      %eq3A_2277 = arith.cmpi eq, %get3A_2271, %eq3A_2276 : vector<16xi32>
      %jit3A_2278 = arith.constant 1.000000e+00 : f32
      %jit3A_2279 = arith.constant 0.000000e+00 : f32
      %broadcast_in_dim3A_2280 = vector.broadcast %jit3A_2278 : f32 to vector<16xf32>
      %broadcast_in_dim3A_2281 = vector.broadcast %jit3A_2279 : f32 to vector<16xf32>
      %select_n3A_2282 = arith.select %eq3A_2277, %broadcast_in_dim3A_2280, %broadcast_in_dim3A_2281 : vector<16xi1>, vector<16xf32>
      %swap3A_2283 = arith.constant 0 : i32
      %swap3A_2284 = arith.index_cast %swap3A_2283 : i32 to index
      %swap3A_2285 = arith.constant 80 : index
      %swap3A_2286 = tpu.vector_load %arg8[%swap3A_2284, %swap3A_2285] {strides = array<i32>} : memref<16x128xf32, #tpu.memory_space<vmem>>, vector<1x16xf32>,
      %swap3A_2287 = vector.shape_cast %swap3A_2286 : vector<1x16xf32> to vector<16xf32>
      %swap3A_2288 = vector.shape_cast %select_n3A_2282 : vector<16xf32> to vector<1x16xf32>
      tpu.vector_store %arg8[%swap3A_2284, %swap3A_2285], %swap3A_2288 {strides = array<i32>} : memref<16x128xf32, #tpu.memory_space<vmem>>, vector<1x16xf32>,
      %eq3A_2289 = arith.constant 0 : i32
      %eq3A_2290 = vector.broadcast %eq3A_2289 : i32 to vector<16xi32>
      %eq3A_2291 = arith.cmpi eq, %get3A_2274, %eq3A_2290 : vector<16xi32>
      %jit3A_2292 = arith.constant 1.000000e+00 : f32
      %jit3A_2293 = arith.constant 0.000000e+00 : f32
      %broadcast_in_dim3A_2294 = vector.broadcast %jit3A_2292 : f32 to vector<16xf32>
      %broadcast_in_dim3A_2295 = vector.broadcast %jit3A_2293 : f32 to vector<16xf32>
      %select_n3A_2296 = arith.select %eq3A_2291, %broadcast_in_dim3A_2294, %broadcast_in_dim3A_2295 : vector<16xi1>, vector<16xf32>
      %swap3A_2297 = arith.constant 0 : i32
      %swap3A_2298 = arith.index_cast %swap3A_2297 : i32 to index
      %swap3A_2299 = arith.constant 80 : index
      %swap3A_2300 = tpu.vector_load %arg9[%swap3A_2298, %swap3A_2299] {strides = array<i32>} : memref<16x128xf32, #tpu.memory_space<vmem>>, vector<1x16xf32>,
      %swap3A_2301 = vector.shape_cast %swap3A_2300 : vector<1x16xf32> to vector<16xf32>
      %swap3A_2302 = vector.shape_cast %select_n3A_2296 : vector<16xf32> to vector<1x16xf32>
      tpu.vector_store %arg9[%swap3A_2298, %swap3A_2299], %swap3A_2302 {strides = array<i32>} : memref<16x128xf32, #tpu.memory_space<vmem>>, vector<1x16xf32>,
      %eq3A_2303 = arith.constant 1 : i32
      %eq3A_2304 = vector.broadcast %eq3A_2303 : i32 to vector<16xi32>
      %eq3A_2305 = arith.cmpi eq, %get3A_2271, %eq3A_2304 : vector<16xi32>
      %jit3A_2306 = arith.constant 1.000000e+00 : f32
      %jit3A_2307 = arith.constant 0.000000e+00 : f32
      %broadcast_in_dim3A_2308 = vector.broadcast %jit3A_2306 : f32 to vector<16xf32>
      %broadcast_in_dim3A_2309 = vector.broadcast %jit3A_2307 : f32 to vector<16xf32>
      %select_n3A_2310 = arith.select %eq3A_2305, %broadcast_in_dim3A_2308, %broadcast_in_dim3A_2309 : vector<16xi1>, vector<16xf32>
      %swap3A_2311 = arith.constant 1 : i32
      %swap3A_2312 = arith.index_cast %swap3A_2311 : i32 to index
      %swap3A_2313 = arith.constant 80 : index
      %swap3A_2314 = tpu.vector_load %arg8[%swap3A_2312, %swap3A_2313] {strides = array<i32>} : memref<16x128xf32, #tpu.memory_space<vmem>>, vector<1x16xf32>,
      %swap3A_2315 = vector.shape_cast %swap3A_2314 : vector<1x16xf32> to vector<16xf32>
      %swap3A_2316 = vector.shape_cast %select_n3A_2310 : vector<16xf32> to vector<1x16xf32>
      tpu.vector_store %arg8[%swap3A_2312, %swap3A_2313], %swap3A_2316 {strides = array<i32>} : memref<16x128xf32, #tpu.memory_space<vmem>>, vector<1x16xf32>,
      %eq3A_2317 = arith.constant 1 : i32
      %eq3A_2318 = vector.broadcast %eq3A_2317 : i32 to vector<16xi32>
      %eq3A_2319 = arith.cmpi eq, %get3A_2274, %eq3A_2318 : vector<16xi32>
      %jit3A_2320 = arith.constant 1.000000e+00 : f32
      %jit3A_2321 = arith.constant 0.000000e+00 : f32
      %broadcast_in_dim3A_2322 = vector.broadcast %jit3A_2320 : f32 to vector<16xf32>
      %broadcast_in_dim3A_2323 = vector.broadcast %jit3A_2321 : f32 to vector<16xf32>
      %select_n3A_2324 = arith.select %eq3A_2319, %broadcast_in_dim3A_2322, %broadcast_in_dim3A_2323 : vector<16xi1>, vector<16xf32>
      %swap3A_2325 = arith.constant 1 : i32
      %swap3A_2326 = arith.index_cast %swap3A_2325 : i32 to index
      %swap3A_2327 = arith.constant 80 : index
      %swap3A_2328 = tpu.vector_load %arg9[%swap3A_2326, %swap3A_2327] {strides = array<i32>} : memref<16x128xf32, #tpu.memory_space<vmem>>, vector<1x16xf32>,
      %swap3A_2329 = vector.shape_cast %swap3A_2328 : vector<1x16xf32> to vector<16xf32>
      %swap3A_2330 = vector.shape_cast %select_n3A_2324 : vector<16xf32> to vector<1x16xf32>
      tpu.vector_store %arg9[%swap3A_2326, %swap3A_2327], %swap3A_2330 {strides = array<i32>} : memref<16x128xf32, #tpu.memory_space<vmem>>, vector<1x16xf32>,
      %eq3A_2331 = arith.constant 2 : i32
      %eq3A_2332 = vector.broadcast %eq3A_2331 : i32 to vector<16xi32>
      %eq3A_2333 = arith.cmpi eq, %get3A_2271, %eq3A_2332 : vector<16xi32>
      %jit3A_2334 = arith.constant 1.000000e+00 : f32
      %jit3A_2335 = arith.constant 0.000000e+00 : f32
      %broadcast_in_dim3A_2336 = vector.broadcast %jit3A_2334 : f32 to vector<16xf32>
      %broadcast_in_dim3A_2337 = vector.broadcast %jit3A_2335 : f32 to vector<16xf32>
      %select_n3A_2338 = arith.select %eq3A_2333, %broadcast_in_dim3A_2336, %broadcast_in_dim3A_2337 : vector<16xi1>, vector<16xf32>
      %swap3A_2339 = arith.constant 2 : i32
      %swap3A_2340 = arith.index_cast %swap3A_2339 : i32 to index
      %swap3A_2341 = arith.constant 80 : index
      %swap3A_2342 = tpu.vector_load %arg8[%swap3A_2340, %swap3A_2341] {strides = array<i32>} : memref<16x128xf32, #tpu.memory_space<vmem>>, vector<1x16xf32>,
      %swap3A_2343 = vector.shape_cast %swap3A_2342 : vector<1x16xf32> to vector<16xf32>
      %swap3A_2344 = vector.shape_cast %select_n3A_2338 : vector<16xf32> to vector<1x16xf32>
      tpu.vector_store %arg8[%swap3A_2340, %swap3A_2341], %swap3A_2344 {strides = array<i32>} : memref<16x128xf32, #tpu.memory_space<vmem>>, vector<1x16xf32>,
      %eq3A_2345 = arith.constant 2 : i32
      %eq3A_2346 = vector.broadcast %eq3A_2345 : i32 to vector<16xi32>
      %eq3A_2347 = arith.cmpi eq, %get3A_2274, %eq3A_2346 : vector<16xi32>
      %jit3A_2348 = arith.constant 1.000000e+00 : f32
      %jit3A_2349 = arith.constant 0.000000e+00 : f32
      %broadcast_in_dim3A_2350 = vector.broadcast %jit3A_2348 : f32 to vector<16xf32>
      %broadcast_in_dim3A_2351 = vector.broadcast %jit3A_2349 : f32 to vector<16xf32>
      %select_n3A_2352 = arith.select %eq3A_2347, %broadcast_in_dim3A_2350, %broadcast_in_dim3A_2351 : vector<16xi1>, vector<16xf32>
      %swap3A_2353 = arith.constant 2 : i32
      %swap3A_2354 = arith.index_cast %swap3A_2353 : i32 to index
      %swap3A_2355 = arith.constant 80 : index
      %swap3A_2356 = tpu.vector_load %arg9[%swap3A_2354, %swap3A_2355] {strides = array<i32>} : memref<16x128xf32, #tpu.memory_space<vmem>>, vector<1x16xf32>,
      %swap3A_2357 = vector.shape_cast %swap3A_2356 : vector<1x16xf32> to vector<16xf32>
      %swap3A_2358 = vector.shape_cast %select_n3A_2352 : vector<16xf32> to vector<1x16xf32>
      tpu.vector_store %arg9[%swap3A_2354, %swap3A_2355], %swap3A_2358 {strides = array<i32>} : memref<16x128xf32, #tpu.memory_space<vmem>>, vector<1x16xf32>,
      %eq3A_2359 = arith.constant 3 : i32
      %eq3A_2360 = vector.broadcast %eq3A_2359 : i32 to vector<16xi32>
      %eq3A_2361 = arith.cmpi eq, %get3A_2271, %eq3A_2360 : vector<16xi32>
      %jit3A_2362 = arith.constant 1.000000e+00 : f32
      %jit3A_2363 = arith.constant 0.000000e+00 : f32
      %broadcast_in_dim3A_2364 = vector.broadcast %jit3A_2362 : f32 to vector<16xf32>
      %broadcast_in_dim3A_2365 = vector.broadcast %jit3A_2363 : f32 to vector<16xf32>
      %select_n3A_2366 = arith.select %eq3A_2361, %broadcast_in_dim3A_2364, %broadcast_in_dim3A_2365 : vector<16xi1>, vector<16xf32>
      %swap3A_2367 = arith.constant 3 : i32
      %swap3A_2368 = arith.index_cast %swap3A_2367 : i32 to index
      %swap3A_2369 = arith.constant 80 : index
      %swap3A_2370 = tpu.vector_load %arg8[%swap3A_2368, %swap3A_2369] {strides = array<i32>} : memref<16x128xf32, #tpu.memory_space<vmem>>, vector<1x16xf32>,
      %swap3A_2371 = vector.shape_cast %swap3A_2370 : vector<1x16xf32> to vector<16xf32>
      %swap3A_2372 = vector.shape_cast %select_n3A_2366 : vector<16xf32> to vector<1x16xf32>
      tpu.vector_store %arg8[%swap3A_2368, %swap3A_2369], %swap3A_2372 {strides = array<i32>} : memref<16x128xf32, #tpu.memory_space<vmem>>, vector<1x16xf32>,
      %eq3A_2373 = arith.constant 3 : i32
      %eq3A_2374 = vector.broadcast %eq3A_2373 : i32 to vector<16xi32>
      %eq3A_2375 = arith.cmpi eq, %get3A_2274, %eq3A_2374 : vector<16xi32>
      %jit3A_2376 = arith.constant 1.000000e+00 : f32
      %jit3A_2377 = arith.constant 0.000000e+00 : f32
      %broadcast_in_dim3A_2378 = vector.broadcast %jit3A_2376 : f32 to vector<16xf32>
      %broadcast_in_dim3A_2379 = vector.broadcast %jit3A_2377 : f32 to vector<16xf32>
      %select_n3A_2380 = arith.select %eq3A_2375, %broadcast_in_dim3A_2378, %broadcast_in_dim3A_2379 : vector<16xi1>, vector<16xf32>
      %swap3A_2381 = arith.constant 3 : i32
      %swap3A_2382 = arith.index_cast %swap3A_2381 : i32 to index
      %swap3A_2383 = arith.constant 80 : index
      %swap3A_2384 = tpu.vector_load %arg9[%swap3A_2382, %swap3A_2383] {strides = array<i32>} : memref<16x128xf32, #tpu.memory_space<vmem>>, vector<1x16xf32>,
      %swap3A_2385 = vector.shape_cast %swap3A_2384 : vector<1x16xf32> to vector<16xf32>
      %swap3A_2386 = vector.shape_cast %select_n3A_2380 : vector<16xf32> to vector<1x16xf32>
      tpu.vector_store %arg9[%swap3A_2382, %swap3A_2383], %swap3A_2386 {strides = array<i32>} : memref<16x128xf32, #tpu.memory_space<vmem>>, vector<1x16xf32>,
      %eq3A_2387 = arith.constant 4 : i32
      %eq3A_2388 = vector.broadcast %eq3A_2387 : i32 to vector<16xi32>
      %eq3A_2389 = arith.cmpi eq, %get3A_2271, %eq3A_2388 : vector<16xi32>
      %jit3A_2390 = arith.constant 1.000000e+00 : f32
      %jit3A_2391 = arith.constant 0.000000e+00 : f32
      %broadcast_in_dim3A_2392 = vector.broadcast %jit3A_2390 : f32 to vector<16xf32>
      %broadcast_in_dim3A_2393 = vector.broadcast %jit3A_2391 : f32 to vector<16xf32>
      %select_n3A_2394 = arith.select %eq3A_2389, %broadcast_in_dim3A_2392, %broadcast_in_dim3A_2393 : vector<16xi1>, vector<16xf32>
      %swap3A_2395 = arith.constant 4 : i32
      %swap3A_2396 = arith.index_cast %swap3A_2395 : i32 to index
      %swap3A_2397 = arith.constant 80 : index
      %swap3A_2398 = tpu.vector_load %arg8[%swap3A_2396, %swap3A_2397] {strides = array<i32>} : memref<16x128xf32, #tpu.memory_space<vmem>>, vector<1x16xf32>,
      %swap3A_2399 = vector.shape_cast %swap3A_2398 : vector<1x16xf32> to vector<16xf32>
      %swap3A_2400 = vector.shape_cast %select_n3A_2394 : vector<16xf32> to vector<1x16xf32>
      tpu.vector_store %arg8[%swap3A_2396, %swap3A_2397], %swap3A_2400 {strides = array<i32>} : memref<16x128xf32, #tpu.memory_space<vmem>>, vector<1x16xf32>,
      %eq3A_2401 = arith.constant 4 : i32
      %eq3A_2402 = vector.broadcast %eq3A_2401 : i32 to vector<16xi32>
      %eq3A_2403 = arith.cmpi eq, %get3A_2274, %eq3A_2402 : vector<16xi32>
      %jit3A_2404 = arith.constant 1.000000e+00 : f32
      %jit3A_2405 = arith.constant 0.000000e+00 : f32
      %broadcast_in_dim3A_2406 = vector.broadcast %jit3A_2404 : f32 to vector<16xf32>
      %broadcast_in_dim3A_2407 = vector.broadcast %jit3A_2405 : f32 to vector<16xf32>
      %select_n3A_2408 = arith.select %eq3A_2403, %broadcast_in_dim3A_2406, %broadcast_in_dim3A_2407 : vector<16xi1>, vector<16xf32>
      %swap3A_2409 = arith.constant 4 : i32
      %swap3A_2410 = arith.index_cast %swap3A_2409 : i32 to index
      %swap3A_2411 = arith.constant 80 : index
      %swap3A_2412 = tpu.vector_load %arg9[%swap3A_2410, %swap3A_2411] {strides = array<i32>} : memref<16x128xf32, #tpu.memory_space<vmem>>, vector<1x16xf32>,
      %swap3A_2413 = vector.shape_cast %swap3A_2412 : vector<1x16xf32> to vector<16xf32>
      %swap3A_2414 = vector.shape_cast %select_n3A_2408 : vector<16xf32> to vector<1x16xf32>
      tpu.vector_store %arg9[%swap3A_2410, %swap3A_2411], %swap3A_2414 {strides = array<i32>} : memref<16x128xf32, #tpu.memory_space<vmem>>, vector<1x16xf32>,
      %eq3A_2415 = arith.constant 5 : i32
      %eq3A_2416 = vector.broadcast %eq3A_2415 : i32 to vector<16xi32>
      %eq3A_2417 = arith.cmpi eq, %get3A_2271, %eq3A_2416 : vector<16xi32>
      %jit3A_2418 = arith.constant 1.000000e+00 : f32
      %jit3A_2419 = arith.constant 0.000000e+00 : f32
      %broadcast_in_dim3A_2420 = vector.broadcast %jit3A_2418 : f32 to vector<16xf32>
      %broadcast_in_dim3A_2421 = vector.broadcast %jit3A_2419 : f32 to vector<16xf32>
      %select_n3A_2422 = arith.select %eq3A_2417, %broadcast_in_dim3A_2420, %broadcast_in_dim3A_2421 : vector<16xi1>, vector<16xf32>
      %swap3A_2423 = arith.constant 5 : i32
      %swap3A_2424 = arith.index_cast %swap3A_2423 : i32 to index
      %swap3A_2425 = arith.constant 80 : index
      %swap3A_2426 = tpu.vector_load %arg8[%swap3A_2424, %swap3A_2425] {strides = array<i32>} : memref<16x128xf32, #tpu.memory_space<vmem>>, vector<1x16xf32>,
      %swap3A_2427 = vector.shape_cast %swap3A_2426 : vector<1x16xf32> to vector<16xf32>
      %swap3A_2428 = vector.shape_cast %select_n3A_2422 : vector<16xf32> to vector<1x16xf32>
      tpu.vector_store %arg8[%swap3A_2424, %swap3A_2425], %swap3A_2428 {strides = array<i32>} : memref<16x128xf32, #tpu.memory_space<vmem>>, vector<1x16xf32>,
      %eq3A_2429 = arith.constant 5 : i32
      %eq3A_2430 = vector.broadcast %eq3A_2429 : i32 to vector<16xi32>
      %eq3A_2431 = arith.cmpi eq, %get3A_2274, %eq3A_2430 : vector<16xi32>
      %jit3A_2432 = arith.constant 1.000000e+00 : f32
      %jit3A_2433 = arith.constant 0.000000e+00 : f32
      %broadcast_in_dim3A_2434 = vector.broadcast %jit3A_2432 : f32 to vector<16xf32>
      %broadcast_in_dim3A_2435 = vector.broadcast %jit3A_2433 : f32 to vector<16xf32>
      %select_n3A_2436 = arith.select %eq3A_2431, %broadcast_in_dim3A_2434, %broadcast_in_dim3A_2435 : vector<16xi1>, vector<16xf32>
      %swap3A_2437 = arith.constant 5 : i32
      %swap3A_2438 = arith.index_cast %swap3A_2437 : i32 to index
      %swap3A_2439 = arith.constant 80 : index
      %swap3A_2440 = tpu.vector_load %arg9[%swap3A_2438, %swap3A_2439] {strides = array<i32>} : memref<16x128xf32, #tpu.memory_space<vmem>>, vector<1x16xf32>,
      %swap3A_2441 = vector.shape_cast %swap3A_2440 : vector<1x16xf32> to vector<16xf32>
      %swap3A_2442 = vector.shape_cast %select_n3A_2436 : vector<16xf32> to vector<1x16xf32>
      tpu.vector_store %arg9[%swap3A_2438, %swap3A_2439], %swap3A_2442 {strides = array<i32>} : memref<16x128xf32, #tpu.memory_space<vmem>>, vector<1x16xf32>,
      %eq3A_2443 = arith.constant 6 : i32
      %eq3A_2444 = vector.broadcast %eq3A_2443 : i32 to vector<16xi32>
      %eq3A_2445 = arith.cmpi eq, %get3A_2271, %eq3A_2444 : vector<16xi32>
      %jit3A_2446 = arith.constant 1.000000e+00 : f32
      %jit3A_2447 = arith.constant 0.000000e+00 : f32
      %broadcast_in_dim3A_2448 = vector.broadcast %jit3A_2446 : f32 to vector<16xf32>
      %broadcast_in_dim3A_2449 = vector.broadcast %jit3A_2447 : f32 to vector<16xf32>
      %select_n3A_2450 = arith.select %eq3A_2445, %broadcast_in_dim3A_2448, %broadcast_in_dim3A_2449 : vector<16xi1>, vector<16xf32>
      %swap3A_2451 = arith.constant 6 : i32
      %swap3A_2452 = arith.index_cast %swap3A_2451 : i32 to index
      %swap3A_2453 = arith.constant 80 : index
      %swap3A_2454 = tpu.vector_load %arg8[%swap3A_2452, %swap3A_2453] {strides = array<i32>} : memref<16x128xf32, #tpu.memory_space<vmem>>, vector<1x16xf32>,
      %swap3A_2455 = vector.shape_cast %swap3A_2454 : vector<1x16xf32> to vector<16xf32>
      %swap3A_2456 = vector.shape_cast %select_n3A_2450 : vector<16xf32> to vector<1x16xf32>
      tpu.vector_store %arg8[%swap3A_2452, %swap3A_2453], %swap3A_2456 {strides = array<i32>} : memref<16x128xf32, #tpu.memory_space<vmem>>, vector<1x16xf32>,
      %eq3A_2457 = arith.constant 6 : i32
      %eq3A_2458 = vector.broadcast %eq3A_2457 : i32 to vector<16xi32>
      %eq3A_2459 = arith.cmpi eq, %get3A_2274, %eq3A_2458 : vector<16xi32>
      %jit3A_2460 = arith.constant 1.000000e+00 : f32
      %jit3A_2461 = arith.constant 0.000000e+00 : f32
      %broadcast_in_dim3A_2462 = vector.broadcast %jit3A_2460 : f32 to vector<16xf32>
      %broadcast_in_dim3A_2463 = vector.broadcast %jit3A_2461 : f32 to vector<16xf32>
      %select_n3A_2464 = arith.select %eq3A_2459, %broadcast_in_dim3A_2462, %broadcast_in_dim3A_2463 : vector<16xi1>, vector<16xf32>
      %swap3A_2465 = arith.constant 6 : i32
      %swap3A_2466 = arith.index_cast %swap3A_2465 : i32 to index
      %swap3A_2467 = arith.constant 80 : index
      %swap3A_2468 = tpu.vector_load %arg9[%swap3A_2466, %swap3A_2467] {strides = array<i32>} : memref<16x128xf32, #tpu.memory_space<vmem>>, vector<1x16xf32>,
      %swap3A_2469 = vector.shape_cast %swap3A_2468 : vector<1x16xf32> to vector<16xf32>
      %swap3A_2470 = vector.shape_cast %select_n3A_2464 : vector<16xf32> to vector<1x16xf32>
      tpu.vector_store %arg9[%swap3A_2466, %swap3A_2467], %swap3A_2470 {strides = array<i32>} : memref<16x128xf32, #tpu.memory_space<vmem>>, vector<1x16xf32>,
      %eq3A_2471 = arith.constant 7 : i32
      %eq3A_2472 = vector.broadcast %eq3A_2471 : i32 to vector<16xi32>
      %eq3A_2473 = arith.cmpi eq, %get3A_2271, %eq3A_2472 : vector<16xi32>
      %jit3A_2474 = arith.constant 1.000000e+00 : f32
      %jit3A_2475 = arith.constant 0.000000e+00 : f32
      %broadcast_in_dim3A_2476 = vector.broadcast %jit3A_2474 : f32 to vector<16xf32>
      %broadcast_in_dim3A_2477 = vector.broadcast %jit3A_2475 : f32 to vector<16xf32>
      %select_n3A_2478 = arith.select %eq3A_2473, %broadcast_in_dim3A_2476, %broadcast_in_dim3A_2477 : vector<16xi1>, vector<16xf32>
      %swap3A_2479 = arith.constant 7 : i32
      %swap3A_2480 = arith.index_cast %swap3A_2479 : i32 to index
      %swap3A_2481 = arith.constant 80 : index
      %swap3A_2482 = tpu.vector_load %arg8[%swap3A_2480, %swap3A_2481] {strides = array<i32>} : memref<16x128xf32, #tpu.memory_space<vmem>>, vector<1x16xf32>,
      %swap3A_2483 = vector.shape_cast %swap3A_2482 : vector<1x16xf32> to vector<16xf32>
      %swap3A_2484 = vector.shape_cast %select_n3A_2478 : vector<16xf32> to vector<1x16xf32>
      tpu.vector_store %arg8[%swap3A_2480, %swap3A_2481], %swap3A_2484 {strides = array<i32>} : memref<16x128xf32, #tpu.memory_space<vmem>>, vector<1x16xf32>,
      %eq3A_2485 = arith.constant 7 : i32
      %eq3A_2486 = vector.broadcast %eq3A_2485 : i32 to vector<16xi32>
      %eq3A_2487 = arith.cmpi eq, %get3A_2274, %eq3A_2486 : vector<16xi32>
      %jit3A_2488 = arith.constant 1.000000e+00 : f32
      %jit3A_2489 = arith.constant 0.000000e+00 : f32
      %broadcast_in_dim3A_2490 = vector.broadcast %jit3A_2488 : f32 to vector<16xf32>
      %broadcast_in_dim3A_2491 = vector.broadcast %jit3A_2489 : f32 to vector<16xf32>
      %select_n3A_2492 = arith.select %eq3A_2487, %broadcast_in_dim3A_2490, %broadcast_in_dim3A_2491 : vector<16xi1>, vector<16xf32>
      %swap3A_2493 = arith.constant 7 : i32
      %swap3A_2494 = arith.index_cast %swap3A_2493 : i32 to index
      %swap3A_2495 = arith.constant 80 : index
      %swap3A_2496 = tpu.vector_load %arg9[%swap3A_2494, %swap3A_2495] {strides = array<i32>} : memref<16x128xf32, #tpu.memory_space<vmem>>, vector<1x16xf32>,
      %swap3A_2497 = vector.shape_cast %swap3A_2496 : vector<1x16xf32> to vector<16xf32>
      %swap3A_2498 = vector.shape_cast %select_n3A_2492 : vector<16xf32> to vector<1x16xf32>
      tpu.vector_store %arg9[%swap3A_2494, %swap3A_2495], %swap3A_2498 {strides = array<i32>} : memref<16x128xf32, #tpu.memory_space<vmem>>, vector<1x16xf32>,
      %eq3A_2499 = arith.constant 8 : i32
      %eq3A_2500 = vector.broadcast %eq3A_2499 : i32 to vector<16xi32>
      %eq3A_2501 = arith.cmpi eq, %get3A_2271, %eq3A_2500 : vector<16xi32>
      %jit3A_2502 = arith.constant 1.000000e+00 : f32
      %jit3A_2503 = arith.constant 0.000000e+00 : f32
      %broadcast_in_dim3A_2504 = vector.broadcast %jit3A_2502 : f32 to vector<16xf32>
      %broadcast_in_dim3A_2505 = vector.broadcast %jit3A_2503 : f32 to vector<16xf32>
      %select_n3A_2506 = arith.select %eq3A_2501, %broadcast_in_dim3A_2504, %broadcast_in_dim3A_2505 : vector<16xi1>, vector<16xf32>
      %swap3A_2507 = arith.constant 8 : i32
      %swap3A_2508 = arith.index_cast %swap3A_2507 : i32 to index
      %swap3A_2509 = arith.constant 80 : index
      %swap3A_2510 = tpu.vector_load %arg8[%swap3A_2508, %swap3A_2509] {strides = array<i32>} : memref<16x128xf32, #tpu.memory_space<vmem>>, vector<1x16xf32>,
      %swap3A_2511 = vector.shape_cast %swap3A_2510 : vector<1x16xf32> to vector<16xf32>
      %swap3A_2512 = vector.shape_cast %select_n3A_2506 : vector<16xf32> to vector<1x16xf32>
      tpu.vector_store %arg8[%swap3A_2508, %swap3A_2509], %swap3A_2512 {strides = array<i32>} : memref<16x128xf32, #tpu.memory_space<vmem>>, vector<1x16xf32>,
      %eq3A_2513 = arith.constant 8 : i32
      %eq3A_2514 = vector.broadcast %eq3A_2513 : i32 to vector<16xi32>
      %eq3A_2515 = arith.cmpi eq, %get3A_2274, %eq3A_2514 : vector<16xi32>
      %jit3A_2516 = arith.constant 1.000000e+00 : f32
      %jit3A_2517 = arith.constant 0.000000e+00 : f32
      %broadcast_in_dim3A_2518 = vector.broadcast %jit3A_2516 : f32 to vector<16xf32>
      %broadcast_in_dim3A_2519 = vector.broadcast %jit3A_2517 : f32 to vector<16xf32>
      %select_n3A_2520 = arith.select %eq3A_2515, %broadcast_in_dim3A_2518, %broadcast_in_dim3A_2519 : vector<16xi1>, vector<16xf32>
      %swap3A_2521 = arith.constant 8 : i32
      %swap3A_2522 = arith.index_cast %swap3A_2521 : i32 to index
      %swap3A_2523 = arith.constant 80 : index
      %swap3A_2524 = tpu.vector_load %arg9[%swap3A_2522, %swap3A_2523] {strides = array<i32>} : memref<16x128xf32, #tpu.memory_space<vmem>>, vector<1x16xf32>,
      %swap3A_2525 = vector.shape_cast %swap3A_2524 : vector<1x16xf32> to vector<16xf32>
      %swap3A_2526 = vector.shape_cast %select_n3A_2520 : vector<16xf32> to vector<1x16xf32>
      tpu.vector_store %arg9[%swap3A_2522, %swap3A_2523], %swap3A_2526 {strides = array<i32>} : memref<16x128xf32, #tpu.memory_space<vmem>>, vector<1x16xf32>,
      %eq3A_2527 = arith.constant 9 : i32
      %eq3A_2528 = vector.broadcast %eq3A_2527 : i32 to vector<16xi32>
      %eq3A_2529 = arith.cmpi eq, %get3A_2271, %eq3A_2528 : vector<16xi32>
      %jit3A_2530 = arith.constant 1.000000e+00 : f32
      %jit3A_2531 = arith.constant 0.000000e+00 : f32
      %broadcast_in_dim3A_2532 = vector.broadcast %jit3A_2530 : f32 to vector<16xf32>
      %broadcast_in_dim3A_2533 = vector.broadcast %jit3A_2531 : f32 to vector<16xf32>
      %select_n3A_2534 = arith.select %eq3A_2529, %broadcast_in_dim3A_2532, %broadcast_in_dim3A_2533 : vector<16xi1>, vector<16xf32>
      %swap3A_2535 = arith.constant 9 : i32
      %swap3A_2536 = arith.index_cast %swap3A_2535 : i32 to index
      %swap3A_2537 = arith.constant 80 : index
      %swap3A_2538 = tpu.vector_load %arg8[%swap3A_2536, %swap3A_2537] {strides = array<i32>} : memref<16x128xf32, #tpu.memory_space<vmem>>, vector<1x16xf32>,
      %swap3A_2539 = vector.shape_cast %swap3A_2538 : vector<1x16xf32> to vector<16xf32>
      %swap3A_2540 = vector.shape_cast %select_n3A_2534 : vector<16xf32> to vector<1x16xf32>
      tpu.vector_store %arg8[%swap3A_2536, %swap3A_2537], %swap3A_2540 {strides = array<i32>} : memref<16x128xf32, #tpu.memory_space<vmem>>, vector<1x16xf32>,
      %eq3A_2541 = arith.constant 9 : i32
      %eq3A_2542 = vector.broadcast %eq3A_2541 : i32 to vector<16xi32>
      %eq3A_2543 = arith.cmpi eq, %get3A_2274, %eq3A_2542 : vector<16xi32>
      %jit3A_2544 = arith.constant 1.000000e+00 : f32
      %jit3A_2545 = arith.constant 0.000000e+00 : f32
      %broadcast_in_dim3A_2546 = vector.broadcast %jit3A_2544 : f32 to vector<16xf32>
      %broadcast_in_dim3A_2547 = vector.broadcast %jit3A_2545 : f32 to vector<16xf32>
      %select_n3A_2548 = arith.select %eq3A_2543, %broadcast_in_dim3A_2546, %broadcast_in_dim3A_2547 : vector<16xi1>, vector<16xf32>
      %swap3A_2549 = arith.constant 9 : i32
      %swap3A_2550 = arith.index_cast %swap3A_2549 : i32 to index
      %swap3A_2551 = arith.constant 80 : index
      %swap3A_2552 = tpu.vector_load %arg9[%swap3A_2550, %swap3A_2551] {strides = array<i32>} : memref<16x128xf32, #tpu.memory_space<vmem>>, vector<1x16xf32>,
      %swap3A_2553 = vector.shape_cast %swap3A_2552 : vector<1x16xf32> to vector<16xf32>
      %swap3A_2554 = vector.shape_cast %select_n3A_2548 : vector<16xf32> to vector<1x16xf32>
      tpu.vector_store %arg9[%swap3A_2550, %swap3A_2551], %swap3A_2554 {strides = array<i32>} : memref<16x128xf32, #tpu.memory_space<vmem>>, vector<1x16xf32>,
      %eq3A_2555 = arith.constant 10 : i32
      %eq3A_2556 = vector.broadcast %eq3A_2555 : i32 to vector<16xi32>
      %eq3A_2557 = arith.cmpi eq, %get3A_2271, %eq3A_2556 : vector<16xi32>
      %jit3A_2558 = arith.constant 1.000000e+00 : f32
      %jit3A_2559 = arith.constant 0.000000e+00 : f32
      %broadcast_in_dim3A_2560 = vector.broadcast %jit3A_2558 : f32 to vector<16xf32>
      %broadcast_in_dim3A_2561 = vector.broadcast %jit3A_2559 : f32 to vector<16xf32>
      %select_n3A_2562 = arith.select %eq3A_2557, %broadcast_in_dim3A_2560, %broadcast_in_dim3A_2561 : vector<16xi1>, vector<16xf32>
      %swap3A_2563 = arith.constant 10 : i32
      %swap3A_2564 = arith.index_cast %swap3A_2563 : i32 to index
      %swap3A_2565 = arith.constant 80 : index
      %swap3A_2566 = tpu.vector_load %arg8[%swap3A_2564, %swap3A_2565] {strides = array<i32>} : memref<16x128xf32, #tpu.memory_space<vmem>>, vector<1x16xf32>,
      %swap3A_2567 = vector.shape_cast %swap3A_2566 : vector<1x16xf32> to vector<16xf32>
      %swap3A_2568 = vector.shape_cast %select_n3A_2562 : vector<16xf32> to vector<1x16xf32>
      tpu.vector_store %arg8[%swap3A_2564, %swap3A_2565], %swap3A_2568 {strides = array<i32>} : memref<16x128xf32, #tpu.memory_space<vmem>>, vector<1x16xf32>,
      %eq3A_2569 = arith.constant 10 : i32
      %eq3A_2570 = vector.broadcast %eq3A_2569 : i32 to vector<16xi32>
      %eq3A_2571 = arith.cmpi eq, %get3A_2274, %eq3A_2570 : vector<16xi32>
      %jit3A_2572 = arith.constant 1.000000e+00 : f32
      %jit3A_2573 = arith.constant 0.000000e+00 : f32
      %broadcast_in_dim3A_2574 = vector.broadcast %jit3A_2572 : f32 to vector<16xf32>
      %broadcast_in_dim3A_2575 = vector.broadcast %jit3A_2573 : f32 to vector<16xf32>
      %select_n3A_2576 = arith.select %eq3A_2571, %broadcast_in_dim3A_2574, %broadcast_in_dim3A_2575 : vector<16xi1>, vector<16xf32>
      %swap3A_2577 = arith.constant 10 : i32
      %swap3A_2578 = arith.index_cast %swap3A_2577 : i32 to index
      %swap3A_2579 = arith.constant 80 : index
      %swap3A_2580 = tpu.vector_load %arg9[%swap3A_2578, %swap3A_2579] {strides = array<i32>} : memref<16x128xf32, #tpu.memory_space<vmem>>, vector<1x16xf32>,
      %swap3A_2581 = vector.shape_cast %swap3A_2580 : vector<1x16xf32> to vector<16xf32>
      %swap3A_2582 = vector.shape_cast %select_n3A_2576 : vector<16xf32> to vector<1x16xf32>
      tpu.vector_store %arg9[%swap3A_2578, %swap3A_2579], %swap3A_2582 {strides = array<i32>} : memref<16x128xf32, #tpu.memory_space<vmem>>, vector<1x16xf32>,
      %eq3A_2583 = arith.constant 11 : i32
      %eq3A_2584 = vector.broadcast %eq3A_2583 : i32 to vector<16xi32>
      %eq3A_2585 = arith.cmpi eq, %get3A_2271, %eq3A_2584 : vector<16xi32>
      %jit3A_2586 = arith.constant 1.000000e+00 : f32
      %jit3A_2587 = arith.constant 0.000000e+00 : f32
      %broadcast_in_dim3A_2588 = vector.broadcast %jit3A_2586 : f32 to vector<16xf32>
      %broadcast_in_dim3A_2589 = vector.broadcast %jit3A_2587 : f32 to vector<16xf32>
      %select_n3A_2590 = arith.select %eq3A_2585, %broadcast_in_dim3A_2588, %broadcast_in_dim3A_2589 : vector<16xi1>, vector<16xf32>
      %swap3A_2591 = arith.constant 11 : i32
      %swap3A_2592 = arith.index_cast %swap3A_2591 : i32 to index
      %swap3A_2593 = arith.constant 80 : index
      %swap3A_2594 = tpu.vector_load %arg8[%swap3A_2592, %swap3A_2593] {strides = array<i32>} : memref<16x128xf32, #tpu.memory_space<vmem>>, vector<1x16xf32>,
      %swap3A_2595 = vector.shape_cast %swap3A_2594 : vector<1x16xf32> to vector<16xf32>
      %swap3A_2596 = vector.shape_cast %select_n3A_2590 : vector<16xf32> to vector<1x16xf32>
      tpu.vector_store %arg8[%swap3A_2592, %swap3A_2593], %swap3A_2596 {strides = array<i32>} : memref<16x128xf32, #tpu.memory_space<vmem>>, vector<1x16xf32>,
      %eq3A_2597 = arith.constant 11 : i32
      %eq3A_2598 = vector.broadcast %eq3A_2597 : i32 to vector<16xi32>
      %eq3A_2599 = arith.cmpi eq, %get3A_2274, %eq3A_2598 : vector<16xi32>
      %jit3A_2600 = arith.constant 1.000000e+00 : f32
      %jit3A_2601 = arith.constant 0.000000e+00 : f32
      %broadcast_in_dim3A_2602 = vector.broadcast %jit3A_2600 : f32 to vector<16xf32>
      %broadcast_in_dim3A_2603 = vector.broadcast %jit3A_2601 : f32 to vector<16xf32>
      %select_n3A_2604 = arith.select %eq3A_2599, %broadcast_in_dim3A_2602, %broadcast_in_dim3A_2603 : vector<16xi1>, vector<16xf32>
      %swap3A_2605 = arith.constant 11 : i32
      %swap3A_2606 = arith.index_cast %swap3A_2605 : i32 to index
      %swap3A_2607 = arith.constant 80 : index
      %swap3A_2608 = tpu.vector_load %arg9[%swap3A_2606, %swap3A_2607] {strides = array<i32>} : memref<16x128xf32, #tpu.memory_space<vmem>>, vector<1x16xf32>,
      %swap3A_2609 = vector.shape_cast %swap3A_2608 : vector<1x16xf32> to vector<16xf32>
      %swap3A_2610 = vector.shape_cast %select_n3A_2604 : vector<16xf32> to vector<1x16xf32>
      tpu.vector_store %arg9[%swap3A_2606, %swap3A_2607], %swap3A_2610 {strides = array<i32>} : memref<16x128xf32, #tpu.memory_space<vmem>>, vector<1x16xf32>,
      %eq3A_2611 = arith.constant 12 : i32
      %eq3A_2612 = vector.broadcast %eq3A_2611 : i32 to vector<16xi32>
      %eq3A_2613 = arith.cmpi eq, %get3A_2271, %eq3A_2612 : vector<16xi32>
      %jit3A_2614 = arith.constant 1.000000e+00 : f32
      %jit3A_2615 = arith.constant 0.000000e+00 : f32
      %broadcast_in_dim3A_2616 = vector.broadcast %jit3A_2614 : f32 to vector<16xf32>
      %broadcast_in_dim3A_2617 = vector.broadcast %jit3A_2615 : f32 to vector<16xf32>
      %select_n3A_2618 = arith.select %eq3A_2613, %broadcast_in_dim3A_2616, %broadcast_in_dim3A_2617 : vector<16xi1>, vector<16xf32>
      %swap3A_2619 = arith.constant 12 : i32
      %swap3A_2620 = arith.index_cast %swap3A_2619 : i32 to index
      %swap3A_2621 = arith.constant 80 : index
      %swap3A_2622 = tpu.vector_load %arg8[%swap3A_2620, %swap3A_2621] {strides = array<i32>} : memref<16x128xf32, #tpu.memory_space<vmem>>, vector<1x16xf32>,
      %swap3A_2623 = vector.shape_cast %swap3A_2622 : vector<1x16xf32> to vector<16xf32>
      %swap3A_2624 = vector.shape_cast %select_n3A_2618 : vector<16xf32> to vector<1x16xf32>
      tpu.vector_store %arg8[%swap3A_2620, %swap3A_2621], %swap3A_2624 {strides = array<i32>} : memref<16x128xf32, #tpu.memory_space<vmem>>, vector<1x16xf32>,
      %eq3A_2625 = arith.constant 12 : i32
      %eq3A_2626 = vector.broadcast %eq3A_2625 : i32 to vector<16xi32>
      %eq3A_2627 = arith.cmpi eq, %get3A_2274, %eq3A_2626 : vector<16xi32>
      %jit3A_2628 = arith.constant 1.000000e+00 : f32
      %jit3A_2629 = arith.constant 0.000000e+00 : f32
      %broadcast_in_dim3A_2630 = vector.broadcast %jit3A_2628 : f32 to vector<16xf32>
      %broadcast_in_dim3A_2631 = vector.broadcast %jit3A_2629 : f32 to vector<16xf32>
      %select_n3A_2632 = arith.select %eq3A_2627, %broadcast_in_dim3A_2630, %broadcast_in_dim3A_2631 : vector<16xi1>, vector<16xf32>
      %swap3A_2633 = arith.constant 12 : i32
      %swap3A_2634 = arith.index_cast %swap3A_2633 : i32 to index
      %swap3A_2635 = arith.constant 80 : index
      %swap3A_2636 = tpu.vector_load %arg9[%swap3A_2634, %swap3A_2635] {strides = array<i32>} : memref<16x128xf32, #tpu.memory_space<vmem>>, vector<1x16xf32>,
      %swap3A_2637 = vector.shape_cast %swap3A_2636 : vector<1x16xf32> to vector<16xf32>
      %swap3A_2638 = vector.shape_cast %select_n3A_2632 : vector<16xf32> to vector<1x16xf32>
      tpu.vector_store %arg9[%swap3A_2634, %swap3A_2635], %swap3A_2638 {strides = array<i32>} : memref<16x128xf32, #tpu.memory_space<vmem>>, vector<1x16xf32>,
      %eq3A_2639 = arith.constant 13 : i32
      %eq3A_2640 = vector.broadcast %eq3A_2639 : i32 to vector<16xi32>
      %eq3A_2641 = arith.cmpi eq, %get3A_2271, %eq3A_2640 : vector<16xi32>
      %jit3A_2642 = arith.constant 1.000000e+00 : f32
      %jit3A_2643 = arith.constant 0.000000e+00 : f32
      %broadcast_in_dim3A_2644 = vector.broadcast %jit3A_2642 : f32 to vector<16xf32>
      %broadcast_in_dim3A_2645 = vector.broadcast %jit3A_2643 : f32 to vector<16xf32>
      %select_n3A_2646 = arith.select %eq3A_2641, %broadcast_in_dim3A_2644, %broadcast_in_dim3A_2645 : vector<16xi1>, vector<16xf32>
      %swap3A_2647 = arith.constant 13 : i32
      %swap3A_2648 = arith.index_cast %swap3A_2647 : i32 to index
      %swap3A_2649 = arith.constant 80 : index
      %swap3A_2650 = tpu.vector_load %arg8[%swap3A_2648, %swap3A_2649] {strides = array<i32>} : memref<16x128xf32, #tpu.memory_space<vmem>>, vector<1x16xf32>,
      %swap3A_2651 = vector.shape_cast %swap3A_2650 : vector<1x16xf32> to vector<16xf32>
      %swap3A_2652 = vector.shape_cast %select_n3A_2646 : vector<16xf32> to vector<1x16xf32>
      tpu.vector_store %arg8[%swap3A_2648, %swap3A_2649], %swap3A_2652 {strides = array<i32>} : memref<16x128xf32, #tpu.memory_space<vmem>>, vector<1x16xf32>,
      %eq3A_2653 = arith.constant 13 : i32
      %eq3A_2654 = vector.broadcast %eq3A_2653 : i32 to vector<16xi32>
      %eq3A_2655 = arith.cmpi eq, %get3A_2274, %eq3A_2654 : vector<16xi32>
      %jit3A_2656 = arith.constant 1.000000e+00 : f32
      %jit3A_2657 = arith.constant 0.000000e+00 : f32
      %broadcast_in_dim3A_2658 = vector.broadcast %jit3A_2656 : f32 to vector<16xf32>
      %broadcast_in_dim3A_2659 = vector.broadcast %jit3A_2657 : f32 to vector<16xf32>
      %select_n3A_2660 = arith.select %eq3A_2655, %broadcast_in_dim3A_2658, %broadcast_in_dim3A_2659 : vector<16xi1>, vector<16xf32>
      %swap3A_2661 = arith.constant 13 : i32
      %swap3A_2662 = arith.index_cast %swap3A_2661 : i32 to index
      %swap3A_2663 = arith.constant 80 : index
      %swap3A_2664 = tpu.vector_load %arg9[%swap3A_2662, %swap3A_2663] {strides = array<i32>} : memref<16x128xf32, #tpu.memory_space<vmem>>, vector<1x16xf32>,
      %swap3A_2665 = vector.shape_cast %swap3A_2664 : vector<1x16xf32> to vector<16xf32>
      %swap3A_2666 = vector.shape_cast %select_n3A_2660 : vector<16xf32> to vector<1x16xf32>
      tpu.vector_store %arg9[%swap3A_2662, %swap3A_2663], %swap3A_2666 {strides = array<i32>} : memref<16x128xf32, #tpu.memory_space<vmem>>, vector<1x16xf32>,
      %eq3A_2667 = arith.constant 14 : i32
      %eq3A_2668 = vector.broadcast %eq3A_2667 : i32 to vector<16xi32>
      %eq3A_2669 = arith.cmpi eq, %get3A_2271, %eq3A_2668 : vector<16xi32>
      %jit3A_2670 = arith.constant 1.000000e+00 : f32
      %jit3A_2671 = arith.constant 0.000000e+00 : f32
      %broadcast_in_dim3A_2672 = vector.broadcast %jit3A_2670 : f32 to vector<16xf32>
      %broadcast_in_dim3A_2673 = vector.broadcast %jit3A_2671 : f32 to vector<16xf32>
      %select_n3A_2674 = arith.select %eq3A_2669, %broadcast_in_dim3A_2672, %broadcast_in_dim3A_2673 : vector<16xi1>, vector<16xf32>
      %swap3A_2675 = arith.constant 14 : i32
      %swap3A_2676 = arith.index_cast %swap3A_2675 : i32 to index
      %swap3A_2677 = arith.constant 80 : index
      %swap3A_2678 = tpu.vector_load %arg8[%swap3A_2676, %swap3A_2677] {strides = array<i32>} : memref<16x128xf32, #tpu.memory_space<vmem>>, vector<1x16xf32>,
      %swap3A_2679 = vector.shape_cast %swap3A_2678 : vector<1x16xf32> to vector<16xf32>
      %swap3A_2680 = vector.shape_cast %select_n3A_2674 : vector<16xf32> to vector<1x16xf32>
      tpu.vector_store %arg8[%swap3A_2676, %swap3A_2677], %swap3A_2680 {strides = array<i32>} : memref<16x128xf32, #tpu.memory_space<vmem>>, vector<1x16xf32>,
      %eq3A_2681 = arith.constant 14 : i32
      %eq3A_2682 = vector.broadcast %eq3A_2681 : i32 to vector<16xi32>
      %eq3A_2683 = arith.cmpi eq, %get3A_2274, %eq3A_2682 : vector<16xi32>
      %jit3A_2684 = arith.constant 1.000000e+00 : f32
      %jit3A_2685 = arith.constant 0.000000e+00 : f32
      %broadcast_in_dim3A_2686 = vector.broadcast %jit3A_2684 : f32 to vector<16xf32>
      %broadcast_in_dim3A_2687 = vector.broadcast %jit3A_2685 : f32 to vector<16xf32>
      %select_n3A_2688 = arith.select %eq3A_2683, %broadcast_in_dim3A_2686, %broadcast_in_dim3A_2687 : vector<16xi1>, vector<16xf32>
      %swap3A_2689 = arith.constant 14 : i32
      %swap3A_2690 = arith.index_cast %swap3A_2689 : i32 to index
      %swap3A_2691 = arith.constant 80 : index
      %swap3A_2692 = tpu.vector_load %arg9[%swap3A_2690, %swap3A_2691] {strides = array<i32>} : memref<16x128xf32, #tpu.memory_space<vmem>>, vector<1x16xf32>,
      %swap3A_2693 = vector.shape_cast %swap3A_2692 : vector<1x16xf32> to vector<16xf32>
      %swap3A_2694 = vector.shape_cast %select_n3A_2688 : vector<16xf32> to vector<1x16xf32>
      tpu.vector_store %arg9[%swap3A_2690, %swap3A_2691], %swap3A_2694 {strides = array<i32>} : memref<16x128xf32, #tpu.memory_space<vmem>>, vector<1x16xf32>,
      %eq3A_2695 = arith.constant 15 : i32
      %eq3A_2696 = vector.broadcast %eq3A_2695 : i32 to vector<16xi32>
      %eq3A_2697 = arith.cmpi eq, %get3A_2271, %eq3A_2696 : vector<16xi32>
      %jit3A_2698 = arith.constant 1.000000e+00 : f32
      %jit3A_2699 = arith.constant 0.000000e+00 : f32
      %broadcast_in_dim3A_2700 = vector.broadcast %jit3A_2698 : f32 to vector<16xf32>
      %broadcast_in_dim3A_2701 = vector.broadcast %jit3A_2699 : f32 to vector<16xf32>
      %select_n3A_2702 = arith.select %eq3A_2697, %broadcast_in_dim3A_2700, %broadcast_in_dim3A_2701 : vector<16xi1>, vector<16xf32>
      %swap3A_2703 = arith.constant 15 : i32
      %swap3A_2704 = arith.index_cast %swap3A_2703 : i32 to index
      %swap3A_2705 = arith.constant 80 : index
      %swap3A_2706 = tpu.vector_load %arg8[%swap3A_2704, %swap3A_2705] {strides = array<i32>} : memref<16x128xf32, #tpu.memory_space<vmem>>, vector<1x16xf32>,
      %swap3A_2707 = vector.shape_cast %swap3A_2706 : vector<1x16xf32> to vector<16xf32>
      %swap3A_2708 = vector.shape_cast %select_n3A_2702 : vector<16xf32> to vector<1x16xf32>
      tpu.vector_store %arg8[%swap3A_2704, %swap3A_2705], %swap3A_2708 {strides = array<i32>} : memref<16x128xf32, #tpu.memory_space<vmem>>, vector<1x16xf32>,
      %eq3A_2709 = arith.constant 15 : i32
      %eq3A_2710 = vector.broadcast %eq3A_2709 : i32 to vector<16xi32>
      %eq3A_2711 = arith.cmpi eq, %get3A_2274, %eq3A_2710 : vector<16xi32>
      %jit3A_2712 = arith.constant 1.000000e+00 : f32
      %jit3A_2713 = arith.constant 0.000000e+00 : f32
      %broadcast_in_dim3A_2714 = vector.broadcast %jit3A_2712 : f32 to vector<16xf32>
      %broadcast_in_dim3A_2715 = vector.broadcast %jit3A_2713 : f32 to vector<16xf32>
      %select_n3A_2716 = arith.select %eq3A_2711, %broadcast_in_dim3A_2714, %broadcast_in_dim3A_2715 : vector<16xi1>, vector<16xf32>
      %swap3A_2717 = arith.constant 15 : i32
      %swap3A_2718 = arith.index_cast %swap3A_2717 : i32 to index
      %swap3A_2719 = arith.constant 80 : index
      %swap3A_2720 = tpu.vector_load %arg9[%swap3A_2718, %swap3A_2719] {strides = array<i32>} : memref<16x128xf32, #tpu.memory_space<vmem>>, vector<1x16xf32>,
      %swap3A_2721 = vector.shape_cast %swap3A_2720 : vector<1x16xf32> to vector<16xf32>
      %swap3A_2722 = vector.shape_cast %select_n3A_2716 : vector<16xf32> to vector<1x16xf32>
      tpu.vector_store %arg9[%swap3A_2718, %swap3A_2719], %swap3A_2722 {strides = array<i32>} : memref<16x128xf32, #tpu.memory_space<vmem>>, vector<1x16xf32>,
      %get3A_2723 = arith.constant 96 : index
      %get3A_2724 = tpu.vector_load %arg6[%get3A_2723] {strides = array<i32>} : memref<128xi32, #tpu.memory_space<vmem>>, vector<16xi32>,
      %get3A_2725 = vector.shape_cast %get3A_2724 : vector<16xi32> to vector<16xi32>
      %get3A_2726 = arith.constant 96 : index
      %get3A_2727 = tpu.vector_load %arg7[%get3A_2726] {strides = array<i32>} : memref<128xi32, #tpu.memory_space<vmem>>, vector<16xi32>,
      %get3A_2728 = vector.shape_cast %get3A_2727 : vector<16xi32> to vector<16xi32>
      %eq3A_2729 = arith.constant 0 : i32
      %eq3A_2730 = vector.broadcast %eq3A_2729 : i32 to vector<16xi32>
      %eq3A_2731 = arith.cmpi eq, %get3A_2725, %eq3A_2730 : vector<16xi32>
      %jit3A_2732 = arith.constant 1.000000e+00 : f32
      %jit3A_2733 = arith.constant 0.000000e+00 : f32
      %broadcast_in_dim3A_2734 = vector.broadcast %jit3A_2732 : f32 to vector<16xf32>
      %broadcast_in_dim3A_2735 = vector.broadcast %jit3A_2733 : f32 to vector<16xf32>
      %select_n3A_2736 = arith.select %eq3A_2731, %broadcast_in_dim3A_2734, %broadcast_in_dim3A_2735 : vector<16xi1>, vector<16xf32>
      %swap3A_2737 = arith.constant 0 : i32
      %swap3A_2738 = arith.index_cast %swap3A_2737 : i32 to index
      %swap3A_2739 = arith.constant 96 : index
      %swap3A_2740 = tpu.vector_load %arg8[%swap3A_2738, %swap3A_2739] {strides = array<i32>} : memref<16x128xf32, #tpu.memory_space<vmem>>, vector<1x16xf32>,
      %swap3A_2741 = vector.shape_cast %swap3A_2740 : vector<1x16xf32> to vector<16xf32>
      %swap3A_2742 = vector.shape_cast %select_n3A_2736 : vector<16xf32> to vector<1x16xf32>
      tpu.vector_store %arg8[%swap3A_2738, %swap3A_2739], %swap3A_2742 {strides = array<i32>} : memref<16x128xf32, #tpu.memory_space<vmem>>, vector<1x16xf32>,
      %eq3A_2743 = arith.constant 0 : i32
      %eq3A_2744 = vector.broadcast %eq3A_2743 : i32 to vector<16xi32>
      %eq3A_2745 = arith.cmpi eq, %get3A_2728, %eq3A_2744 : vector<16xi32>
      %jit3A_2746 = arith.constant 1.000000e+00 : f32
      %jit3A_2747 = arith.constant 0.000000e+00 : f32
      %broadcast_in_dim3A_2748 = vector.broadcast %jit3A_2746 : f32 to vector<16xf32>
      %broadcast_in_dim3A_2749 = vector.broadcast %jit3A_2747 : f32 to vector<16xf32>
      %select_n3A_2750 = arith.select %eq3A_2745, %broadcast_in_dim3A_2748, %broadcast_in_dim3A_2749 : vector<16xi1>, vector<16xf32>
      %swap3A_2751 = arith.constant 0 : i32
      %swap3A_2752 = arith.index_cast %swap3A_2751 : i32 to index
      %swap3A_2753 = arith.constant 96 : index
      %swap3A_2754 = tpu.vector_load %arg9[%swap3A_2752, %swap3A_2753] {strides = array<i32>} : memref<16x128xf32, #tpu.memory_space<vmem>>, vector<1x16xf32>,
      %swap3A_2755 = vector.shape_cast %swap3A_2754 : vector<1x16xf32> to vector<16xf32>
      %swap3A_2756 = vector.shape_cast %select_n3A_2750 : vector<16xf32> to vector<1x16xf32>
      tpu.vector_store %arg9[%swap3A_2752, %swap3A_2753], %swap3A_2756 {strides = array<i32>} : memref<16x128xf32, #tpu.memory_space<vmem>>, vector<1x16xf32>,
      %eq3A_2757 = arith.constant 1 : i32
      %eq3A_2758 = vector.broadcast %eq3A_2757 : i32 to vector<16xi32>
      %eq3A_2759 = arith.cmpi eq, %get3A_2725, %eq3A_2758 : vector<16xi32>
      %jit3A_2760 = arith.constant 1.000000e+00 : f32
      %jit3A_2761 = arith.constant 0.000000e+00 : f32
      %broadcast_in_dim3A_2762 = vector.broadcast %jit3A_2760 : f32 to vector<16xf32>
      %broadcast_in_dim3A_2763 = vector.broadcast %jit3A_2761 : f32 to vector<16xf32>
      %select_n3A_2764 = arith.select %eq3A_2759, %broadcast_in_dim3A_2762, %broadcast_in_dim3A_2763 : vector<16xi1>, vector<16xf32>
      %swap3A_2765 = arith.constant 1 : i32
      %swap3A_2766 = arith.index_cast %swap3A_2765 : i32 to index
      %swap3A_2767 = arith.constant 96 : index
      %swap3A_2768 = tpu.vector_load %arg8[%swap3A_2766, %swap3A_2767] {strides = array<i32>} : memref<16x128xf32, #tpu.memory_space<vmem>>, vector<1x16xf32>,
      %swap3A_2769 = vector.shape_cast %swap3A_2768 : vector<1x16xf32> to vector<16xf32>
      %swap3A_2770 = vector.shape_cast %select_n3A_2764 : vector<16xf32> to vector<1x16xf32>
      tpu.vector_store %arg8[%swap3A_2766, %swap3A_2767], %swap3A_2770 {strides = array<i32>} : memref<16x128xf32, #tpu.memory_space<vmem>>, vector<1x16xf32>,
      %eq3A_2771 = arith.constant 1 : i32
      %eq3A_2772 = vector.broadcast %eq3A_2771 : i32 to vector<16xi32>
      %eq3A_2773 = arith.cmpi eq, %get3A_2728, %eq3A_2772 : vector<16xi32>
      %jit3A_2774 = arith.constant 1.000000e+00 : f32
      %jit3A_2775 = arith.constant 0.000000e+00 : f32
      %broadcast_in_dim3A_2776 = vector.broadcast %jit3A_2774 : f32 to vector<16xf32>
      %broadcast_in_dim3A_2777 = vector.broadcast %jit3A_2775 : f32 to vector<16xf32>
      %select_n3A_2778 = arith.select %eq3A_2773, %broadcast_in_dim3A_2776, %broadcast_in_dim3A_2777 : vector<16xi1>, vector<16xf32>
      %swap3A_2779 = arith.constant 1 : i32
      %swap3A_2780 = arith.index_cast %swap3A_2779 : i32 to index
      %swap3A_2781 = arith.constant 96 : index
      %swap3A_2782 = tpu.vector_load %arg9[%swap3A_2780, %swap3A_2781] {strides = array<i32>} : memref<16x128xf32, #tpu.memory_space<vmem>>, vector<1x16xf32>,
      %swap3A_2783 = vector.shape_cast %swap3A_2782 : vector<1x16xf32> to vector<16xf32>
      %swap3A_2784 = vector.shape_cast %select_n3A_2778 : vector<16xf32> to vector<1x16xf32>
      tpu.vector_store %arg9[%swap3A_2780, %swap3A_2781], %swap3A_2784 {strides = array<i32>} : memref<16x128xf32, #tpu.memory_space<vmem>>, vector<1x16xf32>,
      %eq3A_2785 = arith.constant 2 : i32
      %eq3A_2786 = vector.broadcast %eq3A_2785 : i32 to vector<16xi32>
      %eq3A_2787 = arith.cmpi eq, %get3A_2725, %eq3A_2786 : vector<16xi32>
      %jit3A_2788 = arith.constant 1.000000e+00 : f32
      %jit3A_2789 = arith.constant 0.000000e+00 : f32
      %broadcast_in_dim3A_2790 = vector.broadcast %jit3A_2788 : f32 to vector<16xf32>
      %broadcast_in_dim3A_2791 = vector.broadcast %jit3A_2789 : f32 to vector<16xf32>
      %select_n3A_2792 = arith.select %eq3A_2787, %broadcast_in_dim3A_2790, %broadcast_in_dim3A_2791 : vector<16xi1>, vector<16xf32>
      %swap3A_2793 = arith.constant 2 : i32
      %swap3A_2794 = arith.index_cast %swap3A_2793 : i32 to index
      %swap3A_2795 = arith.constant 96 : index
      %swap3A_2796 = tpu.vector_load %arg8[%swap3A_2794, %swap3A_2795] {strides = array<i32>} : memref<16x128xf32, #tpu.memory_space<vmem>>, vector<1x16xf32>,
      %swap3A_2797 = vector.shape_cast %swap3A_2796 : vector<1x16xf32> to vector<16xf32>
      %swap3A_2798 = vector.shape_cast %select_n3A_2792 : vector<16xf32> to vector<1x16xf32>
      tpu.vector_store %arg8[%swap3A_2794, %swap3A_2795], %swap3A_2798 {strides = array<i32>} : memref<16x128xf32, #tpu.memory_space<vmem>>, vector<1x16xf32>,
      %eq3A_2799 = arith.constant 2 : i32
      %eq3A_2800 = vector.broadcast %eq3A_2799 : i32 to vector<16xi32>
      %eq3A_2801 = arith.cmpi eq, %get3A_2728, %eq3A_2800 : vector<16xi32>
      %jit3A_2802 = arith.constant 1.000000e+00 : f32
      %jit3A_2803 = arith.constant 0.000000e+00 : f32
      %broadcast_in_dim3A_2804 = vector.broadcast %jit3A_2802 : f32 to vector<16xf32>
      %broadcast_in_dim3A_2805 = vector.broadcast %jit3A_2803 : f32 to vector<16xf32>
      %select_n3A_2806 = arith.select %eq3A_2801, %broadcast_in_dim3A_2804, %broadcast_in_dim3A_2805 : vector<16xi1>, vector<16xf32>
      %swap3A_2807 = arith.constant 2 : i32
      %swap3A_2808 = arith.index_cast %swap3A_2807 : i32 to index
      %swap3A_2809 = arith.constant 96 : index
      %swap3A_2810 = tpu.vector_load %arg9[%swap3A_2808, %swap3A_2809] {strides = array<i32>} : memref<16x128xf32, #tpu.memory_space<vmem>>, vector<1x16xf32>,
      %swap3A_2811 = vector.shape_cast %swap3A_2810 : vector<1x16xf32> to vector<16xf32>
      %swap3A_2812 = vector.shape_cast %select_n3A_2806 : vector<16xf32> to vector<1x16xf32>
      tpu.vector_store %arg9[%swap3A_2808, %swap3A_2809], %swap3A_2812 {strides = array<i32>} : memref<16x128xf32, #tpu.memory_space<vmem>>, vector<1x16xf32>,
      %eq3A_2813 = arith.constant 3 : i32
      %eq3A_2814 = vector.broadcast %eq3A_2813 : i32 to vector<16xi32>
      %eq3A_2815 = arith.cmpi eq, %get3A_2725, %eq3A_2814 : vector<16xi32>
      %jit3A_2816 = arith.constant 1.000000e+00 : f32
      %jit3A_2817 = arith.constant 0.000000e+00 : f32
      %broadcast_in_dim3A_2818 = vector.broadcast %jit3A_2816 : f32 to vector<16xf32>
      %broadcast_in_dim3A_2819 = vector.broadcast %jit3A_2817 : f32 to vector<16xf32>
      %select_n3A_2820 = arith.select %eq3A_2815, %broadcast_in_dim3A_2818, %broadcast_in_dim3A_2819 : vector<16xi1>, vector<16xf32>
      %swap3A_2821 = arith.constant 3 : i32
      %swap3A_2822 = arith.index_cast %swap3A_2821 : i32 to index
      %swap3A_2823 = arith.constant 96 : index
      %swap3A_2824 = tpu.vector_load %arg8[%swap3A_2822, %swap3A_2823] {strides = array<i32>} : memref<16x128xf32, #tpu.memory_space<vmem>>, vector<1x16xf32>,
      %swap3A_2825 = vector.shape_cast %swap3A_2824 : vector<1x16xf32> to vector<16xf32>
      %swap3A_2826 = vector.shape_cast %select_n3A_2820 : vector<16xf32> to vector<1x16xf32>
      tpu.vector_store %arg8[%swap3A_2822, %swap3A_2823], %swap3A_2826 {strides = array<i32>} : memref<16x128xf32, #tpu.memory_space<vmem>>, vector<1x16xf32>,
      %eq3A_2827 = arith.constant 3 : i32
      %eq3A_2828 = vector.broadcast %eq3A_2827 : i32 to vector<16xi32>
      %eq3A_2829 = arith.cmpi eq, %get3A_2728, %eq3A_2828 : vector<16xi32>
      %jit3A_2830 = arith.constant 1.000000e+00 : f32
      %jit3A_2831 = arith.constant 0.000000e+00 : f32
      %broadcast_in_dim3A_2832 = vector.broadcast %jit3A_2830 : f32 to vector<16xf32>
      %broadcast_in_dim3A_2833 = vector.broadcast %jit3A_2831 : f32 to vector<16xf32>
      %select_n3A_2834 = arith.select %eq3A_2829, %broadcast_in_dim3A_2832, %broadcast_in_dim3A_2833 : vector<16xi1>, vector<16xf32>
      %swap3A_2835 = arith.constant 3 : i32
      %swap3A_2836 = arith.index_cast %swap3A_2835 : i32 to index
      %swap3A_2837 = arith.constant 96 : index
      %swap3A_2838 = tpu.vector_load %arg9[%swap3A_2836, %swap3A_2837] {strides = array<i32>} : memref<16x128xf32, #tpu.memory_space<vmem>>, vector<1x16xf32>,
      %swap3A_2839 = vector.shape_cast %swap3A_2838 : vector<1x16xf32> to vector<16xf32>
      %swap3A_2840 = vector.shape_cast %select_n3A_2834 : vector<16xf32> to vector<1x16xf32>
      tpu.vector_store %arg9[%swap3A_2836, %swap3A_2837], %swap3A_2840 {strides = array<i32>} : memref<16x128xf32, #tpu.memory_space<vmem>>, vector<1x16xf32>,
      %eq3A_2841 = arith.constant 4 : i32
      %eq3A_2842 = vector.broadcast %eq3A_2841 : i32 to vector<16xi32>
      %eq3A_2843 = arith.cmpi eq, %get3A_2725, %eq3A_2842 : vector<16xi32>
      %jit3A_2844 = arith.constant 1.000000e+00 : f32
      %jit3A_2845 = arith.constant 0.000000e+00 : f32
      %broadcast_in_dim3A_2846 = vector.broadcast %jit3A_2844 : f32 to vector<16xf32>
      %broadcast_in_dim3A_2847 = vector.broadcast %jit3A_2845 : f32 to vector<16xf32>
      %select_n3A_2848 = arith.select %eq3A_2843, %broadcast_in_dim3A_2846, %broadcast_in_dim3A_2847 : vector<16xi1>, vector<16xf32>
      %swap3A_2849 = arith.constant 4 : i32
      %swap3A_2850 = arith.index_cast %swap3A_2849 : i32 to index
      %swap3A_2851 = arith.constant 96 : index
      %swap3A_2852 = tpu.vector_load %arg8[%swap3A_2850, %swap3A_2851] {strides = array<i32>} : memref<16x128xf32, #tpu.memory_space<vmem>>, vector<1x16xf32>,
      %swap3A_2853 = vector.shape_cast %swap3A_2852 : vector<1x16xf32> to vector<16xf32>
      %swap3A_2854 = vector.shape_cast %select_n3A_2848 : vector<16xf32> to vector<1x16xf32>
      tpu.vector_store %arg8[%swap3A_2850, %swap3A_2851], %swap3A_2854 {strides = array<i32>} : memref<16x128xf32, #tpu.memory_space<vmem>>, vector<1x16xf32>,
      %eq3A_2855 = arith.constant 4 : i32
      %eq3A_2856 = vector.broadcast %eq3A_2855 : i32 to vector<16xi32>
      %eq3A_2857 = arith.cmpi eq, %get3A_2728, %eq3A_2856 : vector<16xi32>
      %jit3A_2858 = arith.constant 1.000000e+00 : f32
      %jit3A_2859 = arith.constant 0.000000e+00 : f32
      %broadcast_in_dim3A_2860 = vector.broadcast %jit3A_2858 : f32 to vector<16xf32>
      %broadcast_in_dim3A_2861 = vector.broadcast %jit3A_2859 : f32 to vector<16xf32>
      %select_n3A_2862 = arith.select %eq3A_2857, %broadcast_in_dim3A_2860, %broadcast_in_dim3A_2861 : vector<16xi1>, vector<16xf32>
      %swap3A_2863 = arith.constant 4 : i32
      %swap3A_2864 = arith.index_cast %swap3A_2863 : i32 to index
      %swap3A_2865 = arith.constant 96 : index
      %swap3A_2866 = tpu.vector_load %arg9[%swap3A_2864, %swap3A_2865] {strides = array<i32>} : memref<16x128xf32, #tpu.memory_space<vmem>>, vector<1x16xf32>,
      %swap3A_2867 = vector.shape_cast %swap3A_2866 : vector<1x16xf32> to vector<16xf32>
      %swap3A_2868 = vector.shape_cast %select_n3A_2862 : vector<16xf32> to vector<1x16xf32>
      tpu.vector_store %arg9[%swap3A_2864, %swap3A_2865], %swap3A_2868 {strides = array<i32>} : memref<16x128xf32, #tpu.memory_space<vmem>>, vector<1x16xf32>,
      %eq3A_2869 = arith.constant 5 : i32
      %eq3A_2870 = vector.broadcast %eq3A_2869 : i32 to vector<16xi32>
      %eq3A_2871 = arith.cmpi eq, %get3A_2725, %eq3A_2870 : vector<16xi32>
      %jit3A_2872 = arith.constant 1.000000e+00 : f32
      %jit3A_2873 = arith.constant 0.000000e+00 : f32
      %broadcast_in_dim3A_2874 = vector.broadcast %jit3A_2872 : f32 to vector<16xf32>
      %broadcast_in_dim3A_2875 = vector.broadcast %jit3A_2873 : f32 to vector<16xf32>
      %select_n3A_2876 = arith.select %eq3A_2871, %broadcast_in_dim3A_2874, %broadcast_in_dim3A_2875 : vector<16xi1>, vector<16xf32>
      %swap3A_2877 = arith.constant 5 : i32
      %swap3A_2878 = arith.index_cast %swap3A_2877 : i32 to index
      %swap3A_2879 = arith.constant 96 : index
      %swap3A_2880 = tpu.vector_load %arg8[%swap3A_2878, %swap3A_2879] {strides = array<i32>} : memref<16x128xf32, #tpu.memory_space<vmem>>, vector<1x16xf32>,
      %swap3A_2881 = vector.shape_cast %swap3A_2880 : vector<1x16xf32> to vector<16xf32>
      %swap3A_2882 = vector.shape_cast %select_n3A_2876 : vector<16xf32> to vector<1x16xf32>
      tpu.vector_store %arg8[%swap3A_2878, %swap3A_2879], %swap3A_2882 {strides = array<i32>} : memref<16x128xf32, #tpu.memory_space<vmem>>, vector<1x16xf32>,
      %eq3A_2883 = arith.constant 5 : i32
      %eq3A_2884 = vector.broadcast %eq3A_2883 : i32 to vector<16xi32>
      %eq3A_2885 = arith.cmpi eq, %get3A_2728, %eq3A_2884 : vector<16xi32>
      %jit3A_2886 = arith.constant 1.000000e+00 : f32
      %jit3A_2887 = arith.constant 0.000000e+00 : f32
      %broadcast_in_dim3A_2888 = vector.broadcast %jit3A_2886 : f32 to vector<16xf32>
      %broadcast_in_dim3A_2889 = vector.broadcast %jit3A_2887 : f32 to vector<16xf32>
      %select_n3A_2890 = arith.select %eq3A_2885, %broadcast_in_dim3A_2888, %broadcast_in_dim3A_2889 : vector<16xi1>, vector<16xf32>
      %swap3A_2891 = arith.constant 5 : i32
      %swap3A_2892 = arith.index_cast %swap3A_2891 : i32 to index
      %swap3A_2893 = arith.constant 96 : index
      %swap3A_2894 = tpu.vector_load %arg9[%swap3A_2892, %swap3A_2893] {strides = array<i32>} : memref<16x128xf32, #tpu.memory_space<vmem>>, vector<1x16xf32>,
      %swap3A_2895 = vector.shape_cast %swap3A_2894 : vector<1x16xf32> to vector<16xf32>
      %swap3A_2896 = vector.shape_cast %select_n3A_2890 : vector<16xf32> to vector<1x16xf32>
      tpu.vector_store %arg9[%swap3A_2892, %swap3A_2893], %swap3A_2896 {strides = array<i32>} : memref<16x128xf32, #tpu.memory_space<vmem>>, vector<1x16xf32>,
      %eq3A_2897 = arith.constant 6 : i32
      %eq3A_2898 = vector.broadcast %eq3A_2897 : i32 to vector<16xi32>
      %eq3A_2899 = arith.cmpi eq, %get3A_2725, %eq3A_2898 : vector<16xi32>
      %jit3A_2900 = arith.constant 1.000000e+00 : f32
      %jit3A_2901 = arith.constant 0.000000e+00 : f32
      %broadcast_in_dim3A_2902 = vector.broadcast %jit3A_2900 : f32 to vector<16xf32>
      %broadcast_in_dim3A_2903 = vector.broadcast %jit3A_2901 : f32 to vector<16xf32>
      %select_n3A_2904 = arith.select %eq3A_2899, %broadcast_in_dim3A_2902, %broadcast_in_dim3A_2903 : vector<16xi1>, vector<16xf32>
      %swap3A_2905 = arith.constant 6 : i32
      %swap3A_2906 = arith.index_cast %swap3A_2905 : i32 to index
      %swap3A_2907 = arith.constant 96 : index
      %swap3A_2908 = tpu.vector_load %arg8[%swap3A_2906, %swap3A_2907] {strides = array<i32>} : memref<16x128xf32, #tpu.memory_space<vmem>>, vector<1x16xf32>,
      %swap3A_2909 = vector.shape_cast %swap3A_2908 : vector<1x16xf32> to vector<16xf32>
      %swap3A_2910 = vector.shape_cast %select_n3A_2904 : vector<16xf32> to vector<1x16xf32>
      tpu.vector_store %arg8[%swap3A_2906, %swap3A_2907], %swap3A_2910 {strides = array<i32>} : memref<16x128xf32, #tpu.memory_space<vmem>>, vector<1x16xf32>,
      %eq3A_2911 = arith.constant 6 : i32
      %eq3A_2912 = vector.broadcast %eq3A_2911 : i32 to vector<16xi32>
      %eq3A_2913 = arith.cmpi eq, %get3A_2728, %eq3A_2912 : vector<16xi32>
      %jit3A_2914 = arith.constant 1.000000e+00 : f32
      %jit3A_2915 = arith.constant 0.000000e+00 : f32
      %broadcast_in_dim3A_2916 = vector.broadcast %jit3A_2914 : f32 to vector<16xf32>
      %broadcast_in_dim3A_2917 = vector.broadcast %jit3A_2915 : f32 to vector<16xf32>
      %select_n3A_2918 = arith.select %eq3A_2913, %broadcast_in_dim3A_2916, %broadcast_in_dim3A_2917 : vector<16xi1>, vector<16xf32>
      %swap3A_2919 = arith.constant 6 : i32
      %swap3A_2920 = arith.index_cast %swap3A_2919 : i32 to index
      %swap3A_2921 = arith.constant 96 : index
      %swap3A_2922 = tpu.vector_load %arg9[%swap3A_2920, %swap3A_2921] {strides = array<i32>} : memref<16x128xf32, #tpu.memory_space<vmem>>, vector<1x16xf32>,
      %swap3A_2923 = vector.shape_cast %swap3A_2922 : vector<1x16xf32> to vector<16xf32>
      %swap3A_2924 = vector.shape_cast %select_n3A_2918 : vector<16xf32> to vector<1x16xf32>
      tpu.vector_store %arg9[%swap3A_2920, %swap3A_2921], %swap3A_2924 {strides = array<i32>} : memref<16x128xf32, #tpu.memory_space<vmem>>, vector<1x16xf32>,
      %eq3A_2925 = arith.constant 7 : i32
      %eq3A_2926 = vector.broadcast %eq3A_2925 : i32 to vector<16xi32>
      %eq3A_2927 = arith.cmpi eq, %get3A_2725, %eq3A_2926 : vector<16xi32>
      %jit3A_2928 = arith.constant 1.000000e+00 : f32
      %jit3A_2929 = arith.constant 0.000000e+00 : f32
      %broadcast_in_dim3A_2930 = vector.broadcast %jit3A_2928 : f32 to vector<16xf32>
      %broadcast_in_dim3A_2931 = vector.broadcast %jit3A_2929 : f32 to vector<16xf32>
      %select_n3A_2932 = arith.select %eq3A_2927, %broadcast_in_dim3A_2930, %broadcast_in_dim3A_2931 : vector<16xi1>, vector<16xf32>
      %swap3A_2933 = arith.constant 7 : i32
      %swap3A_2934 = arith.index_cast %swap3A_2933 : i32 to index
      %swap3A_2935 = arith.constant 96 : index
      %swap3A_2936 = tpu.vector_load %arg8[%swap3A_2934, %swap3A_2935] {strides = array<i32>} : memref<16x128xf32, #tpu.memory_space<vmem>>, vector<1x16xf32>,
      %swap3A_2937 = vector.shape_cast %swap3A_2936 : vector<1x16xf32> to vector<16xf32>
      %swap3A_2938 = vector.shape_cast %select_n3A_2932 : vector<16xf32> to vector<1x16xf32>
      tpu.vector_store %arg8[%swap3A_2934, %swap3A_2935], %swap3A_2938 {strides = array<i32>} : memref<16x128xf32, #tpu.memory_space<vmem>>, vector<1x16xf32>,
      %eq3A_2939 = arith.constant 7 : i32
      %eq3A_2940 = vector.broadcast %eq3A_2939 : i32 to vector<16xi32>
      %eq3A_2941 = arith.cmpi eq, %get3A_2728, %eq3A_2940 : vector<16xi32>
      %jit3A_2942 = arith.constant 1.000000e+00 : f32
      %jit3A_2943 = arith.constant 0.000000e+00 : f32
      %broadcast_in_dim3A_2944 = vector.broadcast %jit3A_2942 : f32 to vector<16xf32>
      %broadcast_in_dim3A_2945 = vector.broadcast %jit3A_2943 : f32 to vector<16xf32>
      %select_n3A_2946 = arith.select %eq3A_2941, %broadcast_in_dim3A_2944, %broadcast_in_dim3A_2945 : vector<16xi1>, vector<16xf32>
      %swap3A_2947 = arith.constant 7 : i32
      %swap3A_2948 = arith.index_cast %swap3A_2947 : i32 to index
      %swap3A_2949 = arith.constant 96 : index
      %swap3A_2950 = tpu.vector_load %arg9[%swap3A_2948, %swap3A_2949] {strides = array<i32>} : memref<16x128xf32, #tpu.memory_space<vmem>>, vector<1x16xf32>,
      %swap3A_2951 = vector.shape_cast %swap3A_2950 : vector<1x16xf32> to vector<16xf32>
      %swap3A_2952 = vector.shape_cast %select_n3A_2946 : vector<16xf32> to vector<1x16xf32>
      tpu.vector_store %arg9[%swap3A_2948, %swap3A_2949], %swap3A_2952 {strides = array<i32>} : memref<16x128xf32, #tpu.memory_space<vmem>>, vector<1x16xf32>,
      %eq3A_2953 = arith.constant 8 : i32
      %eq3A_2954 = vector.broadcast %eq3A_2953 : i32 to vector<16xi32>
      %eq3A_2955 = arith.cmpi eq, %get3A_2725, %eq3A_2954 : vector<16xi32>
      %jit3A_2956 = arith.constant 1.000000e+00 : f32
      %jit3A_2957 = arith.constant 0.000000e+00 : f32
      %broadcast_in_dim3A_2958 = vector.broadcast %jit3A_2956 : f32 to vector<16xf32>
      %broadcast_in_dim3A_2959 = vector.broadcast %jit3A_2957 : f32 to vector<16xf32>
      %select_n3A_2960 = arith.select %eq3A_2955, %broadcast_in_dim3A_2958, %broadcast_in_dim3A_2959 : vector<16xi1>, vector<16xf32>
      %swap3A_2961 = arith.constant 8 : i32
      %swap3A_2962 = arith.index_cast %swap3A_2961 : i32 to index
      %swap3A_2963 = arith.constant 96 : index
      %swap3A_2964 = tpu.vector_load %arg8[%swap3A_2962, %swap3A_2963] {strides = array<i32>} : memref<16x128xf32, #tpu.memory_space<vmem>>, vector<1x16xf32>,
      %swap3A_2965 = vector.shape_cast %swap3A_2964 : vector<1x16xf32> to vector<16xf32>
      %swap3A_2966 = vector.shape_cast %select_n3A_2960 : vector<16xf32> to vector<1x16xf32>
      tpu.vector_store %arg8[%swap3A_2962, %swap3A_2963], %swap3A_2966 {strides = array<i32>} : memref<16x128xf32, #tpu.memory_space<vmem>>, vector<1x16xf32>,
      %eq3A_2967 = arith.constant 8 : i32
      %eq3A_2968 = vector.broadcast %eq3A_2967 : i32 to vector<16xi32>
      %eq3A_2969 = arith.cmpi eq, %get3A_2728, %eq3A_2968 : vector<16xi32>
      %jit3A_2970 = arith.constant 1.000000e+00 : f32
      %jit3A_2971 = arith.constant 0.000000e+00 : f32
      %broadcast_in_dim3A_2972 = vector.broadcast %jit3A_2970 : f32 to vector<16xf32>
      %broadcast_in_dim3A_2973 = vector.broadcast %jit3A_2971 : f32 to vector<16xf32>
      %select_n3A_2974 = arith.select %eq3A_2969, %broadcast_in_dim3A_2972, %broadcast_in_dim3A_2973 : vector<16xi1>, vector<16xf32>
      %swap3A_2975 = arith.constant 8 : i32
      %swap3A_2976 = arith.index_cast %swap3A_2975 : i32 to index
      %swap3A_2977 = arith.constant 96 : index
      %swap3A_2978 = tpu.vector_load %arg9[%swap3A_2976, %swap3A_2977] {strides = array<i32>} : memref<16x128xf32, #tpu.memory_space<vmem>>, vector<1x16xf32>,
      %swap3A_2979 = vector.shape_cast %swap3A_2978 : vector<1x16xf32> to vector<16xf32>
      %swap3A_2980 = vector.shape_cast %select_n3A_2974 : vector<16xf32> to vector<1x16xf32>
      tpu.vector_store %arg9[%swap3A_2976, %swap3A_2977], %swap3A_2980 {strides = array<i32>} : memref<16x128xf32, #tpu.memory_space<vmem>>, vector<1x16xf32>,
      %eq3A_2981 = arith.constant 9 : i32
      %eq3A_2982 = vector.broadcast %eq3A_2981 : i32 to vector<16xi32>
      %eq3A_2983 = arith.cmpi eq, %get3A_2725, %eq3A_2982 : vector<16xi32>
      %jit3A_2984 = arith.constant 1.000000e+00 : f32
      %jit3A_2985 = arith.constant 0.000000e+00 : f32
      %broadcast_in_dim3A_2986 = vector.broadcast %jit3A_2984 : f32 to vector<16xf32>
      %broadcast_in_dim3A_2987 = vector.broadcast %jit3A_2985 : f32 to vector<16xf32>
      %select_n3A_2988 = arith.select %eq3A_2983, %broadcast_in_dim3A_2986, %broadcast_in_dim3A_2987 : vector<16xi1>, vector<16xf32>
      %swap3A_2989 = arith.constant 9 : i32
      %swap3A_2990 = arith.index_cast %swap3A_2989 : i32 to index
      %swap3A_2991 = arith.constant 96 : index
      %swap3A_2992 = tpu.vector_load %arg8[%swap3A_2990, %swap3A_2991] {strides = array<i32>} : memref<16x128xf32, #tpu.memory_space<vmem>>, vector<1x16xf32>,
      %swap3A_2993 = vector.shape_cast %swap3A_2992 : vector<1x16xf32> to vector<16xf32>
      %swap3A_2994 = vector.shape_cast %select_n3A_2988 : vector<16xf32> to vector<1x16xf32>
      tpu.vector_store %arg8[%swap3A_2990, %swap3A_2991], %swap3A_2994 {strides = array<i32>} : memref<16x128xf32, #tpu.memory_space<vmem>>, vector<1x16xf32>,
      %eq3A_2995 = arith.constant 9 : i32
      %eq3A_2996 = vector.broadcast %eq3A_2995 : i32 to vector<16xi32>
      %eq3A_2997 = arith.cmpi eq, %get3A_2728, %eq3A_2996 : vector<16xi32>
      %jit3A_2998 = arith.constant 1.000000e+00 : f32
      %jit3A_2999 = arith.constant 0.000000e+00 : f32
      %broadcast_in_dim3A_3000 = vector.broadcast %jit3A_2998 : f32 to vector<16xf32>
      %broadcast_in_dim3A_3001 = vector.broadcast %jit3A_2999 : f32 to vector<16xf32>
      %select_n3A_3002 = arith.select %eq3A_2997, %broadcast_in_dim3A_3000, %broadcast_in_dim3A_3001 : vector<16xi1>, vector<16xf32>
      %swap3A_3003 = arith.constant 9 : i32
      %swap3A_3004 = arith.index_cast %swap3A_3003 : i32 to index
      %swap3A_3005 = arith.constant 96 : index
      %swap3A_3006 = tpu.vector_load %arg9[%swap3A_3004, %swap3A_3005] {strides = array<i32>} : memref<16x128xf32, #tpu.memory_space<vmem>>, vector<1x16xf32>,
      %swap3A_3007 = vector.shape_cast %swap3A_3006 : vector<1x16xf32> to vector<16xf32>
      %swap3A_3008 = vector.shape_cast %select_n3A_3002 : vector<16xf32> to vector<1x16xf32>
      tpu.vector_store %arg9[%swap3A_3004, %swap3A_3005], %swap3A_3008 {strides = array<i32>} : memref<16x128xf32, #tpu.memory_space<vmem>>, vector<1x16xf32>,
      %eq3A_3009 = arith.constant 10 : i32
      %eq3A_3010 = vector.broadcast %eq3A_3009 : i32 to vector<16xi32>
      %eq3A_3011 = arith.cmpi eq, %get3A_2725, %eq3A_3010 : vector<16xi32>
      %jit3A_3012 = arith.constant 1.000000e+00 : f32
      %jit3A_3013 = arith.constant 0.000000e+00 : f32
      %broadcast_in_dim3A_3014 = vector.broadcast %jit3A_3012 : f32 to vector<16xf32>
      %broadcast_in_dim3A_3015 = vector.broadcast %jit3A_3013 : f32 to vector<16xf32>
      %select_n3A_3016 = arith.select %eq3A_3011, %broadcast_in_dim3A_3014, %broadcast_in_dim3A_3015 : vector<16xi1>, vector<16xf32>
      %swap3A_3017 = arith.constant 10 : i32
      %swap3A_3018 = arith.index_cast %swap3A_3017 : i32 to index
      %swap3A_3019 = arith.constant 96 : index
      %swap3A_3020 = tpu.vector_load %arg8[%swap3A_3018, %swap3A_3019] {strides = array<i32>} : memref<16x128xf32, #tpu.memory_space<vmem>>, vector<1x16xf32>,
      %swap3A_3021 = vector.shape_cast %swap3A_3020 : vector<1x16xf32> to vector<16xf32>
      %swap3A_3022 = vector.shape_cast %select_n3A_3016 : vector<16xf32> to vector<1x16xf32>
      tpu.vector_store %arg8[%swap3A_3018, %swap3A_3019], %swap3A_3022 {strides = array<i32>} : memref<16x128xf32, #tpu.memory_space<vmem>>, vector<1x16xf32>,
      %eq3A_3023 = arith.constant 10 : i32
      %eq3A_3024 = vector.broadcast %eq3A_3023 : i32 to vector<16xi32>
      %eq3A_3025 = arith.cmpi eq, %get3A_2728, %eq3A_3024 : vector<16xi32>
      %jit3A_3026 = arith.constant 1.000000e+00 : f32
      %jit3A_3027 = arith.constant 0.000000e+00 : f32
      %broadcast_in_dim3A_3028 = vector.broadcast %jit3A_3026 : f32 to vector<16xf32>
      %broadcast_in_dim3A_3029 = vector.broadcast %jit3A_3027 : f32 to vector<16xf32>
      %select_n3A_3030 = arith.select %eq3A_3025, %broadcast_in_dim3A_3028, %broadcast_in_dim3A_3029 : vector<16xi1>, vector<16xf32>
      %swap3A_3031 = arith.constant 10 : i32
      %swap3A_3032 = arith.index_cast %swap3A_3031 : i32 to index
      %swap3A_3033 = arith.constant 96 : index
      %swap3A_3034 = tpu.vector_load %arg9[%swap3A_3032, %swap3A_3033] {strides = array<i32>} : memref<16x128xf32, #tpu.memory_space<vmem>>, vector<1x16xf32>,
      %swap3A_3035 = vector.shape_cast %swap3A_3034 : vector<1x16xf32> to vector<16xf32>
      %swap3A_3036 = vector.shape_cast %select_n3A_3030 : vector<16xf32> to vector<1x16xf32>
      tpu.vector_store %arg9[%swap3A_3032, %swap3A_3033], %swap3A_3036 {strides = array<i32>} : memref<16x128xf32, #tpu.memory_space<vmem>>, vector<1x16xf32>,
      %eq3A_3037 = arith.constant 11 : i32
      %eq3A_3038 = vector.broadcast %eq3A_3037 : i32 to vector<16xi32>
      %eq3A_3039 = arith.cmpi eq, %get3A_2725, %eq3A_3038 : vector<16xi32>
      %jit3A_3040 = arith.constant 1.000000e+00 : f32
      %jit3A_3041 = arith.constant 0.000000e+00 : f32
      %broadcast_in_dim3A_3042 = vector.broadcast %jit3A_3040 : f32 to vector<16xf32>
      %broadcast_in_dim3A_3043 = vector.broadcast %jit3A_3041 : f32 to vector<16xf32>
      %select_n3A_3044 = arith.select %eq3A_3039, %broadcast_in_dim3A_3042, %broadcast_in_dim3A_3043 : vector<16xi1>, vector<16xf32>
      %swap3A_3045 = arith.constant 11 : i32
      %swap3A_3046 = arith.index_cast %swap3A_3045 : i32 to index
      %swap3A_3047 = arith.constant 96 : index
      %swap3A_3048 = tpu.vector_load %arg8[%swap3A_3046, %swap3A_3047] {strides = array<i32>} : memref<16x128xf32, #tpu.memory_space<vmem>>, vector<1x16xf32>,
      %swap3A_3049 = vector.shape_cast %swap3A_3048 : vector<1x16xf32> to vector<16xf32>
      %swap3A_3050 = vector.shape_cast %select_n3A_3044 : vector<16xf32> to vector<1x16xf32>
      tpu.vector_store %arg8[%swap3A_3046, %swap3A_3047], %swap3A_3050 {strides = array<i32>} : memref<16x128xf32, #tpu.memory_space<vmem>>, vector<1x16xf32>,
      %eq3A_3051 = arith.constant 11 : i32
      %eq3A_3052 = vector.broadcast %eq3A_3051 : i32 to vector<16xi32>
      %eq3A_3053 = arith.cmpi eq, %get3A_2728, %eq3A_3052 : vector<16xi32>
      %jit3A_3054 = arith.constant 1.000000e+00 : f32
      %jit3A_3055 = arith.constant 0.000000e+00 : f32
      %broadcast_in_dim3A_3056 = vector.broadcast %jit3A_3054 : f32 to vector<16xf32>
      %broadcast_in_dim3A_3057 = vector.broadcast %jit3A_3055 : f32 to vector<16xf32>
      %select_n3A_3058 = arith.select %eq3A_3053, %broadcast_in_dim3A_3056, %broadcast_in_dim3A_3057 : vector<16xi1>, vector<16xf32>
      %swap3A_3059 = arith.constant 11 : i32
      %swap3A_3060 = arith.index_cast %swap3A_3059 : i32 to index
      %swap3A_3061 = arith.constant 96 : index
      %swap3A_3062 = tpu.vector_load %arg9[%swap3A_3060, %swap3A_3061] {strides = array<i32>} : memref<16x128xf32, #tpu.memory_space<vmem>>, vector<1x16xf32>,
      %swap3A_3063 = vector.shape_cast %swap3A_3062 : vector<1x16xf32> to vector<16xf32>
      %swap3A_3064 = vector.shape_cast %select_n3A_3058 : vector<16xf32> to vector<1x16xf32>
      tpu.vector_store %arg9[%swap3A_3060, %swap3A_3061], %swap3A_3064 {strides = array<i32>} : memref<16x128xf32, #tpu.memory_space<vmem>>, vector<1x16xf32>,
      %eq3A_3065 = arith.constant 12 : i32
      %eq3A_3066 = vector.broadcast %eq3A_3065 : i32 to vector<16xi32>
      %eq3A_3067 = arith.cmpi eq, %get3A_2725, %eq3A_3066 : vector<16xi32>
      %jit3A_3068 = arith.constant 1.000000e+00 : f32
      %jit3A_3069 = arith.constant 0.000000e+00 : f32
      %broadcast_in_dim3A_3070 = vector.broadcast %jit3A_3068 : f32 to vector<16xf32>
      %broadcast_in_dim3A_3071 = vector.broadcast %jit3A_3069 : f32 to vector<16xf32>
      %select_n3A_3072 = arith.select %eq3A_3067, %broadcast_in_dim3A_3070, %broadcast_in_dim3A_3071 : vector<16xi1>, vector<16xf32>
      %swap3A_3073 = arith.constant 12 : i32
      %swap3A_3074 = arith.index_cast %swap3A_3073 : i32 to index
      %swap3A_3075 = arith.constant 96 : index
      %swap3A_3076 = tpu.vector_load %arg8[%swap3A_3074, %swap3A_3075] {strides = array<i32>} : memref<16x128xf32, #tpu.memory_space<vmem>>, vector<1x16xf32>,
      %swap3A_3077 = vector.shape_cast %swap3A_3076 : vector<1x16xf32> to vector<16xf32>
      %swap3A_3078 = vector.shape_cast %select_n3A_3072 : vector<16xf32> to vector<1x16xf32>
      tpu.vector_store %arg8[%swap3A_3074, %swap3A_3075], %swap3A_3078 {strides = array<i32>} : memref<16x128xf32, #tpu.memory_space<vmem>>, vector<1x16xf32>,
      %eq3A_3079 = arith.constant 12 : i32
      %eq3A_3080 = vector.broadcast %eq3A_3079 : i32 to vector<16xi32>
      %eq3A_3081 = arith.cmpi eq, %get3A_2728, %eq3A_3080 : vector<16xi32>
      %jit3A_3082 = arith.constant 1.000000e+00 : f32
      %jit3A_3083 = arith.constant 0.000000e+00 : f32
      %broadcast_in_dim3A_3084 = vector.broadcast %jit3A_3082 : f32 to vector<16xf32>
      %broadcast_in_dim3A_3085 = vector.broadcast %jit3A_3083 : f32 to vector<16xf32>
      %select_n3A_3086 = arith.select %eq3A_3081, %broadcast_in_dim3A_3084, %broadcast_in_dim3A_3085 : vector<16xi1>, vector<16xf32>
      %swap3A_3087 = arith.constant 12 : i32
      %swap3A_3088 = arith.index_cast %swap3A_3087 : i32 to index
      %swap3A_3089 = arith.constant 96 : index
      %swap3A_3090 = tpu.vector_load %arg9[%swap3A_3088, %swap3A_3089] {strides = array<i32>} : memref<16x128xf32, #tpu.memory_space<vmem>>, vector<1x16xf32>,
      %swap3A_3091 = vector.shape_cast %swap3A_3090 : vector<1x16xf32> to vector<16xf32>
      %swap3A_3092 = vector.shape_cast %select_n3A_3086 : vector<16xf32> to vector<1x16xf32>
      tpu.vector_store %arg9[%swap3A_3088, %swap3A_3089], %swap3A_3092 {strides = array<i32>} : memref<16x128xf32, #tpu.memory_space<vmem>>, vector<1x16xf32>,
      %eq3A_3093 = arith.constant 13 : i32
      %eq3A_3094 = vector.broadcast %eq3A_3093 : i32 to vector<16xi32>
      %eq3A_3095 = arith.cmpi eq, %get3A_2725, %eq3A_3094 : vector<16xi32>
      %jit3A_3096 = arith.constant 1.000000e+00 : f32
      %jit3A_3097 = arith.constant 0.000000e+00 : f32
      %broadcast_in_dim3A_3098 = vector.broadcast %jit3A_3096 : f32 to vector<16xf32>
      %broadcast_in_dim3A_3099 = vector.broadcast %jit3A_3097 : f32 to vector<16xf32>
      %select_n3A_3100 = arith.select %eq3A_3095, %broadcast_in_dim3A_3098, %broadcast_in_dim3A_3099 : vector<16xi1>, vector<16xf32>
      %swap3A_3101 = arith.constant 13 : i32
      %swap3A_3102 = arith.index_cast %swap3A_3101 : i32 to index
      %swap3A_3103 = arith.constant 96 : index
      %swap3A_3104 = tpu.vector_load %arg8[%swap3A_3102, %swap3A_3103] {strides = array<i32>} : memref<16x128xf32, #tpu.memory_space<vmem>>, vector<1x16xf32>,
      %swap3A_3105 = vector.shape_cast %swap3A_3104 : vector<1x16xf32> to vector<16xf32>
      %swap3A_3106 = vector.shape_cast %select_n3A_3100 : vector<16xf32> to vector<1x16xf32>
      tpu.vector_store %arg8[%swap3A_3102, %swap3A_3103], %swap3A_3106 {strides = array<i32>} : memref<16x128xf32, #tpu.memory_space<vmem>>, vector<1x16xf32>,
      %eq3A_3107 = arith.constant 13 : i32
      %eq3A_3108 = vector.broadcast %eq3A_3107 : i32 to vector<16xi32>
      %eq3A_3109 = arith.cmpi eq, %get3A_2728, %eq3A_3108 : vector<16xi32>
      %jit3A_3110 = arith.constant 1.000000e+00 : f32
      %jit3A_3111 = arith.constant 0.000000e+00 : f32
      %broadcast_in_dim3A_3112 = vector.broadcast %jit3A_3110 : f32 to vector<16xf32>
      %broadcast_in_dim3A_3113 = vector.broadcast %jit3A_3111 : f32 to vector<16xf32>
      %select_n3A_3114 = arith.select %eq3A_3109, %broadcast_in_dim3A_3112, %broadcast_in_dim3A_3113 : vector<16xi1>, vector<16xf32>
      %swap3A_3115 = arith.constant 13 : i32
      %swap3A_3116 = arith.index_cast %swap3A_3115 : i32 to index
      %swap3A_3117 = arith.constant 96 : index
      %swap3A_3118 = tpu.vector_load %arg9[%swap3A_3116, %swap3A_3117] {strides = array<i32>} : memref<16x128xf32, #tpu.memory_space<vmem>>, vector<1x16xf32>,
      %swap3A_3119 = vector.shape_cast %swap3A_3118 : vector<1x16xf32> to vector<16xf32>
      %swap3A_3120 = vector.shape_cast %select_n3A_3114 : vector<16xf32> to vector<1x16xf32>
      tpu.vector_store %arg9[%swap3A_3116, %swap3A_3117], %swap3A_3120 {strides = array<i32>} : memref<16x128xf32, #tpu.memory_space<vmem>>, vector<1x16xf32>,
      %eq3A_3121 = arith.constant 14 : i32
      %eq3A_3122 = vector.broadcast %eq3A_3121 : i32 to vector<16xi32>
      %eq3A_3123 = arith.cmpi eq, %get3A_2725, %eq3A_3122 : vector<16xi32>
      %jit3A_3124 = arith.constant 1.000000e+00 : f32
      %jit3A_3125 = arith.constant 0.000000e+00 : f32
      %broadcast_in_dim3A_3126 = vector.broadcast %jit3A_3124 : f32 to vector<16xf32>
      %broadcast_in_dim3A_3127 = vector.broadcast %jit3A_3125 : f32 to vector<16xf32>
      %select_n3A_3128 = arith.select %eq3A_3123, %broadcast_in_dim3A_3126, %broadcast_in_dim3A_3127 : vector<16xi1>, vector<16xf32>
      %swap3A_3129 = arith.constant 14 : i32
      %swap3A_3130 = arith.index_cast %swap3A_3129 : i32 to index
      %swap3A_3131 = arith.constant 96 : index
      %swap3A_3132 = tpu.vector_load %arg8[%swap3A_3130, %swap3A_3131] {strides = array<i32>} : memref<16x128xf32, #tpu.memory_space<vmem>>, vector<1x16xf32>,
      %swap3A_3133 = vector.shape_cast %swap3A_3132 : vector<1x16xf32> to vector<16xf32>
      %swap3A_3134 = vector.shape_cast %select_n3A_3128 : vector<16xf32> to vector<1x16xf32>
      tpu.vector_store %arg8[%swap3A_3130, %swap3A_3131], %swap3A_3134 {strides = array<i32>} : memref<16x128xf32, #tpu.memory_space<vmem>>, vector<1x16xf32>,
      %eq3A_3135 = arith.constant 14 : i32
      %eq3A_3136 = vector.broadcast %eq3A_3135 : i32 to vector<16xi32>
      %eq3A_3137 = arith.cmpi eq, %get3A_2728, %eq3A_3136 : vector<16xi32>
      %jit3A_3138 = arith.constant 1.000000e+00 : f32
      %jit3A_3139 = arith.constant 0.000000e+00 : f32
      %broadcast_in_dim3A_3140 = vector.broadcast %jit3A_3138 : f32 to vector<16xf32>
      %broadcast_in_dim3A_3141 = vector.broadcast %jit3A_3139 : f32 to vector<16xf32>
      %select_n3A_3142 = arith.select %eq3A_3137, %broadcast_in_dim3A_3140, %broadcast_in_dim3A_3141 : vector<16xi1>, vector<16xf32>
      %swap3A_3143 = arith.constant 14 : i32
      %swap3A_3144 = arith.index_cast %swap3A_3143 : i32 to index
      %swap3A_3145 = arith.constant 96 : index
      %swap3A_3146 = tpu.vector_load %arg9[%swap3A_3144, %swap3A_3145] {strides = array<i32>} : memref<16x128xf32, #tpu.memory_space<vmem>>, vector<1x16xf32>,
      %swap3A_3147 = vector.shape_cast %swap3A_3146 : vector<1x16xf32> to vector<16xf32>
      %swap3A_3148 = vector.shape_cast %select_n3A_3142 : vector<16xf32> to vector<1x16xf32>
      tpu.vector_store %arg9[%swap3A_3144, %swap3A_3145], %swap3A_3148 {strides = array<i32>} : memref<16x128xf32, #tpu.memory_space<vmem>>, vector<1x16xf32>,
      %eq3A_3149 = arith.constant 15 : i32
      %eq3A_3150 = vector.broadcast %eq3A_3149 : i32 to vector<16xi32>
      %eq3A_3151 = arith.cmpi eq, %get3A_2725, %eq3A_3150 : vector<16xi32>
      %jit3A_3152 = arith.constant 1.000000e+00 : f32
      %jit3A_3153 = arith.constant 0.000000e+00 : f32
      %broadcast_in_dim3A_3154 = vector.broadcast %jit3A_3152 : f32 to vector<16xf32>
      %broadcast_in_dim3A_3155 = vector.broadcast %jit3A_3153 : f32 to vector<16xf32>
      %select_n3A_3156 = arith.select %eq3A_3151, %broadcast_in_dim3A_3154, %broadcast_in_dim3A_3155 : vector<16xi1>, vector<16xf32>
      %swap3A_3157 = arith.constant 15 : i32
      %swap3A_3158 = arith.index_cast %swap3A_3157 : i32 to index
      %swap3A_3159 = arith.constant 96 : index
      %swap3A_3160 = tpu.vector_load %arg8[%swap3A_3158, %swap3A_3159] {strides = array<i32>} : memref<16x128xf32, #tpu.memory_space<vmem>>, vector<1x16xf32>,
      %swap3A_3161 = vector.shape_cast %swap3A_3160 : vector<1x16xf32> to vector<16xf32>
      %swap3A_3162 = vector.shape_cast %select_n3A_3156 : vector<16xf32> to vector<1x16xf32>
      tpu.vector_store %arg8[%swap3A_3158, %swap3A_3159], %swap3A_3162 {strides = array<i32>} : memref<16x128xf32, #tpu.memory_space<vmem>>, vector<1x16xf32>,
      %eq3A_3163 = arith.constant 15 : i32
      %eq3A_3164 = vector.broadcast %eq3A_3163 : i32 to vector<16xi32>
      %eq3A_3165 = arith.cmpi eq, %get3A_2728, %eq3A_3164 : vector<16xi32>
      %jit3A_3166 = arith.constant 1.000000e+00 : f32
      %jit3A_3167 = arith.constant 0.000000e+00 : f32
      %broadcast_in_dim3A_3168 = vector.broadcast %jit3A_3166 : f32 to vector<16xf32>
      %broadcast_in_dim3A_3169 = vector.broadcast %jit3A_3167 : f32 to vector<16xf32>
      %select_n3A_3170 = arith.select %eq3A_3165, %broadcast_in_dim3A_3168, %broadcast_in_dim3A_3169 : vector<16xi1>, vector<16xf32>
      %swap3A_3171 = arith.constant 15 : i32
      %swap3A_3172 = arith.index_cast %swap3A_3171 : i32 to index
      %swap3A_3173 = arith.constant 96 : index
      %swap3A_3174 = tpu.vector_load %arg9[%swap3A_3172, %swap3A_3173] {strides = array<i32>} : memref<16x128xf32, #tpu.memory_space<vmem>>, vector<1x16xf32>,
      %swap3A_3175 = vector.shape_cast %swap3A_3174 : vector<1x16xf32> to vector<16xf32>
      %swap3A_3176 = vector.shape_cast %select_n3A_3170 : vector<16xf32> to vector<1x16xf32>
      tpu.vector_store %arg9[%swap3A_3172, %swap3A_3173], %swap3A_3176 {strides = array<i32>} : memref<16x128xf32, #tpu.memory_space<vmem>>, vector<1x16xf32>,
      %get3A_3177 = arith.constant 112 : index
      %get3A_3178 = tpu.vector_load %arg6[%get3A_3177] {strides = array<i32>} : memref<128xi32, #tpu.memory_space<vmem>>, vector<16xi32>,
      %get3A_3179 = vector.shape_cast %get3A_3178 : vector<16xi32> to vector<16xi32>
      %get3A_3180 = arith.constant 112 : index
      %get3A_3181 = tpu.vector_load %arg7[%get3A_3180] {strides = array<i32>} : memref<128xi32, #tpu.memory_space<vmem>>, vector<16xi32>,
      %get3A_3182 = vector.shape_cast %get3A_3181 : vector<16xi32> to vector<16xi32>
      %eq3A_3183 = arith.constant 0 : i32
      %eq3A_3184 = vector.broadcast %eq3A_3183 : i32 to vector<16xi32>
      %eq3A_3185 = arith.cmpi eq, %get3A_3179, %eq3A_3184 : vector<16xi32>
      %jit3A_3186 = arith.constant 1.000000e+00 : f32
      %jit3A_3187 = arith.constant 0.000000e+00 : f32
      %broadcast_in_dim3A_3188 = vector.broadcast %jit3A_3186 : f32 to vector<16xf32>
      %broadcast_in_dim3A_3189 = vector.broadcast %jit3A_3187 : f32 to vector<16xf32>
      %select_n3A_3190 = arith.select %eq3A_3185, %broadcast_in_dim3A_3188, %broadcast_in_dim3A_3189 : vector<16xi1>, vector<16xf32>
      %swap3A_3191 = arith.constant 0 : i32
      %swap3A_3192 = arith.index_cast %swap3A_3191 : i32 to index
      %swap3A_3193 = arith.constant 112 : index
      %swap3A_3194 = tpu.vector_load %arg8[%swap3A_3192, %swap3A_3193] {strides = array<i32>} : memref<16x128xf32, #tpu.memory_space<vmem>>, vector<1x16xf32>,
      %swap3A_3195 = vector.shape_cast %swap3A_3194 : vector<1x16xf32> to vector<16xf32>
      %swap3A_3196 = vector.shape_cast %select_n3A_3190 : vector<16xf32> to vector<1x16xf32>
      tpu.vector_store %arg8[%swap3A_3192, %swap3A_3193], %swap3A_3196 {strides = array<i32>} : memref<16x128xf32, #tpu.memory_space<vmem>>, vector<1x16xf32>,
      %eq3A_3197 = arith.constant 0 : i32
      %eq3A_3198 = vector.broadcast %eq3A_3197 : i32 to vector<16xi32>
      %eq3A_3199 = arith.cmpi eq, %get3A_3182, %eq3A_3198 : vector<16xi32>
      %jit3A_3200 = arith.constant 1.000000e+00 : f32
      %jit3A_3201 = arith.constant 0.000000e+00 : f32
      %broadcast_in_dim3A_3202 = vector.broadcast %jit3A_3200 : f32 to vector<16xf32>
      %broadcast_in_dim3A_3203 = vector.broadcast %jit3A_3201 : f32 to vector<16xf32>
      %select_n3A_3204 = arith.select %eq3A_3199, %broadcast_in_dim3A_3202, %broadcast_in_dim3A_3203 : vector<16xi1>, vector<16xf32>
      %swap3A_3205 = arith.constant 0 : i32
      %swap3A_3206 = arith.index_cast %swap3A_3205 : i32 to index
      %swap3A_3207 = arith.constant 112 : index
      %swap3A_3208 = tpu.vector_load %arg9[%swap3A_3206, %swap3A_3207] {strides = array<i32>} : memref<16x128xf32, #tpu.memory_space<vmem>>, vector<1x16xf32>,
      %swap3A_3209 = vector.shape_cast %swap3A_3208 : vector<1x16xf32> to vector<16xf32>
      %swap3A_3210 = vector.shape_cast %select_n3A_3204 : vector<16xf32> to vector<1x16xf32>
      tpu.vector_store %arg9[%swap3A_3206, %swap3A_3207], %swap3A_3210 {strides = array<i32>} : memref<16x128xf32, #tpu.memory_space<vmem>>, vector<1x16xf32>,
      %eq3A_3211 = arith.constant 1 : i32
      %eq3A_3212 = vector.broadcast %eq3A_3211 : i32 to vector<16xi32>
      %eq3A_3213 = arith.cmpi eq, %get3A_3179, %eq3A_3212 : vector<16xi32>
      %jit3A_3214 = arith.constant 1.000000e+00 : f32
      %jit3A_3215 = arith.constant 0.000000e+00 : f32
      %broadcast_in_dim3A_3216 = vector.broadcast %jit3A_3214 : f32 to vector<16xf32>
      %broadcast_in_dim3A_3217 = vector.broadcast %jit3A_3215 : f32 to vector<16xf32>
      %select_n3A_3218 = arith.select %eq3A_3213, %broadcast_in_dim3A_3216, %broadcast_in_dim3A_3217 : vector<16xi1>, vector<16xf32>
      %swap3A_3219 = arith.constant 1 : i32
      %swap3A_3220 = arith.index_cast %swap3A_3219 : i32 to index
      %swap3A_3221 = arith.constant 112 : index
      %swap3A_3222 = tpu.vector_load %arg8[%swap3A_3220, %swap3A_3221] {strides = array<i32>} : memref<16x128xf32, #tpu.memory_space<vmem>>, vector<1x16xf32>,
      %swap3A_3223 = vector.shape_cast %swap3A_3222 : vector<1x16xf32> to vector<16xf32>
      %swap3A_3224 = vector.shape_cast %select_n3A_3218 : vector<16xf32> to vector<1x16xf32>
      tpu.vector_store %arg8[%swap3A_3220, %swap3A_3221], %swap3A_3224 {strides = array<i32>} : memref<16x128xf32, #tpu.memory_space<vmem>>, vector<1x16xf32>,
      %eq3A_3225 = arith.constant 1 : i32
      %eq3A_3226 = vector.broadcast %eq3A_3225 : i32 to vector<16xi32>
      %eq3A_3227 = arith.cmpi eq, %get3A_3182, %eq3A_3226 : vector<16xi32>
      %jit3A_3228 = arith.constant 1.000000e+00 : f32
      %jit3A_3229 = arith.constant 0.000000e+00 : f32
      %broadcast_in_dim3A_3230 = vector.broadcast %jit3A_3228 : f32 to vector<16xf32>
      %broadcast_in_dim3A_3231 = vector.broadcast %jit3A_3229 : f32 to vector<16xf32>
      %select_n3A_3232 = arith.select %eq3A_3227, %broadcast_in_dim3A_3230, %broadcast_in_dim3A_3231 : vector<16xi1>, vector<16xf32>
      %swap3A_3233 = arith.constant 1 : i32
      %swap3A_3234 = arith.index_cast %swap3A_3233 : i32 to index
      %swap3A_3235 = arith.constant 112 : index
      %swap3A_3236 = tpu.vector_load %arg9[%swap3A_3234, %swap3A_3235] {strides = array<i32>} : memref<16x128xf32, #tpu.memory_space<vmem>>, vector<1x16xf32>,
      %swap3A_3237 = vector.shape_cast %swap3A_3236 : vector<1x16xf32> to vector<16xf32>
      %swap3A_3238 = vector.shape_cast %select_n3A_3232 : vector<16xf32> to vector<1x16xf32>
      tpu.vector_store %arg9[%swap3A_3234, %swap3A_3235], %swap3A_3238 {strides = array<i32>} : memref<16x128xf32, #tpu.memory_space<vmem>>, vector<1x16xf32>,
      %eq3A_3239 = arith.constant 2 : i32
      %eq3A_3240 = vector.broadcast %eq3A_3239 : i32 to vector<16xi32>
      %eq3A_3241 = arith.cmpi eq, %get3A_3179, %eq3A_3240 : vector<16xi32>
      %jit3A_3242 = arith.constant 1.000000e+00 : f32
      %jit3A_3243 = arith.constant 0.000000e+00 : f32
      %broadcast_in_dim3A_3244 = vector.broadcast %jit3A_3242 : f32 to vector<16xf32>
      %broadcast_in_dim3A_3245 = vector.broadcast %jit3A_3243 : f32 to vector<16xf32>
      %select_n3A_3246 = arith.select %eq3A_3241, %broadcast_in_dim3A_3244, %broadcast_in_dim3A_3245 : vector<16xi1>, vector<16xf32>
      %swap3A_3247 = arith.constant 2 : i32
      %swap3A_3248 = arith.index_cast %swap3A_3247 : i32 to index
      %swap3A_3249 = arith.constant 112 : index
      %swap3A_3250 = tpu.vector_load %arg8[%swap3A_3248, %swap3A_3249] {strides = array<i32>} : memref<16x128xf32, #tpu.memory_space<vmem>>, vector<1x16xf32>,
      %swap3A_3251 = vector.shape_cast %swap3A_3250 : vector<1x16xf32> to vector<16xf32>
      %swap3A_3252 = vector.shape_cast %select_n3A_3246 : vector<16xf32> to vector<1x16xf32>
      tpu.vector_store %arg8[%swap3A_3248, %swap3A_3249], %swap3A_3252 {strides = array<i32>} : memref<16x128xf32, #tpu.memory_space<vmem>>, vector<1x16xf32>,
      %eq3A_3253 = arith.constant 2 : i32
      %eq3A_3254 = vector.broadcast %eq3A_3253 : i32 to vector<16xi32>
      %eq3A_3255 = arith.cmpi eq, %get3A_3182, %eq3A_3254 : vector<16xi32>
      %jit3A_3256 = arith.constant 1.000000e+00 : f32
      %jit3A_3257 = arith.constant 0.000000e+00 : f32
      %broadcast_in_dim3A_3258 = vector.broadcast %jit3A_3256 : f32 to vector<16xf32>
      %broadcast_in_dim3A_3259 = vector.broadcast %jit3A_3257 : f32 to vector<16xf32>
      %select_n3A_3260 = arith.select %eq3A_3255, %broadcast_in_dim3A_3258, %broadcast_in_dim3A_3259 : vector<16xi1>, vector<16xf32>
      %swap3A_3261 = arith.constant 2 : i32
      %swap3A_3262 = arith.index_cast %swap3A_3261 : i32 to index
      %swap3A_3263 = arith.constant 112 : index
      %swap3A_3264 = tpu.vector_load %arg9[%swap3A_3262, %swap3A_3263] {strides = array<i32>} : memref<16x128xf32, #tpu.memory_space<vmem>>, vector<1x16xf32>,
      %swap3A_3265 = vector.shape_cast %swap3A_3264 : vector<1x16xf32> to vector<16xf32>
      %swap3A_3266 = vector.shape_cast %select_n3A_3260 : vector<16xf32> to vector<1x16xf32>
      tpu.vector_store %arg9[%swap3A_3262, %swap3A_3263], %swap3A_3266 {strides = array<i32>} : memref<16x128xf32, #tpu.memory_space<vmem>>, vector<1x16xf32>,
      %eq3A_3267 = arith.constant 3 : i32
      %eq3A_3268 = vector.broadcast %eq3A_3267 : i32 to vector<16xi32>
      %eq3A_3269 = arith.cmpi eq, %get3A_3179, %eq3A_3268 : vector<16xi32>
      %jit3A_3270 = arith.constant 1.000000e+00 : f32
      %jit3A_3271 = arith.constant 0.000000e+00 : f32
      %broadcast_in_dim3A_3272 = vector.broadcast %jit3A_3270 : f32 to vector<16xf32>
      %broadcast_in_dim3A_3273 = vector.broadcast %jit3A_3271 : f32 to vector<16xf32>
      %select_n3A_3274 = arith.select %eq3A_3269, %broadcast_in_dim3A_3272, %broadcast_in_dim3A_3273 : vector<16xi1>, vector<16xf32>
      %swap3A_3275 = arith.constant 3 : i32
      %swap3A_3276 = arith.index_cast %swap3A_3275 : i32 to index
      %swap3A_3277 = arith.constant 112 : index
      %swap3A_3278 = tpu.vector_load %arg8[%swap3A_3276, %swap3A_3277] {strides = array<i32>} : memref<16x128xf32, #tpu.memory_space<vmem>>, vector<1x16xf32>,
      %swap3A_3279 = vector.shape_cast %swap3A_3278 : vector<1x16xf32> to vector<16xf32>
      %swap3A_3280 = vector.shape_cast %select_n3A_3274 : vector<16xf32> to vector<1x16xf32>
      tpu.vector_store %arg8[%swap3A_3276, %swap3A_3277], %swap3A_3280 {strides = array<i32>} : memref<16x128xf32, #tpu.memory_space<vmem>>, vector<1x16xf32>,
      %eq3A_3281 = arith.constant 3 : i32
      %eq3A_3282 = vector.broadcast %eq3A_3281 : i32 to vector<16xi32>
      %eq3A_3283 = arith.cmpi eq, %get3A_3182, %eq3A_3282 : vector<16xi32>
      %jit3A_3284 = arith.constant 1.000000e+00 : f32
      %jit3A_3285 = arith.constant 0.000000e+00 : f32
      %broadcast_in_dim3A_3286 = vector.broadcast %jit3A_3284 : f32 to vector<16xf32>
      %broadcast_in_dim3A_3287 = vector.broadcast %jit3A_3285 : f32 to vector<16xf32>
      %select_n3A_3288 = arith.select %eq3A_3283, %broadcast_in_dim3A_3286, %broadcast_in_dim3A_3287 : vector<16xi1>, vector<16xf32>
      %swap3A_3289 = arith.constant 3 : i32
      %swap3A_3290 = arith.index_cast %swap3A_3289 : i32 to index
      %swap3A_3291 = arith.constant 112 : index
      %swap3A_3292 = tpu.vector_load %arg9[%swap3A_3290, %swap3A_3291] {strides = array<i32>} : memref<16x128xf32, #tpu.memory_space<vmem>>, vector<1x16xf32>,
      %swap3A_3293 = vector.shape_cast %swap3A_3292 : vector<1x16xf32> to vector<16xf32>
      %swap3A_3294 = vector.shape_cast %select_n3A_3288 : vector<16xf32> to vector<1x16xf32>
      tpu.vector_store %arg9[%swap3A_3290, %swap3A_3291], %swap3A_3294 {strides = array<i32>} : memref<16x128xf32, #tpu.memory_space<vmem>>, vector<1x16xf32>,
      %eq3A_3295 = arith.constant 4 : i32
      %eq3A_3296 = vector.broadcast %eq3A_3295 : i32 to vector<16xi32>
      %eq3A_3297 = arith.cmpi eq, %get3A_3179, %eq3A_3296 : vector<16xi32>
      %jit3A_3298 = arith.constant 1.000000e+00 : f32
      %jit3A_3299 = arith.constant 0.000000e+00 : f32
      %broadcast_in_dim3A_3300 = vector.broadcast %jit3A_3298 : f32 to vector<16xf32>
      %broadcast_in_dim3A_3301 = vector.broadcast %jit3A_3299 : f32 to vector<16xf32>
      %select_n3A_3302 = arith.select %eq3A_3297, %broadcast_in_dim3A_3300, %broadcast_in_dim3A_3301 : vector<16xi1>, vector<16xf32>
      %swap3A_3303 = arith.constant 4 : i32
      %swap3A_3304 = arith.index_cast %swap3A_3303 : i32 to index
      %swap3A_3305 = arith.constant 112 : index
      %swap3A_3306 = tpu.vector_load %arg8[%swap3A_3304, %swap3A_3305] {strides = array<i32>} : memref<16x128xf32, #tpu.memory_space<vmem>>, vector<1x16xf32>,
      %swap3A_3307 = vector.shape_cast %swap3A_3306 : vector<1x16xf32> to vector<16xf32>
      %swap3A_3308 = vector.shape_cast %select_n3A_3302 : vector<16xf32> to vector<1x16xf32>
      tpu.vector_store %arg8[%swap3A_3304, %swap3A_3305], %swap3A_3308 {strides = array<i32>} : memref<16x128xf32, #tpu.memory_space<vmem>>, vector<1x16xf32>,
      %eq3A_3309 = arith.constant 4 : i32
      %eq3A_3310 = vector.broadcast %eq3A_3309 : i32 to vector<16xi32>
      %eq3A_3311 = arith.cmpi eq, %get3A_3182, %eq3A_3310 : vector<16xi32>
      %jit3A_3312 = arith.constant 1.000000e+00 : f32
      %jit3A_3313 = arith.constant 0.000000e+00 : f32
      %broadcast_in_dim3A_3314 = vector.broadcast %jit3A_3312 : f32 to vector<16xf32>
      %broadcast_in_dim3A_3315 = vector.broadcast %jit3A_3313 : f32 to vector<16xf32>
      %select_n3A_3316 = arith.select %eq3A_3311, %broadcast_in_dim3A_3314, %broadcast_in_dim3A_3315 : vector<16xi1>, vector<16xf32>
      %swap3A_3317 = arith.constant 4 : i32
      %swap3A_3318 = arith.index_cast %swap3A_3317 : i32 to index
      %swap3A_3319 = arith.constant 112 : index
      %swap3A_3320 = tpu.vector_load %arg9[%swap3A_3318, %swap3A_3319] {strides = array<i32>} : memref<16x128xf32, #tpu.memory_space<vmem>>, vector<1x16xf32>,
      %swap3A_3321 = vector.shape_cast %swap3A_3320 : vector<1x16xf32> to vector<16xf32>
      %swap3A_3322 = vector.shape_cast %select_n3A_3316 : vector<16xf32> to vector<1x16xf32>
      tpu.vector_store %arg9[%swap3A_3318, %swap3A_3319], %swap3A_3322 {strides = array<i32>} : memref<16x128xf32, #tpu.memory_space<vmem>>, vector<1x16xf32>,
      %eq3A_3323 = arith.constant 5 : i32
      %eq3A_3324 = vector.broadcast %eq3A_3323 : i32 to vector<16xi32>
      %eq3A_3325 = arith.cmpi eq, %get3A_3179, %eq3A_3324 : vector<16xi32>
      %jit3A_3326 = arith.constant 1.000000e+00 : f32
      %jit3A_3327 = arith.constant 0.000000e+00 : f32
      %broadcast_in_dim3A_3328 = vector.broadcast %jit3A_3326 : f32 to vector<16xf32>
      %broadcast_in_dim3A_3329 = vector.broadcast %jit3A_3327 : f32 to vector<16xf32>
      %select_n3A_3330 = arith.select %eq3A_3325, %broadcast_in_dim3A_3328, %broadcast_in_dim3A_3329 : vector<16xi1>, vector<16xf32>
      %swap3A_3331 = arith.constant 5 : i32
      %swap3A_3332 = arith.index_cast %swap3A_3331 : i32 to index
      %swap3A_3333 = arith.constant 112 : index
      %swap3A_3334 = tpu.vector_load %arg8[%swap3A_3332, %swap3A_3333] {strides = array<i32>} : memref<16x128xf32, #tpu.memory_space<vmem>>, vector<1x16xf32>,
      %swap3A_3335 = vector.shape_cast %swap3A_3334 : vector<1x16xf32> to vector<16xf32>
      %swap3A_3336 = vector.shape_cast %select_n3A_3330 : vector<16xf32> to vector<1x16xf32>
      tpu.vector_store %arg8[%swap3A_3332, %swap3A_3333], %swap3A_3336 {strides = array<i32>} : memref<16x128xf32, #tpu.memory_space<vmem>>, vector<1x16xf32>,
      %eq3A_3337 = arith.constant 5 : i32
      %eq3A_3338 = vector.broadcast %eq3A_3337 : i32 to vector<16xi32>
      %eq3A_3339 = arith.cmpi eq, %get3A_3182, %eq3A_3338 : vector<16xi32>
      %jit3A_3340 = arith.constant 1.000000e+00 : f32
      %jit3A_3341 = arith.constant 0.000000e+00 : f32
      %broadcast_in_dim3A_3342 = vector.broadcast %jit3A_3340 : f32 to vector<16xf32>
      %broadcast_in_dim3A_3343 = vector.broadcast %jit3A_3341 : f32 to vector<16xf32>
      %select_n3A_3344 = arith.select %eq3A_3339, %broadcast_in_dim3A_3342, %broadcast_in_dim3A_3343 : vector<16xi1>, vector<16xf32>
      %swap3A_3345 = arith.constant 5 : i32
      %swap3A_3346 = arith.index_cast %swap3A_3345 : i32 to index
      %swap3A_3347 = arith.constant 112 : index
      %swap3A_3348 = tpu.vector_load %arg9[%swap3A_3346, %swap3A_3347] {strides = array<i32>} : memref<16x128xf32, #tpu.memory_space<vmem>>, vector<1x16xf32>,
      %swap3A_3349 = vector.shape_cast %swap3A_3348 : vector<1x16xf32> to vector<16xf32>
      %swap3A_3350 = vector.shape_cast %select_n3A_3344 : vector<16xf32> to vector<1x16xf32>
      tpu.vector_store %arg9[%swap3A_3346, %swap3A_3347], %swap3A_3350 {strides = array<i32>} : memref<16x128xf32, #tpu.memory_space<vmem>>, vector<1x16xf32>,
      %eq3A_3351 = arith.constant 6 : i32
      %eq3A_3352 = vector.broadcast %eq3A_3351 : i32 to vector<16xi32>
      %eq3A_3353 = arith.cmpi eq, %get3A_3179, %eq3A_3352 : vector<16xi32>
      %jit3A_3354 = arith.constant 1.000000e+00 : f32
      %jit3A_3355 = arith.constant 0.000000e+00 : f32
      %broadcast_in_dim3A_3356 = vector.broadcast %jit3A_3354 : f32 to vector<16xf32>
      %broadcast_in_dim3A_3357 = vector.broadcast %jit3A_3355 : f32 to vector<16xf32>
      %select_n3A_3358 = arith.select %eq3A_3353, %broadcast_in_dim3A_3356, %broadcast_in_dim3A_3357 : vector<16xi1>, vector<16xf32>
      %swap3A_3359 = arith.constant 6 : i32
      %swap3A_3360 = arith.index_cast %swap3A_3359 : i32 to index
      %swap3A_3361 = arith.constant 112 : index
      %swap3A_3362 = tpu.vector_load %arg8[%swap3A_3360, %swap3A_3361] {strides = array<i32>} : memref<16x128xf32, #tpu.memory_space<vmem>>, vector<1x16xf32>,
      %swap3A_3363 = vector.shape_cast %swap3A_3362 : vector<1x16xf32> to vector<16xf32>
      %swap3A_3364 = vector.shape_cast %select_n3A_3358 : vector<16xf32> to vector<1x16xf32>
      tpu.vector_store %arg8[%swap3A_3360, %swap3A_3361], %swap3A_3364 {strides = array<i32>} : memref<16x128xf32, #tpu.memory_space<vmem>>, vector<1x16xf32>,
      %eq3A_3365 = arith.constant 6 : i32
      %eq3A_3366 = vector.broadcast %eq3A_3365 : i32 to vector<16xi32>
      %eq3A_3367 = arith.cmpi eq, %get3A_3182, %eq3A_3366 : vector<16xi32>
      %jit3A_3368 = arith.constant 1.000000e+00 : f32
      %jit3A_3369 = arith.constant 0.000000e+00 : f32
      %broadcast_in_dim3A_3370 = vector.broadcast %jit3A_3368 : f32 to vector<16xf32>
      %broadcast_in_dim3A_3371 = vector.broadcast %jit3A_3369 : f32 to vector<16xf32>
      %select_n3A_3372 = arith.select %eq3A_3367, %broadcast_in_dim3A_3370, %broadcast_in_dim3A_3371 : vector<16xi1>, vector<16xf32>
      %swap3A_3373 = arith.constant 6 : i32
      %swap3A_3374 = arith.index_cast %swap3A_3373 : i32 to index
      %swap3A_3375 = arith.constant 112 : index
      %swap3A_3376 = tpu.vector_load %arg9[%swap3A_3374, %swap3A_3375] {strides = array<i32>} : memref<16x128xf32, #tpu.memory_space<vmem>>, vector<1x16xf32>,
      %swap3A_3377 = vector.shape_cast %swap3A_3376 : vector<1x16xf32> to vector<16xf32>
      %swap3A_3378 = vector.shape_cast %select_n3A_3372 : vector<16xf32> to vector<1x16xf32>
      tpu.vector_store %arg9[%swap3A_3374, %swap3A_3375], %swap3A_3378 {strides = array<i32>} : memref<16x128xf32, #tpu.memory_space<vmem>>, vector<1x16xf32>,
      %eq3A_3379 = arith.constant 7 : i32
      %eq3A_3380 = vector.broadcast %eq3A_3379 : i32 to vector<16xi32>
      %eq3A_3381 = arith.cmpi eq, %get3A_3179, %eq3A_3380 : vector<16xi32>
      %jit3A_3382 = arith.constant 1.000000e+00 : f32
      %jit3A_3383 = arith.constant 0.000000e+00 : f32
      %broadcast_in_dim3A_3384 = vector.broadcast %jit3A_3382 : f32 to vector<16xf32>
      %broadcast_in_dim3A_3385 = vector.broadcast %jit3A_3383 : f32 to vector<16xf32>
      %select_n3A_3386 = arith.select %eq3A_3381, %broadcast_in_dim3A_3384, %broadcast_in_dim3A_3385 : vector<16xi1>, vector<16xf32>
      %swap3A_3387 = arith.constant 7 : i32
      %swap3A_3388 = arith.index_cast %swap3A_3387 : i32 to index
      %swap3A_3389 = arith.constant 112 : index
      %swap3A_3390 = tpu.vector_load %arg8[%swap3A_3388, %swap3A_3389] {strides = array<i32>} : memref<16x128xf32, #tpu.memory_space<vmem>>, vector<1x16xf32>,
      %swap3A_3391 = vector.shape_cast %swap3A_3390 : vector<1x16xf32> to vector<16xf32>
      %swap3A_3392 = vector.shape_cast %select_n3A_3386 : vector<16xf32> to vector<1x16xf32>
      tpu.vector_store %arg8[%swap3A_3388, %swap3A_3389], %swap3A_3392 {strides = array<i32>} : memref<16x128xf32, #tpu.memory_space<vmem>>, vector<1x16xf32>,
      %eq3A_3393 = arith.constant 7 : i32
      %eq3A_3394 = vector.broadcast %eq3A_3393 : i32 to vector<16xi32>
      %eq3A_3395 = arith.cmpi eq, %get3A_3182, %eq3A_3394 : vector<16xi32>
      %jit3A_3396 = arith.constant 1.000000e+00 : f32
      %jit3A_3397 = arith.constant 0.000000e+00 : f32
      %broadcast_in_dim3A_3398 = vector.broadcast %jit3A_3396 : f32 to vector<16xf32>
      %broadcast_in_dim3A_3399 = vector.broadcast %jit3A_3397 : f32 to vector<16xf32>
      %select_n3A_3400 = arith.select %eq3A_3395, %broadcast_in_dim3A_3398, %broadcast_in_dim3A_3399 : vector<16xi1>, vector<16xf32>
      %swap3A_3401 = arith.constant 7 : i32
      %swap3A_3402 = arith.index_cast %swap3A_3401 : i32 to index
      %swap3A_3403 = arith.constant 112 : index
      %swap3A_3404 = tpu.vector_load %arg9[%swap3A_3402, %swap3A_3403] {strides = array<i32>} : memref<16x128xf32, #tpu.memory_space<vmem>>, vector<1x16xf32>,
      %swap3A_3405 = vector.shape_cast %swap3A_3404 : vector<1x16xf32> to vector<16xf32>
      %swap3A_3406 = vector.shape_cast %select_n3A_3400 : vector<16xf32> to vector<1x16xf32>
      tpu.vector_store %arg9[%swap3A_3402, %swap3A_3403], %swap3A_3406 {strides = array<i32>} : memref<16x128xf32, #tpu.memory_space<vmem>>, vector<1x16xf32>,
      %eq3A_3407 = arith.constant 8 : i32
      %eq3A_3408 = vector.broadcast %eq3A_3407 : i32 to vector<16xi32>
      %eq3A_3409 = arith.cmpi eq, %get3A_3179, %eq3A_3408 : vector<16xi32>
      %jit3A_3410 = arith.constant 1.000000e+00 : f32
      %jit3A_3411 = arith.constant 0.000000e+00 : f32
      %broadcast_in_dim3A_3412 = vector.broadcast %jit3A_3410 : f32 to vector<16xf32>
      %broadcast_in_dim3A_3413 = vector.broadcast %jit3A_3411 : f32 to vector<16xf32>
      %select_n3A_3414 = arith.select %eq3A_3409, %broadcast_in_dim3A_3412, %broadcast_in_dim3A_3413 : vector<16xi1>, vector<16xf32>
      %swap3A_3415 = arith.constant 8 : i32
      %swap3A_3416 = arith.index_cast %swap3A_3415 : i32 to index
      %swap3A_3417 = arith.constant 112 : index
      %swap3A_3418 = tpu.vector_load %arg8[%swap3A_3416, %swap3A_3417] {strides = array<i32>} : memref<16x128xf32, #tpu.memory_space<vmem>>, vector<1x16xf32>,
      %swap3A_3419 = vector.shape_cast %swap3A_3418 : vector<1x16xf32> to vector<16xf32>
      %swap3A_3420 = vector.shape_cast %select_n3A_3414 : vector<16xf32> to vector<1x16xf32>
      tpu.vector_store %arg8[%swap3A_3416, %swap3A_3417], %swap3A_3420 {strides = array<i32>} : memref<16x128xf32, #tpu.memory_space<vmem>>, vector<1x16xf32>,
      %eq3A_3421 = arith.constant 8 : i32
      %eq3A_3422 = vector.broadcast %eq3A_3421 : i32 to vector<16xi32>
      %eq3A_3423 = arith.cmpi eq, %get3A_3182, %eq3A_3422 : vector<16xi32>
      %jit3A_3424 = arith.constant 1.000000e+00 : f32
      %jit3A_3425 = arith.constant 0.000000e+00 : f32
      %broadcast_in_dim3A_3426 = vector.broadcast %jit3A_3424 : f32 to vector<16xf32>
      %broadcast_in_dim3A_3427 = vector.broadcast %jit3A_3425 : f32 to vector<16xf32>
      %select_n3A_3428 = arith.select %eq3A_3423, %broadcast_in_dim3A_3426, %broadcast_in_dim3A_3427 : vector<16xi1>, vector<16xf32>
      %swap3A_3429 = arith.constant 8 : i32
      %swap3A_3430 = arith.index_cast %swap3A_3429 : i32 to index
      %swap3A_3431 = arith.constant 112 : index
      %swap3A_3432 = tpu.vector_load %arg9[%swap3A_3430, %swap3A_3431] {strides = array<i32>} : memref<16x128xf32, #tpu.memory_space<vmem>>, vector<1x16xf32>,
      %swap3A_3433 = vector.shape_cast %swap3A_3432 : vector<1x16xf32> to vector<16xf32>
      %swap3A_3434 = vector.shape_cast %select_n3A_3428 : vector<16xf32> to vector<1x16xf32>
      tpu.vector_store %arg9[%swap3A_3430, %swap3A_3431], %swap3A_3434 {strides = array<i32>} : memref<16x128xf32, #tpu.memory_space<vmem>>, vector<1x16xf32>,
      %eq3A_3435 = arith.constant 9 : i32
      %eq3A_3436 = vector.broadcast %eq3A_3435 : i32 to vector<16xi32>
      %eq3A_3437 = arith.cmpi eq, %get3A_3179, %eq3A_3436 : vector<16xi32>
      %jit3A_3438 = arith.constant 1.000000e+00 : f32
      %jit3A_3439 = arith.constant 0.000000e+00 : f32
      %broadcast_in_dim3A_3440 = vector.broadcast %jit3A_3438 : f32 to vector<16xf32>
      %broadcast_in_dim3A_3441 = vector.broadcast %jit3A_3439 : f32 to vector<16xf32>
      %select_n3A_3442 = arith.select %eq3A_3437, %broadcast_in_dim3A_3440, %broadcast_in_dim3A_3441 : vector<16xi1>, vector<16xf32>
      %swap3A_3443 = arith.constant 9 : i32
      %swap3A_3444 = arith.index_cast %swap3A_3443 : i32 to index
      %swap3A_3445 = arith.constant 112 : index
      %swap3A_3446 = tpu.vector_load %arg8[%swap3A_3444, %swap3A_3445] {strides = array<i32>} : memref<16x128xf32, #tpu.memory_space<vmem>>, vector<1x16xf32>,
      %swap3A_3447 = vector.shape_cast %swap3A_3446 : vector<1x16xf32> to vector<16xf32>
      %swap3A_3448 = vector.shape_cast %select_n3A_3442 : vector<16xf32> to vector<1x16xf32>
      tpu.vector_store %arg8[%swap3A_3444, %swap3A_3445], %swap3A_3448 {strides = array<i32>} : memref<16x128xf32, #tpu.memory_space<vmem>>, vector<1x16xf32>,
      %eq3A_3449 = arith.constant 9 : i32
      %eq3A_3450 = vector.broadcast %eq3A_3449 : i32 to vector<16xi32>
      %eq3A_3451 = arith.cmpi eq, %get3A_3182, %eq3A_3450 : vector<16xi32>
      %jit3A_3452 = arith.constant 1.000000e+00 : f32
      %jit3A_3453 = arith.constant 0.000000e+00 : f32
      %broadcast_in_dim3A_3454 = vector.broadcast %jit3A_3452 : f32 to vector<16xf32>
      %broadcast_in_dim3A_3455 = vector.broadcast %jit3A_3453 : f32 to vector<16xf32>
      %select_n3A_3456 = arith.select %eq3A_3451, %broadcast_in_dim3A_3454, %broadcast_in_dim3A_3455 : vector<16xi1>, vector<16xf32>
      %swap3A_3457 = arith.constant 9 : i32
      %swap3A_3458 = arith.index_cast %swap3A_3457 : i32 to index
      %swap3A_3459 = arith.constant 112 : index
      %swap3A_3460 = tpu.vector_load %arg9[%swap3A_3458, %swap3A_3459] {strides = array<i32>} : memref<16x128xf32, #tpu.memory_space<vmem>>, vector<1x16xf32>,
      %swap3A_3461 = vector.shape_cast %swap3A_3460 : vector<1x16xf32> to vector<16xf32>
      %swap3A_3462 = vector.shape_cast %select_n3A_3456 : vector<16xf32> to vector<1x16xf32>
      tpu.vector_store %arg9[%swap3A_3458, %swap3A_3459], %swap3A_3462 {strides = array<i32>} : memref<16x128xf32, #tpu.memory_space<vmem>>, vector<1x16xf32>,
      %eq3A_3463 = arith.constant 10 : i32
      %eq3A_3464 = vector.broadcast %eq3A_3463 : i32 to vector<16xi32>
      %eq3A_3465 = arith.cmpi eq, %get3A_3179, %eq3A_3464 : vector<16xi32>
      %jit3A_3466 = arith.constant 1.000000e+00 : f32
      %jit3A_3467 = arith.constant 0.000000e+00 : f32
      %broadcast_in_dim3A_3468 = vector.broadcast %jit3A_3466 : f32 to vector<16xf32>
      %broadcast_in_dim3A_3469 = vector.broadcast %jit3A_3467 : f32 to vector<16xf32>
      %select_n3A_3470 = arith.select %eq3A_3465, %broadcast_in_dim3A_3468, %broadcast_in_dim3A_3469 : vector<16xi1>, vector<16xf32>
      %swap3A_3471 = arith.constant 10 : i32
      %swap3A_3472 = arith.index_cast %swap3A_3471 : i32 to index
      %swap3A_3473 = arith.constant 112 : index
      %swap3A_3474 = tpu.vector_load %arg8[%swap3A_3472, %swap3A_3473] {strides = array<i32>} : memref<16x128xf32, #tpu.memory_space<vmem>>, vector<1x16xf32>,
      %swap3A_3475 = vector.shape_cast %swap3A_3474 : vector<1x16xf32> to vector<16xf32>
      %swap3A_3476 = vector.shape_cast %select_n3A_3470 : vector<16xf32> to vector<1x16xf32>
      tpu.vector_store %arg8[%swap3A_3472, %swap3A_3473], %swap3A_3476 {strides = array<i32>} : memref<16x128xf32, #tpu.memory_space<vmem>>, vector<1x16xf32>,
      %eq3A_3477 = arith.constant 10 : i32
      %eq3A_3478 = vector.broadcast %eq3A_3477 : i32 to vector<16xi32>
      %eq3A_3479 = arith.cmpi eq, %get3A_3182, %eq3A_3478 : vector<16xi32>
      %jit3A_3480 = arith.constant 1.000000e+00 : f32
      %jit3A_3481 = arith.constant 0.000000e+00 : f32
      %broadcast_in_dim3A_3482 = vector.broadcast %jit3A_3480 : f32 to vector<16xf32>
      %broadcast_in_dim3A_3483 = vector.broadcast %jit3A_3481 : f32 to vector<16xf32>
      %select_n3A_3484 = arith.select %eq3A_3479, %broadcast_in_dim3A_3482, %broadcast_in_dim3A_3483 : vector<16xi1>, vector<16xf32>
      %swap3A_3485 = arith.constant 10 : i32
      %swap3A_3486 = arith.index_cast %swap3A_3485 : i32 to index
      %swap3A_3487 = arith.constant 112 : index
      %swap3A_3488 = tpu.vector_load %arg9[%swap3A_3486, %swap3A_3487] {strides = array<i32>} : memref<16x128xf32, #tpu.memory_space<vmem>>, vector<1x16xf32>,
      %swap3A_3489 = vector.shape_cast %swap3A_3488 : vector<1x16xf32> to vector<16xf32>
      %swap3A_3490 = vector.shape_cast %select_n3A_3484 : vector<16xf32> to vector<1x16xf32>
      tpu.vector_store %arg9[%swap3A_3486, %swap3A_3487], %swap3A_3490 {strides = array<i32>} : memref<16x128xf32, #tpu.memory_space<vmem>>, vector<1x16xf32>,
      %eq3A_3491 = arith.constant 11 : i32
      %eq3A_3492 = vector.broadcast %eq3A_3491 : i32 to vector<16xi32>
      %eq3A_3493 = arith.cmpi eq, %get3A_3179, %eq3A_3492 : vector<16xi32>
      %jit3A_3494 = arith.constant 1.000000e+00 : f32
      %jit3A_3495 = arith.constant 0.000000e+00 : f32
      %broadcast_in_dim3A_3496 = vector.broadcast %jit3A_3494 : f32 to vector<16xf32>
      %broadcast_in_dim3A_3497 = vector.broadcast %jit3A_3495 : f32 to vector<16xf32>
      %select_n3A_3498 = arith.select %eq3A_3493, %broadcast_in_dim3A_3496, %broadcast_in_dim3A_3497 : vector<16xi1>, vector<16xf32>
      %swap3A_3499 = arith.constant 11 : i32
      %swap3A_3500 = arith.index_cast %swap3A_3499 : i32 to index
      %swap3A_3501 = arith.constant 112 : index
      %swap3A_3502 = tpu.vector_load %arg8[%swap3A_3500, %swap3A_3501] {strides = array<i32>} : memref<16x128xf32, #tpu.memory_space<vmem>>, vector<1x16xf32>,
      %swap3A_3503 = vector.shape_cast %swap3A_3502 : vector<1x16xf32> to vector<16xf32>
      %swap3A_3504 = vector.shape_cast %select_n3A_3498 : vector<16xf32> to vector<1x16xf32>
      tpu.vector_store %arg8[%swap3A_3500, %swap3A_3501], %swap3A_3504 {strides = array<i32>} : memref<16x128xf32, #tpu.memory_space<vmem>>, vector<1x16xf32>,
      %eq3A_3505 = arith.constant 11 : i32
      %eq3A_3506 = vector.broadcast %eq3A_3505 : i32 to vector<16xi32>
      %eq3A_3507 = arith.cmpi eq, %get3A_3182, %eq3A_3506 : vector<16xi32>
      %jit3A_3508 = arith.constant 1.000000e+00 : f32
      %jit3A_3509 = arith.constant 0.000000e+00 : f32
      %broadcast_in_dim3A_3510 = vector.broadcast %jit3A_3508 : f32 to vector<16xf32>
      %broadcast_in_dim3A_3511 = vector.broadcast %jit3A_3509 : f32 to vector<16xf32>
      %select_n3A_3512 = arith.select %eq3A_3507, %broadcast_in_dim3A_3510, %broadcast_in_dim3A_3511 : vector<16xi1>, vector<16xf32>
      %swap3A_3513 = arith.constant 11 : i32
      %swap3A_3514 = arith.index_cast %swap3A_3513 : i32 to index
      %swap3A_3515 = arith.constant 112 : index
      %swap3A_3516 = tpu.vector_load %arg9[%swap3A_3514, %swap3A_3515] {strides = array<i32>} : memref<16x128xf32, #tpu.memory_space<vmem>>, vector<1x16xf32>,
      %swap3A_3517 = vector.shape_cast %swap3A_3516 : vector<1x16xf32> to vector<16xf32>
      %swap3A_3518 = vector.shape_cast %select_n3A_3512 : vector<16xf32> to vector<1x16xf32>
      tpu.vector_store %arg9[%swap3A_3514, %swap3A_3515], %swap3A_3518 {strides = array<i32>} : memref<16x128xf32, #tpu.memory_space<vmem>>, vector<1x16xf32>,
      %eq3A_3519 = arith.constant 12 : i32
      %eq3A_3520 = vector.broadcast %eq3A_3519 : i32 to vector<16xi32>
      %eq3A_3521 = arith.cmpi eq, %get3A_3179, %eq3A_3520 : vector<16xi32>
      %jit3A_3522 = arith.constant 1.000000e+00 : f32
      %jit3A_3523 = arith.constant 0.000000e+00 : f32
      %broadcast_in_dim3A_3524 = vector.broadcast %jit3A_3522 : f32 to vector<16xf32>
      %broadcast_in_dim3A_3525 = vector.broadcast %jit3A_3523 : f32 to vector<16xf32>
      %select_n3A_3526 = arith.select %eq3A_3521, %broadcast_in_dim3A_3524, %broadcast_in_dim3A_3525 : vector<16xi1>, vector<16xf32>
      %swap3A_3527 = arith.constant 12 : i32
      %swap3A_3528 = arith.index_cast %swap3A_3527 : i32 to index
      %swap3A_3529 = arith.constant 112 : index
      %swap3A_3530 = tpu.vector_load %arg8[%swap3A_3528, %swap3A_3529] {strides = array<i32>} : memref<16x128xf32, #tpu.memory_space<vmem>>, vector<1x16xf32>,
      %swap3A_3531 = vector.shape_cast %swap3A_3530 : vector<1x16xf32> to vector<16xf32>
      %swap3A_3532 = vector.shape_cast %select_n3A_3526 : vector<16xf32> to vector<1x16xf32>
      tpu.vector_store %arg8[%swap3A_3528, %swap3A_3529], %swap3A_3532 {strides = array<i32>} : memref<16x128xf32, #tpu.memory_space<vmem>>, vector<1x16xf32>,
      %eq3A_3533 = arith.constant 12 : i32
      %eq3A_3534 = vector.broadcast %eq3A_3533 : i32 to vector<16xi32>
      %eq3A_3535 = arith.cmpi eq, %get3A_3182, %eq3A_3534 : vector<16xi32>
      %jit3A_3536 = arith.constant 1.000000e+00 : f32
      %jit3A_3537 = arith.constant 0.000000e+00 : f32
      %broadcast_in_dim3A_3538 = vector.broadcast %jit3A_3536 : f32 to vector<16xf32>
      %broadcast_in_dim3A_3539 = vector.broadcast %jit3A_3537 : f32 to vector<16xf32>
      %select_n3A_3540 = arith.select %eq3A_3535, %broadcast_in_dim3A_3538, %broadcast_in_dim3A_3539 : vector<16xi1>, vector<16xf32>
      %swap3A_3541 = arith.constant 12 : i32
      %swap3A_3542 = arith.index_cast %swap3A_3541 : i32 to index
      %swap3A_3543 = arith.constant 112 : index
      %swap3A_3544 = tpu.vector_load %arg9[%swap3A_3542, %swap3A_3543] {strides = array<i32>} : memref<16x128xf32, #tpu.memory_space<vmem>>, vector<1x16xf32>,
      %swap3A_3545 = vector.shape_cast %swap3A_3544 : vector<1x16xf32> to vector<16xf32>
      %swap3A_3546 = vector.shape_cast %select_n3A_3540 : vector<16xf32> to vector<1x16xf32>
      tpu.vector_store %arg9[%swap3A_3542, %swap3A_3543], %swap3A_3546 {strides = array<i32>} : memref<16x128xf32, #tpu.memory_space<vmem>>, vector<1x16xf32>,
      %eq3A_3547 = arith.constant 13 : i32
      %eq3A_3548 = vector.broadcast %eq3A_3547 : i32 to vector<16xi32>
      %eq3A_3549 = arith.cmpi eq, %get3A_3179, %eq3A_3548 : vector<16xi32>
      %jit3A_3550 = arith.constant 1.000000e+00 : f32
      %jit3A_3551 = arith.constant 0.000000e+00 : f32
      %broadcast_in_dim3A_3552 = vector.broadcast %jit3A_3550 : f32 to vector<16xf32>
      %broadcast_in_dim3A_3553 = vector.broadcast %jit3A_3551 : f32 to vector<16xf32>
      %select_n3A_3554 = arith.select %eq3A_3549, %broadcast_in_dim3A_3552, %broadcast_in_dim3A_3553 : vector<16xi1>, vector<16xf32>
      %swap3A_3555 = arith.constant 13 : i32
      %swap3A_3556 = arith.index_cast %swap3A_3555 : i32 to index
      %swap3A_3557 = arith.constant 112 : index
      %swap3A_3558 = tpu.vector_load %arg8[%swap3A_3556, %swap3A_3557] {strides = array<i32>} : memref<16x128xf32, #tpu.memory_space<vmem>>, vector<1x16xf32>,
      %swap3A_3559 = vector.shape_cast %swap3A_3558 : vector<1x16xf32> to vector<16xf32>
      %swap3A_3560 = vector.shape_cast %select_n3A_3554 : vector<16xf32> to vector<1x16xf32>
      tpu.vector_store %arg8[%swap3A_3556, %swap3A_3557], %swap3A_3560 {strides = array<i32>} : memref<16x128xf32, #tpu.memory_space<vmem>>, vector<1x16xf32>,
      %eq3A_3561 = arith.constant 13 : i32
      %eq3A_3562 = vector.broadcast %eq3A_3561 : i32 to vector<16xi32>
      %eq3A_3563 = arith.cmpi eq, %get3A_3182, %eq3A_3562 : vector<16xi32>
      %jit3A_3564 = arith.constant 1.000000e+00 : f32
      %jit3A_3565 = arith.constant 0.000000e+00 : f32
      %broadcast_in_dim3A_3566 = vector.broadcast %jit3A_3564 : f32 to vector<16xf32>
      %broadcast_in_dim3A_3567 = vector.broadcast %jit3A_3565 : f32 to vector<16xf32>
      %select_n3A_3568 = arith.select %eq3A_3563, %broadcast_in_dim3A_3566, %broadcast_in_dim3A_3567 : vector<16xi1>, vector<16xf32>
      %swap3A_3569 = arith.constant 13 : i32
      %swap3A_3570 = arith.index_cast %swap3A_3569 : i32 to index
      %swap3A_3571 = arith.constant 112 : index
      %swap3A_3572 = tpu.vector_load %arg9[%swap3A_3570, %swap3A_3571] {strides = array<i32>} : memref<16x128xf32, #tpu.memory_space<vmem>>, vector<1x16xf32>,
      %swap3A_3573 = vector.shape_cast %swap3A_3572 : vector<1x16xf32> to vector<16xf32>
      %swap3A_3574 = vector.shape_cast %select_n3A_3568 : vector<16xf32> to vector<1x16xf32>
      tpu.vector_store %arg9[%swap3A_3570, %swap3A_3571], %swap3A_3574 {strides = array<i32>} : memref<16x128xf32, #tpu.memory_space<vmem>>, vector<1x16xf32>,
      %eq3A_3575 = arith.constant 14 : i32
      %eq3A_3576 = vector.broadcast %eq3A_3575 : i32 to vector<16xi32>
      %eq3A_3577 = arith.cmpi eq, %get3A_3179, %eq3A_3576 : vector<16xi32>
      %jit3A_3578 = arith.constant 1.000000e+00 : f32
      %jit3A_3579 = arith.constant 0.000000e+00 : f32
      %broadcast_in_dim3A_3580 = vector.broadcast %jit3A_3578 : f32 to vector<16xf32>
      %broadcast_in_dim3A_3581 = vector.broadcast %jit3A_3579 : f32 to vector<16xf32>
      %select_n3A_3582 = arith.select %eq3A_3577, %broadcast_in_dim3A_3580, %broadcast_in_dim3A_3581 : vector<16xi1>, vector<16xf32>
      %swap3A_3583 = arith.constant 14 : i32
      %swap3A_3584 = arith.index_cast %swap3A_3583 : i32 to index
      %swap3A_3585 = arith.constant 112 : index
      %swap3A_3586 = tpu.vector_load %arg8[%swap3A_3584, %swap3A_3585] {strides = array<i32>} : memref<16x128xf32, #tpu.memory_space<vmem>>, vector<1x16xf32>,
      %swap3A_3587 = vector.shape_cast %swap3A_3586 : vector<1x16xf32> to vector<16xf32>
      %swap3A_3588 = vector.shape_cast %select_n3A_3582 : vector<16xf32> to vector<1x16xf32>
      tpu.vector_store %arg8[%swap3A_3584, %swap3A_3585], %swap3A_3588 {strides = array<i32>} : memref<16x128xf32, #tpu.memory_space<vmem>>, vector<1x16xf32>,
      %eq3A_3589 = arith.constant 14 : i32
      %eq3A_3590 = vector.broadcast %eq3A_3589 : i32 to vector<16xi32>
      %eq3A_3591 = arith.cmpi eq, %get3A_3182, %eq3A_3590 : vector<16xi32>
      %jit3A_3592 = arith.constant 1.000000e+00 : f32
      %jit3A_3593 = arith.constant 0.000000e+00 : f32
      %broadcast_in_dim3A_3594 = vector.broadcast %jit3A_3592 : f32 to vector<16xf32>
      %broadcast_in_dim3A_3595 = vector.broadcast %jit3A_3593 : f32 to vector<16xf32>
      %select_n3A_3596 = arith.select %eq3A_3591, %broadcast_in_dim3A_3594, %broadcast_in_dim3A_3595 : vector<16xi1>, vector<16xf32>
      %swap3A_3597 = arith.constant 14 : i32
      %swap3A_3598 = arith.index_cast %swap3A_3597 : i32 to index
      %swap3A_3599 = arith.constant 112 : index
      %swap3A_3600 = tpu.vector_load %arg9[%swap3A_3598, %swap3A_3599] {strides = array<i32>} : memref<16x128xf32, #tpu.memory_space<vmem>>, vector<1x16xf32>,
      %swap3A_3601 = vector.shape_cast %swap3A_3600 : vector<1x16xf32> to vector<16xf32>
      %swap3A_3602 = vector.shape_cast %select_n3A_3596 : vector<16xf32> to vector<1x16xf32>
      tpu.vector_store %arg9[%swap3A_3598, %swap3A_3599], %swap3A_3602 {strides = array<i32>} : memref<16x128xf32, #tpu.memory_space<vmem>>, vector<1x16xf32>,
      %eq3A_3603 = arith.constant 15 : i32
      %eq3A_3604 = vector.broadcast %eq3A_3603 : i32 to vector<16xi32>
      %eq3A_3605 = arith.cmpi eq, %get3A_3179, %eq3A_3604 : vector<16xi32>
      %jit3A_3606 = arith.constant 1.000000e+00 : f32
      %jit3A_3607 = arith.constant 0.000000e+00 : f32
      %broadcast_in_dim3A_3608 = vector.broadcast %jit3A_3606 : f32 to vector<16xf32>
      %broadcast_in_dim3A_3609 = vector.broadcast %jit3A_3607 : f32 to vector<16xf32>
      %select_n3A_3610 = arith.select %eq3A_3605, %broadcast_in_dim3A_3608, %broadcast_in_dim3A_3609 : vector<16xi1>, vector<16xf32>
      %swap3A_3611 = arith.constant 15 : i32
      %swap3A_3612 = arith.index_cast %swap3A_3611 : i32 to index
      %swap3A_3613 = arith.constant 112 : index
      %swap3A_3614 = tpu.vector_load %arg8[%swap3A_3612, %swap3A_3613] {strides = array<i32>} : memref<16x128xf32, #tpu.memory_space<vmem>>, vector<1x16xf32>,
      %swap3A_3615 = vector.shape_cast %swap3A_3614 : vector<1x16xf32> to vector<16xf32>
      %swap3A_3616 = vector.shape_cast %select_n3A_3610 : vector<16xf32> to vector<1x16xf32>
      tpu.vector_store %arg8[%swap3A_3612, %swap3A_3613], %swap3A_3616 {strides = array<i32>} : memref<16x128xf32, #tpu.memory_space<vmem>>, vector<1x16xf32>,
      %eq3A_3617 = arith.constant 15 : i32
      %eq3A_3618 = vector.broadcast %eq3A_3617 : i32 to vector<16xi32>
      %eq3A_3619 = arith.cmpi eq, %get3A_3182, %eq3A_3618 : vector<16xi32>
      %jit3A_3620 = arith.constant 1.000000e+00 : f32
      %jit3A_3621 = arith.constant 0.000000e+00 : f32
      %broadcast_in_dim3A_3622 = vector.broadcast %jit3A_3620 : f32 to vector<16xf32>
      %broadcast_in_dim3A_3623 = vector.broadcast %jit3A_3621 : f32 to vector<16xf32>
      %select_n3A_3624 = arith.select %eq3A_3619, %broadcast_in_dim3A_3622, %broadcast_in_dim3A_3623 : vector<16xi1>, vector<16xf32>
      %swap3A_3625 = arith.constant 15 : i32
      %swap3A_3626 = arith.index_cast %swap3A_3625 : i32 to index
      %swap3A_3627 = arith.constant 112 : index
      %swap3A_3628 = tpu.vector_load %arg9[%swap3A_3626, %swap3A_3627] {strides = array<i32>} : memref<16x128xf32, #tpu.memory_space<vmem>>, vector<1x16xf32>,
      %swap3A_3629 = vector.shape_cast %swap3A_3628 : vector<1x16xf32> to vector<16xf32>
      %swap3A_3630 = vector.shape_cast %select_n3A_3624 : vector<16xf32> to vector<1x16xf32>
      tpu.vector_store %arg9[%swap3A_3626, %swap3A_3627], %swap3A_3630 {strides = array<i32>} : memref<16x128xf32, #tpu.memory_space<vmem>>, vector<1x16xf32>,
      "tpu.region"() ({
        %run_scoped3A = tpu.sem_alloc : memref<!tpu.dma_semaphore, #tpu.memory_space<semaphore_mem>>
        %dma_start3A = arith.constant 0 : i32
        %dma_start3A_3631 = tpu.memref_slice %arg4[%dma_start3A, %mul3A_4] : memref<16x1024xf32, #tpu.memory_space<hbm>> -> memref<16x128xf32, #tpu.memory_space<hbm>>
        %dma_start3A_3632 = arith.constant 0 : i32
        %dma_start3A_3633 = tpu.memref_slice %arg4[%dma_start3A_3632, %mul3A_4] : memref<16x1024xf32, #tpu.memory_space<hbm>> -> memref<16x128xf32, #tpu.memory_space<hbm>>
        tpu.enqueue_dma source(%arg8 : memref<16x128xf32, #tpu.memory_space<vmem>>) target(%dma_start3A_3633 : memref<16x128xf32, #tpu.memory_space<hbm>>) target_semaphore(%run_scoped3A : memref<!tpu.dma_semaphore, #tpu.memory_space<semaphore_mem>>)
        %dma_wait3A = arith.constant 0 : i32
        %dma_wait3A_3634 = tpu.memref_slice %arg4[%dma_wait3A, %mul3A_4] : memref<16x1024xf32, #tpu.memory_space<hbm>> -> memref<16x128xf32, #tpu.memory_space<hbm>>
        %dma_wait3A_3635 = arith.constant 0 : i32
        %dma_wait3A_3636 = tpu.memref_slice %arg4[%dma_wait3A_3635, %mul3A_4] : memref<16x1024xf32, #tpu.memory_space<hbm>> -> memref<16x128xf32, #tpu.memory_space<hbm>>
        tpu.wait_dma2 semaphore(%run_scoped3A : memref<!tpu.dma_semaphore, #tpu.memory_space<semaphore_mem>>) src(%arg8 : memref<16x128xf32, #tpu.memory_space<vmem>>) dst(%dma_wait3A_3636 : memref<16x128xf32, #tpu.memory_space<hbm>>)
        tpu.yield
      }) : () -> ()
      "tpu.region"() ({
        %run_scoped3A = tpu.sem_alloc : memref<!tpu.dma_semaphore, #tpu.memory_space<semaphore_mem>>
        %dma_start3A = arith.constant 0 : i32
        %dma_start3A_3631 = tpu.memref_slice %arg5[%dma_start3A, %mul3A_4] : memref<16x1024xf32, #tpu.memory_space<hbm>> -> memref<16x128xf32, #tpu.memory_space<hbm>>
        %dma_start3A_3632 = arith.constant 0 : i32
        %dma_start3A_3633 = tpu.memref_slice %arg5[%dma_start3A_3632, %mul3A_4] : memref<16x1024xf32, #tpu.memory_space<hbm>> -> memref<16x128xf32, #tpu.memory_space<hbm>>
        tpu.enqueue_dma source(%arg9 : memref<16x128xf32, #tpu.memory_space<vmem>>) target(%dma_start3A_3633 : memref<16x128xf32, #tpu.memory_space<hbm>>) target_semaphore(%run_scoped3A : memref<!tpu.dma_semaphore, #tpu.memory_space<semaphore_mem>>)
        %dma_wait3A = arith.constant 0 : i32
        %dma_wait3A_3634 = tpu.memref_slice %arg5[%dma_wait3A, %mul3A_4] : memref<16x1024xf32, #tpu.memory_space<hbm>> -> memref<16x128xf32, #tpu.memory_space<hbm>>
        %dma_wait3A_3635 = arith.constant 0 : i32
        %dma_wait3A_3636 = tpu.memref_slice %arg5[%dma_wait3A_3635, %mul3A_4] : memref<16x1024xf32, #tpu.memory_space<hbm>> -> memref<16x128xf32, #tpu.memory_space<hbm>>
        tpu.wait_dma2 semaphore(%run_scoped3A : memref<!tpu.dma_semaphore, #tpu.memory_space<semaphore_mem>>) src(%arg9 : memref<16x128xf32, #tpu.memory_space<vmem>>) dst(%dma_wait3A_3636 : memref<16x128xf32, #tpu.memory_space<hbm>>)
        tpu.yield
      }) : () -> ()
    } else {
    }
    return
  }
}

module attributes {stable_mosaic.version = 14 : i64} {
  func.func @_main_body(%arg0: memref<16x128xf32, #tpu.memory_space<vmem>>, %arg1: memref<16x1024xf32, #tpu.memory_space<vmem>>, %arg2: memref<16x1024xf32, #tpu.memory_space<vmem>>, %arg3: memref<1024x91xf32, #tpu.memory_space<vmem>>, %arg4: memref<128x512xf32, #tpu.memory_space<vmem>>, %arg5: memref<91x512xf32, #tpu.memory_space<vmem>>, %arg6: memref<1x512xf32, #tpu.memory_space<vmem>>, %arg7: memref<1x512xf32, #tpu.memory_space<vmem>>, %arg8: memref<1x512xf32, #tpu.memory_space<vmem>>, %arg9: memref<1x512xf32, #tpu.memory_space<vmem>>, %arg10: memref<512x512xf32, #tpu.memory_space<vmem>>, %arg11: memref<512x512xf32, #tpu.memory_space<vmem>>, %arg12: memref<1x512xf32, #tpu.memory_space<vmem>>, %arg13: memref<1x512xf32, #tpu.memory_space<vmem>>, %arg14: memref<1x512xf32, #tpu.memory_space<vmem>>, %arg15: memref<1x512xf32, #tpu.memory_space<vmem>>, %arg16: memref<512x1024xf32, #tpu.memory_space<vmem>>, %arg17: memref<512x1024xf32, #tpu.memory_space<vmem>>, %arg18: memref<1x1024xf32, #tpu.memory_space<vmem>>, %arg19: memref<1x1024xf32, #tpu.memory_space<vmem>>, %arg20: memref<1x1024xf32, #tpu.memory_space<vmem>>, %arg21: memref<1x1024xf32, #tpu.memory_space<vmem>>, %arg22: memref<1024x1024xf32, #tpu.memory_space<vmem>>, %arg23: memref<1024x1024xf32, #tpu.memory_space<vmem>>, %arg24: memref<1x1024xf32, #tpu.memory_space<vmem>>, %arg25: memref<1x1024xf32, #tpu.memory_space<vmem>>, %arg26: memref<1x1024xf32, #tpu.memory_space<vmem>>, %arg27: memref<1x1024xf32, #tpu.memory_space<vmem>>, %arg28: memref<1024x512xf32, #tpu.memory_space<vmem>>, %arg29: memref<1024x512xf32, #tpu.memory_space<vmem>>, %arg30: memref<1x512xf32, #tpu.memory_space<vmem>>, %arg31: memref<1x512xf32, #tpu.memory_space<vmem>>, %arg32: memref<1x512xf32, #tpu.memory_space<vmem>>, %arg33: memref<1x512xf32, #tpu.memory_space<vmem>>, %arg34: memref<512x512xf32, #tpu.memory_space<vmem>>, %arg35: memref<512x512xf32, #tpu.memory_space<vmem>>, %arg36: memref<1x512xf32, #tpu.memory_space<vmem>>, %arg37: memref<1x512xf32, #tpu.memory_space<vmem>>, %arg38: memref<1x512xf32, #tpu.memory_space<vmem>>, %arg39: memref<1x512xf32, #tpu.memory_space<vmem>>, %arg40: memref<1x16xf32, #tpu.memory_space<vmem>>, %arg41: memref<1x1024xf32, #tpu.memory_space<vmem>>, %arg42: memref<1x512xf32, #tpu.memory_space<vmem>>, %arg43: memref<1x512xf32, #tpu.memory_space<vmem>>, %arg44: memref<1x1xf32, #tpu.memory_space<vmem>>, %arg45: memref<1x1xf32, #tpu.memory_space<vmem>>, %arg46: memref<1x1xf32, #tpu.memory_space<vmem>>, %arg47: memref<1x1xf32, #tpu.memory_space<vmem>>, %arg48: memref<1x2xf32, #tpu.memory_space<vmem>>) attributes {dimension_semantics = [], scalar_prefetch = 0 : i64, scratch_operands = 0 : i64, tpu.core_type = #tpu.core_type<tc>} {
    %get3A = arith.constant 0 : index
    %get3A_0 = arith.constant 0 : index
    %get3A_1 = vector.load %arg4[%get3A, %get3A_0] : memref<128x512xf32, #tpu.memory_space<vmem>>, vector<128x512xf32>
    %get3A_2 = arith.constant 0 : index
    %get3A_3 = arith.constant 0 : index
    %get3A_4 = vector.load %arg5[%get3A_2, %get3A_3] : memref<91x512xf32, #tpu.memory_space<vmem>>, vector<91x512xf32>
    %get3A_5 = arith.constant 0 : index
    %get3A_6 = arith.constant 0 : index
    %get3A_7 = vector.load %arg6[%get3A_5, %get3A_6] : memref<1x512xf32, #tpu.memory_space<vmem>>, vector<1x512xf32>
    %get3A_8 = arith.constant 0 : index
    %get3A_9 = arith.constant 0 : index
    %get3A_10 = vector.load %arg7[%get3A_8, %get3A_9] : memref<1x512xf32, #tpu.memory_space<vmem>>, vector<1x512xf32>
    %get3A_11 = arith.constant 0 : index
    %get3A_12 = arith.constant 0 : index
    %get3A_13 = vector.load %arg8[%get3A_11, %get3A_12] : memref<1x512xf32, #tpu.memory_space<vmem>>, vector<1x512xf32>
    %get3A_14 = arith.constant 0 : index
    %get3A_15 = arith.constant 0 : index
    %get3A_16 = vector.load %arg9[%get3A_14, %get3A_15] : memref<1x512xf32, #tpu.memory_space<vmem>>, vector<1x512xf32>
    %get3A_17 = arith.constant 0 : index
    %get3A_18 = arith.constant 0 : index
    %get3A_19 = vector.load %arg10[%get3A_17, %get3A_18] : memref<512x512xf32, #tpu.memory_space<vmem>>, vector<512x512xf32>
    %get3A_20 = arith.constant 0 : index
    %get3A_21 = arith.constant 0 : index
    %get3A_22 = vector.load %arg11[%get3A_20, %get3A_21] : memref<512x512xf32, #tpu.memory_space<vmem>>, vector<512x512xf32>
    %get3A_23 = arith.constant 0 : index
    %get3A_24 = arith.constant 0 : index
    %get3A_25 = vector.load %arg12[%get3A_23, %get3A_24] : memref<1x512xf32, #tpu.memory_space<vmem>>, vector<1x512xf32>
    %get3A_26 = arith.constant 0 : index
    %get3A_27 = arith.constant 0 : index
    %get3A_28 = vector.load %arg13[%get3A_26, %get3A_27] : memref<1x512xf32, #tpu.memory_space<vmem>>, vector<1x512xf32>
    %get3A_29 = arith.constant 0 : index
    %get3A_30 = arith.constant 0 : index
    %get3A_31 = vector.load %arg14[%get3A_29, %get3A_30] : memref<1x512xf32, #tpu.memory_space<vmem>>, vector<1x512xf32>
    %get3A_32 = arith.constant 0 : index
    %get3A_33 = arith.constant 0 : index
    %get3A_34 = vector.load %arg15[%get3A_32, %get3A_33] : memref<1x512xf32, #tpu.memory_space<vmem>>, vector<1x512xf32>
    %get3A_35 = arith.constant 0 : index
    %get3A_36 = arith.constant 0 : index
    %get3A_37 = vector.load %arg16[%get3A_35, %get3A_36] : memref<512x1024xf32, #tpu.memory_space<vmem>>, vector<512x1024xf32>
    %get3A_38 = arith.constant 0 : index
    %get3A_39 = arith.constant 0 : index
    %get3A_40 = vector.load %arg17[%get3A_38, %get3A_39] : memref<512x1024xf32, #tpu.memory_space<vmem>>, vector<512x1024xf32>
    %get3A_41 = arith.constant 0 : index
    %get3A_42 = arith.constant 0 : index
    %get3A_43 = vector.load %arg18[%get3A_41, %get3A_42] : memref<1x1024xf32, #tpu.memory_space<vmem>>, vector<1x1024xf32>
    %get3A_44 = arith.constant 0 : index
    %get3A_45 = arith.constant 0 : index
    %get3A_46 = vector.load %arg19[%get3A_44, %get3A_45] : memref<1x1024xf32, #tpu.memory_space<vmem>>, vector<1x1024xf32>
    %get3A_47 = arith.constant 0 : index
    %get3A_48 = arith.constant 0 : index
    %get3A_49 = vector.load %arg20[%get3A_47, %get3A_48] : memref<1x1024xf32, #tpu.memory_space<vmem>>, vector<1x1024xf32>
    %get3A_50 = arith.constant 0 : index
    %get3A_51 = arith.constant 0 : index
    %get3A_52 = vector.load %arg21[%get3A_50, %get3A_51] : memref<1x1024xf32, #tpu.memory_space<vmem>>, vector<1x1024xf32>
    %get3A_53 = arith.constant 0 : index
    %get3A_54 = arith.constant 0 : index
    %get3A_55 = vector.load %arg22[%get3A_53, %get3A_54] : memref<1024x1024xf32, #tpu.memory_space<vmem>>, vector<1024x1024xf32>
    %get3A_56 = arith.constant 0 : index
    %get3A_57 = arith.constant 0 : index
    %get3A_58 = vector.load %arg23[%get3A_56, %get3A_57] : memref<1024x1024xf32, #tpu.memory_space<vmem>>, vector<1024x1024xf32>
    %get3A_59 = arith.constant 0 : index
    %get3A_60 = arith.constant 0 : index
    %get3A_61 = vector.load %arg24[%get3A_59, %get3A_60] : memref<1x1024xf32, #tpu.memory_space<vmem>>, vector<1x1024xf32>
    %get3A_62 = arith.constant 0 : index
    %get3A_63 = arith.constant 0 : index
    %get3A_64 = vector.load %arg25[%get3A_62, %get3A_63] : memref<1x1024xf32, #tpu.memory_space<vmem>>, vector<1x1024xf32>
    %get3A_65 = arith.constant 0 : index
    %get3A_66 = arith.constant 0 : index
    %get3A_67 = vector.load %arg26[%get3A_65, %get3A_66] : memref<1x1024xf32, #tpu.memory_space<vmem>>, vector<1x1024xf32>
    %get3A_68 = arith.constant 0 : index
    %get3A_69 = arith.constant 0 : index
    %get3A_70 = vector.load %arg27[%get3A_68, %get3A_69] : memref<1x1024xf32, #tpu.memory_space<vmem>>, vector<1x1024xf32>
    %get3A_71 = arith.constant 0 : index
    %get3A_72 = arith.constant 0 : index
    %get3A_73 = vector.load %arg28[%get3A_71, %get3A_72] : memref<1024x512xf32, #tpu.memory_space<vmem>>, vector<1024x512xf32>
    %get3A_74 = arith.constant 0 : index
    %get3A_75 = arith.constant 0 : index
    %get3A_76 = vector.load %arg29[%get3A_74, %get3A_75] : memref<1024x512xf32, #tpu.memory_space<vmem>>, vector<1024x512xf32>
    %get3A_77 = arith.constant 0 : index
    %get3A_78 = arith.constant 0 : index
    %get3A_79 = vector.load %arg30[%get3A_77, %get3A_78] : memref<1x512xf32, #tpu.memory_space<vmem>>, vector<1x512xf32>
    %get3A_80 = arith.constant 0 : index
    %get3A_81 = arith.constant 0 : index
    %get3A_82 = vector.load %arg31[%get3A_80, %get3A_81] : memref<1x512xf32, #tpu.memory_space<vmem>>, vector<1x512xf32>
    %get3A_83 = arith.constant 0 : index
    %get3A_84 = arith.constant 0 : index
    %get3A_85 = vector.load %arg32[%get3A_83, %get3A_84] : memref<1x512xf32, #tpu.memory_space<vmem>>, vector<1x512xf32>
    %get3A_86 = arith.constant 0 : index
    %get3A_87 = arith.constant 0 : index
    %get3A_88 = vector.load %arg33[%get3A_86, %get3A_87] : memref<1x512xf32, #tpu.memory_space<vmem>>, vector<1x512xf32>
    %get3A_89 = arith.constant 0 : index
    %get3A_90 = arith.constant 0 : index
    %get3A_91 = vector.load %arg34[%get3A_89, %get3A_90] : memref<512x512xf32, #tpu.memory_space<vmem>>, vector<512x512xf32>
    %get3A_92 = arith.constant 0 : index
    %get3A_93 = arith.constant 0 : index
    %get3A_94 = vector.load %arg35[%get3A_92, %get3A_93] : memref<512x512xf32, #tpu.memory_space<vmem>>, vector<512x512xf32>
    %get3A_95 = arith.constant 0 : index
    %get3A_96 = arith.constant 0 : index
    %get3A_97 = vector.load %arg36[%get3A_95, %get3A_96] : memref<1x512xf32, #tpu.memory_space<vmem>>, vector<1x512xf32>
    %get3A_98 = arith.constant 0 : index
    %get3A_99 = arith.constant 0 : index
    %get3A_100 = vector.load %arg37[%get3A_98, %get3A_99] : memref<1x512xf32, #tpu.memory_space<vmem>>, vector<1x512xf32>
    %get3A_101 = arith.constant 0 : index
    %get3A_102 = arith.constant 0 : index
    %get3A_103 = vector.load %arg38[%get3A_101, %get3A_102] : memref<1x512xf32, #tpu.memory_space<vmem>>, vector<1x512xf32>
    %get3A_104 = arith.constant 0 : index
    %get3A_105 = arith.constant 0 : index
    %get3A_106 = vector.load %arg39[%get3A_104, %get3A_105] : memref<1x512xf32, #tpu.memory_space<vmem>>, vector<1x512xf32>
    %get3A_107 = arith.constant 0 : index
    %get3A_108 = arith.constant 0 : index
    %get3A_109 = vector.load %arg40[%get3A_107, %get3A_108] : memref<1x16xf32, #tpu.memory_space<vmem>>, vector<1x16xf32>
    %get3A_110 = arith.constant 0 : index
    %get3A_111 = arith.constant 0 : index
    %get3A_112 = vector.load %arg41[%get3A_110, %get3A_111] : memref<1x1024xf32, #tpu.memory_space<vmem>>, vector<1x1024xf32>
    %get3A_113 = arith.constant 0 : index
    %get3A_114 = arith.constant 0 : index
    %get3A_115 = vector.load %arg42[%get3A_113, %get3A_114] : memref<1x512xf32, #tpu.memory_space<vmem>>, vector<1x512xf32>
    %get3A_116 = arith.constant 0 : index
    %get3A_117 = arith.constant 0 : index
    %get3A_118 = vector.load %arg43[%get3A_116, %get3A_117] : memref<1x512xf32, #tpu.memory_space<vmem>>, vector<1x512xf32>
    %get3A_119 = arith.constant 0 : index
    %get3A_120 = arith.constant 0 : index
    %get3A_121 = vector.load %arg44[%get3A_119, %get3A_120] : memref<1x1xf32, #tpu.memory_space<vmem>>, vector<1x1xf32>
    %get3A_122 = arith.constant 0 : index
    %get3A_123 = arith.constant 0 : index
    %get3A_124 = vector.load %arg45[%get3A_122, %get3A_123] : memref<1x1xf32, #tpu.memory_space<vmem>>, vector<1x1xf32>
    %get3A_125 = arith.constant 0 : index
    %get3A_126 = arith.constant 0 : index
    %get3A_127 = vector.load %arg46[%get3A_125, %get3A_126] : memref<1x1xf32, #tpu.memory_space<vmem>>, vector<1x1xf32>
    %get3A_128 = arith.constant 0 : index
    %get3A_129 = arith.constant 0 : index
    %get3A_130 = vector.load %arg47[%get3A_128, %get3A_129] : memref<1x1xf32, #tpu.memory_space<vmem>>, vector<1x1xf32>
    %get3A_131 = arith.constant 0 : index
    %get3A_132 = arith.constant 0 : index
    %get3A_133 = vector.load %arg1[%get3A_131, %get3A_132] : memref<16x1024xf32, #tpu.memory_space<vmem>>, vector<16x1024xf32>
    %get3A_134 = arith.constant 0 : index
    %get3A_135 = arith.constant 0 : index
    %get3A_136 = vector.load %arg2[%get3A_134, %get3A_135] : memref<16x1024xf32, #tpu.memory_space<vmem>>, vector<16x1024xf32>
    %transpose3A = tpu.transpose %get3A_133, [1, 0] : vector<16x1024xf32> -> vector<1024x16xf32>
    %gt3A = arith.constant 5.000000e-01 : f32
    %gt3A_137 = vector.broadcast %gt3A : f32 to vector<1024x16xf32>
    %gt3A_138 = arith.cmpf ogt, %transpose3A, %gt3A_137 : vector<1024x16xf32>
    %transpose3A_139 = tpu.transpose %get3A_136, [1, 0] : vector<16x1024xf32> -> vector<1024x16xf32>
    %gt3A_140 = arith.constant 5.000000e-01 : f32
    %gt3A_141 = vector.broadcast %gt3A_140 : f32 to vector<1024x16xf32>
    %gt3A_142 = arith.cmpf ogt, %transpose3A_139, %gt3A_141 : vector<1024x16xf32>
    %transpose3A_143 = tpu.transpose %get3A_136, [1, 0] : vector<16x1024xf32> -> vector<1024x16xf32>
    %convert_element_type3A = arith.truncf %transpose3A_143 : vector<1024x16xf32> to vector<1024x16xbf16>
    %get3A_144 = arith.constant 0 : index
    %get3A_145 = arith.constant 0 : index
    %get3A_146 = vector.load %arg0[%get3A_144, %get3A_145] : memref<16x128xf32, #tpu.memory_space<vmem>>, vector<16x128xf32>
    %get3A_147 = arith.constant 0 : index
    %get3A_148 = arith.constant 0 : index
    %get3A_149 = vector.load %arg3[%get3A_147, %get3A_148] : memref<1024x91xf32, #tpu.memory_space<vmem>>, vector<1024x91xf32>
    %convert_element_type3A_150 = arith.truncf %get3A_146 : vector<16x128xf32> to vector<16x128xbf16>
    %convert_element_type3A_151 = arith.truncf %get3A_1 : vector<128x512xf32> to vector<128x512xbf16>
    %dot_general3A = arith.constant dense<0.000000e+00> : vector<16x512xf32>
    %dot_general3A_152 = tpu.matmul %convert_element_type3A_150, %convert_element_type3A_151, %dot_general3A {dimension_numbers = #tpu.dot_dimension_numbers<[1], [0], [0], [1], [0, 0, 1, 1], [], []>, transpose_lhs_hint = false} : vector<16x128xbf16>, vector<128x512xbf16>, vector<16x512xf32> -> vector<16x512xf32>
    %convert_element_type3A_153 = arith.truncf %get3A_149 : vector<1024x91xf32> to vector<1024x91xbf16>
    %convert_element_type3A_154 = arith.truncf %get3A_4 : vector<91x512xf32> to vector<91x512xbf16>
    %dot_general3A_155 = arith.constant dense<0.000000e+00> : vector<1024x512xf32>
    %dot_general3A_156 = tpu.matmul %convert_element_type3A_153, %convert_element_type3A_154, %dot_general3A_155 {dimension_numbers = #tpu.dot_dimension_numbers<[1], [0], [0], [1], [0, 0, 1, 1], [], []>, transpose_lhs_hint = false} : vector<1024x91xbf16>, vector<91x512xbf16>, vector<1024x512xf32> -> vector<1024x512xf32>
    %mul3A = vector.broadcast %get3A_7 : vector<1x512xf32> to vector<16x512xf32>
    %mul3A_157 = arith.mulf %dot_general3A_152, %mul3A : vector<16x512xf32>
    %reduce_sum3A = arith.constant dense<0.000000e+00> : vector<16xf32>
    %reduce_sum3A_158 = vector.multi_reduction <add>, %mul3A_157, %reduce_sum3A [1] : vector<16x512xf32> to vector<16xf32>
    %reshape3A = vector.shape_cast %reduce_sum3A_158 : vector<16xf32> to vector<1x16xf32>
    %mul3A_159 = vector.broadcast %get3A_10 : vector<1x512xf32> to vector<16x512xf32>
    %mul3A_160 = arith.mulf %dot_general3A_152, %mul3A_159 : vector<16x512xf32>
    %reduce_sum3A_161 = arith.constant dense<0.000000e+00> : vector<16xf32>
    %reduce_sum3A_162 = vector.multi_reduction <add>, %mul3A_160, %reduce_sum3A_161 [1] : vector<16x512xf32> to vector<16xf32>
    %reshape3A_163 = vector.shape_cast %reduce_sum3A_162 : vector<16xf32> to vector<1x16xf32>
    %mul3A_164 = vector.broadcast %get3A_13 : vector<1x512xf32> to vector<1024x512xf32>
    %mul3A_165 = arith.mulf %dot_general3A_156, %mul3A_164 : vector<1024x512xf32>
    %reduce_sum3A_166 = arith.constant dense<0.000000e+00> : vector<1024xf32>
    %reduce_sum3A_167 = vector.multi_reduction <add>, %mul3A_165, %reduce_sum3A_166 [1] : vector<1024x512xf32> to vector<1024xf32>
    %broadcast_in_dim3A = vector.shape_cast %reduce_sum3A_167 : vector<1024xf32> to vector<1024x1xf32>
    %jit3A = arith.constant 0.000000e+00 : f32
    %broadcast_in_dim3A_168 = vector.shape_cast %reshape3A : vector<1x16xf32> to vector<1x16xf32>
    %broadcast_in_dim3A_169 = vector.broadcast %broadcast_in_dim3A_168 : vector<1x16xf32> to vector<1024x16xf32>
    %broadcast_in_dim3A_170 = vector.broadcast %jit3A : f32 to vector<1024x16xf32>
    %select_n3A = arith.select %gt3A_138, %broadcast_in_dim3A_169, %broadcast_in_dim3A_170 : vector<1024x16xi1>, vector<1024x16xf32>
    %reduce_sum3A_171 = arith.constant dense<0.000000e+00> : vector<1024xf32>
    %reduce_sum3A_172 = vector.multi_reduction <add>, %select_n3A, %reduce_sum3A_171 [1] : vector<1024x16xf32> to vector<1024xf32>
    %broadcast_in_dim3A_173 = vector.shape_cast %reduce_sum3A_172 : vector<1024xf32> to vector<1024x1xf32>
    %jit3A_174 = arith.constant 0.000000e+00 : f32
    %broadcast_in_dim3A_175 = vector.shape_cast %reshape3A_163 : vector<1x16xf32> to vector<1x16xf32>
    %broadcast_in_dim3A_176 = vector.broadcast %broadcast_in_dim3A_175 : vector<1x16xf32> to vector<1024x16xf32>
    %broadcast_in_dim3A_177 = vector.broadcast %jit3A_174 : f32 to vector<1024x16xf32>
    %select_n3A_178 = arith.select %gt3A_142, %broadcast_in_dim3A_176, %broadcast_in_dim3A_177 : vector<1024x16xi1>, vector<1024x16xf32>
    %reduce_sum3A_179 = arith.constant dense<0.000000e+00> : vector<1024xf32>
    %reduce_sum3A_180 = vector.multi_reduction <add>, %select_n3A_178, %reduce_sum3A_179 [1] : vector<1024x16xf32> to vector<1024xf32>
    %broadcast_in_dim3A_181 = vector.shape_cast %reduce_sum3A_180 : vector<1024xf32> to vector<1024x1xf32>
    %add3A = arith.addf %broadcast_in_dim3A_173, %broadcast_in_dim3A_181 : vector<1024x1xf32>
    %add3A_182 = arith.addf %add3A, %broadcast_in_dim3A : vector<1024x1xf32>
    %ge3A = arith.constant 0.000000e+00 : f32
    %ge3A_183 = vector.broadcast %ge3A : f32 to vector<1024x1xf32>
    %ge3A_184 = arith.cmpf oge, %add3A_182, %ge3A_183 : vector<1024x1xf32>
    %mul3A_185 = arith.constant 2.000000e-01 : f32
    %mul3A_186 = vector.broadcast %mul3A_185 : f32 to vector<1024x1xf32>
    %mul3A_187 = arith.mulf %mul3A_186, %add3A_182 : vector<1024x1xf32>
    %select_n3A_188 = arith.select %ge3A_184, %add3A_182, %mul3A_187 : vector<1024x1xi1>, vector<1024x1xf32>
    %jit3A_189 = arith.constant 0xFF800000 : f32
    %broadcast_in_dim3A_190 = vector.shape_cast %select_n3A_188 : vector<1024x1xf32> to vector<1024x1xf32>
    %broadcast_in_dim3A_191 = vector.broadcast %broadcast_in_dim3A_190 : vector<1024x1xf32> to vector<1024x16xf32>
    %broadcast_in_dim3A_192 = vector.broadcast %jit3A_189 : f32 to vector<1024x16xf32>
    %select_n3A_193 = arith.select %gt3A_142, %broadcast_in_dim3A_191, %broadcast_in_dim3A_192 : vector<1024x16xi1>, vector<1024x16xf32>
    %reduce_max3A = arith.constant dense<0xFF800000> : vector<16xf32>
    %reduce_max3A_194 = vector.multi_reduction <maximumf>, %select_n3A_193, %reduce_max3A [0] : vector<1024x16xf32> to vector<16xf32>
    %broadcast_in_dim3A_195 = vector.shape_cast %reduce_max3A_194 : vector<16xf32> to vector<1x16xf32>
    %is_finite3A = tpu.weird %broadcast_in_dim3A_195 : vector<1x16xf32> -> vector<1x16xi1>
    %is_finite3A_196 = arith.constant dense<true> : vector<1x16xi1>
    %is_finite3A_197 = arith.xori %is_finite3A, %is_finite3A_196 : vector<1x16xi1>
    %jit3A_198 = arith.constant 0.000000e+00 : f32
    %broadcast_in_dim3A_199 = vector.broadcast %jit3A_198 : f32 to vector<1x16xf32>
    %select_n3A_200 = arith.select %is_finite3A_197, %broadcast_in_dim3A_195, %broadcast_in_dim3A_199 : vector<1x16xi1>, vector<1x16xf32>
    %jit3A_201 = arith.constant 0.000000e+00 : f32
    %broadcast_in_dim3A_202 = vector.shape_cast %select_n3A_200 : vector<1x16xf32> to vector<1x16xf32>
    %broadcast_in_dim3A_203 = vector.broadcast %broadcast_in_dim3A_202 : vector<1x16xf32> to vector<1024x16xf32>
    %broadcast_in_dim3A_204 = vector.broadcast %jit3A_201 : f32 to vector<1024x16xf32>
    %select_n3A_205 = arith.select %gt3A_142, %broadcast_in_dim3A_203, %broadcast_in_dim3A_204 : vector<1024x16xi1>, vector<1024x16xf32>
    %reduce_sum3A_206 = arith.constant dense<0.000000e+00> : vector<1024xf32>
    %reduce_sum3A_207 = vector.multi_reduction <add>, %select_n3A_205, %reduce_sum3A_206 [1] : vector<1024x16xf32> to vector<1024xf32>
    %broadcast_in_dim3A_208 = vector.shape_cast %reduce_sum3A_207 : vector<1024xf32> to vector<1024x1xf32>
    %sub3A = arith.subf %select_n3A_188, %broadcast_in_dim3A_208 : vector<1024x1xf32>
    %exp3A = math.exp %sub3A : vector<1024x1xf32>
    %jit3A_209 = arith.constant 0.000000e+00 : f32
    %broadcast_in_dim3A_210 = vector.shape_cast %exp3A : vector<1024x1xf32> to vector<1024x1xf32>
    %broadcast_in_dim3A_211 = vector.broadcast %broadcast_in_dim3A_210 : vector<1024x1xf32> to vector<1024x16xf32>
    %broadcast_in_dim3A_212 = vector.broadcast %jit3A_209 : f32 to vector<1024x16xf32>
    %select_n3A_213 = arith.select %gt3A_138, %broadcast_in_dim3A_211, %broadcast_in_dim3A_212 : vector<1024x16xi1>, vector<1024x16xf32>
    %convert_element_type3A_214 = arith.truncf %select_n3A_213 : vector<1024x16xf32> to vector<1024x16xbf16>
    %convert_element_type3A_215 = arith.extf %convert_element_type3A_214 : vector<1024x16xbf16> to vector<1024x16xf32>
    %sub3A_216 = arith.subf %select_n3A_213, %convert_element_type3A_215 : vector<1024x16xf32>
    %convert_element_type3A_217 = arith.truncf %sub3A_216 : vector<1024x16xf32> to vector<1024x16xbf16>
    %convert_element_type3A_218 = arith.extf %convert_element_type3A_217 : vector<1024x16xbf16> to vector<1024x16xf32>
    %sub3A_219 = arith.subf %sub3A_216, %convert_element_type3A_218 : vector<1024x16xf32>
    %convert_element_type3A_220 = arith.truncf %sub3A_219 : vector<1024x16xf32> to vector<1024x16xbf16>
    %transpose3A_221 = tpu.transpose %convert_element_type3A, [1, 0] : vector<1024x16xbf16> -> vector<16x1024xbf16>
    %dot_general3A_222 = arith.constant dense<0.000000e+00> : vector<16x16xf32>
    %dot_general3A_223 = tpu.matmul %transpose3A_221, %convert_element_type3A_214, %dot_general3A_222 {dimension_numbers = #tpu.dot_dimension_numbers<[1], [0], [0], [1], [0, 0, 1, 1], [], []>, transpose_lhs_hint = false} : vector<16x1024xbf16>, vector<1024x16xbf16>, vector<16x16xf32> -> vector<16x16xf32>
    %transpose3A_224 = tpu.transpose %convert_element_type3A, [1, 0] : vector<1024x16xbf16> -> vector<16x1024xbf16>
    %dot_general3A_225 = arith.constant dense<0.000000e+00> : vector<16x16xf32>
    %dot_general3A_226 = tpu.matmul %transpose3A_224, %convert_element_type3A_217, %dot_general3A_225 {dimension_numbers = #tpu.dot_dimension_numbers<[1], [0], [0], [1], [0, 0, 1, 1], [], []>, transpose_lhs_hint = false} : vector<16x1024xbf16>, vector<1024x16xbf16>, vector<16x16xf32> -> vector<16x16xf32>
    %add3A_227 = arith.addf %dot_general3A_223, %dot_general3A_226 : vector<16x16xf32>
    %transpose3A_228 = tpu.transpose %convert_element_type3A, [1, 0] : vector<1024x16xbf16> -> vector<16x1024xbf16>
    %dot_general3A_229 = arith.constant dense<0.000000e+00> : vector<16x16xf32>
    %dot_general3A_230 = tpu.matmul %transpose3A_228, %convert_element_type3A_220, %dot_general3A_229 {dimension_numbers = #tpu.dot_dimension_numbers<[1], [0], [0], [1], [0, 0, 1, 1], [], []>, transpose_lhs_hint = false} : vector<16x1024xbf16>, vector<1024x16xbf16>, vector<16x16xf32> -> vector<16x16xf32>
    %add3A_231 = arith.addf %add3A_227, %dot_general3A_230 : vector<16x16xf32>
    %jit3A_232 = arith.constant 0.000000e+00 : f32
    %broadcast_in_dim3A_233 = vector.shape_cast %exp3A : vector<1024x1xf32> to vector<1024x1xf32>
    %broadcast_in_dim3A_234 = vector.broadcast %broadcast_in_dim3A_233 : vector<1024x1xf32> to vector<1024x16xf32>
    %broadcast_in_dim3A_235 = vector.broadcast %jit3A_232 : f32 to vector<1024x16xf32>
    %select_n3A_236 = arith.select %gt3A_142, %broadcast_in_dim3A_234, %broadcast_in_dim3A_235 : vector<1024x16xi1>, vector<1024x16xf32>
    %reduce_sum3A_237 = arith.constant dense<0.000000e+00> : vector<16xf32>
    %reduce_sum3A_238 = vector.multi_reduction <add>, %select_n3A_236, %reduce_sum3A_237 [0] : vector<1024x16xf32> to vector<16xf32>
    %reshape3A_239 = vector.shape_cast %reduce_sum3A_238 : vector<16xf32> to vector<16x1xf32>
    %add3A_240 = arith.constant 1.000000e-16 : f32
    %add3A_241 = vector.broadcast %add3A_240 : f32 to vector<16x1xf32>
    %add3A_242 = arith.addf %reshape3A_239, %add3A_241 : vector<16x1xf32>
    %div3A = vector.broadcast %add3A_242 : vector<16x1xf32> to vector<16x16xf32>
    %div3A_243 = arith.divf %add3A_231, %div3A : vector<16x16xf32>
    %broadcast_in_dim3A_244 = arith.constant 1.000000e+00 : f32
    %broadcast_in_dim3A_245 = vector.broadcast %broadcast_in_dim3A_244 : f32 to vector<16x1xf32>
    %mul3A_246 = vector.broadcast %get3A_16 : vector<1x512xf32> to vector<16x512xf32>
    %mul3A_247 = vector.broadcast %broadcast_in_dim3A_245 : vector<16x1xf32> to vector<16x512xf32>
    %mul3A_248 = arith.mulf %mul3A_246, %mul3A_247 : vector<16x512xf32>
    %slice3A = vector.extract_strided_slice %div3A_243 {offsets = [0, 0], sizes = [16, 1], strides = [1, 1]} : vector<16x16xf32> to vector<16x1xf32>
    %slice3A_249 = vector.extract_strided_slice %dot_general3A_152 {offsets = [0, 0], sizes = [1, 512], strides = [1, 1]} : vector<16x512xf32> to vector<1x512xf32>
    %mul3A_250 = vector.broadcast %slice3A : vector<16x1xf32> to vector<16x512xf32>
    %mul3A_251 = vector.broadcast %slice3A_249 : vector<1x512xf32> to vector<16x512xf32>
    %mul3A_252 = arith.mulf %mul3A_250, %mul3A_251 : vector<16x512xf32>
    %add3A_253 = arith.addf %mul3A_248, %mul3A_252 : vector<16x512xf32>
    %slice3A_254 = vector.extract_strided_slice %div3A_243 {offsets = [0, 1], sizes = [16, 1], strides = [1, 1]} : vector<16x16xf32> to vector<16x1xf32>
    %slice3A_255 = vector.extract_strided_slice %dot_general3A_152 {offsets = [1, 0], sizes = [1, 512], strides = [1, 1]} : vector<16x512xf32> to vector<1x512xf32>
    %mul3A_256 = vector.broadcast %slice3A_254 : vector<16x1xf32> to vector<16x512xf32>
    %mul3A_257 = vector.broadcast %slice3A_255 : vector<1x512xf32> to vector<16x512xf32>
    %mul3A_258 = arith.mulf %mul3A_256, %mul3A_257 : vector<16x512xf32>
    %add3A_259 = arith.addf %add3A_253, %mul3A_258 : vector<16x512xf32>
    %slice3A_260 = vector.extract_strided_slice %div3A_243 {offsets = [0, 2], sizes = [16, 1], strides = [1, 1]} : vector<16x16xf32> to vector<16x1xf32>
    %slice3A_261 = vector.extract_strided_slice %dot_general3A_152 {offsets = [2, 0], sizes = [1, 512], strides = [1, 1]} : vector<16x512xf32> to vector<1x512xf32>
    %mul3A_262 = vector.broadcast %slice3A_260 : vector<16x1xf32> to vector<16x512xf32>
    %mul3A_263 = vector.broadcast %slice3A_261 : vector<1x512xf32> to vector<16x512xf32>
    %mul3A_264 = arith.mulf %mul3A_262, %mul3A_263 : vector<16x512xf32>
    %add3A_265 = arith.addf %add3A_259, %mul3A_264 : vector<16x512xf32>
    %slice3A_266 = vector.extract_strided_slice %div3A_243 {offsets = [0, 3], sizes = [16, 1], strides = [1, 1]} : vector<16x16xf32> to vector<16x1xf32>
    %slice3A_267 = vector.extract_strided_slice %dot_general3A_152 {offsets = [3, 0], sizes = [1, 512], strides = [1, 1]} : vector<16x512xf32> to vector<1x512xf32>
    %mul3A_268 = vector.broadcast %slice3A_266 : vector<16x1xf32> to vector<16x512xf32>
    %mul3A_269 = vector.broadcast %slice3A_267 : vector<1x512xf32> to vector<16x512xf32>
    %mul3A_270 = arith.mulf %mul3A_268, %mul3A_269 : vector<16x512xf32>
    %add3A_271 = arith.addf %add3A_265, %mul3A_270 : vector<16x512xf32>
    %slice3A_272 = vector.extract_strided_slice %div3A_243 {offsets = [0, 4], sizes = [16, 1], strides = [1, 1]} : vector<16x16xf32> to vector<16x1xf32>
    %slice3A_273 = vector.extract_strided_slice %dot_general3A_152 {offsets = [4, 0], sizes = [1, 512], strides = [1, 1]} : vector<16x512xf32> to vector<1x512xf32>
    %mul3A_274 = vector.broadcast %slice3A_272 : vector<16x1xf32> to vector<16x512xf32>
    %mul3A_275 = vector.broadcast %slice3A_273 : vector<1x512xf32> to vector<16x512xf32>
    %mul3A_276 = arith.mulf %mul3A_274, %mul3A_275 : vector<16x512xf32>
    %add3A_277 = arith.addf %add3A_271, %mul3A_276 : vector<16x512xf32>
    %slice3A_278 = vector.extract_strided_slice %div3A_243 {offsets = [0, 5], sizes = [16, 1], strides = [1, 1]} : vector<16x16xf32> to vector<16x1xf32>
    %slice3A_279 = vector.extract_strided_slice %dot_general3A_152 {offsets = [5, 0], sizes = [1, 512], strides = [1, 1]} : vector<16x512xf32> to vector<1x512xf32>
    %mul3A_280 = vector.broadcast %slice3A_278 : vector<16x1xf32> to vector<16x512xf32>
    %mul3A_281 = vector.broadcast %slice3A_279 : vector<1x512xf32> to vector<16x512xf32>
    %mul3A_282 = arith.mulf %mul3A_280, %mul3A_281 : vector<16x512xf32>
    %add3A_283 = arith.addf %add3A_277, %mul3A_282 : vector<16x512xf32>
    %slice3A_284 = vector.extract_strided_slice %div3A_243 {offsets = [0, 6], sizes = [16, 1], strides = [1, 1]} : vector<16x16xf32> to vector<16x1xf32>
    %slice3A_285 = vector.extract_strided_slice %dot_general3A_152 {offsets = [6, 0], sizes = [1, 512], strides = [1, 1]} : vector<16x512xf32> to vector<1x512xf32>
    %mul3A_286 = vector.broadcast %slice3A_284 : vector<16x1xf32> to vector<16x512xf32>
    %mul3A_287 = vector.broadcast %slice3A_285 : vector<1x512xf32> to vector<16x512xf32>
    %mul3A_288 = arith.mulf %mul3A_286, %mul3A_287 : vector<16x512xf32>
    %add3A_289 = arith.addf %add3A_283, %mul3A_288 : vector<16x512xf32>
    %slice3A_290 = vector.extract_strided_slice %div3A_243 {offsets = [0, 7], sizes = [16, 1], strides = [1, 1]} : vector<16x16xf32> to vector<16x1xf32>
    %slice3A_291 = vector.extract_strided_slice %dot_general3A_152 {offsets = [7, 0], sizes = [1, 512], strides = [1, 1]} : vector<16x512xf32> to vector<1x512xf32>
    %mul3A_292 = vector.broadcast %slice3A_290 : vector<16x1xf32> to vector<16x512xf32>
    %mul3A_293 = vector.broadcast %slice3A_291 : vector<1x512xf32> to vector<16x512xf32>
    %mul3A_294 = arith.mulf %mul3A_292, %mul3A_293 : vector<16x512xf32>
    %add3A_295 = arith.addf %add3A_289, %mul3A_294 : vector<16x512xf32>
    %slice3A_296 = vector.extract_strided_slice %div3A_243 {offsets = [0, 8], sizes = [16, 1], strides = [1, 1]} : vector<16x16xf32> to vector<16x1xf32>
    %slice3A_297 = vector.extract_strided_slice %dot_general3A_152 {offsets = [8, 0], sizes = [1, 512], strides = [1, 1]} : vector<16x512xf32> to vector<1x512xf32>
    %mul3A_298 = vector.broadcast %slice3A_296 : vector<16x1xf32> to vector<16x512xf32>
    %mul3A_299 = vector.broadcast %slice3A_297 : vector<1x512xf32> to vector<16x512xf32>
    %mul3A_300 = arith.mulf %mul3A_298, %mul3A_299 : vector<16x512xf32>
    %add3A_301 = arith.addf %add3A_295, %mul3A_300 : vector<16x512xf32>
    %slice3A_302 = vector.extract_strided_slice %div3A_243 {offsets = [0, 9], sizes = [16, 1], strides = [1, 1]} : vector<16x16xf32> to vector<16x1xf32>
    %slice3A_303 = vector.extract_strided_slice %dot_general3A_152 {offsets = [9, 0], sizes = [1, 512], strides = [1, 1]} : vector<16x512xf32> to vector<1x512xf32>
    %mul3A_304 = vector.broadcast %slice3A_302 : vector<16x1xf32> to vector<16x512xf32>
    %mul3A_305 = vector.broadcast %slice3A_303 : vector<1x512xf32> to vector<16x512xf32>
    %mul3A_306 = arith.mulf %mul3A_304, %mul3A_305 : vector<16x512xf32>
    %add3A_307 = arith.addf %add3A_301, %mul3A_306 : vector<16x512xf32>
    %convert_element_type3A_308 = arith.truncf %add3A_307 : vector<16x512xf32> to vector<16x512xbf16>
    %convert_element_type3A_309 = arith.truncf %get3A_19 : vector<512x512xf32> to vector<512x512xbf16>
    %dot_general3A_310 = arith.constant dense<0.000000e+00> : vector<16x512xf32>
    %dot_general3A_311 = tpu.matmul %convert_element_type3A_308, %convert_element_type3A_309, %dot_general3A_310 {dimension_numbers = #tpu.dot_dimension_numbers<[1], [0], [0], [1], [0, 0, 1, 1], [], []>, transpose_lhs_hint = false} : vector<16x512xbf16>, vector<512x512xbf16>, vector<16x512xf32> -> vector<16x512xf32>
    %convert_element_type3A_312 = arith.truncf %dot_general3A_156 : vector<1024x512xf32> to vector<1024x512xbf16>
    %convert_element_type3A_313 = arith.truncf %get3A_22 : vector<512x512xf32> to vector<512x512xbf16>
    %dot_general3A_314 = arith.constant dense<0.000000e+00> : vector<1024x512xf32>
    %dot_general3A_315 = tpu.matmul %convert_element_type3A_312, %convert_element_type3A_313, %dot_general3A_314 {dimension_numbers = #tpu.dot_dimension_numbers<[1], [0], [0], [1], [0, 0, 1, 1], [], []>, transpose_lhs_hint = false} : vector<1024x512xbf16>, vector<512x512xbf16>, vector<1024x512xf32> -> vector<1024x512xf32>
    %mul3A_316 = vector.broadcast %get3A_25 : vector<1x512xf32> to vector<16x512xf32>
    %mul3A_317 = arith.mulf %dot_general3A_311, %mul3A_316 : vector<16x512xf32>
    %reduce_sum3A_318 = arith.constant dense<0.000000e+00> : vector<16xf32>
    %reduce_sum3A_319 = vector.multi_reduction <add>, %mul3A_317, %reduce_sum3A_318 [1] : vector<16x512xf32> to vector<16xf32>
    %reshape3A_320 = vector.shape_cast %reduce_sum3A_319 : vector<16xf32> to vector<1x16xf32>
    %mul3A_321 = vector.broadcast %get3A_28 : vector<1x512xf32> to vector<16x512xf32>
    %mul3A_322 = arith.mulf %dot_general3A_311, %mul3A_321 : vector<16x512xf32>
    %reduce_sum3A_323 = arith.constant dense<0.000000e+00> : vector<16xf32>
    %reduce_sum3A_324 = vector.multi_reduction <add>, %mul3A_322, %reduce_sum3A_323 [1] : vector<16x512xf32> to vector<16xf32>
    %reshape3A_325 = vector.shape_cast %reduce_sum3A_324 : vector<16xf32> to vector<1x16xf32>
    %mul3A_326 = vector.broadcast %get3A_31 : vector<1x512xf32> to vector<1024x512xf32>
    %mul3A_327 = arith.mulf %dot_general3A_315, %mul3A_326 : vector<1024x512xf32>
    %reduce_sum3A_328 = arith.constant dense<0.000000e+00> : vector<1024xf32>
    %reduce_sum3A_329 = vector.multi_reduction <add>, %mul3A_327, %reduce_sum3A_328 [1] : vector<1024x512xf32> to vector<1024xf32>
    %broadcast_in_dim3A_330 = vector.shape_cast %reduce_sum3A_329 : vector<1024xf32> to vector<1024x1xf32>
    %jit3A_331 = arith.constant 0.000000e+00 : f32
    %broadcast_in_dim3A_332 = vector.shape_cast %reshape3A_320 : vector<1x16xf32> to vector<1x16xf32>
    %broadcast_in_dim3A_333 = vector.broadcast %broadcast_in_dim3A_332 : vector<1x16xf32> to vector<1024x16xf32>
    %broadcast_in_dim3A_334 = vector.broadcast %jit3A_331 : f32 to vector<1024x16xf32>
    %select_n3A_335 = arith.select %gt3A_138, %broadcast_in_dim3A_333, %broadcast_in_dim3A_334 : vector<1024x16xi1>, vector<1024x16xf32>
    %reduce_sum3A_336 = arith.constant dense<0.000000e+00> : vector<1024xf32>
    %reduce_sum3A_337 = vector.multi_reduction <add>, %select_n3A_335, %reduce_sum3A_336 [1] : vector<1024x16xf32> to vector<1024xf32>
    %broadcast_in_dim3A_338 = vector.shape_cast %reduce_sum3A_337 : vector<1024xf32> to vector<1024x1xf32>
    %jit3A_339 = arith.constant 0.000000e+00 : f32
    %broadcast_in_dim3A_340 = vector.shape_cast %reshape3A_325 : vector<1x16xf32> to vector<1x16xf32>
    %broadcast_in_dim3A_341 = vector.broadcast %broadcast_in_dim3A_340 : vector<1x16xf32> to vector<1024x16xf32>
    %broadcast_in_dim3A_342 = vector.broadcast %jit3A_339 : f32 to vector<1024x16xf32>
    %select_n3A_343 = arith.select %gt3A_142, %broadcast_in_dim3A_341, %broadcast_in_dim3A_342 : vector<1024x16xi1>, vector<1024x16xf32>
    %reduce_sum3A_344 = arith.constant dense<0.000000e+00> : vector<1024xf32>
    %reduce_sum3A_345 = vector.multi_reduction <add>, %select_n3A_343, %reduce_sum3A_344 [1] : vector<1024x16xf32> to vector<1024xf32>
    %broadcast_in_dim3A_346 = vector.shape_cast %reduce_sum3A_345 : vector<1024xf32> to vector<1024x1xf32>
    %add3A_347 = arith.addf %broadcast_in_dim3A_338, %broadcast_in_dim3A_346 : vector<1024x1xf32>
    %add3A_348 = arith.addf %add3A_347, %broadcast_in_dim3A_330 : vector<1024x1xf32>
    %ge3A_349 = arith.constant 0.000000e+00 : f32
    %ge3A_350 = vector.broadcast %ge3A_349 : f32 to vector<1024x1xf32>
    %ge3A_351 = arith.cmpf oge, %add3A_348, %ge3A_350 : vector<1024x1xf32>
    %mul3A_352 = arith.constant 2.000000e-01 : f32
    %mul3A_353 = vector.broadcast %mul3A_352 : f32 to vector<1024x1xf32>
    %mul3A_354 = arith.mulf %mul3A_353, %add3A_348 : vector<1024x1xf32>
    %select_n3A_355 = arith.select %ge3A_351, %add3A_348, %mul3A_354 : vector<1024x1xi1>, vector<1024x1xf32>
    %jit3A_356 = arith.constant 0xFF800000 : f32
    %broadcast_in_dim3A_357 = vector.shape_cast %select_n3A_355 : vector<1024x1xf32> to vector<1024x1xf32>
    %broadcast_in_dim3A_358 = vector.broadcast %broadcast_in_dim3A_357 : vector<1024x1xf32> to vector<1024x16xf32>
    %broadcast_in_dim3A_359 = vector.broadcast %jit3A_356 : f32 to vector<1024x16xf32>
    %select_n3A_360 = arith.select %gt3A_142, %broadcast_in_dim3A_358, %broadcast_in_dim3A_359 : vector<1024x16xi1>, vector<1024x16xf32>
    %reduce_max3A_361 = arith.constant dense<0xFF800000> : vector<16xf32>
    %reduce_max3A_362 = vector.multi_reduction <maximumf>, %select_n3A_360, %reduce_max3A_361 [0] : vector<1024x16xf32> to vector<16xf32>
    %broadcast_in_dim3A_363 = vector.shape_cast %reduce_max3A_362 : vector<16xf32> to vector<1x16xf32>
    %is_finite3A_364 = tpu.weird %broadcast_in_dim3A_363 : vector<1x16xf32> -> vector<1x16xi1>
    %is_finite3A_365 = arith.constant dense<true> : vector<1x16xi1>
    %is_finite3A_366 = arith.xori %is_finite3A_364, %is_finite3A_365 : vector<1x16xi1>
    %jit3A_367 = arith.constant 0.000000e+00 : f32
    %broadcast_in_dim3A_368 = vector.broadcast %jit3A_367 : f32 to vector<1x16xf32>
    %select_n3A_369 = arith.select %is_finite3A_366, %broadcast_in_dim3A_363, %broadcast_in_dim3A_368 : vector<1x16xi1>, vector<1x16xf32>
    %jit3A_370 = arith.constant 0.000000e+00 : f32
    %broadcast_in_dim3A_371 = vector.shape_cast %select_n3A_369 : vector<1x16xf32> to vector<1x16xf32>
    %broadcast_in_dim3A_372 = vector.broadcast %broadcast_in_dim3A_371 : vector<1x16xf32> to vector<1024x16xf32>
    %broadcast_in_dim3A_373 = vector.broadcast %jit3A_370 : f32 to vector<1024x16xf32>
    %select_n3A_374 = arith.select %gt3A_142, %broadcast_in_dim3A_372, %broadcast_in_dim3A_373 : vector<1024x16xi1>, vector<1024x16xf32>
    %reduce_sum3A_375 = arith.constant dense<0.000000e+00> : vector<1024xf32>
    %reduce_sum3A_376 = vector.multi_reduction <add>, %select_n3A_374, %reduce_sum3A_375 [1] : vector<1024x16xf32> to vector<1024xf32>
    %broadcast_in_dim3A_377 = vector.shape_cast %reduce_sum3A_376 : vector<1024xf32> to vector<1024x1xf32>
    %sub3A_378 = arith.subf %select_n3A_355, %broadcast_in_dim3A_377 : vector<1024x1xf32>
    %exp3A_379 = math.exp %sub3A_378 : vector<1024x1xf32>
    %jit3A_380 = arith.constant 0.000000e+00 : f32
    %broadcast_in_dim3A_381 = vector.shape_cast %exp3A_379 : vector<1024x1xf32> to vector<1024x1xf32>
    %broadcast_in_dim3A_382 = vector.broadcast %broadcast_in_dim3A_381 : vector<1024x1xf32> to vector<1024x16xf32>
    %broadcast_in_dim3A_383 = vector.broadcast %jit3A_380 : f32 to vector<1024x16xf32>
    %select_n3A_384 = arith.select %gt3A_138, %broadcast_in_dim3A_382, %broadcast_in_dim3A_383 : vector<1024x16xi1>, vector<1024x16xf32>
    %convert_element_type3A_385 = arith.truncf %select_n3A_384 : vector<1024x16xf32> to vector<1024x16xbf16>
    %convert_element_type3A_386 = arith.extf %convert_element_type3A_385 : vector<1024x16xbf16> to vector<1024x16xf32>
    %sub3A_387 = arith.subf %select_n3A_384, %convert_element_type3A_386 : vector<1024x16xf32>
    %convert_element_type3A_388 = arith.truncf %sub3A_387 : vector<1024x16xf32> to vector<1024x16xbf16>
    %convert_element_type3A_389 = arith.extf %convert_element_type3A_388 : vector<1024x16xbf16> to vector<1024x16xf32>
    %sub3A_390 = arith.subf %sub3A_387, %convert_element_type3A_389 : vector<1024x16xf32>
    %convert_element_type3A_391 = arith.truncf %sub3A_390 : vector<1024x16xf32> to vector<1024x16xbf16>
    %transpose3A_392 = tpu.transpose %convert_element_type3A, [1, 0] : vector<1024x16xbf16> -> vector<16x1024xbf16>
    %dot_general3A_393 = arith.constant dense<0.000000e+00> : vector<16x16xf32>
    %dot_general3A_394 = tpu.matmul %transpose3A_392, %convert_element_type3A_385, %dot_general3A_393 {dimension_numbers = #tpu.dot_dimension_numbers<[1], [0], [0], [1], [0, 0, 1, 1], [], []>, transpose_lhs_hint = false} : vector<16x1024xbf16>, vector<1024x16xbf16>, vector<16x16xf32> -> vector<16x16xf32>
    %transpose3A_395 = tpu.transpose %convert_element_type3A, [1, 0] : vector<1024x16xbf16> -> vector<16x1024xbf16>
    %dot_general3A_396 = arith.constant dense<0.000000e+00> : vector<16x16xf32>
    %dot_general3A_397 = tpu.matmul %transpose3A_395, %convert_element_type3A_388, %dot_general3A_396 {dimension_numbers = #tpu.dot_dimension_numbers<[1], [0], [0], [1], [0, 0, 1, 1], [], []>, transpose_lhs_hint = false} : vector<16x1024xbf16>, vector<1024x16xbf16>, vector<16x16xf32> -> vector<16x16xf32>
    %add3A_398 = arith.addf %dot_general3A_394, %dot_general3A_397 : vector<16x16xf32>
    %transpose3A_399 = tpu.transpose %convert_element_type3A, [1, 0] : vector<1024x16xbf16> -> vector<16x1024xbf16>
    %dot_general3A_400 = arith.constant dense<0.000000e+00> : vector<16x16xf32>
    %dot_general3A_401 = tpu.matmul %transpose3A_399, %convert_element_type3A_391, %dot_general3A_400 {dimension_numbers = #tpu.dot_dimension_numbers<[1], [0], [0], [1], [0, 0, 1, 1], [], []>, transpose_lhs_hint = false} : vector<16x1024xbf16>, vector<1024x16xbf16>, vector<16x16xf32> -> vector<16x16xf32>
    %add3A_402 = arith.addf %add3A_398, %dot_general3A_401 : vector<16x16xf32>
    %jit3A_403 = arith.constant 0.000000e+00 : f32
    %broadcast_in_dim3A_404 = vector.shape_cast %exp3A_379 : vector<1024x1xf32> to vector<1024x1xf32>
    %broadcast_in_dim3A_405 = vector.broadcast %broadcast_in_dim3A_404 : vector<1024x1xf32> to vector<1024x16xf32>
    %broadcast_in_dim3A_406 = vector.broadcast %jit3A_403 : f32 to vector<1024x16xf32>
    %select_n3A_407 = arith.select %gt3A_142, %broadcast_in_dim3A_405, %broadcast_in_dim3A_406 : vector<1024x16xi1>, vector<1024x16xf32>
    %reduce_sum3A_408 = arith.constant dense<0.000000e+00> : vector<16xf32>
    %reduce_sum3A_409 = vector.multi_reduction <add>, %select_n3A_407, %reduce_sum3A_408 [0] : vector<1024x16xf32> to vector<16xf32>
    %reshape3A_410 = vector.shape_cast %reduce_sum3A_409 : vector<16xf32> to vector<16x1xf32>
    %add3A_411 = arith.constant 1.000000e-16 : f32
    %add3A_412 = vector.broadcast %add3A_411 : f32 to vector<16x1xf32>
    %add3A_413 = arith.addf %reshape3A_410, %add3A_412 : vector<16x1xf32>
    %div3A_414 = vector.broadcast %add3A_413 : vector<16x1xf32> to vector<16x16xf32>
    %div3A_415 = arith.divf %add3A_402, %div3A_414 : vector<16x16xf32>
    %broadcast_in_dim3A_416 = arith.constant 1.000000e+00 : f32
    %broadcast_in_dim3A_417 = vector.broadcast %broadcast_in_dim3A_416 : f32 to vector<16x1xf32>
    %mul3A_418 = vector.broadcast %get3A_34 : vector<1x512xf32> to vector<16x512xf32>
    %mul3A_419 = vector.broadcast %broadcast_in_dim3A_417 : vector<16x1xf32> to vector<16x512xf32>
    %mul3A_420 = arith.mulf %mul3A_418, %mul3A_419 : vector<16x512xf32>
    %slice3A_421 = vector.extract_strided_slice %div3A_415 {offsets = [0, 0], sizes = [16, 1], strides = [1, 1]} : vector<16x16xf32> to vector<16x1xf32>
    %slice3A_422 = vector.extract_strided_slice %dot_general3A_311 {offsets = [0, 0], sizes = [1, 512], strides = [1, 1]} : vector<16x512xf32> to vector<1x512xf32>
    %mul3A_423 = vector.broadcast %slice3A_421 : vector<16x1xf32> to vector<16x512xf32>
    %mul3A_424 = vector.broadcast %slice3A_422 : vector<1x512xf32> to vector<16x512xf32>
    %mul3A_425 = arith.mulf %mul3A_423, %mul3A_424 : vector<16x512xf32>
    %add3A_426 = arith.addf %mul3A_420, %mul3A_425 : vector<16x512xf32>
    %slice3A_427 = vector.extract_strided_slice %div3A_415 {offsets = [0, 1], sizes = [16, 1], strides = [1, 1]} : vector<16x16xf32> to vector<16x1xf32>
    %slice3A_428 = vector.extract_strided_slice %dot_general3A_311 {offsets = [1, 0], sizes = [1, 512], strides = [1, 1]} : vector<16x512xf32> to vector<1x512xf32>
    %mul3A_429 = vector.broadcast %slice3A_427 : vector<16x1xf32> to vector<16x512xf32>
    %mul3A_430 = vector.broadcast %slice3A_428 : vector<1x512xf32> to vector<16x512xf32>
    %mul3A_431 = arith.mulf %mul3A_429, %mul3A_430 : vector<16x512xf32>
    %add3A_432 = arith.addf %add3A_426, %mul3A_431 : vector<16x512xf32>
    %slice3A_433 = vector.extract_strided_slice %div3A_415 {offsets = [0, 2], sizes = [16, 1], strides = [1, 1]} : vector<16x16xf32> to vector<16x1xf32>
    %slice3A_434 = vector.extract_strided_slice %dot_general3A_311 {offsets = [2, 0], sizes = [1, 512], strides = [1, 1]} : vector<16x512xf32> to vector<1x512xf32>
    %mul3A_435 = vector.broadcast %slice3A_433 : vector<16x1xf32> to vector<16x512xf32>
    %mul3A_436 = vector.broadcast %slice3A_434 : vector<1x512xf32> to vector<16x512xf32>
    %mul3A_437 = arith.mulf %mul3A_435, %mul3A_436 : vector<16x512xf32>
    %add3A_438 = arith.addf %add3A_432, %mul3A_437 : vector<16x512xf32>
    %slice3A_439 = vector.extract_strided_slice %div3A_415 {offsets = [0, 3], sizes = [16, 1], strides = [1, 1]} : vector<16x16xf32> to vector<16x1xf32>
    %slice3A_440 = vector.extract_strided_slice %dot_general3A_311 {offsets = [3, 0], sizes = [1, 512], strides = [1, 1]} : vector<16x512xf32> to vector<1x512xf32>
    %mul3A_441 = vector.broadcast %slice3A_439 : vector<16x1xf32> to vector<16x512xf32>
    %mul3A_442 = vector.broadcast %slice3A_440 : vector<1x512xf32> to vector<16x512xf32>
    %mul3A_443 = arith.mulf %mul3A_441, %mul3A_442 : vector<16x512xf32>
    %add3A_444 = arith.addf %add3A_438, %mul3A_443 : vector<16x512xf32>
    %slice3A_445 = vector.extract_strided_slice %div3A_415 {offsets = [0, 4], sizes = [16, 1], strides = [1, 1]} : vector<16x16xf32> to vector<16x1xf32>
    %slice3A_446 = vector.extract_strided_slice %dot_general3A_311 {offsets = [4, 0], sizes = [1, 512], strides = [1, 1]} : vector<16x512xf32> to vector<1x512xf32>
    %mul3A_447 = vector.broadcast %slice3A_445 : vector<16x1xf32> to vector<16x512xf32>
    %mul3A_448 = vector.broadcast %slice3A_446 : vector<1x512xf32> to vector<16x512xf32>
    %mul3A_449 = arith.mulf %mul3A_447, %mul3A_448 : vector<16x512xf32>
    %add3A_450 = arith.addf %add3A_444, %mul3A_449 : vector<16x512xf32>
    %slice3A_451 = vector.extract_strided_slice %div3A_415 {offsets = [0, 5], sizes = [16, 1], strides = [1, 1]} : vector<16x16xf32> to vector<16x1xf32>
    %slice3A_452 = vector.extract_strided_slice %dot_general3A_311 {offsets = [5, 0], sizes = [1, 512], strides = [1, 1]} : vector<16x512xf32> to vector<1x512xf32>
    %mul3A_453 = vector.broadcast %slice3A_451 : vector<16x1xf32> to vector<16x512xf32>
    %mul3A_454 = vector.broadcast %slice3A_452 : vector<1x512xf32> to vector<16x512xf32>
    %mul3A_455 = arith.mulf %mul3A_453, %mul3A_454 : vector<16x512xf32>
    %add3A_456 = arith.addf %add3A_450, %mul3A_455 : vector<16x512xf32>
    %slice3A_457 = vector.extract_strided_slice %div3A_415 {offsets = [0, 6], sizes = [16, 1], strides = [1, 1]} : vector<16x16xf32> to vector<16x1xf32>
    %slice3A_458 = vector.extract_strided_slice %dot_general3A_311 {offsets = [6, 0], sizes = [1, 512], strides = [1, 1]} : vector<16x512xf32> to vector<1x512xf32>
    %mul3A_459 = vector.broadcast %slice3A_457 : vector<16x1xf32> to vector<16x512xf32>
    %mul3A_460 = vector.broadcast %slice3A_458 : vector<1x512xf32> to vector<16x512xf32>
    %mul3A_461 = arith.mulf %mul3A_459, %mul3A_460 : vector<16x512xf32>
    %add3A_462 = arith.addf %add3A_456, %mul3A_461 : vector<16x512xf32>
    %slice3A_463 = vector.extract_strided_slice %div3A_415 {offsets = [0, 7], sizes = [16, 1], strides = [1, 1]} : vector<16x16xf32> to vector<16x1xf32>
    %slice3A_464 = vector.extract_strided_slice %dot_general3A_311 {offsets = [7, 0], sizes = [1, 512], strides = [1, 1]} : vector<16x512xf32> to vector<1x512xf32>
    %mul3A_465 = vector.broadcast %slice3A_463 : vector<16x1xf32> to vector<16x512xf32>
    %mul3A_466 = vector.broadcast %slice3A_464 : vector<1x512xf32> to vector<16x512xf32>
    %mul3A_467 = arith.mulf %mul3A_465, %mul3A_466 : vector<16x512xf32>
    %add3A_468 = arith.addf %add3A_462, %mul3A_467 : vector<16x512xf32>
    %slice3A_469 = vector.extract_strided_slice %div3A_415 {offsets = [0, 8], sizes = [16, 1], strides = [1, 1]} : vector<16x16xf32> to vector<16x1xf32>
    %slice3A_470 = vector.extract_strided_slice %dot_general3A_311 {offsets = [8, 0], sizes = [1, 512], strides = [1, 1]} : vector<16x512xf32> to vector<1x512xf32>
    %mul3A_471 = vector.broadcast %slice3A_469 : vector<16x1xf32> to vector<16x512xf32>
    %mul3A_472 = vector.broadcast %slice3A_470 : vector<1x512xf32> to vector<16x512xf32>
    %mul3A_473 = arith.mulf %mul3A_471, %mul3A_472 : vector<16x512xf32>
    %add3A_474 = arith.addf %add3A_468, %mul3A_473 : vector<16x512xf32>
    %slice3A_475 = vector.extract_strided_slice %div3A_415 {offsets = [0, 9], sizes = [16, 1], strides = [1, 1]} : vector<16x16xf32> to vector<16x1xf32>
    %slice3A_476 = vector.extract_strided_slice %dot_general3A_311 {offsets = [9, 0], sizes = [1, 512], strides = [1, 1]} : vector<16x512xf32> to vector<1x512xf32>
    %mul3A_477 = vector.broadcast %slice3A_475 : vector<16x1xf32> to vector<16x512xf32>
    %mul3A_478 = vector.broadcast %slice3A_476 : vector<1x512xf32> to vector<16x512xf32>
    %mul3A_479 = arith.mulf %mul3A_477, %mul3A_478 : vector<16x512xf32>
    %add3A_480 = arith.addf %add3A_474, %mul3A_479 : vector<16x512xf32>
    %convert_element_type3A_481 = arith.truncf %add3A_480 : vector<16x512xf32> to vector<16x512xbf16>
    %convert_element_type3A_482 = arith.truncf %get3A_37 : vector<512x1024xf32> to vector<512x1024xbf16>
    %dot_general3A_483 = arith.constant dense<0.000000e+00> : vector<16x1024xf32>
    %dot_general3A_484 = tpu.matmul %convert_element_type3A_481, %convert_element_type3A_482, %dot_general3A_483 {dimension_numbers = #tpu.dot_dimension_numbers<[1], [0], [0], [1], [0, 0, 1, 1], [], []>, transpose_lhs_hint = false} : vector<16x512xbf16>, vector<512x1024xbf16>, vector<16x1024xf32> -> vector<16x1024xf32>
    %convert_element_type3A_485 = arith.truncf %dot_general3A_315 : vector<1024x512xf32> to vector<1024x512xbf16>
    %convert_element_type3A_486 = arith.truncf %get3A_40 : vector<512x1024xf32> to vector<512x1024xbf16>
    %dot_general3A_487 = arith.constant dense<0.000000e+00> : vector<1024x1024xf32>
    %dot_general3A_488 = tpu.matmul %convert_element_type3A_485, %convert_element_type3A_486, %dot_general3A_487 {dimension_numbers = #tpu.dot_dimension_numbers<[1], [0], [0], [1], [0, 0, 1, 1], [], []>, transpose_lhs_hint = false} : vector<1024x512xbf16>, vector<512x1024xbf16>, vector<1024x1024xf32> -> vector<1024x1024xf32>
    %mul3A_489 = vector.broadcast %get3A_43 : vector<1x1024xf32> to vector<16x1024xf32>
    %mul3A_490 = arith.mulf %dot_general3A_484, %mul3A_489 : vector<16x1024xf32>
    %reduce_sum3A_491 = arith.constant dense<0.000000e+00> : vector<16xf32>
    %reduce_sum3A_492 = vector.multi_reduction <add>, %mul3A_490, %reduce_sum3A_491 [1] : vector<16x1024xf32> to vector<16xf32>
    %reshape3A_493 = vector.shape_cast %reduce_sum3A_492 : vector<16xf32> to vector<1x16xf32>
    %mul3A_494 = vector.broadcast %get3A_46 : vector<1x1024xf32> to vector<16x1024xf32>
    %mul3A_495 = arith.mulf %dot_general3A_484, %mul3A_494 : vector<16x1024xf32>
    %reduce_sum3A_496 = arith.constant dense<0.000000e+00> : vector<16xf32>
    %reduce_sum3A_497 = vector.multi_reduction <add>, %mul3A_495, %reduce_sum3A_496 [1] : vector<16x1024xf32> to vector<16xf32>
    %reshape3A_498 = vector.shape_cast %reduce_sum3A_497 : vector<16xf32> to vector<1x16xf32>
    %mul3A_499 = vector.broadcast %get3A_49 : vector<1x1024xf32> to vector<1024x1024xf32>
    %mul3A_500 = arith.mulf %dot_general3A_488, %mul3A_499 : vector<1024x1024xf32>
    %reduce_sum3A_501 = arith.constant dense<0.000000e+00> : vector<1024xf32>
    %reduce_sum3A_502 = vector.multi_reduction <add>, %mul3A_500, %reduce_sum3A_501 [1] : vector<1024x1024xf32> to vector<1024xf32>
    %broadcast_in_dim3A_503 = vector.shape_cast %reduce_sum3A_502 : vector<1024xf32> to vector<1024x1xf32>
    %jit3A_504 = arith.constant 0.000000e+00 : f32
    %broadcast_in_dim3A_505 = vector.shape_cast %reshape3A_493 : vector<1x16xf32> to vector<1x16xf32>
    %broadcast_in_dim3A_506 = vector.broadcast %broadcast_in_dim3A_505 : vector<1x16xf32> to vector<1024x16xf32>
    %broadcast_in_dim3A_507 = vector.broadcast %jit3A_504 : f32 to vector<1024x16xf32>
    %select_n3A_508 = arith.select %gt3A_138, %broadcast_in_dim3A_506, %broadcast_in_dim3A_507 : vector<1024x16xi1>, vector<1024x16xf32>
    %reduce_sum3A_509 = arith.constant dense<0.000000e+00> : vector<1024xf32>
    %reduce_sum3A_510 = vector.multi_reduction <add>, %select_n3A_508, %reduce_sum3A_509 [1] : vector<1024x16xf32> to vector<1024xf32>
    %broadcast_in_dim3A_511 = vector.shape_cast %reduce_sum3A_510 : vector<1024xf32> to vector<1024x1xf32>
    %jit3A_512 = arith.constant 0.000000e+00 : f32
    %broadcast_in_dim3A_513 = vector.shape_cast %reshape3A_498 : vector<1x16xf32> to vector<1x16xf32>
    %broadcast_in_dim3A_514 = vector.broadcast %broadcast_in_dim3A_513 : vector<1x16xf32> to vector<1024x16xf32>
    %broadcast_in_dim3A_515 = vector.broadcast %jit3A_512 : f32 to vector<1024x16xf32>
    %select_n3A_516 = arith.select %gt3A_142, %broadcast_in_dim3A_514, %broadcast_in_dim3A_515 : vector<1024x16xi1>, vector<1024x16xf32>
    %reduce_sum3A_517 = arith.constant dense<0.000000e+00> : vector<1024xf32>
    %reduce_sum3A_518 = vector.multi_reduction <add>, %select_n3A_516, %reduce_sum3A_517 [1] : vector<1024x16xf32> to vector<1024xf32>
    %broadcast_in_dim3A_519 = vector.shape_cast %reduce_sum3A_518 : vector<1024xf32> to vector<1024x1xf32>
    %add3A_520 = arith.addf %broadcast_in_dim3A_511, %broadcast_in_dim3A_519 : vector<1024x1xf32>
    %add3A_521 = arith.addf %add3A_520, %broadcast_in_dim3A_503 : vector<1024x1xf32>
    %ge3A_522 = arith.constant 0.000000e+00 : f32
    %ge3A_523 = vector.broadcast %ge3A_522 : f32 to vector<1024x1xf32>
    %ge3A_524 = arith.cmpf oge, %add3A_521, %ge3A_523 : vector<1024x1xf32>
    %mul3A_525 = arith.constant 2.000000e-01 : f32
    %mul3A_526 = vector.broadcast %mul3A_525 : f32 to vector<1024x1xf32>
    %mul3A_527 = arith.mulf %mul3A_526, %add3A_521 : vector<1024x1xf32>
    %select_n3A_528 = arith.select %ge3A_524, %add3A_521, %mul3A_527 : vector<1024x1xi1>, vector<1024x1xf32>
    %jit3A_529 = arith.constant 0xFF800000 : f32
    %broadcast_in_dim3A_530 = vector.shape_cast %select_n3A_528 : vector<1024x1xf32> to vector<1024x1xf32>
    %broadcast_in_dim3A_531 = vector.broadcast %broadcast_in_dim3A_530 : vector<1024x1xf32> to vector<1024x16xf32>
    %broadcast_in_dim3A_532 = vector.broadcast %jit3A_529 : f32 to vector<1024x16xf32>
    %select_n3A_533 = arith.select %gt3A_142, %broadcast_in_dim3A_531, %broadcast_in_dim3A_532 : vector<1024x16xi1>, vector<1024x16xf32>
    %reduce_max3A_534 = arith.constant dense<0xFF800000> : vector<16xf32>
    %reduce_max3A_535 = vector.multi_reduction <maximumf>, %select_n3A_533, %reduce_max3A_534 [0] : vector<1024x16xf32> to vector<16xf32>
    %broadcast_in_dim3A_536 = vector.shape_cast %reduce_max3A_535 : vector<16xf32> to vector<1x16xf32>
    %is_finite3A_537 = tpu.weird %broadcast_in_dim3A_536 : vector<1x16xf32> -> vector<1x16xi1>
    %is_finite3A_538 = arith.constant dense<true> : vector<1x16xi1>
    %is_finite3A_539 = arith.xori %is_finite3A_537, %is_finite3A_538 : vector<1x16xi1>
    %jit3A_540 = arith.constant 0.000000e+00 : f32
    %broadcast_in_dim3A_541 = vector.broadcast %jit3A_540 : f32 to vector<1x16xf32>
    %select_n3A_542 = arith.select %is_finite3A_539, %broadcast_in_dim3A_536, %broadcast_in_dim3A_541 : vector<1x16xi1>, vector<1x16xf32>
    %jit3A_543 = arith.constant 0.000000e+00 : f32
    %broadcast_in_dim3A_544 = vector.shape_cast %select_n3A_542 : vector<1x16xf32> to vector<1x16xf32>
    %broadcast_in_dim3A_545 = vector.broadcast %broadcast_in_dim3A_544 : vector<1x16xf32> to vector<1024x16xf32>
    %broadcast_in_dim3A_546 = vector.broadcast %jit3A_543 : f32 to vector<1024x16xf32>
    %select_n3A_547 = arith.select %gt3A_142, %broadcast_in_dim3A_545, %broadcast_in_dim3A_546 : vector<1024x16xi1>, vector<1024x16xf32>
    %reduce_sum3A_548 = arith.constant dense<0.000000e+00> : vector<1024xf32>
    %reduce_sum3A_549 = vector.multi_reduction <add>, %select_n3A_547, %reduce_sum3A_548 [1] : vector<1024x16xf32> to vector<1024xf32>
    %broadcast_in_dim3A_550 = vector.shape_cast %reduce_sum3A_549 : vector<1024xf32> to vector<1024x1xf32>
    %sub3A_551 = arith.subf %select_n3A_528, %broadcast_in_dim3A_550 : vector<1024x1xf32>
    %exp3A_552 = math.exp %sub3A_551 : vector<1024x1xf32>
    %jit3A_553 = arith.constant 0.000000e+00 : f32
    %broadcast_in_dim3A_554 = vector.shape_cast %exp3A_552 : vector<1024x1xf32> to vector<1024x1xf32>
    %broadcast_in_dim3A_555 = vector.broadcast %broadcast_in_dim3A_554 : vector<1024x1xf32> to vector<1024x16xf32>
    %broadcast_in_dim3A_556 = vector.broadcast %jit3A_553 : f32 to vector<1024x16xf32>
    %select_n3A_557 = arith.select %gt3A_138, %broadcast_in_dim3A_555, %broadcast_in_dim3A_556 : vector<1024x16xi1>, vector<1024x16xf32>
    %convert_element_type3A_558 = arith.truncf %select_n3A_557 : vector<1024x16xf32> to vector<1024x16xbf16>
    %convert_element_type3A_559 = arith.extf %convert_element_type3A_558 : vector<1024x16xbf16> to vector<1024x16xf32>
    %sub3A_560 = arith.subf %select_n3A_557, %convert_element_type3A_559 : vector<1024x16xf32>
    %convert_element_type3A_561 = arith.truncf %sub3A_560 : vector<1024x16xf32> to vector<1024x16xbf16>
    %convert_element_type3A_562 = arith.extf %convert_element_type3A_561 : vector<1024x16xbf16> to vector<1024x16xf32>
    %sub3A_563 = arith.subf %sub3A_560, %convert_element_type3A_562 : vector<1024x16xf32>
    %convert_element_type3A_564 = arith.truncf %sub3A_563 : vector<1024x16xf32> to vector<1024x16xbf16>
    %transpose3A_565 = tpu.transpose %convert_element_type3A, [1, 0] : vector<1024x16xbf16> -> vector<16x1024xbf16>
    %dot_general3A_566 = arith.constant dense<0.000000e+00> : vector<16x16xf32>
    %dot_general3A_567 = tpu.matmul %transpose3A_565, %convert_element_type3A_558, %dot_general3A_566 {dimension_numbers = #tpu.dot_dimension_numbers<[1], [0], [0], [1], [0, 0, 1, 1], [], []>, transpose_lhs_hint = false} : vector<16x1024xbf16>, vector<1024x16xbf16>, vector<16x16xf32> -> vector<16x16xf32>
    %transpose3A_568 = tpu.transpose %convert_element_type3A, [1, 0] : vector<1024x16xbf16> -> vector<16x1024xbf16>
    %dot_general3A_569 = arith.constant dense<0.000000e+00> : vector<16x16xf32>
    %dot_general3A_570 = tpu.matmul %transpose3A_568, %convert_element_type3A_561, %dot_general3A_569 {dimension_numbers = #tpu.dot_dimension_numbers<[1], [0], [0], [1], [0, 0, 1, 1], [], []>, transpose_lhs_hint = false} : vector<16x1024xbf16>, vector<1024x16xbf16>, vector<16x16xf32> -> vector<16x16xf32>
    %add3A_571 = arith.addf %dot_general3A_567, %dot_general3A_570 : vector<16x16xf32>
    %transpose3A_572 = tpu.transpose %convert_element_type3A, [1, 0] : vector<1024x16xbf16> -> vector<16x1024xbf16>
    %dot_general3A_573 = arith.constant dense<0.000000e+00> : vector<16x16xf32>
    %dot_general3A_574 = tpu.matmul %transpose3A_572, %convert_element_type3A_564, %dot_general3A_573 {dimension_numbers = #tpu.dot_dimension_numbers<[1], [0], [0], [1], [0, 0, 1, 1], [], []>, transpose_lhs_hint = false} : vector<16x1024xbf16>, vector<1024x16xbf16>, vector<16x16xf32> -> vector<16x16xf32>
    %add3A_575 = arith.addf %add3A_571, %dot_general3A_574 : vector<16x16xf32>
    %jit3A_576 = arith.constant 0.000000e+00 : f32
    %broadcast_in_dim3A_577 = vector.shape_cast %exp3A_552 : vector<1024x1xf32> to vector<1024x1xf32>
    %broadcast_in_dim3A_578 = vector.broadcast %broadcast_in_dim3A_577 : vector<1024x1xf32> to vector<1024x16xf32>
    %broadcast_in_dim3A_579 = vector.broadcast %jit3A_576 : f32 to vector<1024x16xf32>
    %select_n3A_580 = arith.select %gt3A_142, %broadcast_in_dim3A_578, %broadcast_in_dim3A_579 : vector<1024x16xi1>, vector<1024x16xf32>
    %reduce_sum3A_581 = arith.constant dense<0.000000e+00> : vector<16xf32>
    %reduce_sum3A_582 = vector.multi_reduction <add>, %select_n3A_580, %reduce_sum3A_581 [0] : vector<1024x16xf32> to vector<16xf32>
    %reshape3A_583 = vector.shape_cast %reduce_sum3A_582 : vector<16xf32> to vector<16x1xf32>
    %add3A_584 = arith.constant 1.000000e-16 : f32
    %add3A_585 = vector.broadcast %add3A_584 : f32 to vector<16x1xf32>
    %add3A_586 = arith.addf %reshape3A_583, %add3A_585 : vector<16x1xf32>
    %div3A_587 = vector.broadcast %add3A_586 : vector<16x1xf32> to vector<16x16xf32>
    %div3A_588 = arith.divf %add3A_575, %div3A_587 : vector<16x16xf32>
    %broadcast_in_dim3A_589 = arith.constant 1.000000e+00 : f32
    %broadcast_in_dim3A_590 = vector.broadcast %broadcast_in_dim3A_589 : f32 to vector<16x1xf32>
    %mul3A_591 = vector.broadcast %get3A_52 : vector<1x1024xf32> to vector<16x1024xf32>
    %mul3A_592 = vector.broadcast %broadcast_in_dim3A_590 : vector<16x1xf32> to vector<16x1024xf32>
    %mul3A_593 = arith.mulf %mul3A_591, %mul3A_592 : vector<16x1024xf32>
    %slice3A_594 = vector.extract_strided_slice %div3A_588 {offsets = [0, 0], sizes = [16, 1], strides = [1, 1]} : vector<16x16xf32> to vector<16x1xf32>
    %slice3A_595 = vector.extract_strided_slice %dot_general3A_484 {offsets = [0, 0], sizes = [1, 1024], strides = [1, 1]} : vector<16x1024xf32> to vector<1x1024xf32>
    %mul3A_596 = vector.broadcast %slice3A_594 : vector<16x1xf32> to vector<16x1024xf32>
    %mul3A_597 = vector.broadcast %slice3A_595 : vector<1x1024xf32> to vector<16x1024xf32>
    %mul3A_598 = arith.mulf %mul3A_596, %mul3A_597 : vector<16x1024xf32>
    %add3A_599 = arith.addf %mul3A_593, %mul3A_598 : vector<16x1024xf32>
    %slice3A_600 = vector.extract_strided_slice %div3A_588 {offsets = [0, 1], sizes = [16, 1], strides = [1, 1]} : vector<16x16xf32> to vector<16x1xf32>
    %slice3A_601 = vector.extract_strided_slice %dot_general3A_484 {offsets = [1, 0], sizes = [1, 1024], strides = [1, 1]} : vector<16x1024xf32> to vector<1x1024xf32>
    %mul3A_602 = vector.broadcast %slice3A_600 : vector<16x1xf32> to vector<16x1024xf32>
    %mul3A_603 = vector.broadcast %slice3A_601 : vector<1x1024xf32> to vector<16x1024xf32>
    %mul3A_604 = arith.mulf %mul3A_602, %mul3A_603 : vector<16x1024xf32>
    %add3A_605 = arith.addf %add3A_599, %mul3A_604 : vector<16x1024xf32>
    %slice3A_606 = vector.extract_strided_slice %div3A_588 {offsets = [0, 2], sizes = [16, 1], strides = [1, 1]} : vector<16x16xf32> to vector<16x1xf32>
    %slice3A_607 = vector.extract_strided_slice %dot_general3A_484 {offsets = [2, 0], sizes = [1, 1024], strides = [1, 1]} : vector<16x1024xf32> to vector<1x1024xf32>
    %mul3A_608 = vector.broadcast %slice3A_606 : vector<16x1xf32> to vector<16x1024xf32>
    %mul3A_609 = vector.broadcast %slice3A_607 : vector<1x1024xf32> to vector<16x1024xf32>
    %mul3A_610 = arith.mulf %mul3A_608, %mul3A_609 : vector<16x1024xf32>
    %add3A_611 = arith.addf %add3A_605, %mul3A_610 : vector<16x1024xf32>
    %slice3A_612 = vector.extract_strided_slice %div3A_588 {offsets = [0, 3], sizes = [16, 1], strides = [1, 1]} : vector<16x16xf32> to vector<16x1xf32>
    %slice3A_613 = vector.extract_strided_slice %dot_general3A_484 {offsets = [3, 0], sizes = [1, 1024], strides = [1, 1]} : vector<16x1024xf32> to vector<1x1024xf32>
    %mul3A_614 = vector.broadcast %slice3A_612 : vector<16x1xf32> to vector<16x1024xf32>
    %mul3A_615 = vector.broadcast %slice3A_613 : vector<1x1024xf32> to vector<16x1024xf32>
    %mul3A_616 = arith.mulf %mul3A_614, %mul3A_615 : vector<16x1024xf32>
    %add3A_617 = arith.addf %add3A_611, %mul3A_616 : vector<16x1024xf32>
    %slice3A_618 = vector.extract_strided_slice %div3A_588 {offsets = [0, 4], sizes = [16, 1], strides = [1, 1]} : vector<16x16xf32> to vector<16x1xf32>
    %slice3A_619 = vector.extract_strided_slice %dot_general3A_484 {offsets = [4, 0], sizes = [1, 1024], strides = [1, 1]} : vector<16x1024xf32> to vector<1x1024xf32>
    %mul3A_620 = vector.broadcast %slice3A_618 : vector<16x1xf32> to vector<16x1024xf32>
    %mul3A_621 = vector.broadcast %slice3A_619 : vector<1x1024xf32> to vector<16x1024xf32>
    %mul3A_622 = arith.mulf %mul3A_620, %mul3A_621 : vector<16x1024xf32>
    %add3A_623 = arith.addf %add3A_617, %mul3A_622 : vector<16x1024xf32>
    %slice3A_624 = vector.extract_strided_slice %div3A_588 {offsets = [0, 5], sizes = [16, 1], strides = [1, 1]} : vector<16x16xf32> to vector<16x1xf32>
    %slice3A_625 = vector.extract_strided_slice %dot_general3A_484 {offsets = [5, 0], sizes = [1, 1024], strides = [1, 1]} : vector<16x1024xf32> to vector<1x1024xf32>
    %mul3A_626 = vector.broadcast %slice3A_624 : vector<16x1xf32> to vector<16x1024xf32>
    %mul3A_627 = vector.broadcast %slice3A_625 : vector<1x1024xf32> to vector<16x1024xf32>
    %mul3A_628 = arith.mulf %mul3A_626, %mul3A_627 : vector<16x1024xf32>
    %add3A_629 = arith.addf %add3A_623, %mul3A_628 : vector<16x1024xf32>
    %slice3A_630 = vector.extract_strided_slice %div3A_588 {offsets = [0, 6], sizes = [16, 1], strides = [1, 1]} : vector<16x16xf32> to vector<16x1xf32>
    %slice3A_631 = vector.extract_strided_slice %dot_general3A_484 {offsets = [6, 0], sizes = [1, 1024], strides = [1, 1]} : vector<16x1024xf32> to vector<1x1024xf32>
    %mul3A_632 = vector.broadcast %slice3A_630 : vector<16x1xf32> to vector<16x1024xf32>
    %mul3A_633 = vector.broadcast %slice3A_631 : vector<1x1024xf32> to vector<16x1024xf32>
    %mul3A_634 = arith.mulf %mul3A_632, %mul3A_633 : vector<16x1024xf32>
    %add3A_635 = arith.addf %add3A_629, %mul3A_634 : vector<16x1024xf32>
    %slice3A_636 = vector.extract_strided_slice %div3A_588 {offsets = [0, 7], sizes = [16, 1], strides = [1, 1]} : vector<16x16xf32> to vector<16x1xf32>
    %slice3A_637 = vector.extract_strided_slice %dot_general3A_484 {offsets = [7, 0], sizes = [1, 1024], strides = [1, 1]} : vector<16x1024xf32> to vector<1x1024xf32>
    %mul3A_638 = vector.broadcast %slice3A_636 : vector<16x1xf32> to vector<16x1024xf32>
    %mul3A_639 = vector.broadcast %slice3A_637 : vector<1x1024xf32> to vector<16x1024xf32>
    %mul3A_640 = arith.mulf %mul3A_638, %mul3A_639 : vector<16x1024xf32>
    %add3A_641 = arith.addf %add3A_635, %mul3A_640 : vector<16x1024xf32>
    %slice3A_642 = vector.extract_strided_slice %div3A_588 {offsets = [0, 8], sizes = [16, 1], strides = [1, 1]} : vector<16x16xf32> to vector<16x1xf32>
    %slice3A_643 = vector.extract_strided_slice %dot_general3A_484 {offsets = [8, 0], sizes = [1, 1024], strides = [1, 1]} : vector<16x1024xf32> to vector<1x1024xf32>
    %mul3A_644 = vector.broadcast %slice3A_642 : vector<16x1xf32> to vector<16x1024xf32>
    %mul3A_645 = vector.broadcast %slice3A_643 : vector<1x1024xf32> to vector<16x1024xf32>
    %mul3A_646 = arith.mulf %mul3A_644, %mul3A_645 : vector<16x1024xf32>
    %add3A_647 = arith.addf %add3A_641, %mul3A_646 : vector<16x1024xf32>
    %slice3A_648 = vector.extract_strided_slice %div3A_588 {offsets = [0, 9], sizes = [16, 1], strides = [1, 1]} : vector<16x16xf32> to vector<16x1xf32>
    %slice3A_649 = vector.extract_strided_slice %dot_general3A_484 {offsets = [9, 0], sizes = [1, 1024], strides = [1, 1]} : vector<16x1024xf32> to vector<1x1024xf32>
    %mul3A_650 = vector.broadcast %slice3A_648 : vector<16x1xf32> to vector<16x1024xf32>
    %mul3A_651 = vector.broadcast %slice3A_649 : vector<1x1024xf32> to vector<16x1024xf32>
    %mul3A_652 = arith.mulf %mul3A_650, %mul3A_651 : vector<16x1024xf32>
    %add3A_653 = arith.addf %add3A_647, %mul3A_652 : vector<16x1024xf32>
    %convert_element_type3A_654 = arith.truncf %add3A_653 : vector<16x1024xf32> to vector<16x1024xbf16>
    %convert_element_type3A_655 = arith.truncf %get3A_55 : vector<1024x1024xf32> to vector<1024x1024xbf16>
    %dot_general3A_656 = arith.constant dense<0.000000e+00> : vector<16x1024xf32>
    %dot_general3A_657 = tpu.matmul %convert_element_type3A_654, %convert_element_type3A_655, %dot_general3A_656 {dimension_numbers = #tpu.dot_dimension_numbers<[1], [0], [0], [1], [0, 0, 1, 1], [], []>, transpose_lhs_hint = false} : vector<16x1024xbf16>, vector<1024x1024xbf16>, vector<16x1024xf32> -> vector<16x1024xf32>
    %convert_element_type3A_658 = arith.truncf %dot_general3A_488 : vector<1024x1024xf32> to vector<1024x1024xbf16>
    %convert_element_type3A_659 = arith.truncf %get3A_58 : vector<1024x1024xf32> to vector<1024x1024xbf16>
    %dot_general3A_660 = arith.constant dense<0.000000e+00> : vector<1024x1024xf32>
    %dot_general3A_661 = tpu.matmul %convert_element_type3A_658, %convert_element_type3A_659, %dot_general3A_660 {dimension_numbers = #tpu.dot_dimension_numbers<[1], [0], [0], [1], [0, 0, 1, 1], [], []>, transpose_lhs_hint = false} : vector<1024x1024xbf16>, vector<1024x1024xbf16>, vector<1024x1024xf32> -> vector<1024x1024xf32>
    %mul3A_662 = vector.broadcast %get3A_61 : vector<1x1024xf32> to vector<16x1024xf32>
    %mul3A_663 = arith.mulf %dot_general3A_657, %mul3A_662 : vector<16x1024xf32>
    %reduce_sum3A_664 = arith.constant dense<0.000000e+00> : vector<16xf32>
    %reduce_sum3A_665 = vector.multi_reduction <add>, %mul3A_663, %reduce_sum3A_664 [1] : vector<16x1024xf32> to vector<16xf32>
    %reshape3A_666 = vector.shape_cast %reduce_sum3A_665 : vector<16xf32> to vector<1x16xf32>
    %mul3A_667 = vector.broadcast %get3A_64 : vector<1x1024xf32> to vector<16x1024xf32>
    %mul3A_668 = arith.mulf %dot_general3A_657, %mul3A_667 : vector<16x1024xf32>
    %reduce_sum3A_669 = arith.constant dense<0.000000e+00> : vector<16xf32>
    %reduce_sum3A_670 = vector.multi_reduction <add>, %mul3A_668, %reduce_sum3A_669 [1] : vector<16x1024xf32> to vector<16xf32>
    %reshape3A_671 = vector.shape_cast %reduce_sum3A_670 : vector<16xf32> to vector<1x16xf32>
    %mul3A_672 = vector.broadcast %get3A_67 : vector<1x1024xf32> to vector<1024x1024xf32>
    %mul3A_673 = arith.mulf %dot_general3A_661, %mul3A_672 : vector<1024x1024xf32>
    %reduce_sum3A_674 = arith.constant dense<0.000000e+00> : vector<1024xf32>
    %reduce_sum3A_675 = vector.multi_reduction <add>, %mul3A_673, %reduce_sum3A_674 [1] : vector<1024x1024xf32> to vector<1024xf32>
    %broadcast_in_dim3A_676 = vector.shape_cast %reduce_sum3A_675 : vector<1024xf32> to vector<1024x1xf32>
    %jit3A_677 = arith.constant 0.000000e+00 : f32
    %broadcast_in_dim3A_678 = vector.shape_cast %reshape3A_666 : vector<1x16xf32> to vector<1x16xf32>
    %broadcast_in_dim3A_679 = vector.broadcast %broadcast_in_dim3A_678 : vector<1x16xf32> to vector<1024x16xf32>
    %broadcast_in_dim3A_680 = vector.broadcast %jit3A_677 : f32 to vector<1024x16xf32>
    %select_n3A_681 = arith.select %gt3A_138, %broadcast_in_dim3A_679, %broadcast_in_dim3A_680 : vector<1024x16xi1>, vector<1024x16xf32>
    %reduce_sum3A_682 = arith.constant dense<0.000000e+00> : vector<1024xf32>
    %reduce_sum3A_683 = vector.multi_reduction <add>, %select_n3A_681, %reduce_sum3A_682 [1] : vector<1024x16xf32> to vector<1024xf32>
    %broadcast_in_dim3A_684 = vector.shape_cast %reduce_sum3A_683 : vector<1024xf32> to vector<1024x1xf32>
    %jit3A_685 = arith.constant 0.000000e+00 : f32
    %broadcast_in_dim3A_686 = vector.shape_cast %reshape3A_671 : vector<1x16xf32> to vector<1x16xf32>
    %broadcast_in_dim3A_687 = vector.broadcast %broadcast_in_dim3A_686 : vector<1x16xf32> to vector<1024x16xf32>
    %broadcast_in_dim3A_688 = vector.broadcast %jit3A_685 : f32 to vector<1024x16xf32>
    %select_n3A_689 = arith.select %gt3A_142, %broadcast_in_dim3A_687, %broadcast_in_dim3A_688 : vector<1024x16xi1>, vector<1024x16xf32>
    %reduce_sum3A_690 = arith.constant dense<0.000000e+00> : vector<1024xf32>
    %reduce_sum3A_691 = vector.multi_reduction <add>, %select_n3A_689, %reduce_sum3A_690 [1] : vector<1024x16xf32> to vector<1024xf32>
    %broadcast_in_dim3A_692 = vector.shape_cast %reduce_sum3A_691 : vector<1024xf32> to vector<1024x1xf32>
    %add3A_693 = arith.addf %broadcast_in_dim3A_684, %broadcast_in_dim3A_692 : vector<1024x1xf32>
    %add3A_694 = arith.addf %add3A_693, %broadcast_in_dim3A_676 : vector<1024x1xf32>
    %ge3A_695 = arith.constant 0.000000e+00 : f32
    %ge3A_696 = vector.broadcast %ge3A_695 : f32 to vector<1024x1xf32>
    %ge3A_697 = arith.cmpf oge, %add3A_694, %ge3A_696 : vector<1024x1xf32>
    %mul3A_698 = arith.constant 2.000000e-01 : f32
    %mul3A_699 = vector.broadcast %mul3A_698 : f32 to vector<1024x1xf32>
    %mul3A_700 = arith.mulf %mul3A_699, %add3A_694 : vector<1024x1xf32>
    %select_n3A_701 = arith.select %ge3A_697, %add3A_694, %mul3A_700 : vector<1024x1xi1>, vector<1024x1xf32>
    %jit3A_702 = arith.constant 0xFF800000 : f32
    %broadcast_in_dim3A_703 = vector.shape_cast %select_n3A_701 : vector<1024x1xf32> to vector<1024x1xf32>
    %broadcast_in_dim3A_704 = vector.broadcast %broadcast_in_dim3A_703 : vector<1024x1xf32> to vector<1024x16xf32>
    %broadcast_in_dim3A_705 = vector.broadcast %jit3A_702 : f32 to vector<1024x16xf32>
    %select_n3A_706 = arith.select %gt3A_142, %broadcast_in_dim3A_704, %broadcast_in_dim3A_705 : vector<1024x16xi1>, vector<1024x16xf32>
    %reduce_max3A_707 = arith.constant dense<0xFF800000> : vector<16xf32>
    %reduce_max3A_708 = vector.multi_reduction <maximumf>, %select_n3A_706, %reduce_max3A_707 [0] : vector<1024x16xf32> to vector<16xf32>
    %broadcast_in_dim3A_709 = vector.shape_cast %reduce_max3A_708 : vector<16xf32> to vector<1x16xf32>
    %is_finite3A_710 = tpu.weird %broadcast_in_dim3A_709 : vector<1x16xf32> -> vector<1x16xi1>
    %is_finite3A_711 = arith.constant dense<true> : vector<1x16xi1>
    %is_finite3A_712 = arith.xori %is_finite3A_710, %is_finite3A_711 : vector<1x16xi1>
    %jit3A_713 = arith.constant 0.000000e+00 : f32
    %broadcast_in_dim3A_714 = vector.broadcast %jit3A_713 : f32 to vector<1x16xf32>
    %select_n3A_715 = arith.select %is_finite3A_712, %broadcast_in_dim3A_709, %broadcast_in_dim3A_714 : vector<1x16xi1>, vector<1x16xf32>
    %jit3A_716 = arith.constant 0.000000e+00 : f32
    %broadcast_in_dim3A_717 = vector.shape_cast %select_n3A_715 : vector<1x16xf32> to vector<1x16xf32>
    %broadcast_in_dim3A_718 = vector.broadcast %broadcast_in_dim3A_717 : vector<1x16xf32> to vector<1024x16xf32>
    %broadcast_in_dim3A_719 = vector.broadcast %jit3A_716 : f32 to vector<1024x16xf32>
    %select_n3A_720 = arith.select %gt3A_142, %broadcast_in_dim3A_718, %broadcast_in_dim3A_719 : vector<1024x16xi1>, vector<1024x16xf32>
    %reduce_sum3A_721 = arith.constant dense<0.000000e+00> : vector<1024xf32>
    %reduce_sum3A_722 = vector.multi_reduction <add>, %select_n3A_720, %reduce_sum3A_721 [1] : vector<1024x16xf32> to vector<1024xf32>
    %broadcast_in_dim3A_723 = vector.shape_cast %reduce_sum3A_722 : vector<1024xf32> to vector<1024x1xf32>
    %sub3A_724 = arith.subf %select_n3A_701, %broadcast_in_dim3A_723 : vector<1024x1xf32>
    %exp3A_725 = math.exp %sub3A_724 : vector<1024x1xf32>
    %jit3A_726 = arith.constant 0.000000e+00 : f32
    %broadcast_in_dim3A_727 = vector.shape_cast %exp3A_725 : vector<1024x1xf32> to vector<1024x1xf32>
    %broadcast_in_dim3A_728 = vector.broadcast %broadcast_in_dim3A_727 : vector<1024x1xf32> to vector<1024x16xf32>
    %broadcast_in_dim3A_729 = vector.broadcast %jit3A_726 : f32 to vector<1024x16xf32>
    %select_n3A_730 = arith.select %gt3A_138, %broadcast_in_dim3A_728, %broadcast_in_dim3A_729 : vector<1024x16xi1>, vector<1024x16xf32>
    %convert_element_type3A_731 = arith.truncf %select_n3A_730 : vector<1024x16xf32> to vector<1024x16xbf16>
    %convert_element_type3A_732 = arith.extf %convert_element_type3A_731 : vector<1024x16xbf16> to vector<1024x16xf32>
    %sub3A_733 = arith.subf %select_n3A_730, %convert_element_type3A_732 : vector<1024x16xf32>
    %convert_element_type3A_734 = arith.truncf %sub3A_733 : vector<1024x16xf32> to vector<1024x16xbf16>
    %convert_element_type3A_735 = arith.extf %convert_element_type3A_734 : vector<1024x16xbf16> to vector<1024x16xf32>
    %sub3A_736 = arith.subf %sub3A_733, %convert_element_type3A_735 : vector<1024x16xf32>
    %convert_element_type3A_737 = arith.truncf %sub3A_736 : vector<1024x16xf32> to vector<1024x16xbf16>
    %transpose3A_738 = tpu.transpose %convert_element_type3A, [1, 0] : vector<1024x16xbf16> -> vector<16x1024xbf16>
    %dot_general3A_739 = arith.constant dense<0.000000e+00> : vector<16x16xf32>
    %dot_general3A_740 = tpu.matmul %transpose3A_738, %convert_element_type3A_731, %dot_general3A_739 {dimension_numbers = #tpu.dot_dimension_numbers<[1], [0], [0], [1], [0, 0, 1, 1], [], []>, transpose_lhs_hint = false} : vector<16x1024xbf16>, vector<1024x16xbf16>, vector<16x16xf32> -> vector<16x16xf32>
    %transpose3A_741 = tpu.transpose %convert_element_type3A, [1, 0] : vector<1024x16xbf16> -> vector<16x1024xbf16>
    %dot_general3A_742 = arith.constant dense<0.000000e+00> : vector<16x16xf32>
    %dot_general3A_743 = tpu.matmul %transpose3A_741, %convert_element_type3A_734, %dot_general3A_742 {dimension_numbers = #tpu.dot_dimension_numbers<[1], [0], [0], [1], [0, 0, 1, 1], [], []>, transpose_lhs_hint = false} : vector<16x1024xbf16>, vector<1024x16xbf16>, vector<16x16xf32> -> vector<16x16xf32>
    %add3A_744 = arith.addf %dot_general3A_740, %dot_general3A_743 : vector<16x16xf32>
    %transpose3A_745 = tpu.transpose %convert_element_type3A, [1, 0] : vector<1024x16xbf16> -> vector<16x1024xbf16>
    %dot_general3A_746 = arith.constant dense<0.000000e+00> : vector<16x16xf32>
    %dot_general3A_747 = tpu.matmul %transpose3A_745, %convert_element_type3A_737, %dot_general3A_746 {dimension_numbers = #tpu.dot_dimension_numbers<[1], [0], [0], [1], [0, 0, 1, 1], [], []>, transpose_lhs_hint = false} : vector<16x1024xbf16>, vector<1024x16xbf16>, vector<16x16xf32> -> vector<16x16xf32>
    %add3A_748 = arith.addf %add3A_744, %dot_general3A_747 : vector<16x16xf32>
    %jit3A_749 = arith.constant 0.000000e+00 : f32
    %broadcast_in_dim3A_750 = vector.shape_cast %exp3A_725 : vector<1024x1xf32> to vector<1024x1xf32>
    %broadcast_in_dim3A_751 = vector.broadcast %broadcast_in_dim3A_750 : vector<1024x1xf32> to vector<1024x16xf32>
    %broadcast_in_dim3A_752 = vector.broadcast %jit3A_749 : f32 to vector<1024x16xf32>
    %select_n3A_753 = arith.select %gt3A_142, %broadcast_in_dim3A_751, %broadcast_in_dim3A_752 : vector<1024x16xi1>, vector<1024x16xf32>
    %reduce_sum3A_754 = arith.constant dense<0.000000e+00> : vector<16xf32>
    %reduce_sum3A_755 = vector.multi_reduction <add>, %select_n3A_753, %reduce_sum3A_754 [0] : vector<1024x16xf32> to vector<16xf32>
    %reshape3A_756 = vector.shape_cast %reduce_sum3A_755 : vector<16xf32> to vector<16x1xf32>
    %add3A_757 = arith.constant 1.000000e-16 : f32
    %add3A_758 = vector.broadcast %add3A_757 : f32 to vector<16x1xf32>
    %add3A_759 = arith.addf %reshape3A_756, %add3A_758 : vector<16x1xf32>
    %div3A_760 = vector.broadcast %add3A_759 : vector<16x1xf32> to vector<16x16xf32>
    %div3A_761 = arith.divf %add3A_748, %div3A_760 : vector<16x16xf32>
    %broadcast_in_dim3A_762 = arith.constant 1.000000e+00 : f32
    %broadcast_in_dim3A_763 = vector.broadcast %broadcast_in_dim3A_762 : f32 to vector<16x1xf32>
    %mul3A_764 = vector.broadcast %get3A_70 : vector<1x1024xf32> to vector<16x1024xf32>
    %mul3A_765 = vector.broadcast %broadcast_in_dim3A_763 : vector<16x1xf32> to vector<16x1024xf32>
    %mul3A_766 = arith.mulf %mul3A_764, %mul3A_765 : vector<16x1024xf32>
    %slice3A_767 = vector.extract_strided_slice %div3A_761 {offsets = [0, 0], sizes = [16, 1], strides = [1, 1]} : vector<16x16xf32> to vector<16x1xf32>
    %slice3A_768 = vector.extract_strided_slice %dot_general3A_657 {offsets = [0, 0], sizes = [1, 1024], strides = [1, 1]} : vector<16x1024xf32> to vector<1x1024xf32>
    %mul3A_769 = vector.broadcast %slice3A_767 : vector<16x1xf32> to vector<16x1024xf32>
    %mul3A_770 = vector.broadcast %slice3A_768 : vector<1x1024xf32> to vector<16x1024xf32>
    %mul3A_771 = arith.mulf %mul3A_769, %mul3A_770 : vector<16x1024xf32>
    %add3A_772 = arith.addf %mul3A_766, %mul3A_771 : vector<16x1024xf32>
    %slice3A_773 = vector.extract_strided_slice %div3A_761 {offsets = [0, 1], sizes = [16, 1], strides = [1, 1]} : vector<16x16xf32> to vector<16x1xf32>
    %slice3A_774 = vector.extract_strided_slice %dot_general3A_657 {offsets = [1, 0], sizes = [1, 1024], strides = [1, 1]} : vector<16x1024xf32> to vector<1x1024xf32>
    %mul3A_775 = vector.broadcast %slice3A_773 : vector<16x1xf32> to vector<16x1024xf32>
    %mul3A_776 = vector.broadcast %slice3A_774 : vector<1x1024xf32> to vector<16x1024xf32>
    %mul3A_777 = arith.mulf %mul3A_775, %mul3A_776 : vector<16x1024xf32>
    %add3A_778 = arith.addf %add3A_772, %mul3A_777 : vector<16x1024xf32>
    %slice3A_779 = vector.extract_strided_slice %div3A_761 {offsets = [0, 2], sizes = [16, 1], strides = [1, 1]} : vector<16x16xf32> to vector<16x1xf32>
    %slice3A_780 = vector.extract_strided_slice %dot_general3A_657 {offsets = [2, 0], sizes = [1, 1024], strides = [1, 1]} : vector<16x1024xf32> to vector<1x1024xf32>
    %mul3A_781 = vector.broadcast %slice3A_779 : vector<16x1xf32> to vector<16x1024xf32>
    %mul3A_782 = vector.broadcast %slice3A_780 : vector<1x1024xf32> to vector<16x1024xf32>
    %mul3A_783 = arith.mulf %mul3A_781, %mul3A_782 : vector<16x1024xf32>
    %add3A_784 = arith.addf %add3A_778, %mul3A_783 : vector<16x1024xf32>
    %slice3A_785 = vector.extract_strided_slice %div3A_761 {offsets = [0, 3], sizes = [16, 1], strides = [1, 1]} : vector<16x16xf32> to vector<16x1xf32>
    %slice3A_786 = vector.extract_strided_slice %dot_general3A_657 {offsets = [3, 0], sizes = [1, 1024], strides = [1, 1]} : vector<16x1024xf32> to vector<1x1024xf32>
    %mul3A_787 = vector.broadcast %slice3A_785 : vector<16x1xf32> to vector<16x1024xf32>
    %mul3A_788 = vector.broadcast %slice3A_786 : vector<1x1024xf32> to vector<16x1024xf32>
    %mul3A_789 = arith.mulf %mul3A_787, %mul3A_788 : vector<16x1024xf32>
    %add3A_790 = arith.addf %add3A_784, %mul3A_789 : vector<16x1024xf32>
    %slice3A_791 = vector.extract_strided_slice %div3A_761 {offsets = [0, 4], sizes = [16, 1], strides = [1, 1]} : vector<16x16xf32> to vector<16x1xf32>
    %slice3A_792 = vector.extract_strided_slice %dot_general3A_657 {offsets = [4, 0], sizes = [1, 1024], strides = [1, 1]} : vector<16x1024xf32> to vector<1x1024xf32>
    %mul3A_793 = vector.broadcast %slice3A_791 : vector<16x1xf32> to vector<16x1024xf32>
    %mul3A_794 = vector.broadcast %slice3A_792 : vector<1x1024xf32> to vector<16x1024xf32>
    %mul3A_795 = arith.mulf %mul3A_793, %mul3A_794 : vector<16x1024xf32>
    %add3A_796 = arith.addf %add3A_790, %mul3A_795 : vector<16x1024xf32>
    %slice3A_797 = vector.extract_strided_slice %div3A_761 {offsets = [0, 5], sizes = [16, 1], strides = [1, 1]} : vector<16x16xf32> to vector<16x1xf32>
    %slice3A_798 = vector.extract_strided_slice %dot_general3A_657 {offsets = [5, 0], sizes = [1, 1024], strides = [1, 1]} : vector<16x1024xf32> to vector<1x1024xf32>
    %mul3A_799 = vector.broadcast %slice3A_797 : vector<16x1xf32> to vector<16x1024xf32>
    %mul3A_800 = vector.broadcast %slice3A_798 : vector<1x1024xf32> to vector<16x1024xf32>
    %mul3A_801 = arith.mulf %mul3A_799, %mul3A_800 : vector<16x1024xf32>
    %add3A_802 = arith.addf %add3A_796, %mul3A_801 : vector<16x1024xf32>
    %slice3A_803 = vector.extract_strided_slice %div3A_761 {offsets = [0, 6], sizes = [16, 1], strides = [1, 1]} : vector<16x16xf32> to vector<16x1xf32>
    %slice3A_804 = vector.extract_strided_slice %dot_general3A_657 {offsets = [6, 0], sizes = [1, 1024], strides = [1, 1]} : vector<16x1024xf32> to vector<1x1024xf32>
    %mul3A_805 = vector.broadcast %slice3A_803 : vector<16x1xf32> to vector<16x1024xf32>
    %mul3A_806 = vector.broadcast %slice3A_804 : vector<1x1024xf32> to vector<16x1024xf32>
    %mul3A_807 = arith.mulf %mul3A_805, %mul3A_806 : vector<16x1024xf32>
    %add3A_808 = arith.addf %add3A_802, %mul3A_807 : vector<16x1024xf32>
    %slice3A_809 = vector.extract_strided_slice %div3A_761 {offsets = [0, 7], sizes = [16, 1], strides = [1, 1]} : vector<16x16xf32> to vector<16x1xf32>
    %slice3A_810 = vector.extract_strided_slice %dot_general3A_657 {offsets = [7, 0], sizes = [1, 1024], strides = [1, 1]} : vector<16x1024xf32> to vector<1x1024xf32>
    %mul3A_811 = vector.broadcast %slice3A_809 : vector<16x1xf32> to vector<16x1024xf32>
    %mul3A_812 = vector.broadcast %slice3A_810 : vector<1x1024xf32> to vector<16x1024xf32>
    %mul3A_813 = arith.mulf %mul3A_811, %mul3A_812 : vector<16x1024xf32>
    %add3A_814 = arith.addf %add3A_808, %mul3A_813 : vector<16x1024xf32>
    %slice3A_815 = vector.extract_strided_slice %div3A_761 {offsets = [0, 8], sizes = [16, 1], strides = [1, 1]} : vector<16x16xf32> to vector<16x1xf32>
    %slice3A_816 = vector.extract_strided_slice %dot_general3A_657 {offsets = [8, 0], sizes = [1, 1024], strides = [1, 1]} : vector<16x1024xf32> to vector<1x1024xf32>
    %mul3A_817 = vector.broadcast %slice3A_815 : vector<16x1xf32> to vector<16x1024xf32>
    %mul3A_818 = vector.broadcast %slice3A_816 : vector<1x1024xf32> to vector<16x1024xf32>
    %mul3A_819 = arith.mulf %mul3A_817, %mul3A_818 : vector<16x1024xf32>
    %add3A_820 = arith.addf %add3A_814, %mul3A_819 : vector<16x1024xf32>
    %slice3A_821 = vector.extract_strided_slice %div3A_761 {offsets = [0, 9], sizes = [16, 1], strides = [1, 1]} : vector<16x16xf32> to vector<16x1xf32>
    %slice3A_822 = vector.extract_strided_slice %dot_general3A_657 {offsets = [9, 0], sizes = [1, 1024], strides = [1, 1]} : vector<16x1024xf32> to vector<1x1024xf32>
    %mul3A_823 = vector.broadcast %slice3A_821 : vector<16x1xf32> to vector<16x1024xf32>
    %mul3A_824 = vector.broadcast %slice3A_822 : vector<1x1024xf32> to vector<16x1024xf32>
    %mul3A_825 = arith.mulf %mul3A_823, %mul3A_824 : vector<16x1024xf32>
    %add3A_826 = arith.addf %add3A_820, %mul3A_825 : vector<16x1024xf32>
    %convert_element_type3A_827 = arith.truncf %add3A_826 : vector<16x1024xf32> to vector<16x1024xbf16>
    %convert_element_type3A_828 = arith.truncf %get3A_73 : vector<1024x512xf32> to vector<1024x512xbf16>
    %dot_general3A_829 = arith.constant dense<0.000000e+00> : vector<16x512xf32>
    %dot_general3A_830 = tpu.matmul %convert_element_type3A_827, %convert_element_type3A_828, %dot_general3A_829 {dimension_numbers = #tpu.dot_dimension_numbers<[1], [0], [0], [1], [0, 0, 1, 1], [], []>, transpose_lhs_hint = false} : vector<16x1024xbf16>, vector<1024x512xbf16>, vector<16x512xf32> -> vector<16x512xf32>
    %convert_element_type3A_831 = arith.truncf %dot_general3A_661 : vector<1024x1024xf32> to vector<1024x1024xbf16>
    %convert_element_type3A_832 = arith.truncf %get3A_76 : vector<1024x512xf32> to vector<1024x512xbf16>
    %dot_general3A_833 = arith.constant dense<0.000000e+00> : vector<1024x512xf32>
    %dot_general3A_834 = tpu.matmul %convert_element_type3A_831, %convert_element_type3A_832, %dot_general3A_833 {dimension_numbers = #tpu.dot_dimension_numbers<[1], [0], [0], [1], [0, 0, 1, 1], [], []>, transpose_lhs_hint = false} : vector<1024x1024xbf16>, vector<1024x512xbf16>, vector<1024x512xf32> -> vector<1024x512xf32>
    %mul3A_835 = vector.broadcast %get3A_79 : vector<1x512xf32> to vector<16x512xf32>
    %mul3A_836 = arith.mulf %dot_general3A_830, %mul3A_835 : vector<16x512xf32>
    %reduce_sum3A_837 = arith.constant dense<0.000000e+00> : vector<16xf32>
    %reduce_sum3A_838 = vector.multi_reduction <add>, %mul3A_836, %reduce_sum3A_837 [1] : vector<16x512xf32> to vector<16xf32>
    %reshape3A_839 = vector.shape_cast %reduce_sum3A_838 : vector<16xf32> to vector<1x16xf32>
    %mul3A_840 = vector.broadcast %get3A_82 : vector<1x512xf32> to vector<16x512xf32>
    %mul3A_841 = arith.mulf %dot_general3A_830, %mul3A_840 : vector<16x512xf32>
    %reduce_sum3A_842 = arith.constant dense<0.000000e+00> : vector<16xf32>
    %reduce_sum3A_843 = vector.multi_reduction <add>, %mul3A_841, %reduce_sum3A_842 [1] : vector<16x512xf32> to vector<16xf32>
    %reshape3A_844 = vector.shape_cast %reduce_sum3A_843 : vector<16xf32> to vector<1x16xf32>
    %mul3A_845 = vector.broadcast %get3A_85 : vector<1x512xf32> to vector<1024x512xf32>
    %mul3A_846 = arith.mulf %dot_general3A_834, %mul3A_845 : vector<1024x512xf32>
    %reduce_sum3A_847 = arith.constant dense<0.000000e+00> : vector<1024xf32>
    %reduce_sum3A_848 = vector.multi_reduction <add>, %mul3A_846, %reduce_sum3A_847 [1] : vector<1024x512xf32> to vector<1024xf32>
    %broadcast_in_dim3A_849 = vector.shape_cast %reduce_sum3A_848 : vector<1024xf32> to vector<1024x1xf32>
    %jit3A_850 = arith.constant 0.000000e+00 : f32
    %broadcast_in_dim3A_851 = vector.shape_cast %reshape3A_839 : vector<1x16xf32> to vector<1x16xf32>
    %broadcast_in_dim3A_852 = vector.broadcast %broadcast_in_dim3A_851 : vector<1x16xf32> to vector<1024x16xf32>
    %broadcast_in_dim3A_853 = vector.broadcast %jit3A_850 : f32 to vector<1024x16xf32>
    %select_n3A_854 = arith.select %gt3A_138, %broadcast_in_dim3A_852, %broadcast_in_dim3A_853 : vector<1024x16xi1>, vector<1024x16xf32>
    %reduce_sum3A_855 = arith.constant dense<0.000000e+00> : vector<1024xf32>
    %reduce_sum3A_856 = vector.multi_reduction <add>, %select_n3A_854, %reduce_sum3A_855 [1] : vector<1024x16xf32> to vector<1024xf32>
    %broadcast_in_dim3A_857 = vector.shape_cast %reduce_sum3A_856 : vector<1024xf32> to vector<1024x1xf32>
    %jit3A_858 = arith.constant 0.000000e+00 : f32
    %broadcast_in_dim3A_859 = vector.shape_cast %reshape3A_844 : vector<1x16xf32> to vector<1x16xf32>
    %broadcast_in_dim3A_860 = vector.broadcast %broadcast_in_dim3A_859 : vector<1x16xf32> to vector<1024x16xf32>
    %broadcast_in_dim3A_861 = vector.broadcast %jit3A_858 : f32 to vector<1024x16xf32>
    %select_n3A_862 = arith.select %gt3A_142, %broadcast_in_dim3A_860, %broadcast_in_dim3A_861 : vector<1024x16xi1>, vector<1024x16xf32>
    %reduce_sum3A_863 = arith.constant dense<0.000000e+00> : vector<1024xf32>
    %reduce_sum3A_864 = vector.multi_reduction <add>, %select_n3A_862, %reduce_sum3A_863 [1] : vector<1024x16xf32> to vector<1024xf32>
    %broadcast_in_dim3A_865 = vector.shape_cast %reduce_sum3A_864 : vector<1024xf32> to vector<1024x1xf32>
    %add3A_866 = arith.addf %broadcast_in_dim3A_857, %broadcast_in_dim3A_865 : vector<1024x1xf32>
    %add3A_867 = arith.addf %add3A_866, %broadcast_in_dim3A_849 : vector<1024x1xf32>
    %ge3A_868 = arith.constant 0.000000e+00 : f32
    %ge3A_869 = vector.broadcast %ge3A_868 : f32 to vector<1024x1xf32>
    %ge3A_870 = arith.cmpf oge, %add3A_867, %ge3A_869 : vector<1024x1xf32>
    %mul3A_871 = arith.constant 2.000000e-01 : f32
    %mul3A_872 = vector.broadcast %mul3A_871 : f32 to vector<1024x1xf32>
    %mul3A_873 = arith.mulf %mul3A_872, %add3A_867 : vector<1024x1xf32>
    %select_n3A_874 = arith.select %ge3A_870, %add3A_867, %mul3A_873 : vector<1024x1xi1>, vector<1024x1xf32>
    %jit3A_875 = arith.constant 0xFF800000 : f32
    %broadcast_in_dim3A_876 = vector.shape_cast %select_n3A_874 : vector<1024x1xf32> to vector<1024x1xf32>
    %broadcast_in_dim3A_877 = vector.broadcast %broadcast_in_dim3A_876 : vector<1024x1xf32> to vector<1024x16xf32>
    %broadcast_in_dim3A_878 = vector.broadcast %jit3A_875 : f32 to vector<1024x16xf32>
    %select_n3A_879 = arith.select %gt3A_142, %broadcast_in_dim3A_877, %broadcast_in_dim3A_878 : vector<1024x16xi1>, vector<1024x16xf32>
    %reduce_max3A_880 = arith.constant dense<0xFF800000> : vector<16xf32>
    %reduce_max3A_881 = vector.multi_reduction <maximumf>, %select_n3A_879, %reduce_max3A_880 [0] : vector<1024x16xf32> to vector<16xf32>
    %broadcast_in_dim3A_882 = vector.shape_cast %reduce_max3A_881 : vector<16xf32> to vector<1x16xf32>
    %is_finite3A_883 = tpu.weird %broadcast_in_dim3A_882 : vector<1x16xf32> -> vector<1x16xi1>
    %is_finite3A_884 = arith.constant dense<true> : vector<1x16xi1>
    %is_finite3A_885 = arith.xori %is_finite3A_883, %is_finite3A_884 : vector<1x16xi1>
    %jit3A_886 = arith.constant 0.000000e+00 : f32
    %broadcast_in_dim3A_887 = vector.broadcast %jit3A_886 : f32 to vector<1x16xf32>
    %select_n3A_888 = arith.select %is_finite3A_885, %broadcast_in_dim3A_882, %broadcast_in_dim3A_887 : vector<1x16xi1>, vector<1x16xf32>
    %jit3A_889 = arith.constant 0.000000e+00 : f32
    %broadcast_in_dim3A_890 = vector.shape_cast %select_n3A_888 : vector<1x16xf32> to vector<1x16xf32>
    %broadcast_in_dim3A_891 = vector.broadcast %broadcast_in_dim3A_890 : vector<1x16xf32> to vector<1024x16xf32>
    %broadcast_in_dim3A_892 = vector.broadcast %jit3A_889 : f32 to vector<1024x16xf32>
    %select_n3A_893 = arith.select %gt3A_142, %broadcast_in_dim3A_891, %broadcast_in_dim3A_892 : vector<1024x16xi1>, vector<1024x16xf32>
    %reduce_sum3A_894 = arith.constant dense<0.000000e+00> : vector<1024xf32>
    %reduce_sum3A_895 = vector.multi_reduction <add>, %select_n3A_893, %reduce_sum3A_894 [1] : vector<1024x16xf32> to vector<1024xf32>
    %broadcast_in_dim3A_896 = vector.shape_cast %reduce_sum3A_895 : vector<1024xf32> to vector<1024x1xf32>
    %sub3A_897 = arith.subf %select_n3A_874, %broadcast_in_dim3A_896 : vector<1024x1xf32>
    %exp3A_898 = math.exp %sub3A_897 : vector<1024x1xf32>
    %jit3A_899 = arith.constant 0.000000e+00 : f32
    %broadcast_in_dim3A_900 = vector.shape_cast %exp3A_898 : vector<1024x1xf32> to vector<1024x1xf32>
    %broadcast_in_dim3A_901 = vector.broadcast %broadcast_in_dim3A_900 : vector<1024x1xf32> to vector<1024x16xf32>
    %broadcast_in_dim3A_902 = vector.broadcast %jit3A_899 : f32 to vector<1024x16xf32>
    %select_n3A_903 = arith.select %gt3A_138, %broadcast_in_dim3A_901, %broadcast_in_dim3A_902 : vector<1024x16xi1>, vector<1024x16xf32>
    %convert_element_type3A_904 = arith.truncf %select_n3A_903 : vector<1024x16xf32> to vector<1024x16xbf16>
    %convert_element_type3A_905 = arith.extf %convert_element_type3A_904 : vector<1024x16xbf16> to vector<1024x16xf32>
    %sub3A_906 = arith.subf %select_n3A_903, %convert_element_type3A_905 : vector<1024x16xf32>
    %convert_element_type3A_907 = arith.truncf %sub3A_906 : vector<1024x16xf32> to vector<1024x16xbf16>
    %convert_element_type3A_908 = arith.extf %convert_element_type3A_907 : vector<1024x16xbf16> to vector<1024x16xf32>
    %sub3A_909 = arith.subf %sub3A_906, %convert_element_type3A_908 : vector<1024x16xf32>
    %convert_element_type3A_910 = arith.truncf %sub3A_909 : vector<1024x16xf32> to vector<1024x16xbf16>
    %transpose3A_911 = tpu.transpose %convert_element_type3A, [1, 0] : vector<1024x16xbf16> -> vector<16x1024xbf16>
    %dot_general3A_912 = arith.constant dense<0.000000e+00> : vector<16x16xf32>
    %dot_general3A_913 = tpu.matmul %transpose3A_911, %convert_element_type3A_904, %dot_general3A_912 {dimension_numbers = #tpu.dot_dimension_numbers<[1], [0], [0], [1], [0, 0, 1, 1], [], []>, transpose_lhs_hint = false} : vector<16x1024xbf16>, vector<1024x16xbf16>, vector<16x16xf32> -> vector<16x16xf32>
    %transpose3A_914 = tpu.transpose %convert_element_type3A, [1, 0] : vector<1024x16xbf16> -> vector<16x1024xbf16>
    %dot_general3A_915 = arith.constant dense<0.000000e+00> : vector<16x16xf32>
    %dot_general3A_916 = tpu.matmul %transpose3A_914, %convert_element_type3A_907, %dot_general3A_915 {dimension_numbers = #tpu.dot_dimension_numbers<[1], [0], [0], [1], [0, 0, 1, 1], [], []>, transpose_lhs_hint = false} : vector<16x1024xbf16>, vector<1024x16xbf16>, vector<16x16xf32> -> vector<16x16xf32>
    %add3A_917 = arith.addf %dot_general3A_913, %dot_general3A_916 : vector<16x16xf32>
    %transpose3A_918 = tpu.transpose %convert_element_type3A, [1, 0] : vector<1024x16xbf16> -> vector<16x1024xbf16>
    %dot_general3A_919 = arith.constant dense<0.000000e+00> : vector<16x16xf32>
    %dot_general3A_920 = tpu.matmul %transpose3A_918, %convert_element_type3A_910, %dot_general3A_919 {dimension_numbers = #tpu.dot_dimension_numbers<[1], [0], [0], [1], [0, 0, 1, 1], [], []>, transpose_lhs_hint = false} : vector<16x1024xbf16>, vector<1024x16xbf16>, vector<16x16xf32> -> vector<16x16xf32>
    %add3A_921 = arith.addf %add3A_917, %dot_general3A_920 : vector<16x16xf32>
    %jit3A_922 = arith.constant 0.000000e+00 : f32
    %broadcast_in_dim3A_923 = vector.shape_cast %exp3A_898 : vector<1024x1xf32> to vector<1024x1xf32>
    %broadcast_in_dim3A_924 = vector.broadcast %broadcast_in_dim3A_923 : vector<1024x1xf32> to vector<1024x16xf32>
    %broadcast_in_dim3A_925 = vector.broadcast %jit3A_922 : f32 to vector<1024x16xf32>
    %select_n3A_926 = arith.select %gt3A_142, %broadcast_in_dim3A_924, %broadcast_in_dim3A_925 : vector<1024x16xi1>, vector<1024x16xf32>
    %reduce_sum3A_927 = arith.constant dense<0.000000e+00> : vector<16xf32>
    %reduce_sum3A_928 = vector.multi_reduction <add>, %select_n3A_926, %reduce_sum3A_927 [0] : vector<1024x16xf32> to vector<16xf32>
    %reshape3A_929 = vector.shape_cast %reduce_sum3A_928 : vector<16xf32> to vector<16x1xf32>
    %add3A_930 = arith.constant 1.000000e-16 : f32
    %add3A_931 = vector.broadcast %add3A_930 : f32 to vector<16x1xf32>
    %add3A_932 = arith.addf %reshape3A_929, %add3A_931 : vector<16x1xf32>
    %div3A_933 = vector.broadcast %add3A_932 : vector<16x1xf32> to vector<16x16xf32>
    %div3A_934 = arith.divf %add3A_921, %div3A_933 : vector<16x16xf32>
    %broadcast_in_dim3A_935 = arith.constant 1.000000e+00 : f32
    %broadcast_in_dim3A_936 = vector.broadcast %broadcast_in_dim3A_935 : f32 to vector<16x1xf32>
    %mul3A_937 = vector.broadcast %get3A_88 : vector<1x512xf32> to vector<16x512xf32>
    %mul3A_938 = vector.broadcast %broadcast_in_dim3A_936 : vector<16x1xf32> to vector<16x512xf32>
    %mul3A_939 = arith.mulf %mul3A_937, %mul3A_938 : vector<16x512xf32>
    %slice3A_940 = vector.extract_strided_slice %div3A_934 {offsets = [0, 0], sizes = [16, 1], strides = [1, 1]} : vector<16x16xf32> to vector<16x1xf32>
    %slice3A_941 = vector.extract_strided_slice %dot_general3A_830 {offsets = [0, 0], sizes = [1, 512], strides = [1, 1]} : vector<16x512xf32> to vector<1x512xf32>
    %mul3A_942 = vector.broadcast %slice3A_940 : vector<16x1xf32> to vector<16x512xf32>
    %mul3A_943 = vector.broadcast %slice3A_941 : vector<1x512xf32> to vector<16x512xf32>
    %mul3A_944 = arith.mulf %mul3A_942, %mul3A_943 : vector<16x512xf32>
    %add3A_945 = arith.addf %mul3A_939, %mul3A_944 : vector<16x512xf32>
    %slice3A_946 = vector.extract_strided_slice %div3A_934 {offsets = [0, 1], sizes = [16, 1], strides = [1, 1]} : vector<16x16xf32> to vector<16x1xf32>
    %slice3A_947 = vector.extract_strided_slice %dot_general3A_830 {offsets = [1, 0], sizes = [1, 512], strides = [1, 1]} : vector<16x512xf32> to vector<1x512xf32>
    %mul3A_948 = vector.broadcast %slice3A_946 : vector<16x1xf32> to vector<16x512xf32>
    %mul3A_949 = vector.broadcast %slice3A_947 : vector<1x512xf32> to vector<16x512xf32>
    %mul3A_950 = arith.mulf %mul3A_948, %mul3A_949 : vector<16x512xf32>
    %add3A_951 = arith.addf %add3A_945, %mul3A_950 : vector<16x512xf32>
    %slice3A_952 = vector.extract_strided_slice %div3A_934 {offsets = [0, 2], sizes = [16, 1], strides = [1, 1]} : vector<16x16xf32> to vector<16x1xf32>
    %slice3A_953 = vector.extract_strided_slice %dot_general3A_830 {offsets = [2, 0], sizes = [1, 512], strides = [1, 1]} : vector<16x512xf32> to vector<1x512xf32>
    %mul3A_954 = vector.broadcast %slice3A_952 : vector<16x1xf32> to vector<16x512xf32>
    %mul3A_955 = vector.broadcast %slice3A_953 : vector<1x512xf32> to vector<16x512xf32>
    %mul3A_956 = arith.mulf %mul3A_954, %mul3A_955 : vector<16x512xf32>
    %add3A_957 = arith.addf %add3A_951, %mul3A_956 : vector<16x512xf32>
    %slice3A_958 = vector.extract_strided_slice %div3A_934 {offsets = [0, 3], sizes = [16, 1], strides = [1, 1]} : vector<16x16xf32> to vector<16x1xf32>
    %slice3A_959 = vector.extract_strided_slice %dot_general3A_830 {offsets = [3, 0], sizes = [1, 512], strides = [1, 1]} : vector<16x512xf32> to vector<1x512xf32>
    %mul3A_960 = vector.broadcast %slice3A_958 : vector<16x1xf32> to vector<16x512xf32>
    %mul3A_961 = vector.broadcast %slice3A_959 : vector<1x512xf32> to vector<16x512xf32>
    %mul3A_962 = arith.mulf %mul3A_960, %mul3A_961 : vector<16x512xf32>
    %add3A_963 = arith.addf %add3A_957, %mul3A_962 : vector<16x512xf32>
    %slice3A_964 = vector.extract_strided_slice %div3A_934 {offsets = [0, 4], sizes = [16, 1], strides = [1, 1]} : vector<16x16xf32> to vector<16x1xf32>
    %slice3A_965 = vector.extract_strided_slice %dot_general3A_830 {offsets = [4, 0], sizes = [1, 512], strides = [1, 1]} : vector<16x512xf32> to vector<1x512xf32>
    %mul3A_966 = vector.broadcast %slice3A_964 : vector<16x1xf32> to vector<16x512xf32>
    %mul3A_967 = vector.broadcast %slice3A_965 : vector<1x512xf32> to vector<16x512xf32>
    %mul3A_968 = arith.mulf %mul3A_966, %mul3A_967 : vector<16x512xf32>
    %add3A_969 = arith.addf %add3A_963, %mul3A_968 : vector<16x512xf32>
    %slice3A_970 = vector.extract_strided_slice %div3A_934 {offsets = [0, 5], sizes = [16, 1], strides = [1, 1]} : vector<16x16xf32> to vector<16x1xf32>
    %slice3A_971 = vector.extract_strided_slice %dot_general3A_830 {offsets = [5, 0], sizes = [1, 512], strides = [1, 1]} : vector<16x512xf32> to vector<1x512xf32>
    %mul3A_972 = vector.broadcast %slice3A_970 : vector<16x1xf32> to vector<16x512xf32>
    %mul3A_973 = vector.broadcast %slice3A_971 : vector<1x512xf32> to vector<16x512xf32>
    %mul3A_974 = arith.mulf %mul3A_972, %mul3A_973 : vector<16x512xf32>
    %add3A_975 = arith.addf %add3A_969, %mul3A_974 : vector<16x512xf32>
    %slice3A_976 = vector.extract_strided_slice %div3A_934 {offsets = [0, 6], sizes = [16, 1], strides = [1, 1]} : vector<16x16xf32> to vector<16x1xf32>
    %slice3A_977 = vector.extract_strided_slice %dot_general3A_830 {offsets = [6, 0], sizes = [1, 512], strides = [1, 1]} : vector<16x512xf32> to vector<1x512xf32>
    %mul3A_978 = vector.broadcast %slice3A_976 : vector<16x1xf32> to vector<16x512xf32>
    %mul3A_979 = vector.broadcast %slice3A_977 : vector<1x512xf32> to vector<16x512xf32>
    %mul3A_980 = arith.mulf %mul3A_978, %mul3A_979 : vector<16x512xf32>
    %add3A_981 = arith.addf %add3A_975, %mul3A_980 : vector<16x512xf32>
    %slice3A_982 = vector.extract_strided_slice %div3A_934 {offsets = [0, 7], sizes = [16, 1], strides = [1, 1]} : vector<16x16xf32> to vector<16x1xf32>
    %slice3A_983 = vector.extract_strided_slice %dot_general3A_830 {offsets = [7, 0], sizes = [1, 512], strides = [1, 1]} : vector<16x512xf32> to vector<1x512xf32>
    %mul3A_984 = vector.broadcast %slice3A_982 : vector<16x1xf32> to vector<16x512xf32>
    %mul3A_985 = vector.broadcast %slice3A_983 : vector<1x512xf32> to vector<16x512xf32>
    %mul3A_986 = arith.mulf %mul3A_984, %mul3A_985 : vector<16x512xf32>
    %add3A_987 = arith.addf %add3A_981, %mul3A_986 : vector<16x512xf32>
    %slice3A_988 = vector.extract_strided_slice %div3A_934 {offsets = [0, 8], sizes = [16, 1], strides = [1, 1]} : vector<16x16xf32> to vector<16x1xf32>
    %slice3A_989 = vector.extract_strided_slice %dot_general3A_830 {offsets = [8, 0], sizes = [1, 512], strides = [1, 1]} : vector<16x512xf32> to vector<1x512xf32>
    %mul3A_990 = vector.broadcast %slice3A_988 : vector<16x1xf32> to vector<16x512xf32>
    %mul3A_991 = vector.broadcast %slice3A_989 : vector<1x512xf32> to vector<16x512xf32>
    %mul3A_992 = arith.mulf %mul3A_990, %mul3A_991 : vector<16x512xf32>
    %add3A_993 = arith.addf %add3A_987, %mul3A_992 : vector<16x512xf32>
    %slice3A_994 = vector.extract_strided_slice %div3A_934 {offsets = [0, 9], sizes = [16, 1], strides = [1, 1]} : vector<16x16xf32> to vector<16x1xf32>
    %slice3A_995 = vector.extract_strided_slice %dot_general3A_830 {offsets = [9, 0], sizes = [1, 512], strides = [1, 1]} : vector<16x512xf32> to vector<1x512xf32>
    %mul3A_996 = vector.broadcast %slice3A_994 : vector<16x1xf32> to vector<16x512xf32>
    %mul3A_997 = vector.broadcast %slice3A_995 : vector<1x512xf32> to vector<16x512xf32>
    %mul3A_998 = arith.mulf %mul3A_996, %mul3A_997 : vector<16x512xf32>
    %add3A_999 = arith.addf %add3A_993, %mul3A_998 : vector<16x512xf32>
    %convert_element_type3A_1000 = arith.truncf %add3A_999 : vector<16x512xf32> to vector<16x512xbf16>
    %convert_element_type3A_1001 = arith.truncf %get3A_91 : vector<512x512xf32> to vector<512x512xbf16>
    %dot_general3A_1002 = arith.constant dense<0.000000e+00> : vector<16x512xf32>
    %dot_general3A_1003 = tpu.matmul %convert_element_type3A_1000, %convert_element_type3A_1001, %dot_general3A_1002 {dimension_numbers = #tpu.dot_dimension_numbers<[1], [0], [0], [1], [0, 0, 1, 1], [], []>, transpose_lhs_hint = false} : vector<16x512xbf16>, vector<512x512xbf16>, vector<16x512xf32> -> vector<16x512xf32>
    %convert_element_type3A_1004 = arith.truncf %dot_general3A_834 : vector<1024x512xf32> to vector<1024x512xbf16>
    %convert_element_type3A_1005 = arith.truncf %get3A_94 : vector<512x512xf32> to vector<512x512xbf16>
    %dot_general3A_1006 = arith.constant dense<0.000000e+00> : vector<1024x512xf32>
    %dot_general3A_1007 = tpu.matmul %convert_element_type3A_1004, %convert_element_type3A_1005, %dot_general3A_1006 {dimension_numbers = #tpu.dot_dimension_numbers<[1], [0], [0], [1], [0, 0, 1, 1], [], []>, transpose_lhs_hint = false} : vector<1024x512xbf16>, vector<512x512xbf16>, vector<1024x512xf32> -> vector<1024x512xf32>
    %mul3A_1008 = vector.broadcast %get3A_97 : vector<1x512xf32> to vector<16x512xf32>
    %mul3A_1009 = arith.mulf %dot_general3A_1003, %mul3A_1008 : vector<16x512xf32>
    %reduce_sum3A_1010 = arith.constant dense<0.000000e+00> : vector<16xf32>
    %reduce_sum3A_1011 = vector.multi_reduction <add>, %mul3A_1009, %reduce_sum3A_1010 [1] : vector<16x512xf32> to vector<16xf32>
    %reshape3A_1012 = vector.shape_cast %reduce_sum3A_1011 : vector<16xf32> to vector<1x16xf32>
    %mul3A_1013 = vector.broadcast %get3A_100 : vector<1x512xf32> to vector<16x512xf32>
    %mul3A_1014 = arith.mulf %dot_general3A_1003, %mul3A_1013 : vector<16x512xf32>
    %reduce_sum3A_1015 = arith.constant dense<0.000000e+00> : vector<16xf32>
    %reduce_sum3A_1016 = vector.multi_reduction <add>, %mul3A_1014, %reduce_sum3A_1015 [1] : vector<16x512xf32> to vector<16xf32>
    %reshape3A_1017 = vector.shape_cast %reduce_sum3A_1016 : vector<16xf32> to vector<1x16xf32>
    %mul3A_1018 = vector.broadcast %get3A_103 : vector<1x512xf32> to vector<1024x512xf32>
    %mul3A_1019 = arith.mulf %dot_general3A_1007, %mul3A_1018 : vector<1024x512xf32>
    %reduce_sum3A_1020 = arith.constant dense<0.000000e+00> : vector<1024xf32>
    %reduce_sum3A_1021 = vector.multi_reduction <add>, %mul3A_1019, %reduce_sum3A_1020 [1] : vector<1024x512xf32> to vector<1024xf32>
    %broadcast_in_dim3A_1022 = vector.shape_cast %reduce_sum3A_1021 : vector<1024xf32> to vector<1024x1xf32>
    %jit3A_1023 = arith.constant 0.000000e+00 : f32
    %broadcast_in_dim3A_1024 = vector.shape_cast %reshape3A_1012 : vector<1x16xf32> to vector<1x16xf32>
    %broadcast_in_dim3A_1025 = vector.broadcast %broadcast_in_dim3A_1024 : vector<1x16xf32> to vector<1024x16xf32>
    %broadcast_in_dim3A_1026 = vector.broadcast %jit3A_1023 : f32 to vector<1024x16xf32>
    %select_n3A_1027 = arith.select %gt3A_138, %broadcast_in_dim3A_1025, %broadcast_in_dim3A_1026 : vector<1024x16xi1>, vector<1024x16xf32>
    %reduce_sum3A_1028 = arith.constant dense<0.000000e+00> : vector<1024xf32>
    %reduce_sum3A_1029 = vector.multi_reduction <add>, %select_n3A_1027, %reduce_sum3A_1028 [1] : vector<1024x16xf32> to vector<1024xf32>
    %broadcast_in_dim3A_1030 = vector.shape_cast %reduce_sum3A_1029 : vector<1024xf32> to vector<1024x1xf32>
    %jit3A_1031 = arith.constant 0.000000e+00 : f32
    %broadcast_in_dim3A_1032 = vector.shape_cast %reshape3A_1017 : vector<1x16xf32> to vector<1x16xf32>
    %broadcast_in_dim3A_1033 = vector.broadcast %broadcast_in_dim3A_1032 : vector<1x16xf32> to vector<1024x16xf32>
    %broadcast_in_dim3A_1034 = vector.broadcast %jit3A_1031 : f32 to vector<1024x16xf32>
    %select_n3A_1035 = arith.select %gt3A_142, %broadcast_in_dim3A_1033, %broadcast_in_dim3A_1034 : vector<1024x16xi1>, vector<1024x16xf32>
    %reduce_sum3A_1036 = arith.constant dense<0.000000e+00> : vector<1024xf32>
    %reduce_sum3A_1037 = vector.multi_reduction <add>, %select_n3A_1035, %reduce_sum3A_1036 [1] : vector<1024x16xf32> to vector<1024xf32>
    %broadcast_in_dim3A_1038 = vector.shape_cast %reduce_sum3A_1037 : vector<1024xf32> to vector<1024x1xf32>
    %add3A_1039 = arith.addf %broadcast_in_dim3A_1030, %broadcast_in_dim3A_1038 : vector<1024x1xf32>
    %add3A_1040 = arith.addf %add3A_1039, %broadcast_in_dim3A_1022 : vector<1024x1xf32>
    %ge3A_1041 = arith.constant 0.000000e+00 : f32
    %ge3A_1042 = vector.broadcast %ge3A_1041 : f32 to vector<1024x1xf32>
    %ge3A_1043 = arith.cmpf oge, %add3A_1040, %ge3A_1042 : vector<1024x1xf32>
    %mul3A_1044 = arith.constant 2.000000e-01 : f32
    %mul3A_1045 = vector.broadcast %mul3A_1044 : f32 to vector<1024x1xf32>
    %mul3A_1046 = arith.mulf %mul3A_1045, %add3A_1040 : vector<1024x1xf32>
    %select_n3A_1047 = arith.select %ge3A_1043, %add3A_1040, %mul3A_1046 : vector<1024x1xi1>, vector<1024x1xf32>
    %jit3A_1048 = arith.constant 0xFF800000 : f32
    %broadcast_in_dim3A_1049 = vector.shape_cast %select_n3A_1047 : vector<1024x1xf32> to vector<1024x1xf32>
    %broadcast_in_dim3A_1050 = vector.broadcast %broadcast_in_dim3A_1049 : vector<1024x1xf32> to vector<1024x16xf32>
    %broadcast_in_dim3A_1051 = vector.broadcast %jit3A_1048 : f32 to vector<1024x16xf32>
    %select_n3A_1052 = arith.select %gt3A_142, %broadcast_in_dim3A_1050, %broadcast_in_dim3A_1051 : vector<1024x16xi1>, vector<1024x16xf32>
    %reduce_max3A_1053 = arith.constant dense<0xFF800000> : vector<16xf32>
    %reduce_max3A_1054 = vector.multi_reduction <maximumf>, %select_n3A_1052, %reduce_max3A_1053 [0] : vector<1024x16xf32> to vector<16xf32>
    %broadcast_in_dim3A_1055 = vector.shape_cast %reduce_max3A_1054 : vector<16xf32> to vector<1x16xf32>
    %is_finite3A_1056 = tpu.weird %broadcast_in_dim3A_1055 : vector<1x16xf32> -> vector<1x16xi1>
    %is_finite3A_1057 = arith.constant dense<true> : vector<1x16xi1>
    %is_finite3A_1058 = arith.xori %is_finite3A_1056, %is_finite3A_1057 : vector<1x16xi1>
    %jit3A_1059 = arith.constant 0.000000e+00 : f32
    %broadcast_in_dim3A_1060 = vector.broadcast %jit3A_1059 : f32 to vector<1x16xf32>
    %select_n3A_1061 = arith.select %is_finite3A_1058, %broadcast_in_dim3A_1055, %broadcast_in_dim3A_1060 : vector<1x16xi1>, vector<1x16xf32>
    %jit3A_1062 = arith.constant 0.000000e+00 : f32
    %broadcast_in_dim3A_1063 = vector.shape_cast %select_n3A_1061 : vector<1x16xf32> to vector<1x16xf32>
    %broadcast_in_dim3A_1064 = vector.broadcast %broadcast_in_dim3A_1063 : vector<1x16xf32> to vector<1024x16xf32>
    %broadcast_in_dim3A_1065 = vector.broadcast %jit3A_1062 : f32 to vector<1024x16xf32>
    %select_n3A_1066 = arith.select %gt3A_142, %broadcast_in_dim3A_1064, %broadcast_in_dim3A_1065 : vector<1024x16xi1>, vector<1024x16xf32>
    %reduce_sum3A_1067 = arith.constant dense<0.000000e+00> : vector<1024xf32>
    %reduce_sum3A_1068 = vector.multi_reduction <add>, %select_n3A_1066, %reduce_sum3A_1067 [1] : vector<1024x16xf32> to vector<1024xf32>
    %broadcast_in_dim3A_1069 = vector.shape_cast %reduce_sum3A_1068 : vector<1024xf32> to vector<1024x1xf32>
    %sub3A_1070 = arith.subf %select_n3A_1047, %broadcast_in_dim3A_1069 : vector<1024x1xf32>
    %exp3A_1071 = math.exp %sub3A_1070 : vector<1024x1xf32>
    %jit3A_1072 = arith.constant 0.000000e+00 : f32
    %broadcast_in_dim3A_1073 = vector.shape_cast %exp3A_1071 : vector<1024x1xf32> to vector<1024x1xf32>
    %broadcast_in_dim3A_1074 = vector.broadcast %broadcast_in_dim3A_1073 : vector<1024x1xf32> to vector<1024x16xf32>
    %broadcast_in_dim3A_1075 = vector.broadcast %jit3A_1072 : f32 to vector<1024x16xf32>
    %select_n3A_1076 = arith.select %gt3A_138, %broadcast_in_dim3A_1074, %broadcast_in_dim3A_1075 : vector<1024x16xi1>, vector<1024x16xf32>
    %convert_element_type3A_1077 = arith.truncf %select_n3A_1076 : vector<1024x16xf32> to vector<1024x16xbf16>
    %convert_element_type3A_1078 = arith.extf %convert_element_type3A_1077 : vector<1024x16xbf16> to vector<1024x16xf32>
    %sub3A_1079 = arith.subf %select_n3A_1076, %convert_element_type3A_1078 : vector<1024x16xf32>
    %convert_element_type3A_1080 = arith.truncf %sub3A_1079 : vector<1024x16xf32> to vector<1024x16xbf16>
    %convert_element_type3A_1081 = arith.extf %convert_element_type3A_1080 : vector<1024x16xbf16> to vector<1024x16xf32>
    %sub3A_1082 = arith.subf %sub3A_1079, %convert_element_type3A_1081 : vector<1024x16xf32>
    %convert_element_type3A_1083 = arith.truncf %sub3A_1082 : vector<1024x16xf32> to vector<1024x16xbf16>
    %transpose3A_1084 = tpu.transpose %convert_element_type3A, [1, 0] : vector<1024x16xbf16> -> vector<16x1024xbf16>
    %dot_general3A_1085 = arith.constant dense<0.000000e+00> : vector<16x16xf32>
    %dot_general3A_1086 = tpu.matmul %transpose3A_1084, %convert_element_type3A_1077, %dot_general3A_1085 {dimension_numbers = #tpu.dot_dimension_numbers<[1], [0], [0], [1], [0, 0, 1, 1], [], []>, transpose_lhs_hint = false} : vector<16x1024xbf16>, vector<1024x16xbf16>, vector<16x16xf32> -> vector<16x16xf32>
    %transpose3A_1087 = tpu.transpose %convert_element_type3A, [1, 0] : vector<1024x16xbf16> -> vector<16x1024xbf16>
    %dot_general3A_1088 = arith.constant dense<0.000000e+00> : vector<16x16xf32>
    %dot_general3A_1089 = tpu.matmul %transpose3A_1087, %convert_element_type3A_1080, %dot_general3A_1088 {dimension_numbers = #tpu.dot_dimension_numbers<[1], [0], [0], [1], [0, 0, 1, 1], [], []>, transpose_lhs_hint = false} : vector<16x1024xbf16>, vector<1024x16xbf16>, vector<16x16xf32> -> vector<16x16xf32>
    %add3A_1090 = arith.addf %dot_general3A_1086, %dot_general3A_1089 : vector<16x16xf32>
    %transpose3A_1091 = tpu.transpose %convert_element_type3A, [1, 0] : vector<1024x16xbf16> -> vector<16x1024xbf16>
    %dot_general3A_1092 = arith.constant dense<0.000000e+00> : vector<16x16xf32>
    %dot_general3A_1093 = tpu.matmul %transpose3A_1091, %convert_element_type3A_1083, %dot_general3A_1092 {dimension_numbers = #tpu.dot_dimension_numbers<[1], [0], [0], [1], [0, 0, 1, 1], [], []>, transpose_lhs_hint = false} : vector<16x1024xbf16>, vector<1024x16xbf16>, vector<16x16xf32> -> vector<16x16xf32>
    %add3A_1094 = arith.addf %add3A_1090, %dot_general3A_1093 : vector<16x16xf32>
    %jit3A_1095 = arith.constant 0.000000e+00 : f32
    %broadcast_in_dim3A_1096 = vector.shape_cast %exp3A_1071 : vector<1024x1xf32> to vector<1024x1xf32>
    %broadcast_in_dim3A_1097 = vector.broadcast %broadcast_in_dim3A_1096 : vector<1024x1xf32> to vector<1024x16xf32>
    %broadcast_in_dim3A_1098 = vector.broadcast %jit3A_1095 : f32 to vector<1024x16xf32>
    %select_n3A_1099 = arith.select %gt3A_142, %broadcast_in_dim3A_1097, %broadcast_in_dim3A_1098 : vector<1024x16xi1>, vector<1024x16xf32>
    %reduce_sum3A_1100 = arith.constant dense<0.000000e+00> : vector<16xf32>
    %reduce_sum3A_1101 = vector.multi_reduction <add>, %select_n3A_1099, %reduce_sum3A_1100 [0] : vector<1024x16xf32> to vector<16xf32>
    %reshape3A_1102 = vector.shape_cast %reduce_sum3A_1101 : vector<16xf32> to vector<16x1xf32>
    %add3A_1103 = arith.constant 1.000000e-16 : f32
    %add3A_1104 = vector.broadcast %add3A_1103 : f32 to vector<16x1xf32>
    %add3A_1105 = arith.addf %reshape3A_1102, %add3A_1104 : vector<16x1xf32>
    %div3A_1106 = vector.broadcast %add3A_1105 : vector<16x1xf32> to vector<16x16xf32>
    %div3A_1107 = arith.divf %add3A_1094, %div3A_1106 : vector<16x16xf32>
    %broadcast_in_dim3A_1108 = arith.constant 1.000000e+00 : f32
    %broadcast_in_dim3A_1109 = vector.broadcast %broadcast_in_dim3A_1108 : f32 to vector<16x1xf32>
    %mul3A_1110 = vector.broadcast %get3A_106 : vector<1x512xf32> to vector<16x512xf32>
    %mul3A_1111 = vector.broadcast %broadcast_in_dim3A_1109 : vector<16x1xf32> to vector<16x512xf32>
    %mul3A_1112 = arith.mulf %mul3A_1110, %mul3A_1111 : vector<16x512xf32>
    %slice3A_1113 = vector.extract_strided_slice %div3A_1107 {offsets = [0, 0], sizes = [16, 1], strides = [1, 1]} : vector<16x16xf32> to vector<16x1xf32>
    %slice3A_1114 = vector.extract_strided_slice %dot_general3A_1003 {offsets = [0, 0], sizes = [1, 512], strides = [1, 1]} : vector<16x512xf32> to vector<1x512xf32>
    %mul3A_1115 = vector.broadcast %slice3A_1113 : vector<16x1xf32> to vector<16x512xf32>
    %mul3A_1116 = vector.broadcast %slice3A_1114 : vector<1x512xf32> to vector<16x512xf32>
    %mul3A_1117 = arith.mulf %mul3A_1115, %mul3A_1116 : vector<16x512xf32>
    %add3A_1118 = arith.addf %mul3A_1112, %mul3A_1117 : vector<16x512xf32>
    %slice3A_1119 = vector.extract_strided_slice %div3A_1107 {offsets = [0, 1], sizes = [16, 1], strides = [1, 1]} : vector<16x16xf32> to vector<16x1xf32>
    %slice3A_1120 = vector.extract_strided_slice %dot_general3A_1003 {offsets = [1, 0], sizes = [1, 512], strides = [1, 1]} : vector<16x512xf32> to vector<1x512xf32>
    %mul3A_1121 = vector.broadcast %slice3A_1119 : vector<16x1xf32> to vector<16x512xf32>
    %mul3A_1122 = vector.broadcast %slice3A_1120 : vector<1x512xf32> to vector<16x512xf32>
    %mul3A_1123 = arith.mulf %mul3A_1121, %mul3A_1122 : vector<16x512xf32>
    %add3A_1124 = arith.addf %add3A_1118, %mul3A_1123 : vector<16x512xf32>
    %slice3A_1125 = vector.extract_strided_slice %div3A_1107 {offsets = [0, 2], sizes = [16, 1], strides = [1, 1]} : vector<16x16xf32> to vector<16x1xf32>
    %slice3A_1126 = vector.extract_strided_slice %dot_general3A_1003 {offsets = [2, 0], sizes = [1, 512], strides = [1, 1]} : vector<16x512xf32> to vector<1x512xf32>
    %mul3A_1127 = vector.broadcast %slice3A_1125 : vector<16x1xf32> to vector<16x512xf32>
    %mul3A_1128 = vector.broadcast %slice3A_1126 : vector<1x512xf32> to vector<16x512xf32>
    %mul3A_1129 = arith.mulf %mul3A_1127, %mul3A_1128 : vector<16x512xf32>
    %add3A_1130 = arith.addf %add3A_1124, %mul3A_1129 : vector<16x512xf32>
    %slice3A_1131 = vector.extract_strided_slice %div3A_1107 {offsets = [0, 3], sizes = [16, 1], strides = [1, 1]} : vector<16x16xf32> to vector<16x1xf32>
    %slice3A_1132 = vector.extract_strided_slice %dot_general3A_1003 {offsets = [3, 0], sizes = [1, 512], strides = [1, 1]} : vector<16x512xf32> to vector<1x512xf32>
    %mul3A_1133 = vector.broadcast %slice3A_1131 : vector<16x1xf32> to vector<16x512xf32>
    %mul3A_1134 = vector.broadcast %slice3A_1132 : vector<1x512xf32> to vector<16x512xf32>
    %mul3A_1135 = arith.mulf %mul3A_1133, %mul3A_1134 : vector<16x512xf32>
    %add3A_1136 = arith.addf %add3A_1130, %mul3A_1135 : vector<16x512xf32>
    %slice3A_1137 = vector.extract_strided_slice %div3A_1107 {offsets = [0, 4], sizes = [16, 1], strides = [1, 1]} : vector<16x16xf32> to vector<16x1xf32>
    %slice3A_1138 = vector.extract_strided_slice %dot_general3A_1003 {offsets = [4, 0], sizes = [1, 512], strides = [1, 1]} : vector<16x512xf32> to vector<1x512xf32>
    %mul3A_1139 = vector.broadcast %slice3A_1137 : vector<16x1xf32> to vector<16x512xf32>
    %mul3A_1140 = vector.broadcast %slice3A_1138 : vector<1x512xf32> to vector<16x512xf32>
    %mul3A_1141 = arith.mulf %mul3A_1139, %mul3A_1140 : vector<16x512xf32>
    %add3A_1142 = arith.addf %add3A_1136, %mul3A_1141 : vector<16x512xf32>
    %slice3A_1143 = vector.extract_strided_slice %div3A_1107 {offsets = [0, 5], sizes = [16, 1], strides = [1, 1]} : vector<16x16xf32> to vector<16x1xf32>
    %slice3A_1144 = vector.extract_strided_slice %dot_general3A_1003 {offsets = [5, 0], sizes = [1, 512], strides = [1, 1]} : vector<16x512xf32> to vector<1x512xf32>
    %mul3A_1145 = vector.broadcast %slice3A_1143 : vector<16x1xf32> to vector<16x512xf32>
    %mul3A_1146 = vector.broadcast %slice3A_1144 : vector<1x512xf32> to vector<16x512xf32>
    %mul3A_1147 = arith.mulf %mul3A_1145, %mul3A_1146 : vector<16x512xf32>
    %add3A_1148 = arith.addf %add3A_1142, %mul3A_1147 : vector<16x512xf32>
    %slice3A_1149 = vector.extract_strided_slice %div3A_1107 {offsets = [0, 6], sizes = [16, 1], strides = [1, 1]} : vector<16x16xf32> to vector<16x1xf32>
    %slice3A_1150 = vector.extract_strided_slice %dot_general3A_1003 {offsets = [6, 0], sizes = [1, 512], strides = [1, 1]} : vector<16x512xf32> to vector<1x512xf32>
    %mul3A_1151 = vector.broadcast %slice3A_1149 : vector<16x1xf32> to vector<16x512xf32>
    %mul3A_1152 = vector.broadcast %slice3A_1150 : vector<1x512xf32> to vector<16x512xf32>
    %mul3A_1153 = arith.mulf %mul3A_1151, %mul3A_1152 : vector<16x512xf32>
    %add3A_1154 = arith.addf %add3A_1148, %mul3A_1153 : vector<16x512xf32>
    %slice3A_1155 = vector.extract_strided_slice %div3A_1107 {offsets = [0, 7], sizes = [16, 1], strides = [1, 1]} : vector<16x16xf32> to vector<16x1xf32>
    %slice3A_1156 = vector.extract_strided_slice %dot_general3A_1003 {offsets = [7, 0], sizes = [1, 512], strides = [1, 1]} : vector<16x512xf32> to vector<1x512xf32>
    %mul3A_1157 = vector.broadcast %slice3A_1155 : vector<16x1xf32> to vector<16x512xf32>
    %mul3A_1158 = vector.broadcast %slice3A_1156 : vector<1x512xf32> to vector<16x512xf32>
    %mul3A_1159 = arith.mulf %mul3A_1157, %mul3A_1158 : vector<16x512xf32>
    %add3A_1160 = arith.addf %add3A_1154, %mul3A_1159 : vector<16x512xf32>
    %slice3A_1161 = vector.extract_strided_slice %div3A_1107 {offsets = [0, 8], sizes = [16, 1], strides = [1, 1]} : vector<16x16xf32> to vector<16x1xf32>
    %slice3A_1162 = vector.extract_strided_slice %dot_general3A_1003 {offsets = [8, 0], sizes = [1, 512], strides = [1, 1]} : vector<16x512xf32> to vector<1x512xf32>
    %mul3A_1163 = vector.broadcast %slice3A_1161 : vector<16x1xf32> to vector<16x512xf32>
    %mul3A_1164 = vector.broadcast %slice3A_1162 : vector<1x512xf32> to vector<16x512xf32>
    %mul3A_1165 = arith.mulf %mul3A_1163, %mul3A_1164 : vector<16x512xf32>
    %add3A_1166 = arith.addf %add3A_1160, %mul3A_1165 : vector<16x512xf32>
    %slice3A_1167 = vector.extract_strided_slice %div3A_1107 {offsets = [0, 9], sizes = [16, 1], strides = [1, 1]} : vector<16x16xf32> to vector<16x1xf32>
    %slice3A_1168 = vector.extract_strided_slice %dot_general3A_1003 {offsets = [9, 0], sizes = [1, 512], strides = [1, 1]} : vector<16x512xf32> to vector<1x512xf32>
    %mul3A_1169 = vector.broadcast %slice3A_1167 : vector<16x1xf32> to vector<16x512xf32>
    %mul3A_1170 = vector.broadcast %slice3A_1168 : vector<1x512xf32> to vector<16x512xf32>
    %mul3A_1171 = arith.mulf %mul3A_1169, %mul3A_1170 : vector<16x512xf32>
    %add3A_1172 = arith.addf %add3A_1166, %mul3A_1171 : vector<16x512xf32>
    %convert_element_type3A_1173 = arith.truncf %get3A_109 : vector<1x16xf32> to vector<1x16xbf16>
    %convert_element_type3A_1174 = arith.truncf %add3A_1172 : vector<16x512xf32> to vector<16x512xbf16>
    %dot_general3A_1175 = arith.constant dense<0.000000e+00> : vector<1x512xf32>
    %dot_general3A_1176 = tpu.matmul %convert_element_type3A_1173, %convert_element_type3A_1174, %dot_general3A_1175 {dimension_numbers = #tpu.dot_dimension_numbers<[1], [0], [0], [1], [0, 0, 1, 1], [], []>, transpose_lhs_hint = false} : vector<1x16xbf16>, vector<16x512xbf16>, vector<1x512xf32> -> vector<1x512xf32>
    %add3A_1177 = vector.broadcast %get3A_121 : vector<1x1xf32> to vector<1x512xf32>
    %add3A_1178 = arith.addf %dot_general3A_1176, %add3A_1177 : vector<1x512xf32>
    %convert_element_type3A_1179 = arith.truncf %get3A_112 : vector<1x1024xf32> to vector<1x1024xbf16>
    %convert_element_type3A_1180 = arith.truncf %dot_general3A_1007 : vector<1024x512xf32> to vector<1024x512xbf16>
    %dot_general3A_1181 = arith.constant dense<0.000000e+00> : vector<1x512xf32>
    %dot_general3A_1182 = tpu.matmul %convert_element_type3A_1179, %convert_element_type3A_1180, %dot_general3A_1181 {dimension_numbers = #tpu.dot_dimension_numbers<[1], [0], [0], [1], [0, 0, 1, 1], [], []>, transpose_lhs_hint = false} : vector<1x1024xbf16>, vector<1024x512xbf16>, vector<1x512xf32> -> vector<1x512xf32>
    %add3A_1183 = vector.broadcast %get3A_124 : vector<1x1xf32> to vector<1x512xf32>
    %add3A_1184 = arith.addf %dot_general3A_1182, %add3A_1183 : vector<1x512xf32>
    %add3A_1185 = arith.addf %add3A_1178, %add3A_1184 : vector<1x512xf32>
    %tanh3A = math.tanh %add3A_1185 : vector<1x512xf32>
    %reshape3A_1186 = vector.shape_cast %get3A_115 : vector<1x512xf32> to vector<512x1xf32>
    %convert_element_type3A_1187 = arith.truncf %tanh3A : vector<1x512xf32> to vector<1x512xbf16>
    %convert_element_type3A_1188 = arith.truncf %reshape3A_1186 : vector<512x1xf32> to vector<512x1xbf16>
    %dot_general3A_1189 = arith.constant dense<0.000000e+00> : vector<1x1xf32>
    %dot_general3A_1190 = tpu.matmul %convert_element_type3A_1187, %convert_element_type3A_1188, %dot_general3A_1189 {dimension_numbers = #tpu.dot_dimension_numbers<[1], [0], [0], [1], [0, 0, 1, 1], [], []>, transpose_lhs_hint = false} : vector<1x512xbf16>, vector<512x1xbf16>, vector<1x1xf32> -> vector<1x1xf32>
    %add3A_1191 = arith.addf %dot_general3A_1190, %get3A_127 : vector<1x1xf32>
    %max3A = arith.constant 0.000000e+00 : f32
    %max3A_1192 = vector.broadcast %max3A : f32 to vector<1x512xf32>
    %max3A_1193 = arith.maximumf %add3A_1185, %max3A_1192 : vector<1x512xf32>
    %reshape3A_1194 = vector.shape_cast %get3A_118 : vector<1x512xf32> to vector<512x1xf32>
    %convert_element_type3A_1195 = arith.truncf %max3A_1193 : vector<1x512xf32> to vector<1x512xbf16>
    %convert_element_type3A_1196 = arith.truncf %reshape3A_1194 : vector<512x1xf32> to vector<512x1xbf16>
    %dot_general3A_1197 = arith.constant dense<0.000000e+00> : vector<1x1xf32>
    %dot_general3A_1198 = tpu.matmul %convert_element_type3A_1195, %convert_element_type3A_1196, %dot_general3A_1197 {dimension_numbers = #tpu.dot_dimension_numbers<[1], [0], [0], [1], [0, 0, 1, 1], [], []>, transpose_lhs_hint = false} : vector<1x512xbf16>, vector<512x1xbf16>, vector<1x1xf32> -> vector<1x1xf32>
    %add3A_1199 = arith.addf %dot_general3A_1198, %get3A_130 : vector<1x1xf32>
    %neg3A = arith.constant 0.000000e+00 : f32
    %neg3A_1200 = vector.broadcast %neg3A : f32 to vector<1x1xf32>
    %neg3A_1201 = arith.subf %neg3A_1200, %add3A_1199 : vector<1x1xf32>
    %exp3A_1202 = math.exp %neg3A_1201 : vector<1x1xf32>
    %add3A_1203 = arith.constant 1.000000e+00 : f32
    %add3A_1204 = vector.broadcast %add3A_1203 : f32 to vector<1x1xf32>
    %add3A_1205 = arith.addf %add3A_1204, %exp3A_1202 : vector<1x1xf32>
    %div3A_1206 = arith.constant 1.000000e+00 : f32
    %div3A_1207 = vector.broadcast %div3A_1206 : f32 to vector<1x1xf32>
    %div3A_1208 = arith.divf %div3A_1207, %add3A_1205 : vector<1x1xf32>
    %concatenate3A = tpu.concatenate %add3A_1191, %div3A_1208 in 1 : vector<1x1xf32>, vector<1x1xf32> -> vector<1x2xf32>
    %swap3A = arith.constant 0 : index
    %swap3A_1209 = arith.constant 0 : index
    %swap3A_1210 = vector.load %arg48[%swap3A, %swap3A_1209] : memref<1x2xf32, #tpu.memory_space<vmem>>, vector<1x2xf32>
    tpu.vector_store %arg48[%swap3A, %swap3A_1209], %concatenate3A {strides = array<i32>} : memref<1x2xf32, #tpu.memory_space<vmem>>, vector<1x2xf32>,
    return
  }
}

</mosaic_0001>

<sc_bundles>
// kernel: kernel.4.cloned.1.call-start
scs
__scs_entry_jumppad:
0x0: {  	(pc) =	sbr.rel $0x88, $3  }
0x1: {  	(tag) =	ssettag $0x0;
	lr =	simm.s32 $0x1  }
0x2: {  	[smem:$0x3F72] =	sst lr;
	_ =	strace $0xD0000000  }
0x3: {  	_ = 	snop  }
0x4: {  	_ = 	snop  }
0x5: {  	_ = 	snop  }
0x6: {  	_ = 	snop  }
0x7: {  	_ = 	snop  }
__scs_overlays_trampoline_lowered:
0x8: {  	[smem:$0x3F81] =	sst s0  }
0x9: {  	[smem:$0x3F82] =	sst s1  }
0xa: {  	[smem:$0x3F83] =	sst s2  }
0xb: {  	[smem:$0x3F84] =	sst s3  }
0xc: {  	[smem:$0x3F85] =	sst s4  }
0xd: {  	[smem:$0x3F86] =	sst s5  }
0xe: {  	[smem:$0x3F87] =	sst s6  }
0xf: {  	[smem:$0x3F88] =	sst s7  }
0x10: {  	[smem:$0x3F89] =	sst s8  }
0x11: {  	[smem:$0x3F8A] =	sst s9;
	s0 =	simm.s32 @!p0 $0x0  }
0x12: {  	s1 =	sld [smem:$0x3F70];
	s0 =	simm.s32 @p0 $0x1  }
0x13: {  	[smem:$0x3F8B] =	sst s0;
	s0 =	simm.s32 @!p1 $0x0  }
0x14: {  	s2 =	sld [smem:$0x3F6F];
	s0 =	simm.s32 @p1 $0x1  }
0x15: {  	[smem:$0x3F8C] =	sst s0;
	s0 =	simm.s32 @!p2 $0x0  }
0x16: {  	s3 =	sld [smem:$0x3FDB];
	s0 =	simm.s32 @p2 $0x1  }
0x17: {  	s4 =	simm.s32 $0x1BF5;
	[smem:$0x3F8E] =	sst s0  }
0x18: {  	s0 =	sld [smem:$0x3F71];
	_ =	swait.ge [sflag:s4], $0x0  }
0x19: {  	s7 =	sld [smem:$0x3F72]  }
0x1a: {  	s8 =	sadd.s32 $0xFFFFE003, lr  }
0x1b: {  	s9 =	sadd.s32 $0xFFFFFEF7, lr;
	s5 =	simm.s32 $0xFFFFFFFF;
	p2 =	slt.u32 s8, $0xFFFFF086  }
0x1c: {  	p1 =	slt.u32 s9, $0xF7A;
	s5 =	simm.s32 @!p2 $0x0  }
0x1d: {  	s5 =	simm.s32 @p1 $0x1;
	p0 =	seq.s32 s7, s2  }
0x1e: {  	s7 =	smul.u32 @!p0 $0xF7A, s2;
	p2 =	seq.s32 @!p0 s5, $0x0  }
0x1f: {  	s9 =	smul.u32 $0xF7A, s1;
	s8 =	simm.s32 @!p0 $0x1BF5;
	p2 =	por !p2, p0  }
0x20: {  	[sflag:s8] =	ssyncset.s32 @!p0 $0xFFFFF086;
	s6 =	sadd.s32 @!p0 s3, s7;
	s7 =	simm.s32 @!p0 $0x108  }
0x21: {  	s3 =	sadd.s32 s3, s9;
	s6 =	sadd.s32 @!p0 $0x88, s6;
	s7 =	simm.s32 @p2 $0x1082  }
0x22: {  	[simem:s7], [sflag:s8] =	dma.local @!p0 [hbm:s6], $0xF7A  }
0x23: {  	s9 =	sor.u32 $0xD0000000, s2;
	s6 =	simm.s32 $0x108;
	_ =	swait.ge @!p0 [sflag:s8], $0x0  }
0x24: {  	s3 =	sadd.s32 $0x88, s3;
	s6 =	simm.s32 @!p1 $0x1082;
	[sflag:s4] =	ssyncset.s32 $0xFFFFF086  }
0x25: {  	[simem:s6], [sflag:s4] =	dma.local [hbm:s3], $0xF7A  }
0x26: {  	[smem:$0x3F72] =	sst s1;
	(tag) =	ssettag s2;
	_ =	strace s9  }
0x27: {  	s1 =	sld [smem:$0x3F82]  }
0x28: {  	s2 =	sld [smem:$0x3F83]  }
0x29: {  	s4 =	sld [smem:$0x3F85]  }
0x2a: {  	p0 =	seq.s32 s5, $0x0;
	s5 =	sld [smem:$0x3F86]  }
0x2b: {  	s6 =	sld [smem:$0x3F87]  }
0x2c: {  	s7 =	sld [smem:$0x3F88]  }
0x2d: {  	s3 =	simm.s32 $0x108;
	s8 =	sld [smem:$0x3F89]  }
0x2e: {  	s3 =	simm.s32 @!p0 $0x1082;
	s9 =	sld [smem:$0x3F8A]  }
0x2f: {  	lr =	sadd.s32 s0, s3;
	s0 =	sld [smem:$0x3F81]  }
0x30: {  	s3 =	sld [smem:$0x3F84]  }
0x31: {  	[smem:$0x3F8D] =	sst s10  }
0x32: {  	s10 =	sld [smem:$0x3F8B];
	_ =	sdelay $0x3  }
0x33: {  	p0 =	seq.s32 s10, $0x1;
	s10 =	sld [smem:$0x3F8D];
	_ =	sdelay $0x3  }
0x34: {  	[smem:$0x3F8D] =	sst s10  }
0x35: {  	s10 =	sld [smem:$0x3F8C];
	_ =	sdelay $0x3  }
0x36: {  	p1 =	seq.s32 s10, $0x1;
	s10 =	sld [smem:$0x3F8D];
	_ =	sdelay $0x3  }
0x37: {  	[smem:$0x3F8D] =	sst s10  }
0x38: {  	s10 =	sld [smem:$0x3F8E]  }
0x39: {  	_ = 	snop;
	(pc) =	sbr.ind lr, $3  }
0x3a: {  	_ = 	snop  }
0x3b: {  	_ = 	snop  }
0x3c: {  	p2 =	seq.s32 s10, $0x1;
	s10 =	sld [smem:$0x3F8D]  }
0x3d: {  	_ =	shalt  }
0x3e: {  	_ =	shalt  }
0x3f: {  	_ =	shalt  }
0x40: {  	_ =	shalt  }
0x41: {  	_ =	shalt  }
0x42: {  	_ =	shalt  }
0x43: {  	_ =	shalt  }
0x44: {  	_ =	shalt  }
0x45: {  	_ =	shalt  }
0x46: {  	_ =	shalt  }
0x47: {  	_ =	shalt  }
0x48: {  	_ =	shalt  }
0x49: {  	_ =	shalt  }
0x4a: {  	_ =	shalt  }
0x4b: {  	_ =	shalt  }
0x4c: {  	_ =	shalt  }
0x4d: {  	_ =	shalt  }
0x4e: {  	_ =	shalt  }
0x4f: {  	_ =	shalt  }
0x50: {  	_ =	shalt  }
0x51: {  	_ =	shalt  }
0x52: {  	_ =	shalt  }
0x53: {  	_ =	shalt  }
0x54: {  	_ =	shalt  }
0x55: {  	_ =	shalt  }
0x56: {  	_ =	shalt  }
0x57: {  	_ =	shalt  }
0x58: {  	_ =	shalt  }
0x59: {  	_ =	shalt  }
0x5a: {  	_ =	shalt  }
0x5b: {  	_ =	shalt  }
0x5c: {  	_ =	shalt  }
0x5d: {  	_ =	shalt  }
0x5e: {  	_ =	shalt  }
0x5f: {  	_ =	shalt  }
0x60: {  	_ =	shalt  }
0x61: {  	_ =	shalt  }
0x62: {  	_ =	shalt  }
0x63: {  	_ =	shalt  }
0x64: {  	_ =	shalt  }
0x65: {  	_ =	shalt  }
0x66: {  	_ =	shalt  }
0x67: {  	_ =	shalt  }
0x68: {  	_ =	shalt  }
0x69: {  	_ =	shalt  }
0x6a: {  	_ =	shalt  }
0x6b: {  	_ =	shalt  }
0x6c: {  	_ =	shalt  }
0x6d: {  	_ =	shalt  }
0x6e: {  	_ =	shalt  }
0x6f: {  	_ =	shalt  }
0x70: {  	_ =	shalt  }
0x71: {  	_ =	shalt  }
0x72: {  	_ =	shalt  }
0x73: {  	_ =	shalt  }
0x74: {  	_ =	shalt  }
0x75: {  	_ =	shalt  }
0x76: {  	_ =	shalt  }
0x77: {  	_ =	shalt  }
0x78: {  	_ =	shalt  }
0x79: {  	_ =	shalt  }
0x7a: {  	_ =	shalt  }
0x7b: {  	_ =	shalt  }
0x7c: {  	_ =	shalt  }
0x7d: {  	_ =	shalt  }
0x7e: {  	_ =	shalt  }
0x7f: {  	_ =	shalt  }
0x80: {  	_ =	shalt  }
0x81: {  	_ =	shalt  }
0x82: {  	_ =	shalt  }
0x83: {  	_ =	shalt  }
0x84: {  	_ =	shalt  }
0x85: {  	_ =	shalt  }
0x86: {  	_ =	shalt  }
0x87: {  	_ =	shalt  }
.Lfunc_end0:
.L_simem_size_0:
called_computation_lowered:
.L_overlay_start_0:
0x88: {  	s2 =	sld [smem:$0x3FD9]  }
0x89: {  	s3 =	sld [smem:$0x3FFE];
	_ =	sdelay $0x1  }
0x8a: {  	s1 =	srdreg.scid  }
0x8b: {  	s0 =	sand.u32 $0x1, s1  }
0x8c: {  	s16 =	sshll.u32 s0, $0xA;
	s2 =	sadd.s32 s3, s2  }
0x8d: {  	s2 =	sadd.s32 s2, s16  }
0x8e: {  	[smem:$0x3F99] =	sst s2  }
0x8f: {  	_ = 	snop  }
0x90: {  	(tm) =	ssettm $0x1  }
0x91: {  	s17 =	sld [smem:$0x3FFB];
	_ =	sdelay $0x3  }
0x92: {  	_ =	strace s17  }
0x93: {  	s2 =	sld [smem:$0x3FFC];
	_ =	sdelay $0x3  }
0x94: {  	_ =	strace s2  }
0x95: {  	s2 =	sld [smem:$0x3FFD];
	_ =	sdelay $0x3  }
0x96: {  	_ =	strace s2  }
0x97: {  	_ =	strace $0x8FFFFFFF  }
0x98: {  	s18 =	sld [smem:$0x3FDB];
	_ =	sdelay $0x1  }
0x99: {  	s19 =	simm.s32 $_scs_section_size  }
0x9a: {  	s4 =	simm.s32 $_size__tile_overlayer_lowered;
	s5 =	simm.s32 $_tile_overlayer_lowered  }
0x9b: {  	s22 =	simm.s32 $0x1BFF;
	s21 =	sshll.u32 s5, $0x1;
	s2 =	sadd.s32 s19, s18  }
0x9c: {  	s6 =	simm.s32 $0x0;
	s20 =	sshll.u32 s4, $0x1;
	s4 =	sadd.s32 s21, s2  }
0x9d: {  	[timem:s6], [sflag:s22] =	dma.local [hbm:s4], s20  }
0x9e: {  	_ =	swait.ge [sflag:s22], s20  }
0x9f: {  	s3 =	ssub.s32 $0x0, s20;
	[sflag:s22] =	ssyncset.done $0x0  }
0xa0: {  	[sflag:s22] =	ssyncadd.s32 s3;
	_ =	sdelay $0x1  }
0xa1: {  	s23 =	simm.s32 $0x1B8B  }
0xa2: {  	_ =	swait.ge [sflag:s23], $0x1  }
0xa3: {  	[sflag:s23] =	ssyncset.done $0x0  }
0xa4: {  	s25 =	simm.s32 $0x1B8E;
	s24 =	sld [smem:$0x3FFE];
	[sflag:s23] =	ssyncadd.s32 $0xFFFFFFFF  }
0xa5: {  	s26 =	simm.s32 $execute0_lowered;
	[smem:$0x3FD2] =	sst s25  }
0xa6: {  	s4 =	sshll.u32 s26, $0x1;
	_ =	strace $0x80000046;
	[dreg:$0x1] =	wrdreg $0xFFFFFFFF  }
0xa7: {  	s28 =	simm.s32 $_size_execute0_lowered;
	s2 =	sadd.s32 s2, s4;
	[dreg:$0x0] =	wrdreg $0x0  }
0xa8: {  	s4 =	sshll.u32 s28, $0x1;
	[dreg:$0x2] =	wrdreg s2  }
0xa9: {  	[dreg:$0x3] =	wrdreg s4  }
0xaa: {  	[dreg:$0x4] =	wrdreg $0xC0  }
0xab: {  	_ =	task [dreg:s6], $0x5FFFF  }
0xac: {  	[dreg:$0x1] =	wrdreg $0xFFFFFFFF  }
0xad: {  	[dreg:$0x0] =	wrdreg $0x60  }
0xae: {  	[dreg:$0x2] =	wrdreg s24  }
0xaf: {  	[dreg:$0x3] =	wrdreg $0x9  }
0xb0: {  	_ =	task.clear_ibuf [dreg:s6], $0x4FFFF;
	_ =	strace $0x90000046  }
0xb1: {  	s29 =	simm.s32 $0x9;
	_ =	strace $0x80000048  }
0xb2: {  	_ =	swait.ge [sflag:s29], $0x1  }
0xb3: {  	[sflag:s29] =	ssyncadd.s32 $0xFFFFFFFF  }
0xb4: {  	_ =	strace $0x90000048  }
0xb5: {  	_ =	sfence  }
0xb6: {  	s30 =	sld [smem:$0x0];
	_ =	sdelay $0x2  }
0xb7: {  	s31 =	sshll.u32 s1, $0xD;
	s1 =	sshrl.u32 s1, $0x2  }
0xb8: {  	s3 =	sand.u32 $0x4000, s31;
	s1 =	sadd.s32 s1, s30  }
0xb9: {  	s0 =	sor.u32 s3, s0;
	s1 =	sshll.u32 s1, $0x11  }
0xba: {  	s0 =	sor.u32 s1, s0  }
0xbb: {  	s0 =	sadd.s32 $0x8F2B, s0  }
0xbc: {  	[sflag:s0] =	ssyncadd.remote.s32 $0x1  }
0xbd: {  	_ =	sfence.sel $0xFFFF  }
0xbe: {  	[dreg:$0x0] =	wrdreg $0xFFFFFFFF;
	(pc) =	sbr.abs _section_cstart, $3  }
0xbf: {  	[dreg:$0x1] =	wrdreg $0xFFFFFFFF  }
0xc0: {  	_ =	task.clear_ibuf [dreg:s6], $0x2FFFF;
	_ =	strace $0x9FFFFFFF  }
0xc1: {  	(tm) =	ssettm $0x7FFFFFFF  }
tec
execute0_lowered:
.L_overlay_start_1:
0x0: {  	(tag) =	ssettag $0x1  }
0x1: {  	s1 =	stileid.u32  }
0x2: {  	p0 =	sgt.u32 s1, $0x3  }
.Ltmp0:
0x3: {  	_ = 	snop;
	(pc) =	sbr.rel @p0 .LBB2_3-.Ltmp0, $4  }
0x4: {  	_ = 	snop  }
0x5: {  	s3 =	rddreg [dreg:$0x0];
	s2 =	simm.s32 $0x0  }
0x6: {  	[smem:$0x7FF] =	sst s2  }
0x7: {  	s0 =	rddreg [dreg:$0x1];
	_ =	strace $0x80000047  }
0x8: {  	s4 =	srdreg.scid;
	s5 =	sshll.u32 s1, $0x1  }
0x9: {  	s6 =	sadd.s32 $0x5200, s3;
	s10 =	simm.s32 $0x400;
	s4 =	sand.u32 $0x1, s4  }
0xa: {  	s11 =	simm.s32 $0x2000;
	s12 =	simm.s32 $0x100;
	s5 =	sor.u32 s4, s5  }
0xb: {  	s13 =	simm.s32 $0x900;
	s8 =	ssub.s32 $0x2, s4;
	s7 =	sshll.u32 s5, $0x4  }
0xc: {  	s5 =	sshll.u32 s5, $0x7;
	s9 =	sshrl.u32 s8, $0x1;
	s31 =	sadd.s32 s7, s3  }
0xd: {  	s5 =	sadd.s32 s5, s3;
	s8 =	ssub.s32 s8, s9;
	s6 =	sadd.s32 s6, s7  }
0xe: {  	s9 =	simm.s32 $0x80;
	s3 =	sadd.s32 $0x5400, s31;
	s4 =	sadd.s32 $0x5600, s5  }
0xf: {  	v0 =	vimm.f32 $0.0e+00;
	s5 =	sadd.s32 $0x5E00, s5;
	s7 =	smax.u32 s8, $0x1;
	s8 =	simm.s32 $0x1  }
.LBB2_2:
0x10: {  	[tilespmem:s2], [sflag:$0x1] =	stream.linear.gather [hbm4b:s6+s2], $0x80, $0x38;
	[tilespmem:$0x1100] =	vst v63  }
0x11: {  	_ =	swait.ge [sflag:s8], $0x80  }
0x12: {  	[sflag:s8] =	ssyncset.done $0x0  }
0x13: {  	[sflag:s8] =	ssyncadd.s32 $0xFFFFFF80  }
0x14: {  	[tilespmem:s9], [sflag:$0x1] =	stream.linear.gather [hbm4b:s3+s2], $0x80, $0x38;
	[tilespmem:$0x1100] =	vst v63  }
0x15: {  	_ =	swait.ge [sflag:s8], $0x80  }
0x16: {  	[sflag:s8] =	ssyncset.done $0x0  }
0x17: {  	[sflag:s8] =	ssyncadd.s32 $0xFFFFFF80  }
0x18: {  	v1 =	vld [tilespmem:$0x0]  }
0x19: {  	v2 =	vld [tilespmem:$0x80];
	_ =	sdelay $0x3  }
0x1a: {  	vm0 =	veq.s32 v1, $0x0  }
0x1b: {  	vm13 =	veq.s32 v2, $0x0;
	v3 =	vsel vm0, $0x3F800000, v0  }
0x1c: {  	vm14 =	veq.s32 v1, $0x1;
	[tilespmem:$0x100] =	vst v3;
	v3 =	vsel vm13, $0x3F800000, v0  }
0x1d: {  	vm15 =	veq.s32 v2, $0x1;
	[tilespmem:$0x900] =	vst v3;
	v3 =	vsel vm14, $0x3F800000, v0  }
0x1e: {  	vm4 =	veq.s32 v1, $0x2;
	[tilespmem:$0x180] =	vst v3;
	v3 =	vsel vm15, $0x3F800000, v0  }
0x1f: {  	vm5 =	veq.s32 v2, $0x2;
	[tilespmem:$0x980] =	vst v3;
	v3 =	vsel vm4, $0x3F800000, v0  }
0x20: {  	vm6 =	veq.s32 v1, $0x3;
	[tilespmem:$0x200] =	vst v3;
	v3 =	vsel vm5, $0x3F800000, v0  }
0x21: {  	vm7 =	veq.s32 v2, $0x3;
	[tilespmem:$0xA00] =	vst v3;
	v3 =	vsel vm6, $0x3F800000, v0  }
0x22: {  	vm8 =	veq.s32 v1, $0x4;
	[tilespmem:$0x280] =	vst v3;
	v3 =	vsel vm7, $0x3F800000, v0  }
0x23: {  	vm9 =	veq.s32 v2, $0x4;
	[tilespmem:$0xA80] =	vst v3;
	v3 =	vsel vm8, $0x3F800000, v0  }
0x24: {  	vm10 =	veq.s32 v1, $0x5;
	[tilespmem:$0x300] =	vst v3;
	v3 =	vsel vm9, $0x3F800000, v0  }
0x25: {  	vm11 =	veq.s32 v2, $0x5;
	[tilespmem:$0xB00] =	vst v3;
	v3 =	vsel vm10, $0x3F800000, v0  }
0x26: {  	vm12 =	veq.s32 v1, $0x6;
	[tilespmem:$0x380] =	vst v3;
	v3 =	vsel vm11, $0x3F800000, v0  }
0x27: {  	vm13 =	veq.s32 v2, $0x6;
	[tilespmem:$0xB80] =	vst v3;
	v3 =	vsel vm12, $0x3F800000, v0  }
0x28: {  	vm14 =	veq.s32 v1, $0x7;
	[tilespmem:$0x400] =	vst v3;
	v3 =	vsel vm13, $0x3F800000, v0  }
0x29: {  	vm15 =	veq.s32 v2, $0x7;
	[tilespmem:$0xC00] =	vst v3;
	v3 =	vsel vm14, $0x3F800000, v0  }
0x2a: {  	vm4 =	veq.s32 v1, $0x8;
	[tilespmem:$0x480] =	vst v3;
	v3 =	vsel vm15, $0x3F800000, v0  }
0x2b: {  	vm5 =	veq.s32 v2, $0x8;
	[tilespmem:$0xC80] =	vst v3;
	v3 =	vsel vm4, $0x3F800000, v0  }
0x2c: {  	vm6 =	veq.s32 v1, $0x9;
	vm7 =	veq.s32 v2, $0x9;
	[tilespmem:$0x500] =	vst v3;
	v3 =	vsel vm5, $0x3F800000, v0  }
0x2d: {  	v4 =	vld [tilespmem:$0x10];
	vm8 =	veq.s32 v1, $0xA;
	vm10 =	veq.s32 v1, $0xB;
	[tilespmem:$0xD00] =	vst v3;
	v3 =	vsel vm6, $0x3F800000, v0  }
0x2e: {  	vm12 =	veq.s32 v1, $0xC;
	vm6 =	veq.s32 v1, $0xF;
	[tilespmem:$0x580] =	vst v3;
	v3 =	vsel vm7, $0x3F800000, v0  }
0x2f: {  	v5 =	vld [tilespmem:$0x90];
	vm14 =	veq.s32 v1, $0xD;
	vm4 =	veq.s32 v1, $0xE;
	v1 =	vsel vm6, $0x3F800000, v0;
	[tilespmem:$0xD80] =	vst v3  }
0x30: {  	vm7 =	veq.s32 v2, $0xF;
	v3 =	vsel vm8, $0x3F800000, v0;
	[tilespmem:$0x880] =	vst v1  }
0x31: {  	vm9 =	veq.s32 v2, $0xA;
	v1 =	vsel vm7, $0x3F800000, v0;
	[tilespmem:$0x600] =	vst v3  }
0x32: {  	vm8 =	veq.s32 v4, $0x0;
	v3 =	vsel vm9, $0x3F800000, v0;
	[tilespmem:$0x1080] =	vst v1  }
0x33: {  	v1 =	vsel vm8, $0x3F800000, v0;
	[tilespmem:$0xE00] =	vst v3  }
0x34: {  	vm9 =	veq.s32 v5, $0x0;
	v3 =	vsel vm10, $0x3F800000, v0;
	[tilespmem:$0x110] =	vst v1  }
0x35: {  	vm11 =	veq.s32 v2, $0xB;
	v1 =	vsel vm9, $0x3F800000, v0;
	[tilespmem:$0x680] =	vst v3  }
0x36: {  	vm10 =	veq.s32 v4, $0x1;
	v3 =	vsel vm11, $0x3F800000, v0;
	[tilespmem:$0x910] =	vst v1  }
0x37: {  	v1 =	vsel vm10, $0x3F800000, v0;
	[tilespmem:$0xE80] =	vst v3  }
0x38: {  	vm11 =	veq.s32 v5, $0x1;
	v3 =	vsel vm12, $0x3F800000, v0;
	[tilespmem:$0x190] =	vst v1  }
0x39: {  	vm13 =	veq.s32 v2, $0xC;
	v1 =	vsel vm11, $0x3F800000, v0;
	[tilespmem:$0x700] =	vst v3  }
0x3a: {  	vm12 =	veq.s32 v4, $0x2;
	v3 =	vsel vm13, $0x3F800000, v0;
	[tilespmem:$0x990] =	vst v1  }
0x3b: {  	v1 =	vsel vm12, $0x3F800000, v0;
	[tilespmem:$0xF00] =	vst v3  }
0x3c: {  	vm13 =	veq.s32 v5, $0x2;
	v3 =	vsel vm14, $0x3F800000, v0;
	[tilespmem:$0x210] =	vst v1  }
0x3d: {  	vm15 =	veq.s32 v2, $0xD;
	v1 =	vsel vm13, $0x3F800000, v0;
	[tilespmem:$0x780] =	vst v3  }
0x3e: {  	vm14 =	veq.s32 v4, $0x3;
	v3 =	vsel vm15, $0x3F800000, v0;
	[tilespmem:$0xA10] =	vst v1  }
0x3f: {  	v1 =	vsel vm14, $0x3F800000, v0;
	[tilespmem:$0xF80] =	vst v3  }
0x40: {  	vm15 =	veq.s32 v5, $0x3;
	v3 =	vsel vm4, $0x3F800000, v0;
	[tilespmem:$0x290] =	vst v1  }
0x41: {  	vm5 =	veq.s32 v2, $0xE;
	v1 =	vsel vm15, $0x3F800000, v0;
	[tilespmem:$0x800] =	vst v3  }
0x42: {  	vm4 =	veq.s32 v4, $0x4;
	v3 =	vsel vm5, $0x3F800000, v0;
	[tilespmem:$0xA90] =	vst v1  }
0x43: {  	v1 =	vsel vm4, $0x3F800000, v0;
	vm5 =	veq.s32 v5, $0x4;
	[tilespmem:$0x1000] =	vst v3  }
0x44: {  	vm6 =	veq.s32 v4, $0x5;
	[tilespmem:$0x310] =	vst v1;
	v1 =	vsel vm5, $0x3F800000, v0  }
0x45: {  	vm7 =	veq.s32 v5, $0x5;
	[tilespmem:$0xB10] =	vst v1;
	v1 =	vsel vm6, $0x3F800000, v0  }
0x46: {  	vm8 =	veq.s32 v4, $0x6;
	[tilespmem:$0x390] =	vst v1;
	v1 =	vsel vm7, $0x3F800000, v0  }
0x47: {  	vm9 =	veq.s32 v5, $0x6;
	[tilespmem:$0xB90] =	vst v1;
	v1 =	vsel vm8, $0x3F800000, v0  }
0x48: {  	vm10 =	veq.s32 v4, $0x7;
	[tilespmem:$0x410] =	vst v1;
	v1 =	vsel vm9, $0x3F800000, v0  }
0x49: {  	vm11 =	veq.s32 v5, $0x7;
	[tilespmem:$0xC10] =	vst v1;
	v1 =	vsel vm10, $0x3F800000, v0  }
0x4a: {  	vm12 =	veq.s32 v4, $0x8;
	[tilespmem:$0x490] =	vst v1;
	v1 =	vsel vm11, $0x3F800000, v0  }
0x4b: {  	vm13 =	veq.s32 v5, $0x8;
	[tilespmem:$0xC90] =	vst v1;
	v1 =	vsel vm12, $0x3F800000, v0  }
0x4c: {  	vm14 =	veq.s32 v4, $0x9;
	[tilespmem:$0x510] =	vst v1;
	v1 =	vsel vm13, $0x3F800000, v0  }
0x4d: {  	vm15 =	veq.s32 v5, $0x9;
	[tilespmem:$0xD10] =	vst v1;
	v1 =	vsel vm14, $0x3F800000, v0  }
0x4e: {  	vm4 =	veq.s32 v4, $0xA;
	[tilespmem:$0x590] =	vst v1;
	v1 =	vsel vm15, $0x3F800000, v0  }
0x4f: {  	vm5 =	veq.s32 v5, $0xA;
	[tilespmem:$0xD90] =	vst v1;
	v1 =	vsel vm4, $0x3F800000, v0  }
0x50: {  	vm6 =	veq.s32 v4, $0xB;
	[tilespmem:$0x610] =	vst v1;
	v1 =	vsel vm5, $0x3F800000, v0  }
0x51: {  	vm7 =	veq.s32 v5, $0xB;
	[tilespmem:$0xE10] =	vst v1;
	v1 =	vsel vm6, $0x3F800000, v0  }
0x52: {  	vm8 =	veq.s32 v4, $0xC;
	[tilespmem:$0x690] =	vst v1;
	v1 =	vsel vm7, $0x3F800000, v0  }
0x53: {  	vm9 =	veq.s32 v5, $0xC;
	[tilespmem:$0xE90] =	vst v1;
	v1 =	vsel vm8, $0x3F800000, v0  }
0x54: {  	vm10 =	veq.s32 v4, $0xD;
	[tilespmem:$0x710] =	vst v1;
	v1 =	vsel vm9, $0x3F800000, v0  }
0x55: {  	v2 =	vld [tilespmem:$0x20];
	vm11 =	veq.s32 v5, $0xD;
	[tilespmem:$0xF10] =	vst v1;
	v1 =	vsel vm10, $0x3F800000, v0  }
0x56: {  	v3 =	vld [tilespmem:$0xA0];
	vm12 =	veq.s32 v4, $0xE;
	[tilespmem:$0x790] =	vst v1;
	v1 =	vsel vm11, $0x3F800000, v0  }
0x57: {  	vm13 =	veq.s32 v5, $0xE;
	[tilespmem:$0xF90] =	vst v1;
	v1 =	vsel vm12, $0x3F800000, v0  }
0x58: {  	vm14 =	veq.s32 v4, $0xF;
	[tilespmem:$0x810] =	vst v1;
	v1 =	vsel vm13, $0x3F800000, v0  }
0x59: {  	vm15 =	veq.s32 v5, $0xF;
	[tilespmem:$0x1010] =	vst v1;
	v1 =	vsel vm14, $0x3F800000, v0  }
0x5a: {  	vm4 =	veq.s32 v2, $0x0;
	[tilespmem:$0x890] =	vst v1;
	v1 =	vsel vm15, $0x3F800000, v0  }
0x5b: {  	vm5 =	veq.s32 v3, $0x0;
	[tilespmem:$0x1090] =	vst v1;
	v1 =	vsel vm4, $0x3F800000, v0  }
0x5c: {  	vm6 =	veq.s32 v2, $0x1;
	[tilespmem:$0x120] =	vst v1;
	v1 =	vsel vm5, $0x3F800000, v0  }
0x5d: {  	vm7 =	veq.s32 v3, $0x1;
	[tilespmem:$0x920] =	vst v1;
	v1 =	vsel vm6, $0x3F800000, v0  }
0x5e: {  	vm8 =	veq.s32 v2, $0x2;
	[tilespmem:$0x1A0] =	vst v1;
	v1 =	vsel vm7, $0x3F800000, v0  }
0x5f: {  	vm9 =	veq.s32 v3, $0x2;
	[tilespmem:$0x9A0] =	vst v1;
	v1 =	vsel vm8, $0x3F800000, v0  }
0x60: {  	vm10 =	veq.s32 v2, $0x3;
	[tilespmem:$0x220] =	vst v1;
	v1 =	vsel vm9, $0x3F800000, v0  }
0x61: {  	vm11 =	veq.s32 v3, $0x3;
	[tilespmem:$0xA20] =	vst v1;
	v1 =	vsel vm10, $0x3F800000, v0  }
0x62: {  	vm12 =	veq.s32 v2, $0x4;
	[tilespmem:$0x2A0] =	vst v1;
	v1 =	vsel vm11, $0x3F800000, v0  }
0x63: {  	vm13 =	veq.s32 v3, $0x4;
	[tilespmem:$0xAA0] =	vst v1;
	v1 =	vsel vm12, $0x3F800000, v0  }
0x64: {  	vm14 =	veq.s32 v2, $0x5;
	[tilespmem:$0x320] =	vst v1;
	v1 =	vsel vm13, $0x3F800000, v0  }
0x65: {  	vm15 =	veq.s32 v3, $0x5;
	[tilespmem:$0xB20] =	vst v1;
	v1 =	vsel vm14, $0x3F800000, v0  }
0x66: {  	vm4 =	veq.s32 v2, $0x6;
	[tilespmem:$0x3A0] =	vst v1;
	v1 =	vsel vm15, $0x3F800000, v0  }
0x67: {  	vm5 =	veq.s32 v3, $0x6;
	[tilespmem:$0xBA0] =	vst v1;
	v1 =	vsel vm4, $0x3F800000, v0  }
0x68: {  	vm6 =	veq.s32 v2, $0x7;
	[tilespmem:$0x420] =	vst v1;
	v1 =	vsel vm5, $0x3F800000, v0  }
0x69: {  	vm7 =	veq.s32 v3, $0x7;
	[tilespmem:$0xC20] =	vst v1;
	v1 =	vsel vm6, $0x3F800000, v0  }
0x6a: {  	vm8 =	veq.s32 v2, $0x8;
	[tilespmem:$0x4A0] =	vst v1;
	v1 =	vsel vm7, $0x3F800000, v0  }
0x6b: {  	vm9 =	veq.s32 v3, $0x8;
	[tilespmem:$0xCA0] =	vst v1;
	v1 =	vsel vm8, $0x3F800000, v0  }
0x6c: {  	vm10 =	veq.s32 v2, $0x9;
	[tilespmem:$0x520] =	vst v1;
	v1 =	vsel vm9, $0x3F800000, v0  }
0x6d: {  	vm11 =	veq.s32 v3, $0x9;
	[tilespmem:$0xD20] =	vst v1;
	v1 =	vsel vm10, $0x3F800000, v0  }
0x6e: {  	vm12 =	veq.s32 v2, $0xA;
	[tilespmem:$0x5A0] =	vst v1;
	v1 =	vsel vm11, $0x3F800000, v0  }
0x6f: {  	vm13 =	veq.s32 v3, $0xA;
	[tilespmem:$0xDA0] =	vst v1;
	v1 =	vsel vm12, $0x3F800000, v0  }
0x70: {  	vm14 =	veq.s32 v2, $0xB;
	[tilespmem:$0x620] =	vst v1;
	v1 =	vsel vm13, $0x3F800000, v0  }
0x71: {  	vm15 =	veq.s32 v3, $0xB;
	[tilespmem:$0xE20] =	vst v1;
	v1 =	vsel vm14, $0x3F800000, v0  }
0x72: {  	vm4 =	veq.s32 v2, $0xC;
	[tilespmem:$0x6A0] =	vst v1;
	v1 =	vsel vm15, $0x3F800000, v0  }
0x73: {  	vm5 =	veq.s32 v3, $0xC;
	[tilespmem:$0xEA0] =	vst v1;
	v1 =	vsel vm4, $0x3F800000, v0  }
0x74: {  	vm6 =	veq.s32 v2, $0xD;
	[tilespmem:$0x720] =	vst v1;
	v1 =	vsel vm5, $0x3F800000, v0  }
0x75: {  	v58 =	vld [tilespmem:$0x30];
	vm7 =	veq.s32 v3, $0xD;
	[tilespmem:$0xF20] =	vst v1;
	v1 =	vsel vm6, $0x3F800000, v0  }
0x76: {  	v59 =	vld [tilespmem:$0xB0];
	vm8 =	veq.s32 v2, $0xE;
	[tilespmem:$0x7A0] =	vst v1;
	v1 =	vsel vm7, $0x3F800000, v0  }
0x77: {  	vm9 =	veq.s32 v3, $0xE;
	[tilespmem:$0xFA0] =	vst v1;
	v1 =	vsel vm8, $0x3F800000, v0  }
0x78: {  	vm10 =	veq.s32 v2, $0xF;
	[tilespmem:$0x820] =	vst v1;
	v1 =	vsel vm9, $0x3F800000, v0  }
0x79: {  	vm11 =	veq.s32 v3, $0xF;
	[tilespmem:$0x1020] =	vst v1;
	v1 =	vsel vm10, $0x3F800000, v0  }
0x7a: {  	vm12 =	veq.s32 v58, $0x0;
	[tilespmem:$0x8A0] =	vst v1;
	v1 =	vsel vm11, $0x3F800000, v0  }
0x7b: {  	vm13 =	veq.s32 v59, $0x0;
	[tilespmem:$0x10A0] =	vst v1;
	v1 =	vsel vm12, $0x3F800000, v0  }
0x7c: {  	vm14 =	veq.s32 v58, $0x1;
	[tilespmem:$0x130] =	vst v1;
	v1 =	vsel vm13, $0x3F800000, v0  }
0x7d: {  	vm15 =	veq.s32 v59, $0x1;
	[tilespmem:$0x930] =	vst v1;
	v1 =	vsel vm14, $0x3F800000, v0  }
0x7e: {  	vm4 =	veq.s32 v58, $0x2;
	[tilespmem:$0x1B0] =	vst v1;
	v1 =	vsel vm15, $0x3F800000, v0  }
0x7f: {  	vm5 =	veq.s32 v59, $0x2;
	[tilespmem:$0x9B0] =	vst v1;
	v1 =	vsel vm4, $0x3F800000, v0  }
0x80: {  	vm6 =	veq.s32 v58, $0x3;
	[tilespmem:$0x230] =	vst v1;
	v1 =	vsel vm5, $0x3F800000, v0  }
0x81: {  	vm7 =	veq.s32 v59, $0x3;
	[tilespmem:$0xA30] =	vst v1;
	v1 =	vsel vm6, $0x3F800000, v0  }
0x82: {  	vm8 =	veq.s32 v58, $0x4;
	[tilespmem:$0x2B0] =	vst v1;
	v1 =	vsel vm7, $0x3F800000, v0  }
0x83: {  	vm9 =	veq.s32 v59, $0x4;
	[tilespmem:$0xAB0] =	vst v1;
	v1 =	vsel vm8, $0x3F800000, v0  }
0x84: {  	vm10 =	veq.s32 v58, $0x5;
	[tilespmem:$0x330] =	vst v1;
	v1 =	vsel vm9, $0x3F800000, v0  }
0x85: {  	vm11 =	veq.s32 v59, $0x5;
	[tilespmem:$0xB30] =	vst v1;
	v1 =	vsel vm10, $0x3F800000, v0  }
0x86: {  	vm12 =	veq.s32 v58, $0x6;
	[tilespmem:$0x3B0] =	vst v1;
	v1 =	vsel vm11, $0x3F800000, v0  }
0x87: {  	vm13 =	veq.s32 v59, $0x6;
	[tilespmem:$0xBB0] =	vst v1;
	v1 =	vsel vm12, $0x3F800000, v0  }
0x88: {  	vm14 =	veq.s32 v58, $0x7;
	[tilespmem:$0x430] =	vst v1;
	v1 =	vsel vm13, $0x3F800000, v0  }
0x89: {  	vm15 =	veq.s32 v59, $0x7;
	[tilespmem:$0xC30] =	vst v1;
	v1 =	vsel vm14, $0x3F800000, v0  }
0x8a: {  	vm4 =	veq.s32 v58, $0x8;
	[tilespmem:$0x4B0] =	vst v1;
	v1 =	vsel vm15, $0x3F800000, v0  }
0x8b: {  	vm5 =	veq.s32 v59, $0x8;
	[tilespmem:$0xCB0] =	vst v1;
	v1 =	vsel vm4, $0x3F800000, v0  }
0x8c: {  	vm6 =	veq.s32 v58, $0x9;
	[tilespmem:$0x530] =	vst v1;
	v1 =	vsel vm5, $0x3F800000, v0  }
0x8d: {  	vm7 =	veq.s32 v59, $0x9;
	[tilespmem:$0xD30] =	vst v1;
	v1 =	vsel vm6, $0x3F800000, v0  }
0x8e: {  	vm8 =	veq.s32 v58, $0xA;
	[tilespmem:$0x5B0] =	vst v1;
	v1 =	vsel vm7, $0x3F800000, v0  }
0x8f: {  	vm9 =	veq.s32 v59, $0xA;
	[tilespmem:$0xDB0] =	vst v1;
	v1 =	vsel vm8, $0x3F800000, v0  }
0x90: {  	vm10 =	veq.s32 v58, $0xB;
	[tilespmem:$0x630] =	vst v1;
	v1 =	vsel vm9, $0x3F800000, v0  }
0x91: {  	vm11 =	veq.s32 v59, $0xB;
	[tilespmem:$0xE30] =	vst v1;
	v1 =	vsel vm10, $0x3F800000, v0  }
0x92: {  	vm12 =	veq.s32 v58, $0xC;
	[tilespmem:$0x6B0] =	vst v1;
	v1 =	vsel vm11, $0x3F800000, v0  }
0x93: {  	vm13 =	veq.s32 v59, $0xC;
	[tilespmem:$0xEB0] =	vst v1;
	v1 =	vsel vm12, $0x3F800000, v0  }
0x94: {  	vm14 =	veq.s32 v58, $0xD;
	[tilespmem:$0x730] =	vst v1;
	v1 =	vsel vm13, $0x3F800000, v0  }
0x95: {  	v2 =	vld [tilespmem:$0x40];
	vm15 =	veq.s32 v59, $0xD;
	[tilespmem:$0xF30] =	vst v1;
	v1 =	vsel vm14, $0x3F800000, v0  }
0x96: {  	v3 =	vld [tilespmem:$0xC0];
	vm4 =	veq.s32 v58, $0xE;
	[tilespmem:$0x7B0] =	vst v1;
	v1 =	vsel vm15, $0x3F800000, v0  }
0x97: {  	vm5 =	veq.s32 v59, $0xE;
	[tilespmem:$0xFB0] =	vst v1;
	v1 =	vsel vm4, $0x3F800000, v0  }
0x98: {  	vm6 =	veq.s32 v58, $0xF;
	[tilespmem:$0x830] =	vst v1;
	v1 =	vsel vm5, $0x3F800000, v0  }
0x99: {  	vm7 =	veq.s32 v59, $0xF;
	[tilespmem:$0x1030] =	vst v1;
	v1 =	vsel vm6, $0x3F800000, v0  }
0x9a: {  	vm8 =	veq.s32 v2, $0x0;
	[tilespmem:$0x8B0] =	vst v1;
	v1 =	vsel vm7, $0x3F800000, v0  }
0x9b: {  	vm9 =	veq.s32 v3, $0x0;
	[tilespmem:$0x10B0] =	vst v1;
	v1 =	vsel vm8, $0x3F800000, v0  }
0x9c: {  	vm10 =	veq.s32 v2, $0x1;
	[tilespmem:$0x140] =	vst v1;
	v1 =	vsel vm9, $0x3F800000, v0  }
0x9d: {  	vm11 =	veq.s32 v3, $0x1;
	[tilespmem:$0x940] =	vst v1;
	v1 =	vsel vm10, $0x3F800000, v0  }
0x9e: {  	vm12 =	veq.s32 v2, $0x2;
	[tilespmem:$0x1C0] =	vst v1;
	v1 =	vsel vm11, $0x3F800000, v0  }
0x9f: {  	vm13 =	veq.s32 v3, $0x2;
	[tilespmem:$0x9C0] =	vst v1;
	v1 =	vsel vm12, $0x3F800000, v0  }
0xa0: {  	vm14 =	veq.s32 v2, $0x3;
	[tilespmem:$0x240] =	vst v1;
	v1 =	vsel vm13, $0x3F800000, v0  }
0xa1: {  	vm15 =	veq.s32 v3, $0x3;
	[tilespmem:$0xA40] =	vst v1;
	v1 =	vsel vm14, $0x3F800000, v0  }
0xa2: {  	vm4 =	veq.s32 v2, $0x4;
	[tilespmem:$0x2C0] =	vst v1;
	v1 =	vsel vm15, $0x3F800000, v0  }
0xa3: {  	vm5 =	veq.s32 v3, $0x4;
	[tilespmem:$0xAC0] =	vst v1;
	v1 =	vsel vm4, $0x3F800000, v0  }
0xa4: {  	vm6 =	veq.s32 v2, $0x5;
	[tilespmem:$0x340] =	vst v1;
	v1 =	vsel vm5, $0x3F800000, v0  }
0xa5: {  	vm7 =	veq.s32 v3, $0x5;
	[tilespmem:$0xB40] =	vst v1;
	v1 =	vsel vm6, $0x3F800000, v0  }
0xa6: {  	vm8 =	veq.s32 v2, $0x6;
	[tilespmem:$0x3C0] =	vst v1;
	v1 =	vsel vm7, $0x3F800000, v0  }
0xa7: {  	vm9 =	veq.s32 v3, $0x6;
	[tilespmem:$0xBC0] =	vst v1;
	v1 =	vsel vm8, $0x3F800000, v0  }
0xa8: {  	vm10 =	veq.s32 v2, $0x7;
	[tilespmem:$0x440] =	vst v1;
	v1 =	vsel vm9, $0x3F800000, v0  }
0xa9: {  	vm11 =	veq.s32 v3, $0x7;
	[tilespmem:$0xC40] =	vst v1;
	v1 =	vsel vm10, $0x3F800000, v0  }
0xaa: {  	vm12 =	veq.s32 v2, $0x8;
	[tilespmem:$0x4C0] =	vst v1;
	v1 =	vsel vm11, $0x3F800000, v0  }
0xab: {  	vm13 =	veq.s32 v3, $0x8;
	[tilespmem:$0xCC0] =	vst v1;
	v1 =	vsel vm12, $0x3F800000, v0  }
0xac: {  	vm14 =	veq.s32 v2, $0x9;
	[tilespmem:$0x540] =	vst v1;
	v1 =	vsel vm13, $0x3F800000, v0  }
0xad: {  	vm15 =	veq.s32 v3, $0x9;
	[tilespmem:$0xD40] =	vst v1;
	v1 =	vsel vm14, $0x3F800000, v0  }
0xae: {  	vm4 =	veq.s32 v2, $0xA;
	[tilespmem:$0x5C0] =	vst v1;
	v1 =	vsel vm15, $0x3F800000, v0  }
0xaf: {  	vm5 =	veq.s32 v3, $0xA;
	[tilespmem:$0xDC0] =	vst v1;
	v1 =	vsel vm4, $0x3F800000, v0  }
0xb0: {  	vm6 =	veq.s32 v2, $0xB;
	[tilespmem:$0x640] =	vst v1;
	v1 =	vsel vm5, $0x3F800000, v0  }
0xb1: {  	vm7 =	veq.s32 v3, $0xB;
	[tilespmem:$0xE40] =	vst v1;
	v1 =	vsel vm6, $0x3F800000, v0  }
0xb2: {  	vm8 =	veq.s32 v2, $0xC;
	[tilespmem:$0x6C0] =	vst v1;
	v1 =	vsel vm7, $0x3F800000, v0  }
0xb3: {  	vm9 =	veq.s32 v3, $0xC;
	[tilespmem:$0xEC0] =	vst v1;
	v1 =	vsel vm8, $0x3F800000, v0  }
0xb4: {  	vm10 =	veq.s32 v2, $0xD;
	[tilespmem:$0x740] =	vst v1;
	v1 =	vsel vm9, $0x3F800000, v0  }
0xb5: {  	v60 =	vld [tilespmem:$0x50];
	vm11 =	veq.s32 v3, $0xD;
	[tilespmem:$0xF40] =	vst v1;
	v1 =	vsel vm10, $0x3F800000, v0  }
0xb6: {  	v61 =	vld [tilespmem:$0xD0];
	vm12 =	veq.s32 v2, $0xE;
	[tilespmem:$0x7C0] =	vst v1;
	v1 =	vsel vm11, $0x3F800000, v0  }
0xb7: {  	vm13 =	veq.s32 v3, $0xE;
	[tilespmem:$0xFC0] =	vst v1;
	v1 =	vsel vm12, $0x3F800000, v0  }
0xb8: {  	vm14 =	veq.s32 v2, $0xF;
	[tilespmem:$0x840] =	vst v1;
	v1 =	vsel vm13, $0x3F800000, v0  }
0xb9: {  	vm15 =	veq.s32 v3, $0xF;
	[tilespmem:$0x1040] =	vst v1;
	v1 =	vsel vm14, $0x3F800000, v0  }
0xba: {  	vm4 =	veq.s32 v60, $0x0;
	[tilespmem:$0x8C0] =	vst v1;
	v1 =	vsel vm15, $0x3F800000, v0  }
0xbb: {  	vm5 =	veq.s32 v61, $0x0;
	[tilespmem:$0x10C0] =	vst v1;
	v1 =	vsel vm4, $0x3F800000, v0  }
0xbc: {  	vm6 =	veq.s32 v60, $0x1;
	[tilespmem:$0x150] =	vst v1;
	v1 =	vsel vm5, $0x3F800000, v0  }
0xbd: {  	vm7 =	veq.s32 v61, $0x1;
	[tilespmem:$0x950] =	vst v1;
	v1 =	vsel vm6, $0x3F800000, v0  }
0xbe: {  	vm8 =	veq.s32 v60, $0x2;
	[tilespmem:$0x1D0] =	vst v1;
	v1 =	vsel vm7, $0x3F800000, v0  }
0xbf: {  	vm9 =	veq.s32 v61, $0x2;
	[tilespmem:$0x9D0] =	vst v1;
	v1 =	vsel vm8, $0x3F800000, v0  }
0xc0: {  	vm10 =	veq.s32 v60, $0x3;
	[tilespmem:$0x250] =	vst v1;
	v1 =	vsel vm9, $0x3F800000, v0  }
0xc1: {  	vm11 =	veq.s32 v61, $0x3;
	[tilespmem:$0xA50] =	vst v1;
	v1 =	vsel vm10, $0x3F800000, v0  }
0xc2: {  	vm12 =	veq.s32 v60, $0x4;
	[tilespmem:$0x2D0] =	vst v1;
	v1 =	vsel vm11, $0x3F800000, v0  }
0xc3: {  	vm13 =	veq.s32 v61, $0x4;
	[tilespmem:$0xAD0] =	vst v1;
	v1 =	vsel vm12, $0x3F800000, v0  }
0xc4: {  	vm14 =	veq.s32 v60, $0x5;
	[tilespmem:$0x350] =	vst v1;
	v1 =	vsel vm13, $0x3F800000, v0  }
0xc5: {  	vm15 =	veq.s32 v61, $0x5;
	[tilespmem:$0xB50] =	vst v1;
	v1 =	vsel vm14, $0x3F800000, v0  }
0xc6: {  	vm4 =	veq.s32 v60, $0x6;
	[tilespmem:$0x3D0] =	vst v1;
	v1 =	vsel vm15, $0x3F800000, v0  }
0xc7: {  	vm5 =	veq.s32 v61, $0x6;
	[tilespmem:$0xBD0] =	vst v1;
	v1 =	vsel vm4, $0x3F800000, v0  }
0xc8: {  	vm6 =	veq.s32 v60, $0x7;
	[tilespmem:$0x450] =	vst v1;
	v1 =	vsel vm5, $0x3F800000, v0  }
0xc9: {  	vm7 =	veq.s32 v61, $0x7;
	[tilespmem:$0xC50] =	vst v1;
	v1 =	vsel vm6, $0x3F800000, v0  }
0xca: {  	vm8 =	veq.s32 v60, $0x8;
	[tilespmem:$0x4D0] =	vst v1;
	v1 =	vsel vm7, $0x3F800000, v0  }
0xcb: {  	vm9 =	veq.s32 v61, $0x8;
	[tilespmem:$0xCD0] =	vst v1;
	v1 =	vsel vm8, $0x3F800000, v0  }
0xcc: {  	vm10 =	veq.s32 v60, $0x9;
	[tilespmem:$0x550] =	vst v1;
	v1 =	vsel vm9, $0x3F800000, v0  }
0xcd: {  	vm11 =	veq.s32 v61, $0x9;
	[tilespmem:$0xD50] =	vst v1;
	v1 =	vsel vm10, $0x3F800000, v0  }
0xce: {  	vm12 =	veq.s32 v60, $0xA;
	[tilespmem:$0x5D0] =	vst v1;
	v1 =	vsel vm11, $0x3F800000, v0  }
0xcf: {  	vm13 =	veq.s32 v61, $0xA;
	[tilespmem:$0xDD0] =	vst v1;
	v1 =	vsel vm12, $0x3F800000, v0  }
0xd0: {  	vm14 =	veq.s32 v60, $0xB;
	[tilespmem:$0x650] =	vst v1;
	v1 =	vsel vm13, $0x3F800000, v0  }
0xd1: {  	vm15 =	veq.s32 v61, $0xB;
	[tilespmem:$0xE50] =	vst v1;
	v1 =	vsel vm14, $0x3F800000, v0  }
0xd2: {  	vm4 =	veq.s32 v60, $0xC;
	[tilespmem:$0x6D0] =	vst v1;
	v1 =	vsel vm15, $0x3F800000, v0  }
0xd3: {  	vm5 =	veq.s32 v61, $0xC;
	[tilespmem:$0xED0] =	vst v1;
	v1 =	vsel vm4, $0x3F800000, v0  }
0xd4: {  	vm6 =	veq.s32 v60, $0xD;
	[tilespmem:$0x750] =	vst v1;
	v1 =	vsel vm5, $0x3F800000, v0  }
0xd5: {  	v2 =	vld [tilespmem:$0x60];
	vm7 =	veq.s32 v61, $0xD;
	[tilespmem:$0xF50] =	vst v1;
	v1 =	vsel vm6, $0x3F800000, v0  }
0xd6: {  	v3 =	vld [tilespmem:$0xE0];
	vm8 =	veq.s32 v60, $0xE;
	[tilespmem:$0x7D0] =	vst v1;
	v1 =	vsel vm7, $0x3F800000, v0  }
0xd7: {  	vm9 =	veq.s32 v61, $0xE;
	[tilespmem:$0xFD0] =	vst v1;
	v1 =	vsel vm8, $0x3F800000, v0  }
0xd8: {  	vm10 =	veq.s32 v60, $0xF;
	[tilespmem:$0x850] =	vst v1;
	v1 =	vsel vm9, $0x3F800000, v0  }
0xd9: {  	vm11 =	veq.s32 v61, $0xF;
	[tilespmem:$0x1050] =	vst v1;
	v1 =	vsel vm10, $0x3F800000, v0  }
0xda: {  	vm12 =	veq.s32 v2, $0x0;
	[tilespmem:$0x8D0] =	vst v1;
	v1 =	vsel vm11, $0x3F800000, v0  }
0xdb: {  	vm13 =	veq.s32 v3, $0x0;
	[tilespmem:$0x10D0] =	vst v1;
	v1 =	vsel vm12, $0x3F800000, v0  }
0xdc: {  	vm14 =	veq.s32 v2, $0x1;
	[tilespmem:$0x160] =	vst v1;
	v1 =	vsel vm13, $0x3F800000, v0  }
0xdd: {  	vm15 =	veq.s32 v3, $0x1;
	[tilespmem:$0x960] =	vst v1;
	v1 =	vsel vm14, $0x3F800000, v0  }
0xde: {  	vm4 =	veq.s32 v2, $0x2;
	[tilespmem:$0x1E0] =	vst v1;
	v1 =	vsel vm15, $0x3F800000, v0  }
0xdf: {  	vm5 =	veq.s32 v3, $0x2;
	[tilespmem:$0x9E0] =	vst v1;
	v1 =	vsel vm4, $0x3F800000, v0  }
0xe0: {  	vm6 =	veq.s32 v2, $0x3;
	[tilespmem:$0x260] =	vst v1;
	v1 =	vsel vm5, $0x3F800000, v0  }
0xe1: {  	vm7 =	veq.s32 v3, $0x3;
	[tilespmem:$0xA60] =	vst v1;
	v1 =	vsel vm6, $0x3F800000, v0  }
0xe2: {  	vm8 =	veq.s32 v2, $0x4;
	[tilespmem:$0x2E0] =	vst v1;
	v1 =	vsel vm7, $0x3F800000, v0  }
0xe3: {  	vm9 =	veq.s32 v3, $0x4;
	[tilespmem:$0xAE0] =	vst v1;
	v1 =	vsel vm8, $0x3F800000, v0  }
0xe4: {  	vm10 =	veq.s32 v2, $0x5;
	[tilespmem:$0x360] =	vst v1;
	v1 =	vsel vm9, $0x3F800000, v0  }
0xe5: {  	vm11 =	veq.s32 v3, $0x5;
	[tilespmem:$0xB60] =	vst v1;
	v1 =	vsel vm10, $0x3F800000, v0  }
0xe6: {  	vm12 =	veq.s32 v2, $0x6;
	[tilespmem:$0x3E0] =	vst v1;
	v1 =	vsel vm11, $0x3F800000, v0  }
0xe7: {  	vm13 =	veq.s32 v3, $0x6;
	[tilespmem:$0xBE0] =	vst v1;
	v1 =	vsel vm12, $0x3F800000, v0  }
0xe8: {  	vm14 =	veq.s32 v2, $0x7;
	[tilespmem:$0x460] =	vst v1;
	v1 =	vsel vm13, $0x3F800000, v0  }
0xe9: {  	vm15 =	veq.s32 v3, $0x7;
	[tilespmem:$0xC60] =	vst v1;
	v1 =	vsel vm14, $0x3F800000, v0  }
0xea: {  	vm4 =	veq.s32 v2, $0x8;
	[tilespmem:$0x4E0] =	vst v1;
	v1 =	vsel vm15, $0x3F800000, v0  }
0xeb: {  	vm5 =	veq.s32 v3, $0x8;
	[tilespmem:$0xCE0] =	vst v1;
	v1 =	vsel vm4, $0x3F800000, v0  }
0xec: {  	vm6 =	veq.s32 v2, $0x9;
	[tilespmem:$0x560] =	vst v1;
	v1 =	vsel vm5, $0x3F800000, v0  }
0xed: {  	vm7 =	veq.s32 v3, $0x9;
	[tilespmem:$0xD60] =	vst v1;
	v1 =	vsel vm6, $0x3F800000, v0  }
0xee: {  	vm8 =	veq.s32 v2, $0xA;
	[tilespmem:$0x5E0] =	vst v1;
	v1 =	vsel vm7, $0x3F800000, v0  }
0xef: {  	vm9 =	veq.s32 v3, $0xA;
	[tilespmem:$0xDE0] =	vst v1;
	v1 =	vsel vm8, $0x3F800000, v0  }
0xf0: {  	vm10 =	veq.s32 v2, $0xB;
	[tilespmem:$0x660] =	vst v1;
	v1 =	vsel vm9, $0x3F800000, v0  }
0xf1: {  	vm11 =	veq.s32 v3, $0xB;
	[tilespmem:$0xE60] =	vst v1;
	v1 =	vsel vm10, $0x3F800000, v0  }
0xf2: {  	vm12 =	veq.s32 v2, $0xC;
	[tilespmem:$0x6E0] =	vst v1;
	v1 =	vsel vm11, $0x3F800000, v0  }
0xf3: {  	vm13 =	veq.s32 v3, $0xC;
	[tilespmem:$0xEE0] =	vst v1;
	v1 =	vsel vm12, $0x3F800000, v0  }
0xf4: {  	vm14 =	veq.s32 v2, $0xD;
	[tilespmem:$0x760] =	vst v1;
	v1 =	vsel vm13, $0x3F800000, v0  }
0xf5: {  	v62 =	vld [tilespmem:$0x70];
	vm15 =	veq.s32 v3, $0xD;
	[tilespmem:$0xF60] =	vst v1;
	v1 =	vsel vm14, $0x3F800000, v0  }
0xf6: {  	v63 =	vld [tilespmem:$0xF0];
	vm4 =	veq.s32 v2, $0xE;
	[tilespmem:$0x7E0] =	vst v1;
	v1 =	vsel vm15, $0x3F800000, v0  }
0xf7: {  	vm5 =	veq.s32 v3, $0xE;
	[tilespmem:$0xFE0] =	vst v1;
	v1 =	vsel vm4, $0x3F800000, v0  }
0xf8: {  	vm6 =	veq.s32 v2, $0xF;
	[tilespmem:$0x860] =	vst v1;
	v1 =	vsel vm5, $0x3F800000, v0  }
0xf9: {  	vm7 =	veq.s32 v3, $0xF;
	[tilespmem:$0x1060] =	vst v1;
	v1 =	vsel vm6, $0x3F800000, v0  }
0xfa: {  	vm8 =	veq.s32 v62, $0x0;
	[tilespmem:$0x8E0] =	vst v1;
	v1 =	vsel vm7, $0x3F800000, v0  }
0xfb: {  	vm9 =	veq.s32 v63, $0x0;
	[tilespmem:$0x10E0] =	vst v1;
	v1 =	vsel vm8, $0x3F800000, v0  }
0xfc: {  	vm10 =	veq.s32 v62, $0x1;
	[tilespmem:$0x170] =	vst v1;
	v1 =	vsel vm9, $0x3F800000, v0  }
0xfd: {  	vm11 =	veq.s32 v63, $0x1;
	[tilespmem:$0x970] =	vst v1;
	v1 =	vsel vm10, $0x3F800000, v0  }
0xfe: {  	vm12 =	veq.s32 v62, $0x2;
	[tilespmem:$0x1F0] =	vst v1;
	v1 =	vsel vm11, $0x3F800000, v0  }
0xff: {  	vm13 =	veq.s32 v63, $0x2;
	[tilespmem:$0x9F0] =	vst v1;
	v1 =	vsel vm12, $0x3F800000, v0  }
0x100: {  	vm14 =	veq.s32 v62, $0x3;
	[tilespmem:$0x270] =	vst v1;
	v1 =	vsel vm13, $0x3F800000, v0  }
0x101: {  	vm15 =	veq.s32 v63, $0x3;
	[tilespmem:$0xA70] =	vst v1;
	v1 =	vsel vm14, $0x3F800000, v0  }
0x102: {  	vm4 =	veq.s32 v62, $0x4;
	[tilespmem:$0x2F0] =	vst v1;
	v1 =	vsel vm15, $0x3F800000, v0  }
0x103: {  	vm5 =	veq.s32 v63, $0x4;
	[tilespmem:$0xAF0] =	vst v1;
	v1 =	vsel vm4, $0x3F800000, v0  }
0x104: {  	vm6 =	veq.s32 v62, $0x5;
	[tilespmem:$0x370] =	vst v1;
	v1 =	vsel vm5, $0x3F800000, v0  }
0x105: {  	vm7 =	veq.s32 v63, $0x5;
	[tilespmem:$0xB70] =	vst v1;
	v1 =	vsel vm6, $0x3F800000, v0  }
0x106: {  	vm8 =	veq.s32 v62, $0x6;
	[tilespmem:$0x3F0] =	vst v1;
	v1 =	vsel vm7, $0x3F800000, v0  }
0x107: {  	vm9 =	veq.s32 v63, $0x6;
	[tilespmem:$0xBF0] =	vst v1;
	v1 =	vsel vm8, $0x3F800000, v0  }
0x108: {  	vm10 =	veq.s32 v62, $0x7;
	[tilespmem:$0x470] =	vst v1;
	v1 =	vsel vm9, $0x3F800000, v0  }
0x109: {  	vm11 =	veq.s32 v63, $0x7;
	[tilespmem:$0xC70] =	vst v1;
	v1 =	vsel vm10, $0x3F800000, v0  }
0x10a: {  	vm12 =	veq.s32 v62, $0x8;
	[tilespmem:$0x4F0] =	vst v1;
	v1 =	vsel vm11, $0x3F800000, v0  }
0x10b: {  	vm13 =	veq.s32 v63, $0x8;
	[tilespmem:$0xCF0] =	vst v1;
	v1 =	vsel vm12, $0x3F800000, v0  }
0x10c: {  	vm14 =	veq.s32 v62, $0x9;
	[tilespmem:$0x570] =	vst v1;
	v1 =	vsel vm13, $0x3F800000, v0  }
0x10d: {  	vm15 =	veq.s32 v63, $0x9;
	[tilespmem:$0xD70] =	vst v1;
	v1 =	vsel vm14, $0x3F800000, v0  }
0x10e: {  	vm4 =	veq.s32 v62, $0xA;
	[tilespmem:$0x5F0] =	vst v1;
	v1 =	vsel vm15, $0x3F800000, v0  }
0x10f: {  	vm5 =	veq.s32 v63, $0xA;
	[tilespmem:$0xDF0] =	vst v1;
	v1 =	vsel vm4, $0x3F800000, v0  }
0x110: {  	vm6 =	veq.s32 v62, $0xB;
	[tilespmem:$0x670] =	vst v1;
	v1 =	vsel vm5, $0x3F800000, v0  }
0x111: {  	vm7 =	veq.s32 v63, $0xB;
	[tilespmem:$0xE70] =	vst v1;
	v1 =	vsel vm6, $0x3F800000, v0  }
0x112: {  	vm8 =	veq.s32 v62, $0xC;
	[tilespmem:$0x6F0] =	vst v1;
	v1 =	vsel vm7, $0x3F800000, v0  }
0x113: {  	vm9 =	veq.s32 v63, $0xC;
	[tilespmem:$0xEF0] =	vst v1;
	v1 =	vsel vm8, $0x3F800000, v0  }
0x114: {  	vm10 =	veq.s32 v62, $0xD;
	[tilespmem:$0x770] =	vst v1;
	v1 =	vsel vm9, $0x3F800000, v0  }
0x115: {  	vm11 =	veq.s32 v63, $0xD;
	[tilespmem:$0xF70] =	vst v1;
	v1 =	vsel vm10, $0x3F800000, v0  }
0x116: {  	vm12 =	veq.s32 v62, $0xE;
	[tilespmem:$0x7F0] =	vst v1;
	v1 =	vsel vm11, $0x3F800000, v0  }
0x117: {  	vm13 =	veq.s32 v63, $0xE;
	[tilespmem:$0xFF0] =	vst v1;
	v1 =	vsel vm12, $0x3F800000, v0  }
0x118: {  	vm14 =	veq.s32 v62, $0xF;
	[tilespmem:$0x870] =	vst v1;
	v1 =	vsel vm13, $0x3F800000, v0  }
0x119: {  	vm15 =	veq.s32 v63, $0xF;
	[tilespmem:$0x1070] =	vst v1;
	v1 =	vsel vm14, $0x3F800000, v0  }
0x11a: {  	[tilespmem:$0x8F0] =	vst v1;
	v1 =	vsel vm15, $0x3F800000, v0  }
0x11b: {  	[tilespmem:$0x10F0] =	vst v1  }
0x11c: {  	[hbm4b:s4+s10] =	stream.strided.scatter [tilespmem:s12], [sflag:$0x1], $0x800, s11, s10, $0x38;
	[tilespmem:$0x1100] =	vst v63  }
0x11d: {  	_ =	swait.ge [sflag:s8], $0x800  }
0x11e: {  	p0 =	sne.s32 s7, $0x1;
	[sflag:s8] =	ssyncset.done $0x0  }
.Ltmp1:
0x11f: {  	[sflag:s8] =	ssyncadd.s32 $0xFFFFF800;
	(pc) =	sbr.rel @p0 .LBB2_2-.Ltmp1, $4  }
0x120: {  	[hbm4b:s5+s10] =	stream.strided.scatter [tilespmem:s13], [sflag:$0x1], $0x800, s11, s10, $0x38;
	[tilespmem:$0x1100] =	vst v63  }
0x121: {  	_ =	swait.ge [sflag:s8], $0x800  }
0x122: {  	[sflag:s8] =	ssyncset.done $0x0  }
0x123: {  	s7 =	sadd.s32 $0xFFFFFFFF, s7;
	[sflag:s8] =	ssyncadd.s32 $0xFFFFF800  }
.LBB2_3:
0x124: {  	_ =	sfence.sel $0x180000  }
0x125: {  	[bflag:$0x0] =	sbarrier.arrive $0xFFFF  }
0x126: {  	p0 =	sne.s32 s1, $0x0;
	_ =	strace $0x90000047  }
0x127: {  	s0 =	sadd.s32 @!p0 $0x100000, s0;
	[bflag:$0x2] =	sbarrier.arrive $0xFFFF  }
0x128: {  	[sflag:s0] =	ssyncadd.tile.s32 @!p0 $0x1;
	_ =	shalt  }
.Lfunc_end2:
_tile_overlayer_lowered:
.L_overlay_start_2:
0x129: {  	(tag) =	ssettag $0x2  }
0x12a: {  	s0 =	rddreg [dreg:$0x0];
	s2 =	stileid.u32  }
0x12b: {  	s1 =	rddreg [dreg:$0x1];
	p0 =	sne.s32 s2, $0x0  }
0x12c: {  	s3 =	rddreg [dreg:$0x2];
	[bflag:$0x3] =	sbarrier.arrive $0xFFFF;
	s2 =	simm.s32 @!p0 $0x1C01  }
0x12d: {  	[timem:s3], [sflag:s2] =	dma.local @!p0 [hbm:s0], s1  }
0x12e: {  	s0 =	simm.s32 @!p0 $0x1  }
0x12f: {  	_ =	swait.ge @!p0 [sflag:s0], s1  }
0x130: {  	s1 =	ssub.s32 @!p0 $0x0, s1;
	[sflag:s0] =	ssyncset.done @!p0 $0x0  }
0x131: {  	[sflag:s0] =	ssyncadd.s32 @!p0 s1  }
0x132: {  	[bflag:$0x3] =	sbarrier.arrive $0xFFFF  }
0x133: {  	_ =	shalt  }

</sc_bundles>
